<compile_context>
chip_gen: v7x
topology: tpu7x:2x2x1
jax: 0.10.2.dev20260603
libtpu: 0.0.44.dev20260713+nightly
codegen_flags: <defaults>
</compile_context>

<pallas_src>
import functools

import jax
import jax.numpy as jnp
from jax import lax
from jax.experimental import pallas as pl
from jax.experimental.pallas import tpu as pltpu
from jax.experimental.pallas import tpu_sc as plsc

B = 16384
D_BLK = 64
D_DIR = 32
NC, NS = 2, 16
NW = NC * NS
BPW = B // NW
NGRP = BPW // 16
NCK = 4
GPC = NGRP // NCK
CROWS = BPW // NCK

_mesh = plsc.VectorSubcoreMesh(core_axis_name="c", subcore_axis_name="s")


@functools.partial(
    pl.kernel,
    out_type=jax.ShapeDtypeStruct((B, 128), jnp.float32),
    mesh=_mesh,
    compiler_params=pltpu.CompilerParams(needs_layout_passes=False),
    scratch_types=[
        pltpu.VMEM((BPW,), jnp.int32),
        pltpu.VMEM((2, 16, 8, D_BLK), jnp.float32),
        pltpu.VMEM((1002 * D_DIR,), jnp.float32),
        pltpu.VMEM((CROWS, 128), jnp.float32),
        pltpu.SemaphoreType.DMA,
    ],
)
def _encode(comb_idx_hbm, dir_tab_hbm, blk_tab_hbm, out_hbm,
            idx_v, oct_v, dir_all_v, out_c, sem_b):
    wid = lax.axis_index("s") * NC + lax.axis_index("c")
    base = wid * BPW
    pltpu.sync_copy(comb_idx_hbm.at[pl.ds(base, BPW)], idx_v)
    pltpu.sync_copy(dir_tab_hbm, dir_all_v)
    lanes = lax.broadcasted_iota(jnp.int32, (16,), 0)
    zeros = jnp.zeros((16,), jnp.int32)

    def scalars(g):
        cvec = idx_v[pl.ds(g * 16, 16)]
        out = []
        for l in range(16):
            s = lax.reduce_max(jnp.where(lanes == l, cvec, zeros), axes=(0,))
            bi = s // 1024
            di = s - bi * 1024
            out.append((bi, di))
        return out

    def issue(g):
        slot = lax.rem(g, 2)
        for l, (bi, di) in enumerate(scalars(g)):
            bo = (bi // 8) * 8
            pltpu.async_copy(
                blk_tab_hbm.at[pl.ds(bo, 8)], oct_v.at[slot, l], sem_b)

    def drain_extract(g):
        slot = lax.rem(g, 2)
        for l in range(16):
            pltpu.make_async_copy(
                blk_tab_hbm.at[pl.ds(0, 8)], oct_v.at[slot, l], sem_b).wait()
        row0 = lax.rem(g, GPC) * 16
        for l, (bi, di) in enumerate(scalars(g)):
            br = lax.rem(bi, 8)
            row = row0 + l
            for k in range(4):
                out_c[row, pl.ds(k * 16, 16)] = oct_v[slot, l, br,
                                                      pl.ds(k * 16, 16)]
            for k in range(2):
                out_c[row, pl.ds(D_BLK + k * 16, 16)] = dir_all_v[
                    pl.ds(di * D_DIR + k * 16, 16)]

    issue(0)

    def step(g, carry):
        @pl.when(g < NGRP - 1)
        def _():
            issue(g + 1)
        drain_extract(g)

        @pl.when(lax.rem(g, GPC) == GPC - 1)
        def _():
            c = g // GPC
            pltpu.sync_copy(out_c, out_hbm.at[pl.ds(base + c * CROWS, CROWS)])
        return carry

    lax.fori_loop(0, NGRP, step, 0)


def kernel(direction_batch, block_batch, direction_table, block_table):
    comb = block_batch.reshape(B) * 1024 + direction_batch.reshape(B)
    out = _encode(comb, direction_table.reshape(-1), block_table)
    return out[:, :D_BLK + D_DIR]

# --- scband reference (transcript-rebuilt; emitter-appended) ---
"""Pipeline reference for scband-action-encoder-21225728376951 (READ-ONLY COPY).

The authoritative reference and input builder live on the scoring server;
editing this copy changes nothing except your own understanding.
"""

import jax, jax.numpy as jnp
import numpy as np

NUM_DIRECTIONS = 1000
BLOCK_DIM = 64
DIRECTION_DIM = 32
NUM_BLOCKS = 1000000
BATCH = 16384


def setup_inputs(seed: int = 0) -> dict:
    key = jax.random.key(seed)
    k1, k2, k3, k4 = jax.random.split(key, 4)
    direction_batch = jax.random.randint(k1, (BATCH, 1), 0, NUM_DIRECTIONS + 2, dtype=jnp.int64 if jax.config.jax_enable_x64 else jnp.int32).astype(jnp.int32)
    block_batch = jax.random.randint(k2, (BATCH, 1), 0, NUM_BLOCKS + 1, dtype=jnp.int64 if jax.config.jax_enable_x64 else jnp.int32).astype(jnp.int32)
    direction_table = jax.random.normal(k3, (NUM_DIRECTIONS + 2, DIRECTION_DIM), dtype=jnp.float32)
    block_table = jax.random.normal(k4, (NUM_BLOCKS + 1, BLOCK_DIM), dtype=jnp.float32)
    return {
        "direction_batch": direction_batch,
        "block_batch": block_batch,
        "direction_table": direction_table,
        "block_table": block_table,
    }


def reference(direction_batch, block_batch, direction_table, block_table):
    # block_embed(block_batch): gather -> [B, 1, block_dim]
    block_embedding = jnp.take(block_table, block_batch, axis=0)
    # direction_embed(direction_batch): gather -> [B, 1, direction_dim]
    direction_embedding = jnp.take(direction_table, direction_batch, axis=0)
    # squeeze(1)
    block_embedding = jnp.squeeze(block_embedding, axis=1)
    direction_embedding = jnp.squeeze(direction_embedding, axis=1)
    # cat along dim=1
    action_embedding = jnp.concatenate((block_embedding, direction_embedding), axis=1)
    return action_embedding

if __name__ == "__main__":
    import jax
    _d = setup_inputs()
    print(jax.jit(kernel)(*tuple(_d.values())))

</pallas_src>

<mosaic_0001>
#map = affine_map<(d0, d1) -> (0)>
#map1 = affine_map<(d0, d1) -> (0, 0)>
module attributes {stable_mosaic.version = 14 : i64} {
  func.func @_encode(%arg0: i32, %arg1: i32, %arg2: memref<16384xi32, #tpu.memory_space<hbm>>, %arg3: memref<32064xf32, #tpu.memory_space<hbm>>, %arg4: memref<1000001x64xf32, #tpu.memory_space<hbm>>, %arg5: memref<16384x128xf32, #tpu.memory_space<hbm>>, %arg6: memref<512xi32, #tpu.memory_space<vmem>>, %arg7: memref<2x16x8x64xf32, #tpu.memory_space<vmem>>, %arg8: memref<32064xf32, #tpu.memory_space<vmem>>, %arg9: memref<128x128xf32, #tpu.memory_space<vmem>>, %arg10: memref<!tpu.dma_semaphore, #tpu.memory_space<semaphore_mem>>) attributes {dimension_semantics = [#tpu.dimension_semantics<core_parallel>, #tpu.dimension_semantics<subcore_parallel>], iteration_bounds = array<i64: 2, 16>, scalar_prefetch = 0 : i64, scratch_operands = 5 : i64, tpu.core_type = #tpu.core_type<sc_vector_subcore>, window_params = [{transform_indices = #map}, {transform_indices = #map}, {transform_indices = #map1}, {transform_indices = #map1}]} {
    %mul3A = arith.constant 2 : i32
    %mul3A_0 = arith.muli %arg1, %mul3A : i32
    %add3A = arith.addi %mul3A_0, %arg0 : i32
    %mul3A_1 = arith.constant 512 : i32
    %mul3A_2 = arith.muli %add3A, %mul3A_1 : i32
    "tpu.region"() ({
      %run_scoped3A = tpu.sem_alloc : memref<!tpu.dma_semaphore, #tpu.memory_space<semaphore_mem>>
      %dma_start3A_1250 = tpu.memref_slice %arg2[%mul3A_2] : memref<16384xi32, #tpu.memory_space<hbm>> -> memref<512xi32, #tpu.memory_space<hbm>>
      %dma_start3A_1251 = tpu.memref_slice %arg2[%mul3A_2] : memref<16384xi32, #tpu.memory_space<hbm>> -> memref<512xi32, #tpu.memory_space<hbm>>
      tpu.enqueue_dma source(%dma_start3A_1251 : memref<512xi32, #tpu.memory_space<hbm>>) target(%arg6 : memref<512xi32, #tpu.memory_space<vmem>>) target_semaphore(%run_scoped3A : memref<!tpu.dma_semaphore, #tpu.memory_space<semaphore_mem>>)
      %dma_wait3A = tpu.memref_slice %arg2[%mul3A_2] : memref<16384xi32, #tpu.memory_space<hbm>> -> memref<512xi32, #tpu.memory_space<hbm>>
      %dma_wait3A_1252 = tpu.memref_slice %arg2[%mul3A_2] : memref<16384xi32, #tpu.memory_space<hbm>> -> memref<512xi32, #tpu.memory_space<hbm>>
      tpu.wait_dma2 semaphore(%run_scoped3A : memref<!tpu.dma_semaphore, #tpu.memory_space<semaphore_mem>>) src(%dma_wait3A_1252 : memref<512xi32, #tpu.memory_space<hbm>>) dst(%arg6 : memref<512xi32, #tpu.memory_space<vmem>>)
      tpu.yield
    }) : () -> ()
    "tpu.region"() ({
      %run_scoped3A = tpu.sem_alloc : memref<!tpu.dma_semaphore, #tpu.memory_space<semaphore_mem>>
      tpu.enqueue_dma source(%arg3 : memref<32064xf32, #tpu.memory_space<hbm>>) target(%arg8 : memref<32064xf32, #tpu.memory_space<vmem>>) target_semaphore(%run_scoped3A : memref<!tpu.dma_semaphore, #tpu.memory_space<semaphore_mem>>)
      tpu.wait_dma2 semaphore(%run_scoped3A : memref<!tpu.dma_semaphore, #tpu.memory_space<semaphore_mem>>) src(%arg3 : memref<32064xf32, #tpu.memory_space<hbm>>) dst(%arg8 : memref<32064xf32, #tpu.memory_space<vmem>>)
      tpu.yield
    }) : () -> ()
    %iota3A = tpu.iota {dimensions = array<i32: 0>} : vector<16xi32>
    %broadcast_in_dim3A = arith.constant 0 : i32
    %broadcast_in_dim3A_3 = vector.broadcast %broadcast_in_dim3A : i32 to vector<16xi32>
    %rem3A = arith.constant 0 : i32
    %rem3A_4 = arith.constant 2 : i32
    %rem3A_5 = arith.remsi %rem3A, %rem3A_4 : i32
    %get3A = arith.constant 0 : index
    %get3A_6 = tpu.vector_load %arg6[%get3A] {strides = array<i32>} : memref<512xi32, #tpu.memory_space<vmem>>, vector<16xi32>,
    %eq3A = arith.constant 0 : i32
    %eq3A_7 = vector.broadcast %eq3A : i32 to vector<16xi32>
    %eq3A_8 = arith.cmpi eq, %iota3A, %eq3A_7 : vector<16xi32>
    %select_n3A = arith.select %eq3A_8, %get3A_6, %broadcast_in_dim3A_3 : vector<16xi1>, vector<16xi32>
    %reduce_max3A = arith.constant true
    %reduce_max3A_9 = vector.broadcast %reduce_max3A : i1 to vector<16xi1>
    %reduce_max3A_10 = arith.constant -2147483648 : i32
    %reduce_max3A_11 = vector.broadcast %reduce_max3A_10 : i32 to vector<16xi32>
    %reduce_max3A_12 = arith.xori %select_n3A, %reduce_max3A_11 : vector<16xi32>
    %reduce_max3A_13 = tpu.scan <max>, %reduce_max3A_12 masked %reduce_max3A_9 : vector<16xi32>, vector<16xi1> -> vector<16xi32>
    %reduce_max3A_14 = arith.xori %reduce_max3A_13, %reduce_max3A_11 : vector<16xi32>
    %reduce_max3A_15 = vector.extract %reduce_max3A_14[15] : i32 from vector<16xi32>
    %jit3A = arith.constant 1024 : i32
    %div3A = arith.divsi %reduce_max3A_15, %jit3A : i32
    %sign3A = arith.constant 0 : i32
    %sign3A_16 = arith.cmpi sgt, %reduce_max3A_15, %sign3A : i32
    %sign3A_17 = arith.extui %sign3A_16 : i1 to i32
    %sign3A_18 = arith.constant 0 : i32
    %sign3A_19 = arith.cmpi slt, %reduce_max3A_15, %sign3A_18 : i32
    %sign3A_20 = arith.extui %sign3A_19 : i1 to i32
    %sign3A_21 = arith.subi %sign3A_17, %sign3A_20 : i32
    %sign3A_22 = arith.constant 0 : i32
    %sign3A_23 = arith.cmpi sgt, %jit3A, %sign3A_22 : i32
    %sign3A_24 = arith.extui %sign3A_23 : i1 to i32
    %sign3A_25 = arith.constant 0 : i32
    %sign3A_26 = arith.cmpi slt, %jit3A, %sign3A_25 : i32
    %sign3A_27 = arith.extui %sign3A_26 : i1 to i32
    %sign3A_28 = arith.subi %sign3A_24, %sign3A_27 : i32
    %ne3A = arith.cmpi ne, %sign3A_21, %sign3A_28 : i32
    %rem3A_29 = arith.remsi %reduce_max3A_15, %jit3A : i32
    %ne3A_30 = arith.constant 0 : i32
    %ne3A_31 = arith.cmpi ne, %rem3A_29, %ne3A_30 : i32
    %and3A = arith.andi %ne3A, %ne3A_31 : i1
    %sub3A = arith.constant 1 : i32
    %sub3A_32 = arith.subi %div3A, %sub3A : i32
    %select_n3A_33 = arith.select %and3A, %sub3A_32, %div3A : i32
    %mul3A_34 = arith.constant 1024 : i32
    %mul3A_35 = arith.muli %select_n3A_33, %mul3A_34 : i32
    %sub3A_36 = arith.subi %reduce_max3A_15, %mul3A_35 : i32
    %eq3A_37 = arith.constant 1 : i32
    %eq3A_38 = vector.broadcast %eq3A_37 : i32 to vector<16xi32>
    %eq3A_39 = arith.cmpi eq, %iota3A, %eq3A_38 : vector<16xi32>
    %select_n3A_40 = arith.select %eq3A_39, %get3A_6, %broadcast_in_dim3A_3 : vector<16xi1>, vector<16xi32>
    %reduce_max3A_41 = arith.constant true
    %reduce_max3A_42 = vector.broadcast %reduce_max3A_41 : i1 to vector<16xi1>
    %reduce_max3A_43 = arith.constant -2147483648 : i32
    %reduce_max3A_44 = vector.broadcast %reduce_max3A_43 : i32 to vector<16xi32>
    %reduce_max3A_45 = arith.xori %select_n3A_40, %reduce_max3A_44 : vector<16xi32>
    %reduce_max3A_46 = tpu.scan <max>, %reduce_max3A_45 masked %reduce_max3A_42 : vector<16xi32>, vector<16xi1> -> vector<16xi32>
    %reduce_max3A_47 = arith.xori %reduce_max3A_46, %reduce_max3A_44 : vector<16xi32>
    %reduce_max3A_48 = vector.extract %reduce_max3A_47[15] : i32 from vector<16xi32>
    %jit3A_49 = arith.constant 1024 : i32
    %div3A_50 = arith.divsi %reduce_max3A_48, %jit3A_49 : i32
    %sign3A_51 = arith.constant 0 : i32
    %sign3A_52 = arith.cmpi sgt, %reduce_max3A_48, %sign3A_51 : i32
    %sign3A_53 = arith.extui %sign3A_52 : i1 to i32
    %sign3A_54 = arith.constant 0 : i32
    %sign3A_55 = arith.cmpi slt, %reduce_max3A_48, %sign3A_54 : i32
    %sign3A_56 = arith.extui %sign3A_55 : i1 to i32
    %sign3A_57 = arith.subi %sign3A_53, %sign3A_56 : i32
    %sign3A_58 = arith.constant 0 : i32
    %sign3A_59 = arith.cmpi sgt, %jit3A_49, %sign3A_58 : i32
    %sign3A_60 = arith.extui %sign3A_59 : i1 to i32
    %sign3A_61 = arith.constant 0 : i32
    %sign3A_62 = arith.cmpi slt, %jit3A_49, %sign3A_61 : i32
    %sign3A_63 = arith.extui %sign3A_62 : i1 to i32
    %sign3A_64 = arith.subi %sign3A_60, %sign3A_63 : i32
    %ne3A_65 = arith.cmpi ne, %sign3A_57, %sign3A_64 : i32
    %rem3A_66 = arith.remsi %reduce_max3A_48, %jit3A_49 : i32
    %ne3A_67 = arith.constant 0 : i32
    %ne3A_68 = arith.cmpi ne, %rem3A_66, %ne3A_67 : i32
    %and3A_69 = arith.andi %ne3A_65, %ne3A_68 : i1
    %sub3A_70 = arith.constant 1 : i32
    %sub3A_71 = arith.subi %div3A_50, %sub3A_70 : i32
    %select_n3A_72 = arith.select %and3A_69, %sub3A_71, %div3A_50 : i32
    %mul3A_73 = arith.constant 1024 : i32
    %mul3A_74 = arith.muli %select_n3A_72, %mul3A_73 : i32
    %sub3A_75 = arith.subi %reduce_max3A_48, %mul3A_74 : i32
    %eq3A_76 = arith.constant 2 : i32
    %eq3A_77 = vector.broadcast %eq3A_76 : i32 to vector<16xi32>
    %eq3A_78 = arith.cmpi eq, %iota3A, %eq3A_77 : vector<16xi32>
    %select_n3A_79 = arith.select %eq3A_78, %get3A_6, %broadcast_in_dim3A_3 : vector<16xi1>, vector<16xi32>
    %reduce_max3A_80 = arith.constant true
    %reduce_max3A_81 = vector.broadcast %reduce_max3A_80 : i1 to vector<16xi1>
    %reduce_max3A_82 = arith.constant -2147483648 : i32
    %reduce_max3A_83 = vector.broadcast %reduce_max3A_82 : i32 to vector<16xi32>
    %reduce_max3A_84 = arith.xori %select_n3A_79, %reduce_max3A_83 : vector<16xi32>
    %reduce_max3A_85 = tpu.scan <max>, %reduce_max3A_84 masked %reduce_max3A_81 : vector<16xi32>, vector<16xi1> -> vector<16xi32>
    %reduce_max3A_86 = arith.xori %reduce_max3A_85, %reduce_max3A_83 : vector<16xi32>
    %reduce_max3A_87 = vector.extract %reduce_max3A_86[15] : i32 from vector<16xi32>
    %jit3A_88 = arith.constant 1024 : i32
    %div3A_89 = arith.divsi %reduce_max3A_87, %jit3A_88 : i32
    %sign3A_90 = arith.constant 0 : i32
    %sign3A_91 = arith.cmpi sgt, %reduce_max3A_87, %sign3A_90 : i32
    %sign3A_92 = arith.extui %sign3A_91 : i1 to i32
    %sign3A_93 = arith.constant 0 : i32
    %sign3A_94 = arith.cmpi slt, %reduce_max3A_87, %sign3A_93 : i32
    %sign3A_95 = arith.extui %sign3A_94 : i1 to i32
    %sign3A_96 = arith.subi %sign3A_92, %sign3A_95 : i32
    %sign3A_97 = arith.constant 0 : i32
    %sign3A_98 = arith.cmpi sgt, %jit3A_88, %sign3A_97 : i32
    %sign3A_99 = arith.extui %sign3A_98 : i1 to i32
    %sign3A_100 = arith.constant 0 : i32
    %sign3A_101 = arith.cmpi slt, %jit3A_88, %sign3A_100 : i32
    %sign3A_102 = arith.extui %sign3A_101 : i1 to i32
    %sign3A_103 = arith.subi %sign3A_99, %sign3A_102 : i32
    %ne3A_104 = arith.cmpi ne, %sign3A_96, %sign3A_103 : i32
    %rem3A_105 = arith.remsi %reduce_max3A_87, %jit3A_88 : i32
    %ne3A_106 = arith.constant 0 : i32
    %ne3A_107 = arith.cmpi ne, %rem3A_105, %ne3A_106 : i32
    %and3A_108 = arith.andi %ne3A_104, %ne3A_107 : i1
    %sub3A_109 = arith.constant 1 : i32
    %sub3A_110 = arith.subi %div3A_89, %sub3A_109 : i32
    %select_n3A_111 = arith.select %and3A_108, %sub3A_110, %div3A_89 : i32
    %mul3A_112 = arith.constant 1024 : i32
    %mul3A_113 = arith.muli %select_n3A_111, %mul3A_112 : i32
    %sub3A_114 = arith.subi %reduce_max3A_87, %mul3A_113 : i32
    %eq3A_115 = arith.constant 3 : i32
    %eq3A_116 = vector.broadcast %eq3A_115 : i32 to vector<16xi32>
    %eq3A_117 = arith.cmpi eq, %iota3A, %eq3A_116 : vector<16xi32>
    %select_n3A_118 = arith.select %eq3A_117, %get3A_6, %broadcast_in_dim3A_3 : vector<16xi1>, vector<16xi32>
    %reduce_max3A_119 = arith.constant true
    %reduce_max3A_120 = vector.broadcast %reduce_max3A_119 : i1 to vector<16xi1>
    %reduce_max3A_121 = arith.constant -2147483648 : i32
    %reduce_max3A_122 = vector.broadcast %reduce_max3A_121 : i32 to vector<16xi32>
    %reduce_max3A_123 = arith.xori %select_n3A_118, %reduce_max3A_122 : vector<16xi32>
    %reduce_max3A_124 = tpu.scan <max>, %reduce_max3A_123 masked %reduce_max3A_120 : vector<16xi32>, vector<16xi1> -> vector<16xi32>
    %reduce_max3A_125 = arith.xori %reduce_max3A_124, %reduce_max3A_122 : vector<16xi32>
    %reduce_max3A_126 = vector.extract %reduce_max3A_125[15] : i32 from vector<16xi32>
    %jit3A_127 = arith.constant 1024 : i32
    %div3A_128 = arith.divsi %reduce_max3A_126, %jit3A_127 : i32
    %sign3A_129 = arith.constant 0 : i32
    %sign3A_130 = arith.cmpi sgt, %reduce_max3A_126, %sign3A_129 : i32
    %sign3A_131 = arith.extui %sign3A_130 : i1 to i32
    %sign3A_132 = arith.constant 0 : i32
    %sign3A_133 = arith.cmpi slt, %reduce_max3A_126, %sign3A_132 : i32
    %sign3A_134 = arith.extui %sign3A_133 : i1 to i32
    %sign3A_135 = arith.subi %sign3A_131, %sign3A_134 : i32
    %sign3A_136 = arith.constant 0 : i32
    %sign3A_137 = arith.cmpi sgt, %jit3A_127, %sign3A_136 : i32
    %sign3A_138 = arith.extui %sign3A_137 : i1 to i32
    %sign3A_139 = arith.constant 0 : i32
    %sign3A_140 = arith.cmpi slt, %jit3A_127, %sign3A_139 : i32
    %sign3A_141 = arith.extui %sign3A_140 : i1 to i32
    %sign3A_142 = arith.subi %sign3A_138, %sign3A_141 : i32
    %ne3A_143 = arith.cmpi ne, %sign3A_135, %sign3A_142 : i32
    %rem3A_144 = arith.remsi %reduce_max3A_126, %jit3A_127 : i32
    %ne3A_145 = arith.constant 0 : i32
    %ne3A_146 = arith.cmpi ne, %rem3A_144, %ne3A_145 : i32
    %and3A_147 = arith.andi %ne3A_143, %ne3A_146 : i1
    %sub3A_148 = arith.constant 1 : i32
    %sub3A_149 = arith.subi %div3A_128, %sub3A_148 : i32
    %select_n3A_150 = arith.select %and3A_147, %sub3A_149, %div3A_128 : i32
    %mul3A_151 = arith.constant 1024 : i32
    %mul3A_152 = arith.muli %select_n3A_150, %mul3A_151 : i32
    %sub3A_153 = arith.subi %reduce_max3A_126, %mul3A_152 : i32
    %eq3A_154 = arith.constant 4 : i32
    %eq3A_155 = vector.broadcast %eq3A_154 : i32 to vector<16xi32>
    %eq3A_156 = arith.cmpi eq, %iota3A, %eq3A_155 : vector<16xi32>
    %select_n3A_157 = arith.select %eq3A_156, %get3A_6, %broadcast_in_dim3A_3 : vector<16xi1>, vector<16xi32>
    %reduce_max3A_158 = arith.constant true
    %reduce_max3A_159 = vector.broadcast %reduce_max3A_158 : i1 to vector<16xi1>
    %reduce_max3A_160 = arith.constant -2147483648 : i32
    %reduce_max3A_161 = vector.broadcast %reduce_max3A_160 : i32 to vector<16xi32>
    %reduce_max3A_162 = arith.xori %select_n3A_157, %reduce_max3A_161 : vector<16xi32>
    %reduce_max3A_163 = tpu.scan <max>, %reduce_max3A_162 masked %reduce_max3A_159 : vector<16xi32>, vector<16xi1> -> vector<16xi32>
    %reduce_max3A_164 = arith.xori %reduce_max3A_163, %reduce_max3A_161 : vector<16xi32>
    %reduce_max3A_165 = vector.extract %reduce_max3A_164[15] : i32 from vector<16xi32>
    %jit3A_166 = arith.constant 1024 : i32
    %div3A_167 = arith.divsi %reduce_max3A_165, %jit3A_166 : i32
    %sign3A_168 = arith.constant 0 : i32
    %sign3A_169 = arith.cmpi sgt, %reduce_max3A_165, %sign3A_168 : i32
    %sign3A_170 = arith.extui %sign3A_169 : i1 to i32
    %sign3A_171 = arith.constant 0 : i32
    %sign3A_172 = arith.cmpi slt, %reduce_max3A_165, %sign3A_171 : i32
    %sign3A_173 = arith.extui %sign3A_172 : i1 to i32
    %sign3A_174 = arith.subi %sign3A_170, %sign3A_173 : i32
    %sign3A_175 = arith.constant 0 : i32
    %sign3A_176 = arith.cmpi sgt, %jit3A_166, %sign3A_175 : i32
    %sign3A_177 = arith.extui %sign3A_176 : i1 to i32
    %sign3A_178 = arith.constant 0 : i32
    %sign3A_179 = arith.cmpi slt, %jit3A_166, %sign3A_178 : i32
    %sign3A_180 = arith.extui %sign3A_179 : i1 to i32
    %sign3A_181 = arith.subi %sign3A_177, %sign3A_180 : i32
    %ne3A_182 = arith.cmpi ne, %sign3A_174, %sign3A_181 : i32
    %rem3A_183 = arith.remsi %reduce_max3A_165, %jit3A_166 : i32
    %ne3A_184 = arith.constant 0 : i32
    %ne3A_185 = arith.cmpi ne, %rem3A_183, %ne3A_184 : i32
    %and3A_186 = arith.andi %ne3A_182, %ne3A_185 : i1
    %sub3A_187 = arith.constant 1 : i32
    %sub3A_188 = arith.subi %div3A_167, %sub3A_187 : i32
    %select_n3A_189 = arith.select %and3A_186, %sub3A_188, %div3A_167 : i32
    %mul3A_190 = arith.constant 1024 : i32
    %mul3A_191 = arith.muli %select_n3A_189, %mul3A_190 : i32
    %sub3A_192 = arith.subi %reduce_max3A_165, %mul3A_191 : i32
    %eq3A_193 = arith.constant 5 : i32
    %eq3A_194 = vector.broadcast %eq3A_193 : i32 to vector<16xi32>
    %eq3A_195 = arith.cmpi eq, %iota3A, %eq3A_194 : vector<16xi32>
    %select_n3A_196 = arith.select %eq3A_195, %get3A_6, %broadcast_in_dim3A_3 : vector<16xi1>, vector<16xi32>
    %reduce_max3A_197 = arith.constant true
    %reduce_max3A_198 = vector.broadcast %reduce_max3A_197 : i1 to vector<16xi1>
    %reduce_max3A_199 = arith.constant -2147483648 : i32
    %reduce_max3A_200 = vector.broadcast %reduce_max3A_199 : i32 to vector<16xi32>
    %reduce_max3A_201 = arith.xori %select_n3A_196, %reduce_max3A_200 : vector<16xi32>
    %reduce_max3A_202 = tpu.scan <max>, %reduce_max3A_201 masked %reduce_max3A_198 : vector<16xi32>, vector<16xi1> -> vector<16xi32>
    %reduce_max3A_203 = arith.xori %reduce_max3A_202, %reduce_max3A_200 : vector<16xi32>
    %reduce_max3A_204 = vector.extract %reduce_max3A_203[15] : i32 from vector<16xi32>
    %jit3A_205 = arith.constant 1024 : i32
    %div3A_206 = arith.divsi %reduce_max3A_204, %jit3A_205 : i32
    %sign3A_207 = arith.constant 0 : i32
    %sign3A_208 = arith.cmpi sgt, %reduce_max3A_204, %sign3A_207 : i32
    %sign3A_209 = arith.extui %sign3A_208 : i1 to i32
    %sign3A_210 = arith.constant 0 : i32
    %sign3A_211 = arith.cmpi slt, %reduce_max3A_204, %sign3A_210 : i32
    %sign3A_212 = arith.extui %sign3A_211 : i1 to i32
    %sign3A_213 = arith.subi %sign3A_209, %sign3A_212 : i32
    %sign3A_214 = arith.constant 0 : i32
    %sign3A_215 = arith.cmpi sgt, %jit3A_205, %sign3A_214 : i32
    %sign3A_216 = arith.extui %sign3A_215 : i1 to i32
    %sign3A_217 = arith.constant 0 : i32
    %sign3A_218 = arith.cmpi slt, %jit3A_205, %sign3A_217 : i32
    %sign3A_219 = arith.extui %sign3A_218 : i1 to i32
    %sign3A_220 = arith.subi %sign3A_216, %sign3A_219 : i32
    %ne3A_221 = arith.cmpi ne, %sign3A_213, %sign3A_220 : i32
    %rem3A_222 = arith.remsi %reduce_max3A_204, %jit3A_205 : i32
    %ne3A_223 = arith.constant 0 : i32
    %ne3A_224 = arith.cmpi ne, %rem3A_222, %ne3A_223 : i32
    %and3A_225 = arith.andi %ne3A_221, %ne3A_224 : i1
    %sub3A_226 = arith.constant 1 : i32
    %sub3A_227 = arith.subi %div3A_206, %sub3A_226 : i32
    %select_n3A_228 = arith.select %and3A_225, %sub3A_227, %div3A_206 : i32
    %mul3A_229 = arith.constant 1024 : i32
    %mul3A_230 = arith.muli %select_n3A_228, %mul3A_229 : i32
    %sub3A_231 = arith.subi %reduce_max3A_204, %mul3A_230 : i32
    %eq3A_232 = arith.constant 6 : i32
    %eq3A_233 = vector.broadcast %eq3A_232 : i32 to vector<16xi32>
    %eq3A_234 = arith.cmpi eq, %iota3A, %eq3A_233 : vector<16xi32>
    %select_n3A_235 = arith.select %eq3A_234, %get3A_6, %broadcast_in_dim3A_3 : vector<16xi1>, vector<16xi32>
    %reduce_max3A_236 = arith.constant true
    %reduce_max3A_237 = vector.broadcast %reduce_max3A_236 : i1 to vector<16xi1>
    %reduce_max3A_238 = arith.constant -2147483648 : i32
    %reduce_max3A_239 = vector.broadcast %reduce_max3A_238 : i32 to vector<16xi32>
    %reduce_max3A_240 = arith.xori %select_n3A_235, %reduce_max3A_239 : vector<16xi32>
    %reduce_max3A_241 = tpu.scan <max>, %reduce_max3A_240 masked %reduce_max3A_237 : vector<16xi32>, vector<16xi1> -> vector<16xi32>
    %reduce_max3A_242 = arith.xori %reduce_max3A_241, %reduce_max3A_239 : vector<16xi32>
    %reduce_max3A_243 = vector.extract %reduce_max3A_242[15] : i32 from vector<16xi32>
    %jit3A_244 = arith.constant 1024 : i32
    %div3A_245 = arith.divsi %reduce_max3A_243, %jit3A_244 : i32
    %sign3A_246 = arith.constant 0 : i32
    %sign3A_247 = arith.cmpi sgt, %reduce_max3A_243, %sign3A_246 : i32
    %sign3A_248 = arith.extui %sign3A_247 : i1 to i32
    %sign3A_249 = arith.constant 0 : i32
    %sign3A_250 = arith.cmpi slt, %reduce_max3A_243, %sign3A_249 : i32
    %sign3A_251 = arith.extui %sign3A_250 : i1 to i32
    %sign3A_252 = arith.subi %sign3A_248, %sign3A_251 : i32
    %sign3A_253 = arith.constant 0 : i32
    %sign3A_254 = arith.cmpi sgt, %jit3A_244, %sign3A_253 : i32
    %sign3A_255 = arith.extui %sign3A_254 : i1 to i32
    %sign3A_256 = arith.constant 0 : i32
    %sign3A_257 = arith.cmpi slt, %jit3A_244, %sign3A_256 : i32
    %sign3A_258 = arith.extui %sign3A_257 : i1 to i32
    %sign3A_259 = arith.subi %sign3A_255, %sign3A_258 : i32
    %ne3A_260 = arith.cmpi ne, %sign3A_252, %sign3A_259 : i32
    %rem3A_261 = arith.remsi %reduce_max3A_243, %jit3A_244 : i32
    %ne3A_262 = arith.constant 0 : i32
    %ne3A_263 = arith.cmpi ne, %rem3A_261, %ne3A_262 : i32
    %and3A_264 = arith.andi %ne3A_260, %ne3A_263 : i1
    %sub3A_265 = arith.constant 1 : i32
    %sub3A_266 = arith.subi %div3A_245, %sub3A_265 : i32
    %select_n3A_267 = arith.select %and3A_264, %sub3A_266, %div3A_245 : i32
    %mul3A_268 = arith.constant 1024 : i32
    %mul3A_269 = arith.muli %select_n3A_267, %mul3A_268 : i32
    %sub3A_270 = arith.subi %reduce_max3A_243, %mul3A_269 : i32
    %eq3A_271 = arith.constant 7 : i32
    %eq3A_272 = vector.broadcast %eq3A_271 : i32 to vector<16xi32>
    %eq3A_273 = arith.cmpi eq, %iota3A, %eq3A_272 : vector<16xi32>
    %select_n3A_274 = arith.select %eq3A_273, %get3A_6, %broadcast_in_dim3A_3 : vector<16xi1>, vector<16xi32>
    %reduce_max3A_275 = arith.constant true
    %reduce_max3A_276 = vector.broadcast %reduce_max3A_275 : i1 to vector<16xi1>
    %reduce_max3A_277 = arith.constant -2147483648 : i32
    %reduce_max3A_278 = vector.broadcast %reduce_max3A_277 : i32 to vector<16xi32>
    %reduce_max3A_279 = arith.xori %select_n3A_274, %reduce_max3A_278 : vector<16xi32>
    %reduce_max3A_280 = tpu.scan <max>, %reduce_max3A_279 masked %reduce_max3A_276 : vector<16xi32>, vector<16xi1> -> vector<16xi32>
    %reduce_max3A_281 = arith.xori %reduce_max3A_280, %reduce_max3A_278 : vector<16xi32>
    %reduce_max3A_282 = vector.extract %reduce_max3A_281[15] : i32 from vector<16xi32>
    %jit3A_283 = arith.constant 1024 : i32
    %div3A_284 = arith.divsi %reduce_max3A_282, %jit3A_283 : i32
    %sign3A_285 = arith.constant 0 : i32
    %sign3A_286 = arith.cmpi sgt, %reduce_max3A_282, %sign3A_285 : i32
    %sign3A_287 = arith.extui %sign3A_286 : i1 to i32
    %sign3A_288 = arith.constant 0 : i32
    %sign3A_289 = arith.cmpi slt, %reduce_max3A_282, %sign3A_288 : i32
    %sign3A_290 = arith.extui %sign3A_289 : i1 to i32
    %sign3A_291 = arith.subi %sign3A_287, %sign3A_290 : i32
    %sign3A_292 = arith.constant 0 : i32
    %sign3A_293 = arith.cmpi sgt, %jit3A_283, %sign3A_292 : i32
    %sign3A_294 = arith.extui %sign3A_293 : i1 to i32
    %sign3A_295 = arith.constant 0 : i32
    %sign3A_296 = arith.cmpi slt, %jit3A_283, %sign3A_295 : i32
    %sign3A_297 = arith.extui %sign3A_296 : i1 to i32
    %sign3A_298 = arith.subi %sign3A_294, %sign3A_297 : i32
    %ne3A_299 = arith.cmpi ne, %sign3A_291, %sign3A_298 : i32
    %rem3A_300 = arith.remsi %reduce_max3A_282, %jit3A_283 : i32
    %ne3A_301 = arith.constant 0 : i32
    %ne3A_302 = arith.cmpi ne, %rem3A_300, %ne3A_301 : i32
    %and3A_303 = arith.andi %ne3A_299, %ne3A_302 : i1
    %sub3A_304 = arith.constant 1 : i32
    %sub3A_305 = arith.subi %div3A_284, %sub3A_304 : i32
    %select_n3A_306 = arith.select %and3A_303, %sub3A_305, %div3A_284 : i32
    %mul3A_307 = arith.constant 1024 : i32
    %mul3A_308 = arith.muli %select_n3A_306, %mul3A_307 : i32
    %sub3A_309 = arith.subi %reduce_max3A_282, %mul3A_308 : i32
    %eq3A_310 = arith.constant 8 : i32
    %eq3A_311 = vector.broadcast %eq3A_310 : i32 to vector<16xi32>
    %eq3A_312 = arith.cmpi eq, %iota3A, %eq3A_311 : vector<16xi32>
    %select_n3A_313 = arith.select %eq3A_312, %get3A_6, %broadcast_in_dim3A_3 : vector<16xi1>, vector<16xi32>
    %reduce_max3A_314 = arith.constant true
    %reduce_max3A_315 = vector.broadcast %reduce_max3A_314 : i1 to vector<16xi1>
    %reduce_max3A_316 = arith.constant -2147483648 : i32
    %reduce_max3A_317 = vector.broadcast %reduce_max3A_316 : i32 to vector<16xi32>
    %reduce_max3A_318 = arith.xori %select_n3A_313, %reduce_max3A_317 : vector<16xi32>
    %reduce_max3A_319 = tpu.scan <max>, %reduce_max3A_318 masked %reduce_max3A_315 : vector<16xi32>, vector<16xi1> -> vector<16xi32>
    %reduce_max3A_320 = arith.xori %reduce_max3A_319, %reduce_max3A_317 : vector<16xi32>
    %reduce_max3A_321 = vector.extract %reduce_max3A_320[15] : i32 from vector<16xi32>
    %jit3A_322 = arith.constant 1024 : i32
    %div3A_323 = arith.divsi %reduce_max3A_321, %jit3A_322 : i32
    %sign3A_324 = arith.constant 0 : i32
    %sign3A_325 = arith.cmpi sgt, %reduce_max3A_321, %sign3A_324 : i32
    %sign3A_326 = arith.extui %sign3A_325 : i1 to i32
    %sign3A_327 = arith.constant 0 : i32
    %sign3A_328 = arith.cmpi slt, %reduce_max3A_321, %sign3A_327 : i32
    %sign3A_329 = arith.extui %sign3A_328 : i1 to i32
    %sign3A_330 = arith.subi %sign3A_326, %sign3A_329 : i32
    %sign3A_331 = arith.constant 0 : i32
    %sign3A_332 = arith.cmpi sgt, %jit3A_322, %sign3A_331 : i32
    %sign3A_333 = arith.extui %sign3A_332 : i1 to i32
    %sign3A_334 = arith.constant 0 : i32
    %sign3A_335 = arith.cmpi slt, %jit3A_322, %sign3A_334 : i32
    %sign3A_336 = arith.extui %sign3A_335 : i1 to i32
    %sign3A_337 = arith.subi %sign3A_333, %sign3A_336 : i32
    %ne3A_338 = arith.cmpi ne, %sign3A_330, %sign3A_337 : i32
    %rem3A_339 = arith.remsi %reduce_max3A_321, %jit3A_322 : i32
    %ne3A_340 = arith.constant 0 : i32
    %ne3A_341 = arith.cmpi ne, %rem3A_339, %ne3A_340 : i32
    %and3A_342 = arith.andi %ne3A_338, %ne3A_341 : i1
    %sub3A_343 = arith.constant 1 : i32
    %sub3A_344 = arith.subi %div3A_323, %sub3A_343 : i32
    %select_n3A_345 = arith.select %and3A_342, %sub3A_344, %div3A_323 : i32
    %mul3A_346 = arith.constant 1024 : i32
    %mul3A_347 = arith.muli %select_n3A_345, %mul3A_346 : i32
    %sub3A_348 = arith.subi %reduce_max3A_321, %mul3A_347 : i32
    %eq3A_349 = arith.constant 9 : i32
    %eq3A_350 = vector.broadcast %eq3A_349 : i32 to vector<16xi32>
    %eq3A_351 = arith.cmpi eq, %iota3A, %eq3A_350 : vector<16xi32>
    %select_n3A_352 = arith.select %eq3A_351, %get3A_6, %broadcast_in_dim3A_3 : vector<16xi1>, vector<16xi32>
    %reduce_max3A_353 = arith.constant true
    %reduce_max3A_354 = vector.broadcast %reduce_max3A_353 : i1 to vector<16xi1>
    %reduce_max3A_355 = arith.constant -2147483648 : i32
    %reduce_max3A_356 = vector.broadcast %reduce_max3A_355 : i32 to vector<16xi32>
    %reduce_max3A_357 = arith.xori %select_n3A_352, %reduce_max3A_356 : vector<16xi32>
    %reduce_max3A_358 = tpu.scan <max>, %reduce_max3A_357 masked %reduce_max3A_354 : vector<16xi32>, vector<16xi1> -> vector<16xi32>
    %reduce_max3A_359 = arith.xori %reduce_max3A_358, %reduce_max3A_356 : vector<16xi32>
    %reduce_max3A_360 = vector.extract %reduce_max3A_359[15] : i32 from vector<16xi32>
    %jit3A_361 = arith.constant 1024 : i32
    %div3A_362 = arith.divsi %reduce_max3A_360, %jit3A_361 : i32
    %sign3A_363 = arith.constant 0 : i32
    %sign3A_364 = arith.cmpi sgt, %reduce_max3A_360, %sign3A_363 : i32
    %sign3A_365 = arith.extui %sign3A_364 : i1 to i32
    %sign3A_366 = arith.constant 0 : i32
    %sign3A_367 = arith.cmpi slt, %reduce_max3A_360, %sign3A_366 : i32
    %sign3A_368 = arith.extui %sign3A_367 : i1 to i32
    %sign3A_369 = arith.subi %sign3A_365, %sign3A_368 : i32
    %sign3A_370 = arith.constant 0 : i32
    %sign3A_371 = arith.cmpi sgt, %jit3A_361, %sign3A_370 : i32
    %sign3A_372 = arith.extui %sign3A_371 : i1 to i32
    %sign3A_373 = arith.constant 0 : i32
    %sign3A_374 = arith.cmpi slt, %jit3A_361, %sign3A_373 : i32
    %sign3A_375 = arith.extui %sign3A_374 : i1 to i32
    %sign3A_376 = arith.subi %sign3A_372, %sign3A_375 : i32
    %ne3A_377 = arith.cmpi ne, %sign3A_369, %sign3A_376 : i32
    %rem3A_378 = arith.remsi %reduce_max3A_360, %jit3A_361 : i32
    %ne3A_379 = arith.constant 0 : i32
    %ne3A_380 = arith.cmpi ne, %rem3A_378, %ne3A_379 : i32
    %and3A_381 = arith.andi %ne3A_377, %ne3A_380 : i1
    %sub3A_382 = arith.constant 1 : i32
    %sub3A_383 = arith.subi %div3A_362, %sub3A_382 : i32
    %select_n3A_384 = arith.select %and3A_381, %sub3A_383, %div3A_362 : i32
    %mul3A_385 = arith.constant 1024 : i32
    %mul3A_386 = arith.muli %select_n3A_384, %mul3A_385 : i32
    %sub3A_387 = arith.subi %reduce_max3A_360, %mul3A_386 : i32
    %eq3A_388 = arith.constant 10 : i32
    %eq3A_389 = vector.broadcast %eq3A_388 : i32 to vector<16xi32>
    %eq3A_390 = arith.cmpi eq, %iota3A, %eq3A_389 : vector<16xi32>
    %select_n3A_391 = arith.select %eq3A_390, %get3A_6, %broadcast_in_dim3A_3 : vector<16xi1>, vector<16xi32>
    %reduce_max3A_392 = arith.constant true
    %reduce_max3A_393 = vector.broadcast %reduce_max3A_392 : i1 to vector<16xi1>
    %reduce_max3A_394 = arith.constant -2147483648 : i32
    %reduce_max3A_395 = vector.broadcast %reduce_max3A_394 : i32 to vector<16xi32>
    %reduce_max3A_396 = arith.xori %select_n3A_391, %reduce_max3A_395 : vector<16xi32>
    %reduce_max3A_397 = tpu.scan <max>, %reduce_max3A_396 masked %reduce_max3A_393 : vector<16xi32>, vector<16xi1> -> vector<16xi32>
    %reduce_max3A_398 = arith.xori %reduce_max3A_397, %reduce_max3A_395 : vector<16xi32>
    %reduce_max3A_399 = vector.extract %reduce_max3A_398[15] : i32 from vector<16xi32>
    %jit3A_400 = arith.constant 1024 : i32
    %div3A_401 = arith.divsi %reduce_max3A_399, %jit3A_400 : i32
    %sign3A_402 = arith.constant 0 : i32
    %sign3A_403 = arith.cmpi sgt, %reduce_max3A_399, %sign3A_402 : i32
    %sign3A_404 = arith.extui %sign3A_403 : i1 to i32
    %sign3A_405 = arith.constant 0 : i32
    %sign3A_406 = arith.cmpi slt, %reduce_max3A_399, %sign3A_405 : i32
    %sign3A_407 = arith.extui %sign3A_406 : i1 to i32
    %sign3A_408 = arith.subi %sign3A_404, %sign3A_407 : i32
    %sign3A_409 = arith.constant 0 : i32
    %sign3A_410 = arith.cmpi sgt, %jit3A_400, %sign3A_409 : i32
    %sign3A_411 = arith.extui %sign3A_410 : i1 to i32
    %sign3A_412 = arith.constant 0 : i32
    %sign3A_413 = arith.cmpi slt, %jit3A_400, %sign3A_412 : i32
    %sign3A_414 = arith.extui %sign3A_413 : i1 to i32
    %sign3A_415 = arith.subi %sign3A_411, %sign3A_414 : i32
    %ne3A_416 = arith.cmpi ne, %sign3A_408, %sign3A_415 : i32
    %rem3A_417 = arith.remsi %reduce_max3A_399, %jit3A_400 : i32
    %ne3A_418 = arith.constant 0 : i32
    %ne3A_419 = arith.cmpi ne, %rem3A_417, %ne3A_418 : i32
    %and3A_420 = arith.andi %ne3A_416, %ne3A_419 : i1
    %sub3A_421 = arith.constant 1 : i32
    %sub3A_422 = arith.subi %div3A_401, %sub3A_421 : i32
    %select_n3A_423 = arith.select %and3A_420, %sub3A_422, %div3A_401 : i32
    %mul3A_424 = arith.constant 1024 : i32
    %mul3A_425 = arith.muli %select_n3A_423, %mul3A_424 : i32
    %sub3A_426 = arith.subi %reduce_max3A_399, %mul3A_425 : i32
    %eq3A_427 = arith.constant 11 : i32
    %eq3A_428 = vector.broadcast %eq3A_427 : i32 to vector<16xi32>
    %eq3A_429 = arith.cmpi eq, %iota3A, %eq3A_428 : vector<16xi32>
    %select_n3A_430 = arith.select %eq3A_429, %get3A_6, %broadcast_in_dim3A_3 : vector<16xi1>, vector<16xi32>
    %reduce_max3A_431 = arith.constant true
    %reduce_max3A_432 = vector.broadcast %reduce_max3A_431 : i1 to vector<16xi1>
    %reduce_max3A_433 = arith.constant -2147483648 : i32
    %reduce_max3A_434 = vector.broadcast %reduce_max3A_433 : i32 to vector<16xi32>
    %reduce_max3A_435 = arith.xori %select_n3A_430, %reduce_max3A_434 : vector<16xi32>
    %reduce_max3A_436 = tpu.scan <max>, %reduce_max3A_435 masked %reduce_max3A_432 : vector<16xi32>, vector<16xi1> -> vector<16xi32>
    %reduce_max3A_437 = arith.xori %reduce_max3A_436, %reduce_max3A_434 : vector<16xi32>
    %reduce_max3A_438 = vector.extract %reduce_max3A_437[15] : i32 from vector<16xi32>
    %jit3A_439 = arith.constant 1024 : i32
    %div3A_440 = arith.divsi %reduce_max3A_438, %jit3A_439 : i32
    %sign3A_441 = arith.constant 0 : i32
    %sign3A_442 = arith.cmpi sgt, %reduce_max3A_438, %sign3A_441 : i32
    %sign3A_443 = arith.extui %sign3A_442 : i1 to i32
    %sign3A_444 = arith.constant 0 : i32
    %sign3A_445 = arith.cmpi slt, %reduce_max3A_438, %sign3A_444 : i32
    %sign3A_446 = arith.extui %sign3A_445 : i1 to i32
    %sign3A_447 = arith.subi %sign3A_443, %sign3A_446 : i32
    %sign3A_448 = arith.constant 0 : i32
    %sign3A_449 = arith.cmpi sgt, %jit3A_439, %sign3A_448 : i32
    %sign3A_450 = arith.extui %sign3A_449 : i1 to i32
    %sign3A_451 = arith.constant 0 : i32
    %sign3A_452 = arith.cmpi slt, %jit3A_439, %sign3A_451 : i32
    %sign3A_453 = arith.extui %sign3A_452 : i1 to i32
    %sign3A_454 = arith.subi %sign3A_450, %sign3A_453 : i32
    %ne3A_455 = arith.cmpi ne, %sign3A_447, %sign3A_454 : i32
    %rem3A_456 = arith.remsi %reduce_max3A_438, %jit3A_439 : i32
    %ne3A_457 = arith.constant 0 : i32
    %ne3A_458 = arith.cmpi ne, %rem3A_456, %ne3A_457 : i32
    %and3A_459 = arith.andi %ne3A_455, %ne3A_458 : i1
    %sub3A_460 = arith.constant 1 : i32
    %sub3A_461 = arith.subi %div3A_440, %sub3A_460 : i32
    %select_n3A_462 = arith.select %and3A_459, %sub3A_461, %div3A_440 : i32
    %mul3A_463 = arith.constant 1024 : i32
    %mul3A_464 = arith.muli %select_n3A_462, %mul3A_463 : i32
    %sub3A_465 = arith.subi %reduce_max3A_438, %mul3A_464 : i32
    %eq3A_466 = arith.constant 12 : i32
    %eq3A_467 = vector.broadcast %eq3A_466 : i32 to vector<16xi32>
    %eq3A_468 = arith.cmpi eq, %iota3A, %eq3A_467 : vector<16xi32>
    %select_n3A_469 = arith.select %eq3A_468, %get3A_6, %broadcast_in_dim3A_3 : vector<16xi1>, vector<16xi32>
    %reduce_max3A_470 = arith.constant true
    %reduce_max3A_471 = vector.broadcast %reduce_max3A_470 : i1 to vector<16xi1>
    %reduce_max3A_472 = arith.constant -2147483648 : i32
    %reduce_max3A_473 = vector.broadcast %reduce_max3A_472 : i32 to vector<16xi32>
    %reduce_max3A_474 = arith.xori %select_n3A_469, %reduce_max3A_473 : vector<16xi32>
    %reduce_max3A_475 = tpu.scan <max>, %reduce_max3A_474 masked %reduce_max3A_471 : vector<16xi32>, vector<16xi1> -> vector<16xi32>
    %reduce_max3A_476 = arith.xori %reduce_max3A_475, %reduce_max3A_473 : vector<16xi32>
    %reduce_max3A_477 = vector.extract %reduce_max3A_476[15] : i32 from vector<16xi32>
    %jit3A_478 = arith.constant 1024 : i32
    %div3A_479 = arith.divsi %reduce_max3A_477, %jit3A_478 : i32
    %sign3A_480 = arith.constant 0 : i32
    %sign3A_481 = arith.cmpi sgt, %reduce_max3A_477, %sign3A_480 : i32
    %sign3A_482 = arith.extui %sign3A_481 : i1 to i32
    %sign3A_483 = arith.constant 0 : i32
    %sign3A_484 = arith.cmpi slt, %reduce_max3A_477, %sign3A_483 : i32
    %sign3A_485 = arith.extui %sign3A_484 : i1 to i32
    %sign3A_486 = arith.subi %sign3A_482, %sign3A_485 : i32
    %sign3A_487 = arith.constant 0 : i32
    %sign3A_488 = arith.cmpi sgt, %jit3A_478, %sign3A_487 : i32
    %sign3A_489 = arith.extui %sign3A_488 : i1 to i32
    %sign3A_490 = arith.constant 0 : i32
    %sign3A_491 = arith.cmpi slt, %jit3A_478, %sign3A_490 : i32
    %sign3A_492 = arith.extui %sign3A_491 : i1 to i32
    %sign3A_493 = arith.subi %sign3A_489, %sign3A_492 : i32
    %ne3A_494 = arith.cmpi ne, %sign3A_486, %sign3A_493 : i32
    %rem3A_495 = arith.remsi %reduce_max3A_477, %jit3A_478 : i32
    %ne3A_496 = arith.constant 0 : i32
    %ne3A_497 = arith.cmpi ne, %rem3A_495, %ne3A_496 : i32
    %and3A_498 = arith.andi %ne3A_494, %ne3A_497 : i1
    %sub3A_499 = arith.constant 1 : i32
    %sub3A_500 = arith.subi %div3A_479, %sub3A_499 : i32
    %select_n3A_501 = arith.select %and3A_498, %sub3A_500, %div3A_479 : i32
    %mul3A_502 = arith.constant 1024 : i32
    %mul3A_503 = arith.muli %select_n3A_501, %mul3A_502 : i32
    %sub3A_504 = arith.subi %reduce_max3A_477, %mul3A_503 : i32
    %eq3A_505 = arith.constant 13 : i32
    %eq3A_506 = vector.broadcast %eq3A_505 : i32 to vector<16xi32>
    %eq3A_507 = arith.cmpi eq, %iota3A, %eq3A_506 : vector<16xi32>
    %select_n3A_508 = arith.select %eq3A_507, %get3A_6, %broadcast_in_dim3A_3 : vector<16xi1>, vector<16xi32>
    %reduce_max3A_509 = arith.constant true
    %reduce_max3A_510 = vector.broadcast %reduce_max3A_509 : i1 to vector<16xi1>
    %reduce_max3A_511 = arith.constant -2147483648 : i32
    %reduce_max3A_512 = vector.broadcast %reduce_max3A_511 : i32 to vector<16xi32>
    %reduce_max3A_513 = arith.xori %select_n3A_508, %reduce_max3A_512 : vector<16xi32>
    %reduce_max3A_514 = tpu.scan <max>, %reduce_max3A_513 masked %reduce_max3A_510 : vector<16xi32>, vector<16xi1> -> vector<16xi32>
    %reduce_max3A_515 = arith.xori %reduce_max3A_514, %reduce_max3A_512 : vector<16xi32>
    %reduce_max3A_516 = vector.extract %reduce_max3A_515[15] : i32 from vector<16xi32>
    %jit3A_517 = arith.constant 1024 : i32
    %div3A_518 = arith.divsi %reduce_max3A_516, %jit3A_517 : i32
    %sign3A_519 = arith.constant 0 : i32
    %sign3A_520 = arith.cmpi sgt, %reduce_max3A_516, %sign3A_519 : i32
    %sign3A_521 = arith.extui %sign3A_520 : i1 to i32
    %sign3A_522 = arith.constant 0 : i32
    %sign3A_523 = arith.cmpi slt, %reduce_max3A_516, %sign3A_522 : i32
    %sign3A_524 = arith.extui %sign3A_523 : i1 to i32
    %sign3A_525 = arith.subi %sign3A_521, %sign3A_524 : i32
    %sign3A_526 = arith.constant 0 : i32
    %sign3A_527 = arith.cmpi sgt, %jit3A_517, %sign3A_526 : i32
    %sign3A_528 = arith.extui %sign3A_527 : i1 to i32
    %sign3A_529 = arith.constant 0 : i32
    %sign3A_530 = arith.cmpi slt, %jit3A_517, %sign3A_529 : i32
    %sign3A_531 = arith.extui %sign3A_530 : i1 to i32
    %sign3A_532 = arith.subi %sign3A_528, %sign3A_531 : i32
    %ne3A_533 = arith.cmpi ne, %sign3A_525, %sign3A_532 : i32
    %rem3A_534 = arith.remsi %reduce_max3A_516, %jit3A_517 : i32
    %ne3A_535 = arith.constant 0 : i32
    %ne3A_536 = arith.cmpi ne, %rem3A_534, %ne3A_535 : i32
    %and3A_537 = arith.andi %ne3A_533, %ne3A_536 : i1
    %sub3A_538 = arith.constant 1 : i32
    %sub3A_539 = arith.subi %div3A_518, %sub3A_538 : i32
    %select_n3A_540 = arith.select %and3A_537, %sub3A_539, %div3A_518 : i32
    %mul3A_541 = arith.constant 1024 : i32
    %mul3A_542 = arith.muli %select_n3A_540, %mul3A_541 : i32
    %sub3A_543 = arith.subi %reduce_max3A_516, %mul3A_542 : i32
    %eq3A_544 = arith.constant 14 : i32
    %eq3A_545 = vector.broadcast %eq3A_544 : i32 to vector<16xi32>
    %eq3A_546 = arith.cmpi eq, %iota3A, %eq3A_545 : vector<16xi32>
    %select_n3A_547 = arith.select %eq3A_546, %get3A_6, %broadcast_in_dim3A_3 : vector<16xi1>, vector<16xi32>
    %reduce_max3A_548 = arith.constant true
    %reduce_max3A_549 = vector.broadcast %reduce_max3A_548 : i1 to vector<16xi1>
    %reduce_max3A_550 = arith.constant -2147483648 : i32
    %reduce_max3A_551 = vector.broadcast %reduce_max3A_550 : i32 to vector<16xi32>
    %reduce_max3A_552 = arith.xori %select_n3A_547, %reduce_max3A_551 : vector<16xi32>
    %reduce_max3A_553 = tpu.scan <max>, %reduce_max3A_552 masked %reduce_max3A_549 : vector<16xi32>, vector<16xi1> -> vector<16xi32>
    %reduce_max3A_554 = arith.xori %reduce_max3A_553, %reduce_max3A_551 : vector<16xi32>
    %reduce_max3A_555 = vector.extract %reduce_max3A_554[15] : i32 from vector<16xi32>
    %jit3A_556 = arith.constant 1024 : i32
    %div3A_557 = arith.divsi %reduce_max3A_555, %jit3A_556 : i32
    %sign3A_558 = arith.constant 0 : i32
    %sign3A_559 = arith.cmpi sgt, %reduce_max3A_555, %sign3A_558 : i32
    %sign3A_560 = arith.extui %sign3A_559 : i1 to i32
    %sign3A_561 = arith.constant 0 : i32
    %sign3A_562 = arith.cmpi slt, %reduce_max3A_555, %sign3A_561 : i32
    %sign3A_563 = arith.extui %sign3A_562 : i1 to i32
    %sign3A_564 = arith.subi %sign3A_560, %sign3A_563 : i32
    %sign3A_565 = arith.constant 0 : i32
    %sign3A_566 = arith.cmpi sgt, %jit3A_556, %sign3A_565 : i32
    %sign3A_567 = arith.extui %sign3A_566 : i1 to i32
    %sign3A_568 = arith.constant 0 : i32
    %sign3A_569 = arith.cmpi slt, %jit3A_556, %sign3A_568 : i32
    %sign3A_570 = arith.extui %sign3A_569 : i1 to i32
    %sign3A_571 = arith.subi %sign3A_567, %sign3A_570 : i32
    %ne3A_572 = arith.cmpi ne, %sign3A_564, %sign3A_571 : i32
    %rem3A_573 = arith.remsi %reduce_max3A_555, %jit3A_556 : i32
    %ne3A_574 = arith.constant 0 : i32
    %ne3A_575 = arith.cmpi ne, %rem3A_573, %ne3A_574 : i32
    %and3A_576 = arith.andi %ne3A_572, %ne3A_575 : i1
    %sub3A_577 = arith.constant 1 : i32
    %sub3A_578 = arith.subi %div3A_557, %sub3A_577 : i32
    %select_n3A_579 = arith.select %and3A_576, %sub3A_578, %div3A_557 : i32
    %mul3A_580 = arith.constant 1024 : i32
    %mul3A_581 = arith.muli %select_n3A_579, %mul3A_580 : i32
    %sub3A_582 = arith.subi %reduce_max3A_555, %mul3A_581 : i32
    %eq3A_583 = arith.constant 15 : i32
    %eq3A_584 = vector.broadcast %eq3A_583 : i32 to vector<16xi32>
    %eq3A_585 = arith.cmpi eq, %iota3A, %eq3A_584 : vector<16xi32>
    %select_n3A_586 = arith.select %eq3A_585, %get3A_6, %broadcast_in_dim3A_3 : vector<16xi1>, vector<16xi32>
    %reduce_max3A_587 = arith.constant true
    %reduce_max3A_588 = vector.broadcast %reduce_max3A_587 : i1 to vector<16xi1>
    %reduce_max3A_589 = arith.constant -2147483648 : i32
    %reduce_max3A_590 = vector.broadcast %reduce_max3A_589 : i32 to vector<16xi32>
    %reduce_max3A_591 = arith.xori %select_n3A_586, %reduce_max3A_590 : vector<16xi32>
    %reduce_max3A_592 = tpu.scan <max>, %reduce_max3A_591 masked %reduce_max3A_588 : vector<16xi32>, vector<16xi1> -> vector<16xi32>
    %reduce_max3A_593 = arith.xori %reduce_max3A_592, %reduce_max3A_590 : vector<16xi32>
    %reduce_max3A_594 = vector.extract %reduce_max3A_593[15] : i32 from vector<16xi32>
    %jit3A_595 = arith.constant 1024 : i32
    %div3A_596 = arith.divsi %reduce_max3A_594, %jit3A_595 : i32
    %sign3A_597 = arith.constant 0 : i32
    %sign3A_598 = arith.cmpi sgt, %reduce_max3A_594, %sign3A_597 : i32
    %sign3A_599 = arith.extui %sign3A_598 : i1 to i32
    %sign3A_600 = arith.constant 0 : i32
    %sign3A_601 = arith.cmpi slt, %reduce_max3A_594, %sign3A_600 : i32
    %sign3A_602 = arith.extui %sign3A_601 : i1 to i32
    %sign3A_603 = arith.subi %sign3A_599, %sign3A_602 : i32
    %sign3A_604 = arith.constant 0 : i32
    %sign3A_605 = arith.cmpi sgt, %jit3A_595, %sign3A_604 : i32
    %sign3A_606 = arith.extui %sign3A_605 : i1 to i32
    %sign3A_607 = arith.constant 0 : i32
    %sign3A_608 = arith.cmpi slt, %jit3A_595, %sign3A_607 : i32
    %sign3A_609 = arith.extui %sign3A_608 : i1 to i32
    %sign3A_610 = arith.subi %sign3A_606, %sign3A_609 : i32
    %ne3A_611 = arith.cmpi ne, %sign3A_603, %sign3A_610 : i32
    %rem3A_612 = arith.remsi %reduce_max3A_594, %jit3A_595 : i32
    %ne3A_613 = arith.constant 0 : i32
    %ne3A_614 = arith.cmpi ne, %rem3A_612, %ne3A_613 : i32
    %and3A_615 = arith.andi %ne3A_611, %ne3A_614 : i1
    %sub3A_616 = arith.constant 1 : i32
    %sub3A_617 = arith.subi %div3A_596, %sub3A_616 : i32
    %select_n3A_618 = arith.select %and3A_615, %sub3A_617, %div3A_596 : i32
    %mul3A_619 = arith.constant 1024 : i32
    %mul3A_620 = arith.muli %select_n3A_618, %mul3A_619 : i32
    %sub3A_621 = arith.subi %reduce_max3A_594, %mul3A_620 : i32
    %jit3A_622 = arith.constant 8 : i32
    %div3A_623 = arith.divsi %select_n3A_33, %jit3A_622 : i32
    %sign3A_624 = arith.constant 0 : i32
    %sign3A_625 = arith.cmpi sgt, %select_n3A_33, %sign3A_624 : i32
    %sign3A_626 = arith.extui %sign3A_625 : i1 to i32
    %sign3A_627 = arith.constant 0 : i32
    %sign3A_628 = arith.cmpi slt, %select_n3A_33, %sign3A_627 : i32
    %sign3A_629 = arith.extui %sign3A_628 : i1 to i32
    %sign3A_630 = arith.subi %sign3A_626, %sign3A_629 : i32
    %sign3A_631 = arith.constant 0 : i32
    %sign3A_632 = arith.cmpi sgt, %jit3A_622, %sign3A_631 : i32
    %sign3A_633 = arith.extui %sign3A_632 : i1 to i32
    %sign3A_634 = arith.constant 0 : i32
    %sign3A_635 = arith.cmpi slt, %jit3A_622, %sign3A_634 : i32
    %sign3A_636 = arith.extui %sign3A_635 : i1 to i32
    %sign3A_637 = arith.subi %sign3A_633, %sign3A_636 : i32
    %ne3A_638 = arith.cmpi ne, %sign3A_630, %sign3A_637 : i32
    %rem3A_639 = arith.remsi %select_n3A_33, %jit3A_622 : i32
    %ne3A_640 = arith.constant 0 : i32
    %ne3A_641 = arith.cmpi ne, %rem3A_639, %ne3A_640 : i32
    %and3A_642 = arith.andi %ne3A_638, %ne3A_641 : i1
    %sub3A_643 = arith.constant 1 : i32
    %sub3A_644 = arith.subi %div3A_623, %sub3A_643 : i32
    %select_n3A_645 = arith.select %and3A_642, %sub3A_644, %div3A_623 : i32
    %mul3A_646 = arith.constant 8 : i32
    %mul3A_647 = arith.muli %select_n3A_645, %mul3A_646 : i32
    %dma_start3A = arith.constant 0 : i32
    %dma_start3A_648 = arith.constant 0 : i32
    %dma_start3A_649 = arith.constant 0 : i32
    %dma_start3A_650 = tpu.memref_slice %arg7[%rem3A_5, %dma_start3A, %dma_start3A_648, %dma_start3A_649] : memref<2x16x8x64xf32, #tpu.memory_space<vmem>> -> memref<1x1x8x64xf32, #tpu.memory_space<vmem>>
    %dma_start3A_651 = tpu.memref_squeeze %dma_start3A_650 : memref<1x1x8x64xf32, #tpu.memory_space<vmem>> -> memref<8x64xf32, #tpu.memory_space<vmem>>
    %dma_start3A_652 = arith.constant 0 : i32
    %dma_start3A_653 = tpu.memref_slice %arg4[%mul3A_647, %dma_start3A_652] : memref<1000001x64xf32, #tpu.memory_space<hbm>> -> memref<8x64xf32, #tpu.memory_space<hbm>>
    %dma_start3A_654 = arith.constant 0 : i32
    %dma_start3A_655 = arith.constant 0 : i32
    %dma_start3A_656 = tpu.memref_slice %arg7[%rem3A_5, %dma_start3A, %dma_start3A_654, %dma_start3A_655] : memref<2x16x8x64xf32, #tpu.memory_space<vmem>> -> memref<1x1x8x64xf32, #tpu.memory_space<vmem>>
    %dma_start3A_657 = tpu.memref_squeeze %dma_start3A_656 : memref<1x1x8x64xf32, #tpu.memory_space<vmem>> -> memref<8x64xf32, #tpu.memory_space<vmem>>
    %dma_start3A_658 = arith.constant 0 : i32
    %dma_start3A_659 = tpu.memref_slice %arg4[%mul3A_647, %dma_start3A_658] : memref<1000001x64xf32, #tpu.memory_space<hbm>> -> memref<8x64xf32, #tpu.memory_space<hbm>>
    tpu.enqueue_dma source(%dma_start3A_659 : memref<8x64xf32, #tpu.memory_space<hbm>>) target(%dma_start3A_657 : memref<8x64xf32, #tpu.memory_space<vmem>>) target_semaphore(%arg10 : memref<!tpu.dma_semaphore, #tpu.memory_space<semaphore_mem>>)
    %jit3A_660 = arith.constant 8 : i32
    %div3A_661 = arith.divsi %select_n3A_72, %jit3A_660 : i32
    %sign3A_662 = arith.constant 0 : i32
    %sign3A_663 = arith.cmpi sgt, %select_n3A_72, %sign3A_662 : i32
    %sign3A_664 = arith.extui %sign3A_663 : i1 to i32
    %sign3A_665 = arith.constant 0 : i32
    %sign3A_666 = arith.cmpi slt, %select_n3A_72, %sign3A_665 : i32
    %sign3A_667 = arith.extui %sign3A_666 : i1 to i32
    %sign3A_668 = arith.subi %sign3A_664, %sign3A_667 : i32
    %sign3A_669 = arith.constant 0 : i32
    %sign3A_670 = arith.cmpi sgt, %jit3A_660, %sign3A_669 : i32
    %sign3A_671 = arith.extui %sign3A_670 : i1 to i32
    %sign3A_672 = arith.constant 0 : i32
    %sign3A_673 = arith.cmpi slt, %jit3A_660, %sign3A_672 : i32
    %sign3A_674 = arith.extui %sign3A_673 : i1 to i32
    %sign3A_675 = arith.subi %sign3A_671, %sign3A_674 : i32
    %ne3A_676 = arith.cmpi ne, %sign3A_668, %sign3A_675 : i32
    %rem3A_677 = arith.remsi %select_n3A_72, %jit3A_660 : i32
    %ne3A_678 = arith.constant 0 : i32
    %ne3A_679 = arith.cmpi ne, %rem3A_677, %ne3A_678 : i32
    %and3A_680 = arith.andi %ne3A_676, %ne3A_679 : i1
    %sub3A_681 = arith.constant 1 : i32
    %sub3A_682 = arith.subi %div3A_661, %sub3A_681 : i32
    %select_n3A_683 = arith.select %and3A_680, %sub3A_682, %div3A_661 : i32
    %mul3A_684 = arith.constant 8 : i32
    %mul3A_685 = arith.muli %select_n3A_683, %mul3A_684 : i32
    %dma_start3A_686 = arith.constant 1 : i32
    %dma_start3A_687 = arith.constant 0 : i32
    %dma_start3A_688 = arith.constant 0 : i32
    %dma_start3A_689 = tpu.memref_slice %arg7[%rem3A_5, %dma_start3A_686, %dma_start3A_687, %dma_start3A_688] : memref<2x16x8x64xf32, #tpu.memory_space<vmem>> -> memref<1x1x8x64xf32, #tpu.memory_space<vmem>>
    %dma_start3A_690 = tpu.memref_squeeze %dma_start3A_689 : memref<1x1x8x64xf32, #tpu.memory_space<vmem>> -> memref<8x64xf32, #tpu.memory_space<vmem>>
    %dma_start3A_691 = arith.constant 0 : i32
    %dma_start3A_692 = tpu.memref_slice %arg4[%mul3A_685, %dma_start3A_691] : memref<1000001x64xf32, #tpu.memory_space<hbm>> -> memref<8x64xf32, #tpu.memory_space<hbm>>
    %dma_start3A_693 = arith.constant 0 : i32
    %dma_start3A_694 = arith.constant 0 : i32
    %dma_start3A_695 = tpu.memref_slice %arg7[%rem3A_5, %dma_start3A_686, %dma_start3A_693, %dma_start3A_694] : memref<2x16x8x64xf32, #tpu.memory_space<vmem>> -> memref<1x1x8x64xf32, #tpu.memory_space<vmem>>
    %dma_start3A_696 = tpu.memref_squeeze %dma_start3A_695 : memref<1x1x8x64xf32, #tpu.memory_space<vmem>> -> memref<8x64xf32, #tpu.memory_space<vmem>>
    %dma_start3A_697 = arith.constant 0 : i32
    %dma_start3A_698 = tpu.memref_slice %arg4[%mul3A_685, %dma_start3A_697] : memref<1000001x64xf32, #tpu.memory_space<hbm>> -> memref<8x64xf32, #tpu.memory_space<hbm>>
    tpu.enqueue_dma source(%dma_start3A_698 : memref<8x64xf32, #tpu.memory_space<hbm>>) target(%dma_start3A_696 : memref<8x64xf32, #tpu.memory_space<vmem>>) target_semaphore(%arg10 : memref<!tpu.dma_semaphore, #tpu.memory_space<semaphore_mem>>)
    %jit3A_699 = arith.constant 8 : i32
    %div3A_700 = arith.divsi %select_n3A_111, %jit3A_699 : i32
    %sign3A_701 = arith.constant 0 : i32
    %sign3A_702 = arith.cmpi sgt, %select_n3A_111, %sign3A_701 : i32
    %sign3A_703 = arith.extui %sign3A_702 : i1 to i32
    %sign3A_704 = arith.constant 0 : i32
    %sign3A_705 = arith.cmpi slt, %select_n3A_111, %sign3A_704 : i32
    %sign3A_706 = arith.extui %sign3A_705 : i1 to i32
    %sign3A_707 = arith.subi %sign3A_703, %sign3A_706 : i32
    %sign3A_708 = arith.constant 0 : i32
    %sign3A_709 = arith.cmpi sgt, %jit3A_699, %sign3A_708 : i32
    %sign3A_710 = arith.extui %sign3A_709 : i1 to i32
    %sign3A_711 = arith.constant 0 : i32
    %sign3A_712 = arith.cmpi slt, %jit3A_699, %sign3A_711 : i32
    %sign3A_713 = arith.extui %sign3A_712 : i1 to i32
    %sign3A_714 = arith.subi %sign3A_710, %sign3A_713 : i32
    %ne3A_715 = arith.cmpi ne, %sign3A_707, %sign3A_714 : i32
    %rem3A_716 = arith.remsi %select_n3A_111, %jit3A_699 : i32
    %ne3A_717 = arith.constant 0 : i32
    %ne3A_718 = arith.cmpi ne, %rem3A_716, %ne3A_717 : i32
    %and3A_719 = arith.andi %ne3A_715, %ne3A_718 : i1
    %sub3A_720 = arith.constant 1 : i32
    %sub3A_721 = arith.subi %div3A_700, %sub3A_720 : i32
    %select_n3A_722 = arith.select %and3A_719, %sub3A_721, %div3A_700 : i32
    %mul3A_723 = arith.constant 8 : i32
    %mul3A_724 = arith.muli %select_n3A_722, %mul3A_723 : i32
    %dma_start3A_725 = arith.constant 2 : i32
    %dma_start3A_726 = arith.constant 0 : i32
    %dma_start3A_727 = arith.constant 0 : i32
    %dma_start3A_728 = tpu.memref_slice %arg7[%rem3A_5, %dma_start3A_725, %dma_start3A_726, %dma_start3A_727] : memref<2x16x8x64xf32, #tpu.memory_space<vmem>> -> memref<1x1x8x64xf32, #tpu.memory_space<vmem>>
    %dma_start3A_729 = tpu.memref_squeeze %dma_start3A_728 : memref<1x1x8x64xf32, #tpu.memory_space<vmem>> -> memref<8x64xf32, #tpu.memory_space<vmem>>
    %dma_start3A_730 = arith.constant 0 : i32
    %dma_start3A_731 = tpu.memref_slice %arg4[%mul3A_724, %dma_start3A_730] : memref<1000001x64xf32, #tpu.memory_space<hbm>> -> memref<8x64xf32, #tpu.memory_space<hbm>>
    %dma_start3A_732 = arith.constant 0 : i32
    %dma_start3A_733 = arith.constant 0 : i32
    %dma_start3A_734 = tpu.memref_slice %arg7[%rem3A_5, %dma_start3A_725, %dma_start3A_732, %dma_start3A_733] : memref<2x16x8x64xf32, #tpu.memory_space<vmem>> -> memref<1x1x8x64xf32, #tpu.memory_space<vmem>>
    %dma_start3A_735 = tpu.memref_squeeze %dma_start3A_734 : memref<1x1x8x64xf32, #tpu.memory_space<vmem>> -> memref<8x64xf32, #tpu.memory_space<vmem>>
    %dma_start3A_736 = arith.constant 0 : i32
    %dma_start3A_737 = tpu.memref_slice %arg4[%mul3A_724, %dma_start3A_736] : memref<1000001x64xf32, #tpu.memory_space<hbm>> -> memref<8x64xf32, #tpu.memory_space<hbm>>
    tpu.enqueue_dma source(%dma_start3A_737 : memref<8x64xf32, #tpu.memory_space<hbm>>) target(%dma_start3A_735 : memref<8x64xf32, #tpu.memory_space<vmem>>) target_semaphore(%arg10 : memref<!tpu.dma_semaphore, #tpu.memory_space<semaphore_mem>>)
    %jit3A_738 = arith.constant 8 : i32
    %div3A_739 = arith.divsi %select_n3A_150, %jit3A_738 : i32
    %sign3A_740 = arith.constant 0 : i32
    %sign3A_741 = arith.cmpi sgt, %select_n3A_150, %sign3A_740 : i32
    %sign3A_742 = arith.extui %sign3A_741 : i1 to i32
    %sign3A_743 = arith.constant 0 : i32
    %sign3A_744 = arith.cmpi slt, %select_n3A_150, %sign3A_743 : i32
    %sign3A_745 = arith.extui %sign3A_744 : i1 to i32
    %sign3A_746 = arith.subi %sign3A_742, %sign3A_745 : i32
    %sign3A_747 = arith.constant 0 : i32
    %sign3A_748 = arith.cmpi sgt, %jit3A_738, %sign3A_747 : i32
    %sign3A_749 = arith.extui %sign3A_748 : i1 to i32
    %sign3A_750 = arith.constant 0 : i32
    %sign3A_751 = arith.cmpi slt, %jit3A_738, %sign3A_750 : i32
    %sign3A_752 = arith.extui %sign3A_751 : i1 to i32
    %sign3A_753 = arith.subi %sign3A_749, %sign3A_752 : i32
    %ne3A_754 = arith.cmpi ne, %sign3A_746, %sign3A_753 : i32
    %rem3A_755 = arith.remsi %select_n3A_150, %jit3A_738 : i32
    %ne3A_756 = arith.constant 0 : i32
    %ne3A_757 = arith.cmpi ne, %rem3A_755, %ne3A_756 : i32
    %and3A_758 = arith.andi %ne3A_754, %ne3A_757 : i1
    %sub3A_759 = arith.constant 1 : i32
    %sub3A_760 = arith.subi %div3A_739, %sub3A_759 : i32
    %select_n3A_761 = arith.select %and3A_758, %sub3A_760, %div3A_739 : i32
    %mul3A_762 = arith.constant 8 : i32
    %mul3A_763 = arith.muli %select_n3A_761, %mul3A_762 : i32
    %dma_start3A_764 = arith.constant 3 : i32
    %dma_start3A_765 = arith.constant 0 : i32
    %dma_start3A_766 = arith.constant 0 : i32
    %dma_start3A_767 = tpu.memref_slice %arg7[%rem3A_5, %dma_start3A_764, %dma_start3A_765, %dma_start3A_766] : memref<2x16x8x64xf32, #tpu.memory_space<vmem>> -> memref<1x1x8x64xf32, #tpu.memory_space<vmem>>
    %dma_start3A_768 = tpu.memref_squeeze %dma_start3A_767 : memref<1x1x8x64xf32, #tpu.memory_space<vmem>> -> memref<8x64xf32, #tpu.memory_space<vmem>>
    %dma_start3A_769 = arith.constant 0 : i32
    %dma_start3A_770 = tpu.memref_slice %arg4[%mul3A_763, %dma_start3A_769] : memref<1000001x64xf32, #tpu.memory_space<hbm>> -> memref<8x64xf32, #tpu.memory_space<hbm>>
    %dma_start3A_771 = arith.constant 0 : i32
    %dma_start3A_772 = arith.constant 0 : i32
    %dma_start3A_773 = tpu.memref_slice %arg7[%rem3A_5, %dma_start3A_764, %dma_start3A_771, %dma_start3A_772] : memref<2x16x8x64xf32, #tpu.memory_space<vmem>> -> memref<1x1x8x64xf32, #tpu.memory_space<vmem>>
    %dma_start3A_774 = tpu.memref_squeeze %dma_start3A_773 : memref<1x1x8x64xf32, #tpu.memory_space<vmem>> -> memref<8x64xf32, #tpu.memory_space<vmem>>
    %dma_start3A_775 = arith.constant 0 : i32
    %dma_start3A_776 = tpu.memref_slice %arg4[%mul3A_763, %dma_start3A_775] : memref<1000001x64xf32, #tpu.memory_space<hbm>> -> memref<8x64xf32, #tpu.memory_space<hbm>>
    tpu.enqueue_dma source(%dma_start3A_776 : memref<8x64xf32, #tpu.memory_space<hbm>>) target(%dma_start3A_774 : memref<8x64xf32, #tpu.memory_space<vmem>>) target_semaphore(%arg10 : memref<!tpu.dma_semaphore, #tpu.memory_space<semaphore_mem>>)
    %jit3A_777 = arith.constant 8 : i32
    %div3A_778 = arith.divsi %select_n3A_189, %jit3A_777 : i32
    %sign3A_779 = arith.constant 0 : i32
    %sign3A_780 = arith.cmpi sgt, %select_n3A_189, %sign3A_779 : i32
    %sign3A_781 = arith.extui %sign3A_780 : i1 to i32
    %sign3A_782 = arith.constant 0 : i32
    %sign3A_783 = arith.cmpi slt, %select_n3A_189, %sign3A_782 : i32
    %sign3A_784 = arith.extui %sign3A_783 : i1 to i32
    %sign3A_785 = arith.subi %sign3A_781, %sign3A_784 : i32
    %sign3A_786 = arith.constant 0 : i32
    %sign3A_787 = arith.cmpi sgt, %jit3A_777, %sign3A_786 : i32
    %sign3A_788 = arith.extui %sign3A_787 : i1 to i32
    %sign3A_789 = arith.constant 0 : i32
    %sign3A_790 = arith.cmpi slt, %jit3A_777, %sign3A_789 : i32
    %sign3A_791 = arith.extui %sign3A_790 : i1 to i32
    %sign3A_792 = arith.subi %sign3A_788, %sign3A_791 : i32
    %ne3A_793 = arith.cmpi ne, %sign3A_785, %sign3A_792 : i32
    %rem3A_794 = arith.remsi %select_n3A_189, %jit3A_777 : i32
    %ne3A_795 = arith.constant 0 : i32
    %ne3A_796 = arith.cmpi ne, %rem3A_794, %ne3A_795 : i32
    %and3A_797 = arith.andi %ne3A_793, %ne3A_796 : i1
    %sub3A_798 = arith.constant 1 : i32
    %sub3A_799 = arith.subi %div3A_778, %sub3A_798 : i32
    %select_n3A_800 = arith.select %and3A_797, %sub3A_799, %div3A_778 : i32
    %mul3A_801 = arith.constant 8 : i32
    %mul3A_802 = arith.muli %select_n3A_800, %mul3A_801 : i32
    %dma_start3A_803 = arith.constant 4 : i32
    %dma_start3A_804 = arith.constant 0 : i32
    %dma_start3A_805 = arith.constant 0 : i32
    %dma_start3A_806 = tpu.memref_slice %arg7[%rem3A_5, %dma_start3A_803, %dma_start3A_804, %dma_start3A_805] : memref<2x16x8x64xf32, #tpu.memory_space<vmem>> -> memref<1x1x8x64xf32, #tpu.memory_space<vmem>>
    %dma_start3A_807 = tpu.memref_squeeze %dma_start3A_806 : memref<1x1x8x64xf32, #tpu.memory_space<vmem>> -> memref<8x64xf32, #tpu.memory_space<vmem>>
    %dma_start3A_808 = arith.constant 0 : i32
    %dma_start3A_809 = tpu.memref_slice %arg4[%mul3A_802, %dma_start3A_808] : memref<1000001x64xf32, #tpu.memory_space<hbm>> -> memref<8x64xf32, #tpu.memory_space<hbm>>
    %dma_start3A_810 = arith.constant 0 : i32
    %dma_start3A_811 = arith.constant 0 : i32
    %dma_start3A_812 = tpu.memref_slice %arg7[%rem3A_5, %dma_start3A_803, %dma_start3A_810, %dma_start3A_811] : memref<2x16x8x64xf32, #tpu.memory_space<vmem>> -> memref<1x1x8x64xf32, #tpu.memory_space<vmem>>
    %dma_start3A_813 = tpu.memref_squeeze %dma_start3A_812 : memref<1x1x8x64xf32, #tpu.memory_space<vmem>> -> memref<8x64xf32, #tpu.memory_space<vmem>>
    %dma_start3A_814 = arith.constant 0 : i32
    %dma_start3A_815 = tpu.memref_slice %arg4[%mul3A_802, %dma_start3A_814] : memref<1000001x64xf32, #tpu.memory_space<hbm>> -> memref<8x64xf32, #tpu.memory_space<hbm>>
    tpu.enqueue_dma source(%dma_start3A_815 : memref<8x64xf32, #tpu.memory_space<hbm>>) target(%dma_start3A_813 : memref<8x64xf32, #tpu.memory_space<vmem>>) target_semaphore(%arg10 : memref<!tpu.dma_semaphore, #tpu.memory_space<semaphore_mem>>)
    %jit3A_816 = arith.constant 8 : i32
    %div3A_817 = arith.divsi %select_n3A_228, %jit3A_816 : i32
    %sign3A_818 = arith.constant 0 : i32
    %sign3A_819 = arith.cmpi sgt, %select_n3A_228, %sign3A_818 : i32
    %sign3A_820 = arith.extui %sign3A_819 : i1 to i32
    %sign3A_821 = arith.constant 0 : i32
    %sign3A_822 = arith.cmpi slt, %select_n3A_228, %sign3A_821 : i32
    %sign3A_823 = arith.extui %sign3A_822 : i1 to i32
    %sign3A_824 = arith.subi %sign3A_820, %sign3A_823 : i32
    %sign3A_825 = arith.constant 0 : i32
    %sign3A_826 = arith.cmpi sgt, %jit3A_816, %sign3A_825 : i32
    %sign3A_827 = arith.extui %sign3A_826 : i1 to i32
    %sign3A_828 = arith.constant 0 : i32
    %sign3A_829 = arith.cmpi slt, %jit3A_816, %sign3A_828 : i32
    %sign3A_830 = arith.extui %sign3A_829 : i1 to i32
    %sign3A_831 = arith.subi %sign3A_827, %sign3A_830 : i32
    %ne3A_832 = arith.cmpi ne, %sign3A_824, %sign3A_831 : i32
    %rem3A_833 = arith.remsi %select_n3A_228, %jit3A_816 : i32
    %ne3A_834 = arith.constant 0 : i32
    %ne3A_835 = arith.cmpi ne, %rem3A_833, %ne3A_834 : i32
    %and3A_836 = arith.andi %ne3A_832, %ne3A_835 : i1
    %sub3A_837 = arith.constant 1 : i32
    %sub3A_838 = arith.subi %div3A_817, %sub3A_837 : i32
    %select_n3A_839 = arith.select %and3A_836, %sub3A_838, %div3A_817 : i32
    %mul3A_840 = arith.constant 8 : i32
    %mul3A_841 = arith.muli %select_n3A_839, %mul3A_840 : i32
    %dma_start3A_842 = arith.constant 5 : i32
    %dma_start3A_843 = arith.constant 0 : i32
    %dma_start3A_844 = arith.constant 0 : i32
    %dma_start3A_845 = tpu.memref_slice %arg7[%rem3A_5, %dma_start3A_842, %dma_start3A_843, %dma_start3A_844] : memref<2x16x8x64xf32, #tpu.memory_space<vmem>> -> memref<1x1x8x64xf32, #tpu.memory_space<vmem>>
    %dma_start3A_846 = tpu.memref_squeeze %dma_start3A_845 : memref<1x1x8x64xf32, #tpu.memory_space<vmem>> -> memref<8x64xf32, #tpu.memory_space<vmem>>
    %dma_start3A_847 = arith.constant 0 : i32
    %dma_start3A_848 = tpu.memref_slice %arg4[%mul3A_841, %dma_start3A_847] : memref<1000001x64xf32, #tpu.memory_space<hbm>> -> memref<8x64xf32, #tpu.memory_space<hbm>>
    %dma_start3A_849 = arith.constant 0 : i32
    %dma_start3A_850 = arith.constant 0 : i32
    %dma_start3A_851 = tpu.memref_slice %arg7[%rem3A_5, %dma_start3A_842, %dma_start3A_849, %dma_start3A_850] : memref<2x16x8x64xf32, #tpu.memory_space<vmem>> -> memref<1x1x8x64xf32, #tpu.memory_space<vmem>>
    %dma_start3A_852 = tpu.memref_squeeze %dma_start3A_851 : memref<1x1x8x64xf32, #tpu.memory_space<vmem>> -> memref<8x64xf32, #tpu.memory_space<vmem>>
    %dma_start3A_853 = arith.constant 0 : i32
    %dma_start3A_854 = tpu.memref_slice %arg4[%mul3A_841, %dma_start3A_853] : memref<1000001x64xf32, #tpu.memory_space<hbm>> -> memref<8x64xf32, #tpu.memory_space<hbm>>
    tpu.enqueue_dma source(%dma_start3A_854 : memref<8x64xf32, #tpu.memory_space<hbm>>) target(%dma_start3A_852 : memref<8x64xf32, #tpu.memory_space<vmem>>) target_semaphore(%arg10 : memref<!tpu.dma_semaphore, #tpu.memory_space<semaphore_mem>>)
    %jit3A_855 = arith.constant 8 : i32
    %div3A_856 = arith.divsi %select_n3A_267, %jit3A_855 : i32
    %sign3A_857 = arith.constant 0 : i32
    %sign3A_858 = arith.cmpi sgt, %select_n3A_267, %sign3A_857 : i32
    %sign3A_859 = arith.extui %sign3A_858 : i1 to i32
    %sign3A_860 = arith.constant 0 : i32
    %sign3A_861 = arith.cmpi slt, %select_n3A_267, %sign3A_860 : i32
    %sign3A_862 = arith.extui %sign3A_861 : i1 to i32
    %sign3A_863 = arith.subi %sign3A_859, %sign3A_862 : i32
    %sign3A_864 = arith.constant 0 : i32
    %sign3A_865 = arith.cmpi sgt, %jit3A_855, %sign3A_864 : i32
    %sign3A_866 = arith.extui %sign3A_865 : i1 to i32
    %sign3A_867 = arith.constant 0 : i32
    %sign3A_868 = arith.cmpi slt, %jit3A_855, %sign3A_867 : i32
    %sign3A_869 = arith.extui %sign3A_868 : i1 to i32
    %sign3A_870 = arith.subi %sign3A_866, %sign3A_869 : i32
    %ne3A_871 = arith.cmpi ne, %sign3A_863, %sign3A_870 : i32
    %rem3A_872 = arith.remsi %select_n3A_267, %jit3A_855 : i32
    %ne3A_873 = arith.constant 0 : i32
    %ne3A_874 = arith.cmpi ne, %rem3A_872, %ne3A_873 : i32
    %and3A_875 = arith.andi %ne3A_871, %ne3A_874 : i1
    %sub3A_876 = arith.constant 1 : i32
    %sub3A_877 = arith.subi %div3A_856, %sub3A_876 : i32
    %select_n3A_878 = arith.select %and3A_875, %sub3A_877, %div3A_856 : i32
    %mul3A_879 = arith.constant 8 : i32
    %mul3A_880 = arith.muli %select_n3A_878, %mul3A_879 : i32
    %dma_start3A_881 = arith.constant 6 : i32
    %dma_start3A_882 = arith.constant 0 : i32
    %dma_start3A_883 = arith.constant 0 : i32
    %dma_start3A_884 = tpu.memref_slice %arg7[%rem3A_5, %dma_start3A_881, %dma_start3A_882, %dma_start3A_883] : memref<2x16x8x64xf32, #tpu.memory_space<vmem>> -> memref<1x1x8x64xf32, #tpu.memory_space<vmem>>
    %dma_start3A_885 = tpu.memref_squeeze %dma_start3A_884 : memref<1x1x8x64xf32, #tpu.memory_space<vmem>> -> memref<8x64xf32, #tpu.memory_space<vmem>>
    %dma_start3A_886 = arith.constant 0 : i32
    %dma_start3A_887 = tpu.memref_slice %arg4[%mul3A_880, %dma_start3A_886] : memref<1000001x64xf32, #tpu.memory_space<hbm>> -> memref<8x64xf32, #tpu.memory_space<hbm>>
    %dma_start3A_888 = arith.constant 0 : i32
    %dma_start3A_889 = arith.constant 0 : i32
    %dma_start3A_890 = tpu.memref_slice %arg7[%rem3A_5, %dma_start3A_881, %dma_start3A_888, %dma_start3A_889] : memref<2x16x8x64xf32, #tpu.memory_space<vmem>> -> memref<1x1x8x64xf32, #tpu.memory_space<vmem>>
    %dma_start3A_891 = tpu.memref_squeeze %dma_start3A_890 : memref<1x1x8x64xf32, #tpu.memory_space<vmem>> -> memref<8x64xf32, #tpu.memory_space<vmem>>
    %dma_start3A_892 = arith.constant 0 : i32
    %dma_start3A_893 = tpu.memref_slice %arg4[%mul3A_880, %dma_start3A_892] : memref<1000001x64xf32, #tpu.memory_space<hbm>> -> memref<8x64xf32, #tpu.memory_space<hbm>>
    tpu.enqueue_dma source(%dma_start3A_893 : memref<8x64xf32, #tpu.memory_space<hbm>>) target(%dma_start3A_891 : memref<8x64xf32, #tpu.memory_space<vmem>>) target_semaphore(%arg10 : memref<!tpu.dma_semaphore, #tpu.memory_space<semaphore_mem>>)
    %jit3A_894 = arith.constant 8 : i32
    %div3A_895 = arith.divsi %select_n3A_306, %jit3A_894 : i32
    %sign3A_896 = arith.constant 0 : i32
    %sign3A_897 = arith.cmpi sgt, %select_n3A_306, %sign3A_896 : i32
    %sign3A_898 = arith.extui %sign3A_897 : i1 to i32
    %sign3A_899 = arith.constant 0 : i32
    %sign3A_900 = arith.cmpi slt, %select_n3A_306, %sign3A_899 : i32
    %sign3A_901 = arith.extui %sign3A_900 : i1 to i32
    %sign3A_902 = arith.subi %sign3A_898, %sign3A_901 : i32
    %sign3A_903 = arith.constant 0 : i32
    %sign3A_904 = arith.cmpi sgt, %jit3A_894, %sign3A_903 : i32
    %sign3A_905 = arith.extui %sign3A_904 : i1 to i32
    %sign3A_906 = arith.constant 0 : i32
    %sign3A_907 = arith.cmpi slt, %jit3A_894, %sign3A_906 : i32
    %sign3A_908 = arith.extui %sign3A_907 : i1 to i32
    %sign3A_909 = arith.subi %sign3A_905, %sign3A_908 : i32
    %ne3A_910 = arith.cmpi ne, %sign3A_902, %sign3A_909 : i32
    %rem3A_911 = arith.remsi %select_n3A_306, %jit3A_894 : i32
    %ne3A_912 = arith.constant 0 : i32
    %ne3A_913 = arith.cmpi ne, %rem3A_911, %ne3A_912 : i32
    %and3A_914 = arith.andi %ne3A_910, %ne3A_913 : i1
    %sub3A_915 = arith.constant 1 : i32
    %sub3A_916 = arith.subi %div3A_895, %sub3A_915 : i32
    %select_n3A_917 = arith.select %and3A_914, %sub3A_916, %div3A_895 : i32
    %mul3A_918 = arith.constant 8 : i32
    %mul3A_919 = arith.muli %select_n3A_917, %mul3A_918 : i32
    %dma_start3A_920 = arith.constant 7 : i32
    %dma_start3A_921 = arith.constant 0 : i32
    %dma_start3A_922 = arith.constant 0 : i32
    %dma_start3A_923 = tpu.memref_slice %arg7[%rem3A_5, %dma_start3A_920, %dma_start3A_921, %dma_start3A_922] : memref<2x16x8x64xf32, #tpu.memory_space<vmem>> -> memref<1x1x8x64xf32, #tpu.memory_space<vmem>>
    %dma_start3A_924 = tpu.memref_squeeze %dma_start3A_923 : memref<1x1x8x64xf32, #tpu.memory_space<vmem>> -> memref<8x64xf32, #tpu.memory_space<vmem>>
    %dma_start3A_925 = arith.constant 0 : i32
    %dma_start3A_926 = tpu.memref_slice %arg4[%mul3A_919, %dma_start3A_925] : memref<1000001x64xf32, #tpu.memory_space<hbm>> -> memref<8x64xf32, #tpu.memory_space<hbm>>
    %dma_start3A_927 = arith.constant 0 : i32
    %dma_start3A_928 = arith.constant 0 : i32
    %dma_start3A_929 = tpu.memref_slice %arg7[%rem3A_5, %dma_start3A_920, %dma_start3A_927, %dma_start3A_928] : memref<2x16x8x64xf32, #tpu.memory_space<vmem>> -> memref<1x1x8x64xf32, #tpu.memory_space<vmem>>
    %dma_start3A_930 = tpu.memref_squeeze %dma_start3A_929 : memref<1x1x8x64xf32, #tpu.memory_space<vmem>> -> memref<8x64xf32, #tpu.memory_space<vmem>>
    %dma_start3A_931 = arith.constant 0 : i32
    %dma_start3A_932 = tpu.memref_slice %arg4[%mul3A_919, %dma_start3A_931] : memref<1000001x64xf32, #tpu.memory_space<hbm>> -> memref<8x64xf32, #tpu.memory_space<hbm>>
    tpu.enqueue_dma source(%dma_start3A_932 : memref<8x64xf32, #tpu.memory_space<hbm>>) target(%dma_start3A_930 : memref<8x64xf32, #tpu.memory_space<vmem>>) target_semaphore(%arg10 : memref<!tpu.dma_semaphore, #tpu.memory_space<semaphore_mem>>)
    %jit3A_933 = arith.constant 8 : i32
    %div3A_934 = arith.divsi %select_n3A_345, %jit3A_933 : i32
    %sign3A_935 = arith.constant 0 : i32
    %sign3A_936 = arith.cmpi sgt, %select_n3A_345, %sign3A_935 : i32
    %sign3A_937 = arith.extui %sign3A_936 : i1 to i32
    %sign3A_938 = arith.constant 0 : i32
    %sign3A_939 = arith.cmpi slt, %select_n3A_345, %sign3A_938 : i32
    %sign3A_940 = arith.extui %sign3A_939 : i1 to i32
    %sign3A_941 = arith.subi %sign3A_937, %sign3A_940 : i32
    %sign3A_942 = arith.constant 0 : i32
    %sign3A_943 = arith.cmpi sgt, %jit3A_933, %sign3A_942 : i32
    %sign3A_944 = arith.extui %sign3A_943 : i1 to i32
    %sign3A_945 = arith.constant 0 : i32
    %sign3A_946 = arith.cmpi slt, %jit3A_933, %sign3A_945 : i32
    %sign3A_947 = arith.extui %sign3A_946 : i1 to i32
    %sign3A_948 = arith.subi %sign3A_944, %sign3A_947 : i32
    %ne3A_949 = arith.cmpi ne, %sign3A_941, %sign3A_948 : i32
    %rem3A_950 = arith.remsi %select_n3A_345, %jit3A_933 : i32
    %ne3A_951 = arith.constant 0 : i32
    %ne3A_952 = arith.cmpi ne, %rem3A_950, %ne3A_951 : i32
    %and3A_953 = arith.andi %ne3A_949, %ne3A_952 : i1
    %sub3A_954 = arith.constant 1 : i32
    %sub3A_955 = arith.subi %div3A_934, %sub3A_954 : i32
    %select_n3A_956 = arith.select %and3A_953, %sub3A_955, %div3A_934 : i32
    %mul3A_957 = arith.constant 8 : i32
    %mul3A_958 = arith.muli %select_n3A_956, %mul3A_957 : i32
    %dma_start3A_959 = arith.constant 8 : i32
    %dma_start3A_960 = arith.constant 0 : i32
    %dma_start3A_961 = arith.constant 0 : i32
    %dma_start3A_962 = tpu.memref_slice %arg7[%rem3A_5, %dma_start3A_959, %dma_start3A_960, %dma_start3A_961] : memref<2x16x8x64xf32, #tpu.memory_space<vmem>> -> memref<1x1x8x64xf32, #tpu.memory_space<vmem>>
    %dma_start3A_963 = tpu.memref_squeeze %dma_start3A_962 : memref<1x1x8x64xf32, #tpu.memory_space<vmem>> -> memref<8x64xf32, #tpu.memory_space<vmem>>
    %dma_start3A_964 = arith.constant 0 : i32
    %dma_start3A_965 = tpu.memref_slice %arg4[%mul3A_958, %dma_start3A_964] : memref<1000001x64xf32, #tpu.memory_space<hbm>> -> memref<8x64xf32, #tpu.memory_space<hbm>>
    %dma_start3A_966 = arith.constant 0 : i32
    %dma_start3A_967 = arith.constant 0 : i32
    %dma_start3A_968 = tpu.memref_slice %arg7[%rem3A_5, %dma_start3A_959, %dma_start3A_966, %dma_start3A_967] : memref<2x16x8x64xf32, #tpu.memory_space<vmem>> -> memref<1x1x8x64xf32, #tpu.memory_space<vmem>>
    %dma_start3A_969 = tpu.memref_squeeze %dma_start3A_968 : memref<1x1x8x64xf32, #tpu.memory_space<vmem>> -> memref<8x64xf32, #tpu.memory_space<vmem>>
    %dma_start3A_970 = arith.constant 0 : i32
    %dma_start3A_971 = tpu.memref_slice %arg4[%mul3A_958, %dma_start3A_970] : memref<1000001x64xf32, #tpu.memory_space<hbm>> -> memref<8x64xf32, #tpu.memory_space<hbm>>
    tpu.enqueue_dma source(%dma_start3A_971 : memref<8x64xf32, #tpu.memory_space<hbm>>) target(%dma_start3A_969 : memref<8x64xf32, #tpu.memory_space<vmem>>) target_semaphore(%arg10 : memref<!tpu.dma_semaphore, #tpu.memory_space<semaphore_mem>>)
    %jit3A_972 = arith.constant 8 : i32
    %div3A_973 = arith.divsi %select_n3A_384, %jit3A_972 : i32
    %sign3A_974 = arith.constant 0 : i32
    %sign3A_975 = arith.cmpi sgt, %select_n3A_384, %sign3A_974 : i32
    %sign3A_976 = arith.extui %sign3A_975 : i1 to i32
    %sign3A_977 = arith.constant 0 : i32
    %sign3A_978 = arith.cmpi slt, %select_n3A_384, %sign3A_977 : i32
    %sign3A_979 = arith.extui %sign3A_978 : i1 to i32
    %sign3A_980 = arith.subi %sign3A_976, %sign3A_979 : i32
    %sign3A_981 = arith.constant 0 : i32
    %sign3A_982 = arith.cmpi sgt, %jit3A_972, %sign3A_981 : i32
    %sign3A_983 = arith.extui %sign3A_982 : i1 to i32
    %sign3A_984 = arith.constant 0 : i32
    %sign3A_985 = arith.cmpi slt, %jit3A_972, %sign3A_984 : i32
    %sign3A_986 = arith.extui %sign3A_985 : i1 to i32
    %sign3A_987 = arith.subi %sign3A_983, %sign3A_986 : i32
    %ne3A_988 = arith.cmpi ne, %sign3A_980, %sign3A_987 : i32
    %rem3A_989 = arith.remsi %select_n3A_384, %jit3A_972 : i32
    %ne3A_990 = arith.constant 0 : i32
    %ne3A_991 = arith.cmpi ne, %rem3A_989, %ne3A_990 : i32
    %and3A_992 = arith.andi %ne3A_988, %ne3A_991 : i1
    %sub3A_993 = arith.constant 1 : i32
    %sub3A_994 = arith.subi %div3A_973, %sub3A_993 : i32
    %select_n3A_995 = arith.select %and3A_992, %sub3A_994, %div3A_973 : i32
    %mul3A_996 = arith.constant 8 : i32
    %mul3A_997 = arith.muli %select_n3A_995, %mul3A_996 : i32
    %dma_start3A_998 = arith.constant 9 : i32
    %dma_start3A_999 = arith.constant 0 : i32
    %dma_start3A_1000 = arith.constant 0 : i32
    %dma_start3A_1001 = tpu.memref_slice %arg7[%rem3A_5, %dma_start3A_998, %dma_start3A_999, %dma_start3A_1000] : memref<2x16x8x64xf32, #tpu.memory_space<vmem>> -> memref<1x1x8x64xf32, #tpu.memory_space<vmem>>
    %dma_start3A_1002 = tpu.memref_squeeze %dma_start3A_1001 : memref<1x1x8x64xf32, #tpu.memory_space<vmem>> -> memref<8x64xf32, #tpu.memory_space<vmem>>
    %dma_start3A_1003 = arith.constant 0 : i32
    %dma_start3A_1004 = tpu.memref_slice %arg4[%mul3A_997, %dma_start3A_1003] : memref<1000001x64xf32, #tpu.memory_space<hbm>> -> memref<8x64xf32, #tpu.memory_space<hbm>>
    %dma_start3A_1005 = arith.constant 0 : i32
    %dma_start3A_1006 = arith.constant 0 : i32
    %dma_start3A_1007 = tpu.memref_slice %arg7[%rem3A_5, %dma_start3A_998, %dma_start3A_1005, %dma_start3A_1006] : memref<2x16x8x64xf32, #tpu.memory_space<vmem>> -> memref<1x1x8x64xf32, #tpu.memory_space<vmem>>
    %dma_start3A_1008 = tpu.memref_squeeze %dma_start3A_1007 : memref<1x1x8x64xf32, #tpu.memory_space<vmem>> -> memref<8x64xf32, #tpu.memory_space<vmem>>
    %dma_start3A_1009 = arith.constant 0 : i32
    %dma_start3A_1010 = tpu.memref_slice %arg4[%mul3A_997, %dma_start3A_1009] : memref<1000001x64xf32, #tpu.memory_space<hbm>> -> memref<8x64xf32, #tpu.memory_space<hbm>>
    tpu.enqueue_dma source(%dma_start3A_1010 : memref<8x64xf32, #tpu.memory_space<hbm>>) target(%dma_start3A_1008 : memref<8x64xf32, #tpu.memory_space<vmem>>) target_semaphore(%arg10 : memref<!tpu.dma_semaphore, #tpu.memory_space<semaphore_mem>>)
    %jit3A_1011 = arith.constant 8 : i32
    %div3A_1012 = arith.divsi %select_n3A_423, %jit3A_1011 : i32
    %sign3A_1013 = arith.constant 0 : i32
    %sign3A_1014 = arith.cmpi sgt, %select_n3A_423, %sign3A_1013 : i32
    %sign3A_1015 = arith.extui %sign3A_1014 : i1 to i32
    %sign3A_1016 = arith.constant 0 : i32
    %sign3A_1017 = arith.cmpi slt, %select_n3A_423, %sign3A_1016 : i32
    %sign3A_1018 = arith.extui %sign3A_1017 : i1 to i32
    %sign3A_1019 = arith.subi %sign3A_1015, %sign3A_1018 : i32
    %sign3A_1020 = arith.constant 0 : i32
    %sign3A_1021 = arith.cmpi sgt, %jit3A_1011, %sign3A_1020 : i32
    %sign3A_1022 = arith.extui %sign3A_1021 : i1 to i32
    %sign3A_1023 = arith.constant 0 : i32
    %sign3A_1024 = arith.cmpi slt, %jit3A_1011, %sign3A_1023 : i32
    %sign3A_1025 = arith.extui %sign3A_1024 : i1 to i32
    %sign3A_1026 = arith.subi %sign3A_1022, %sign3A_1025 : i32
    %ne3A_1027 = arith.cmpi ne, %sign3A_1019, %sign3A_1026 : i32
    %rem3A_1028 = arith.remsi %select_n3A_423, %jit3A_1011 : i32
    %ne3A_1029 = arith.constant 0 : i32
    %ne3A_1030 = arith.cmpi ne, %rem3A_1028, %ne3A_1029 : i32
    %and3A_1031 = arith.andi %ne3A_1027, %ne3A_1030 : i1
    %sub3A_1032 = arith.constant 1 : i32
    %sub3A_1033 = arith.subi %div3A_1012, %sub3A_1032 : i32
    %select_n3A_1034 = arith.select %and3A_1031, %sub3A_1033, %div3A_1012 : i32
    %mul3A_1035 = arith.constant 8 : i32
    %mul3A_1036 = arith.muli %select_n3A_1034, %mul3A_1035 : i32
    %dma_start3A_1037 = arith.constant 10 : i32
    %dma_start3A_1038 = arith.constant 0 : i32
    %dma_start3A_1039 = arith.constant 0 : i32
    %dma_start3A_1040 = tpu.memref_slice %arg7[%rem3A_5, %dma_start3A_1037, %dma_start3A_1038, %dma_start3A_1039] : memref<2x16x8x64xf32, #tpu.memory_space<vmem>> -> memref<1x1x8x64xf32, #tpu.memory_space<vmem>>
    %dma_start3A_1041 = tpu.memref_squeeze %dma_start3A_1040 : memref<1x1x8x64xf32, #tpu.memory_space<vmem>> -> memref<8x64xf32, #tpu.memory_space<vmem>>
    %dma_start3A_1042 = arith.constant 0 : i32
    %dma_start3A_1043 = tpu.memref_slice %arg4[%mul3A_1036, %dma_start3A_1042] : memref<1000001x64xf32, #tpu.memory_space<hbm>> -> memref<8x64xf32, #tpu.memory_space<hbm>>
    %dma_start3A_1044 = arith.constant 0 : i32
    %dma_start3A_1045 = arith.constant 0 : i32
    %dma_start3A_1046 = tpu.memref_slice %arg7[%rem3A_5, %dma_start3A_1037, %dma_start3A_1044, %dma_start3A_1045] : memref<2x16x8x64xf32, #tpu.memory_space<vmem>> -> memref<1x1x8x64xf32, #tpu.memory_space<vmem>>
    %dma_start3A_1047 = tpu.memref_squeeze %dma_start3A_1046 : memref<1x1x8x64xf32, #tpu.memory_space<vmem>> -> memref<8x64xf32, #tpu.memory_space<vmem>>
    %dma_start3A_1048 = arith.constant 0 : i32
    %dma_start3A_1049 = tpu.memref_slice %arg4[%mul3A_1036, %dma_start3A_1048] : memref<1000001x64xf32, #tpu.memory_space<hbm>> -> memref<8x64xf32, #tpu.memory_space<hbm>>
    tpu.enqueue_dma source(%dma_start3A_1049 : memref<8x64xf32, #tpu.memory_space<hbm>>) target(%dma_start3A_1047 : memref<8x64xf32, #tpu.memory_space<vmem>>) target_semaphore(%arg10 : memref<!tpu.dma_semaphore, #tpu.memory_space<semaphore_mem>>)
    %jit3A_1050 = arith.constant 8 : i32
    %div3A_1051 = arith.divsi %select_n3A_462, %jit3A_1050 : i32
    %sign3A_1052 = arith.constant 0 : i32
    %sign3A_1053 = arith.cmpi sgt, %select_n3A_462, %sign3A_1052 : i32
    %sign3A_1054 = arith.extui %sign3A_1053 : i1 to i32
    %sign3A_1055 = arith.constant 0 : i32
    %sign3A_1056 = arith.cmpi slt, %select_n3A_462, %sign3A_1055 : i32
    %sign3A_1057 = arith.extui %sign3A_1056 : i1 to i32
    %sign3A_1058 = arith.subi %sign3A_1054, %sign3A_1057 : i32
    %sign3A_1059 = arith.constant 0 : i32
    %sign3A_1060 = arith.cmpi sgt, %jit3A_1050, %sign3A_1059 : i32
    %sign3A_1061 = arith.extui %sign3A_1060 : i1 to i32
    %sign3A_1062 = arith.constant 0 : i32
    %sign3A_1063 = arith.cmpi slt, %jit3A_1050, %sign3A_1062 : i32
    %sign3A_1064 = arith.extui %sign3A_1063 : i1 to i32
    %sign3A_1065 = arith.subi %sign3A_1061, %sign3A_1064 : i32
    %ne3A_1066 = arith.cmpi ne, %sign3A_1058, %sign3A_1065 : i32
    %rem3A_1067 = arith.remsi %select_n3A_462, %jit3A_1050 : i32
    %ne3A_1068 = arith.constant 0 : i32
    %ne3A_1069 = arith.cmpi ne, %rem3A_1067, %ne3A_1068 : i32
    %and3A_1070 = arith.andi %ne3A_1066, %ne3A_1069 : i1
    %sub3A_1071 = arith.constant 1 : i32
    %sub3A_1072 = arith.subi %div3A_1051, %sub3A_1071 : i32
    %select_n3A_1073 = arith.select %and3A_1070, %sub3A_1072, %div3A_1051 : i32
    %mul3A_1074 = arith.constant 8 : i32
    %mul3A_1075 = arith.muli %select_n3A_1073, %mul3A_1074 : i32
    %dma_start3A_1076 = arith.constant 11 : i32
    %dma_start3A_1077 = arith.constant 0 : i32
    %dma_start3A_1078 = arith.constant 0 : i32
    %dma_start3A_1079 = tpu.memref_slice %arg7[%rem3A_5, %dma_start3A_1076, %dma_start3A_1077, %dma_start3A_1078] : memref<2x16x8x64xf32, #tpu.memory_space<vmem>> -> memref<1x1x8x64xf32, #tpu.memory_space<vmem>>
    %dma_start3A_1080 = tpu.memref_squeeze %dma_start3A_1079 : memref<1x1x8x64xf32, #tpu.memory_space<vmem>> -> memref<8x64xf32, #tpu.memory_space<vmem>>
    %dma_start3A_1081 = arith.constant 0 : i32
    %dma_start3A_1082 = tpu.memref_slice %arg4[%mul3A_1075, %dma_start3A_1081] : memref<1000001x64xf32, #tpu.memory_space<hbm>> -> memref<8x64xf32, #tpu.memory_space<hbm>>
    %dma_start3A_1083 = arith.constant 0 : i32
    %dma_start3A_1084 = arith.constant 0 : i32
    %dma_start3A_1085 = tpu.memref_slice %arg7[%rem3A_5, %dma_start3A_1076, %dma_start3A_1083, %dma_start3A_1084] : memref<2x16x8x64xf32, #tpu.memory_space<vmem>> -> memref<1x1x8x64xf32, #tpu.memory_space<vmem>>
    %dma_start3A_1086 = tpu.memref_squeeze %dma_start3A_1085 : memref<1x1x8x64xf32, #tpu.memory_space<vmem>> -> memref<8x64xf32, #tpu.memory_space<vmem>>
    %dma_start3A_1087 = arith.constant 0 : i32
    %dma_start3A_1088 = tpu.memref_slice %arg4[%mul3A_1075, %dma_start3A_1087] : memref<1000001x64xf32, #tpu.memory_space<hbm>> -> memref<8x64xf32, #tpu.memory_space<hbm>>
    tpu.enqueue_dma source(%dma_start3A_1088 : memref<8x64xf32, #tpu.memory_space<hbm>>) target(%dma_start3A_1086 : memref<8x64xf32, #tpu.memory_space<vmem>>) target_semaphore(%arg10 : memref<!tpu.dma_semaphore, #tpu.memory_space<semaphore_mem>>)
    %jit3A_1089 = arith.constant 8 : i32
    %div3A_1090 = arith.divsi %select_n3A_501, %jit3A_1089 : i32
    %sign3A_1091 = arith.constant 0 : i32
    %sign3A_1092 = arith.cmpi sgt, %select_n3A_501, %sign3A_1091 : i32
    %sign3A_1093 = arith.extui %sign3A_1092 : i1 to i32
    %sign3A_1094 = arith.constant 0 : i32
    %sign3A_1095 = arith.cmpi slt, %select_n3A_501, %sign3A_1094 : i32
    %sign3A_1096 = arith.extui %sign3A_1095 : i1 to i32
    %sign3A_1097 = arith.subi %sign3A_1093, %sign3A_1096 : i32
    %sign3A_1098 = arith.constant 0 : i32
    %sign3A_1099 = arith.cmpi sgt, %jit3A_1089, %sign3A_1098 : i32
    %sign3A_1100 = arith.extui %sign3A_1099 : i1 to i32
    %sign3A_1101 = arith.constant 0 : i32
    %sign3A_1102 = arith.cmpi slt, %jit3A_1089, %sign3A_1101 : i32
    %sign3A_1103 = arith.extui %sign3A_1102 : i1 to i32
    %sign3A_1104 = arith.subi %sign3A_1100, %sign3A_1103 : i32
    %ne3A_1105 = arith.cmpi ne, %sign3A_1097, %sign3A_1104 : i32
    %rem3A_1106 = arith.remsi %select_n3A_501, %jit3A_1089 : i32
    %ne3A_1107 = arith.constant 0 : i32
    %ne3A_1108 = arith.cmpi ne, %rem3A_1106, %ne3A_1107 : i32
    %and3A_1109 = arith.andi %ne3A_1105, %ne3A_1108 : i1
    %sub3A_1110 = arith.constant 1 : i32
    %sub3A_1111 = arith.subi %div3A_1090, %sub3A_1110 : i32
    %select_n3A_1112 = arith.select %and3A_1109, %sub3A_1111, %div3A_1090 : i32
    %mul3A_1113 = arith.constant 8 : i32
    %mul3A_1114 = arith.muli %select_n3A_1112, %mul3A_1113 : i32
    %dma_start3A_1115 = arith.constant 12 : i32
    %dma_start3A_1116 = arith.constant 0 : i32
    %dma_start3A_1117 = arith.constant 0 : i32
    %dma_start3A_1118 = tpu.memref_slice %arg7[%rem3A_5, %dma_start3A_1115, %dma_start3A_1116, %dma_start3A_1117] : memref<2x16x8x64xf32, #tpu.memory_space<vmem>> -> memref<1x1x8x64xf32, #tpu.memory_space<vmem>>
    %dma_start3A_1119 = tpu.memref_squeeze %dma_start3A_1118 : memref<1x1x8x64xf32, #tpu.memory_space<vmem>> -> memref<8x64xf32, #tpu.memory_space<vmem>>
    %dma_start3A_1120 = arith.constant 0 : i32
    %dma_start3A_1121 = tpu.memref_slice %arg4[%mul3A_1114, %dma_start3A_1120] : memref<1000001x64xf32, #tpu.memory_space<hbm>> -> memref<8x64xf32, #tpu.memory_space<hbm>>
    %dma_start3A_1122 = arith.constant 0 : i32
    %dma_start3A_1123 = arith.constant 0 : i32
    %dma_start3A_1124 = tpu.memref_slice %arg7[%rem3A_5, %dma_start3A_1115, %dma_start3A_1122, %dma_start3A_1123] : memref<2x16x8x64xf32, #tpu.memory_space<vmem>> -> memref<1x1x8x64xf32, #tpu.memory_space<vmem>>
    %dma_start3A_1125 = tpu.memref_squeeze %dma_start3A_1124 : memref<1x1x8x64xf32, #tpu.memory_space<vmem>> -> memref<8x64xf32, #tpu.memory_space<vmem>>
    %dma_start3A_1126 = arith.constant 0 : i32
    %dma_start3A_1127 = tpu.memref_slice %arg4[%mul3A_1114, %dma_start3A_1126] : memref<1000001x64xf32, #tpu.memory_space<hbm>> -> memref<8x64xf32, #tpu.memory_space<hbm>>
    tpu.enqueue_dma source(%dma_start3A_1127 : memref<8x64xf32, #tpu.memory_space<hbm>>) target(%dma_start3A_1125 : memref<8x64xf32, #tpu.memory_space<vmem>>) target_semaphore(%arg10 : memref<!tpu.dma_semaphore, #tpu.memory_space<semaphore_mem>>)
    %jit3A_1128 = arith.constant 8 : i32
    %div3A_1129 = arith.divsi %select_n3A_540, %jit3A_1128 : i32
    %sign3A_1130 = arith.constant 0 : i32
    %sign3A_1131 = arith.cmpi sgt, %select_n3A_540, %sign3A_1130 : i32
    %sign3A_1132 = arith.extui %sign3A_1131 : i1 to i32
    %sign3A_1133 = arith.constant 0 : i32
    %sign3A_1134 = arith.cmpi slt, %select_n3A_540, %sign3A_1133 : i32
    %sign3A_1135 = arith.extui %sign3A_1134 : i1 to i32
    %sign3A_1136 = arith.subi %sign3A_1132, %sign3A_1135 : i32
    %sign3A_1137 = arith.constant 0 : i32
    %sign3A_1138 = arith.cmpi sgt, %jit3A_1128, %sign3A_1137 : i32
    %sign3A_1139 = arith.extui %sign3A_1138 : i1 to i32
    %sign3A_1140 = arith.constant 0 : i32
    %sign3A_1141 = arith.cmpi slt, %jit3A_1128, %sign3A_1140 : i32
    %sign3A_1142 = arith.extui %sign3A_1141 : i1 to i32
    %sign3A_1143 = arith.subi %sign3A_1139, %sign3A_1142 : i32
    %ne3A_1144 = arith.cmpi ne, %sign3A_1136, %sign3A_1143 : i32
    %rem3A_1145 = arith.remsi %select_n3A_540, %jit3A_1128 : i32
    %ne3A_1146 = arith.constant 0 : i32
    %ne3A_1147 = arith.cmpi ne, %rem3A_1145, %ne3A_1146 : i32
    %and3A_1148 = arith.andi %ne3A_1144, %ne3A_1147 : i1
    %sub3A_1149 = arith.constant 1 : i32
    %sub3A_1150 = arith.subi %div3A_1129, %sub3A_1149 : i32
    %select_n3A_1151 = arith.select %and3A_1148, %sub3A_1150, %div3A_1129 : i32
    %mul3A_1152 = arith.constant 8 : i32
    %mul3A_1153 = arith.muli %select_n3A_1151, %mul3A_1152 : i32
    %dma_start3A_1154 = arith.constant 13 : i32
    %dma_start3A_1155 = arith.constant 0 : i32
    %dma_start3A_1156 = arith.constant 0 : i32
    %dma_start3A_1157 = tpu.memref_slice %arg7[%rem3A_5, %dma_start3A_1154, %dma_start3A_1155, %dma_start3A_1156] : memref<2x16x8x64xf32, #tpu.memory_space<vmem>> -> memref<1x1x8x64xf32, #tpu.memory_space<vmem>>
    %dma_start3A_1158 = tpu.memref_squeeze %dma_start3A_1157 : memref<1x1x8x64xf32, #tpu.memory_space<vmem>> -> memref<8x64xf32, #tpu.memory_space<vmem>>
    %dma_start3A_1159 = arith.constant 0 : i32
    %dma_start3A_1160 = tpu.memref_slice %arg4[%mul3A_1153, %dma_start3A_1159] : memref<1000001x64xf32, #tpu.memory_space<hbm>> -> memref<8x64xf32, #tpu.memory_space<hbm>>
    %dma_start3A_1161 = arith.constant 0 : i32
    %dma_start3A_1162 = arith.constant 0 : i32
    %dma_start3A_1163 = tpu.memref_slice %arg7[%rem3A_5, %dma_start3A_1154, %dma_start3A_1161, %dma_start3A_1162] : memref<2x16x8x64xf32, #tpu.memory_space<vmem>> -> memref<1x1x8x64xf32, #tpu.memory_space<vmem>>
    %dma_start3A_1164 = tpu.memref_squeeze %dma_start3A_1163 : memref<1x1x8x64xf32, #tpu.memory_space<vmem>> -> memref<8x64xf32, #tpu.memory_space<vmem>>
    %dma_start3A_1165 = arith.constant 0 : i32
    %dma_start3A_1166 = tpu.memref_slice %arg4[%mul3A_1153, %dma_start3A_1165] : memref<1000001x64xf32, #tpu.memory_space<hbm>> -> memref<8x64xf32, #tpu.memory_space<hbm>>
    tpu.enqueue_dma source(%dma_start3A_1166 : memref<8x64xf32, #tpu.memory_space<hbm>>) target(%dma_start3A_1164 : memref<8x64xf32, #tpu.memory_space<vmem>>) target_semaphore(%arg10 : memref<!tpu.dma_semaphore, #tpu.memory_space<semaphore_mem>>)
    %jit3A_1167 = arith.constant 8 : i32
    %div3A_1168 = arith.divsi %select_n3A_579, %jit3A_1167 : i32
    %sign3A_1169 = arith.constant 0 : i32
    %sign3A_1170 = arith.cmpi sgt, %select_n3A_579, %sign3A_1169 : i32
    %sign3A_1171 = arith.extui %sign3A_1170 : i1 to i32
    %sign3A_1172 = arith.constant 0 : i32
    %sign3A_1173 = arith.cmpi slt, %select_n3A_579, %sign3A_1172 : i32
    %sign3A_1174 = arith.extui %sign3A_1173 : i1 to i32
    %sign3A_1175 = arith.subi %sign3A_1171, %sign3A_1174 : i32
    %sign3A_1176 = arith.constant 0 : i32
    %sign3A_1177 = arith.cmpi sgt, %jit3A_1167, %sign3A_1176 : i32
    %sign3A_1178 = arith.extui %sign3A_1177 : i1 to i32
    %sign3A_1179 = arith.constant 0 : i32
    %sign3A_1180 = arith.cmpi slt, %jit3A_1167, %sign3A_1179 : i32
    %sign3A_1181 = arith.extui %sign3A_1180 : i1 to i32
    %sign3A_1182 = arith.subi %sign3A_1178, %sign3A_1181 : i32
    %ne3A_1183 = arith.cmpi ne, %sign3A_1175, %sign3A_1182 : i32
    %rem3A_1184 = arith.remsi %select_n3A_579, %jit3A_1167 : i32
    %ne3A_1185 = arith.constant 0 : i32
    %ne3A_1186 = arith.cmpi ne, %rem3A_1184, %ne3A_1185 : i32
    %and3A_1187 = arith.andi %ne3A_1183, %ne3A_1186 : i1
    %sub3A_1188 = arith.constant 1 : i32
    %sub3A_1189 = arith.subi %div3A_1168, %sub3A_1188 : i32
    %select_n3A_1190 = arith.select %and3A_1187, %sub3A_1189, %div3A_1168 : i32
    %mul3A_1191 = arith.constant 8 : i32
    %mul3A_1192 = arith.muli %select_n3A_1190, %mul3A_1191 : i32
    %dma_start3A_1193 = arith.constant 14 : i32
    %dma_start3A_1194 = arith.constant 0 : i32
    %dma_start3A_1195 = arith.constant 0 : i32
    %dma_start3A_1196 = tpu.memref_slice %arg7[%rem3A_5, %dma_start3A_1193, %dma_start3A_1194, %dma_start3A_1195] : memref<2x16x8x64xf32, #tpu.memory_space<vmem>> -> memref<1x1x8x64xf32, #tpu.memory_space<vmem>>
    %dma_start3A_1197 = tpu.memref_squeeze %dma_start3A_1196 : memref<1x1x8x64xf32, #tpu.memory_space<vmem>> -> memref<8x64xf32, #tpu.memory_space<vmem>>
    %dma_start3A_1198 = arith.constant 0 : i32
    %dma_start3A_1199 = tpu.memref_slice %arg4[%mul3A_1192, %dma_start3A_1198] : memref<1000001x64xf32, #tpu.memory_space<hbm>> -> memref<8x64xf32, #tpu.memory_space<hbm>>
    %dma_start3A_1200 = arith.constant 0 : i32
    %dma_start3A_1201 = arith.constant 0 : i32
    %dma_start3A_1202 = tpu.memref_slice %arg7[%rem3A_5, %dma_start3A_1193, %dma_start3A_1200, %dma_start3A_1201] : memref<2x16x8x64xf32, #tpu.memory_space<vmem>> -> memref<1x1x8x64xf32, #tpu.memory_space<vmem>>
    %dma_start3A_1203 = tpu.memref_squeeze %dma_start3A_1202 : memref<1x1x8x64xf32, #tpu.memory_space<vmem>> -> memref<8x64xf32, #tpu.memory_space<vmem>>
    %dma_start3A_1204 = arith.constant 0 : i32
    %dma_start3A_1205 = tpu.memref_slice %arg4[%mul3A_1192, %dma_start3A_1204] : memref<1000001x64xf32, #tpu.memory_space<hbm>> -> memref<8x64xf32, #tpu.memory_space<hbm>>
    tpu.enqueue_dma source(%dma_start3A_1205 : memref<8x64xf32, #tpu.memory_space<hbm>>) target(%dma_start3A_1203 : memref<8x64xf32, #tpu.memory_space<vmem>>) target_semaphore(%arg10 : memref<!tpu.dma_semaphore, #tpu.memory_space<semaphore_mem>>)
    %jit3A_1206 = arith.constant 8 : i32
    %div3A_1207 = arith.divsi %select_n3A_618, %jit3A_1206 : i32
    %sign3A_1208 = arith.constant 0 : i32
    %sign3A_1209 = arith.cmpi sgt, %select_n3A_618, %sign3A_1208 : i32
    %sign3A_1210 = arith.extui %sign3A_1209 : i1 to i32
    %sign3A_1211 = arith.constant 0 : i32
    %sign3A_1212 = arith.cmpi slt, %select_n3A_618, %sign3A_1211 : i32
    %sign3A_1213 = arith.extui %sign3A_1212 : i1 to i32
    %sign3A_1214 = arith.subi %sign3A_1210, %sign3A_1213 : i32
    %sign3A_1215 = arith.constant 0 : i32
    %sign3A_1216 = arith.cmpi sgt, %jit3A_1206, %sign3A_1215 : i32
    %sign3A_1217 = arith.extui %sign3A_1216 : i1 to i32
    %sign3A_1218 = arith.constant 0 : i32
    %sign3A_1219 = arith.cmpi slt, %jit3A_1206, %sign3A_1218 : i32
    %sign3A_1220 = arith.extui %sign3A_1219 : i1 to i32
    %sign3A_1221 = arith.subi %sign3A_1217, %sign3A_1220 : i32
    %ne3A_1222 = arith.cmpi ne, %sign3A_1214, %sign3A_1221 : i32
    %rem3A_1223 = arith.remsi %select_n3A_618, %jit3A_1206 : i32
    %ne3A_1224 = arith.constant 0 : i32
    %ne3A_1225 = arith.cmpi ne, %rem3A_1223, %ne3A_1224 : i32
    %and3A_1226 = arith.andi %ne3A_1222, %ne3A_1225 : i1
    %sub3A_1227 = arith.constant 1 : i32
    %sub3A_1228 = arith.subi %div3A_1207, %sub3A_1227 : i32
    %select_n3A_1229 = arith.select %and3A_1226, %sub3A_1228, %div3A_1207 : i32
    %mul3A_1230 = arith.constant 8 : i32
    %mul3A_1231 = arith.muli %select_n3A_1229, %mul3A_1230 : i32
    %dma_start3A_1232 = arith.constant 15 : i32
    %dma_start3A_1233 = arith.constant 0 : i32
    %dma_start3A_1234 = arith.constant 0 : i32
    %dma_start3A_1235 = tpu.memref_slice %arg7[%rem3A_5, %dma_start3A_1232, %dma_start3A_1233, %dma_start3A_1234] : memref<2x16x8x64xf32, #tpu.memory_space<vmem>> -> memref<1x1x8x64xf32, #tpu.memory_space<vmem>>
    %dma_start3A_1236 = tpu.memref_squeeze %dma_start3A_1235 : memref<1x1x8x64xf32, #tpu.memory_space<vmem>> -> memref<8x64xf32, #tpu.memory_space<vmem>>
    %dma_start3A_1237 = arith.constant 0 : i32
    %dma_start3A_1238 = tpu.memref_slice %arg4[%mul3A_1231, %dma_start3A_1237] : memref<1000001x64xf32, #tpu.memory_space<hbm>> -> memref<8x64xf32, #tpu.memory_space<hbm>>
    %dma_start3A_1239 = arith.constant 0 : i32
    %dma_start3A_1240 = arith.constant 0 : i32
    %dma_start3A_1241 = tpu.memref_slice %arg7[%rem3A_5, %dma_start3A_1232, %dma_start3A_1239, %dma_start3A_1240] : memref<2x16x8x64xf32, #tpu.memory_space<vmem>> -> memref<1x1x8x64xf32, #tpu.memory_space<vmem>>
    %dma_start3A_1242 = tpu.memref_squeeze %dma_start3A_1241 : memref<1x1x8x64xf32, #tpu.memory_space<vmem>> -> memref<8x64xf32, #tpu.memory_space<vmem>>
    %dma_start3A_1243 = arith.constant 0 : i32
    %dma_start3A_1244 = tpu.memref_slice %arg4[%mul3A_1231, %dma_start3A_1243] : memref<1000001x64xf32, #tpu.memory_space<hbm>> -> memref<8x64xf32, #tpu.memory_space<hbm>>
    tpu.enqueue_dma source(%dma_start3A_1244 : memref<8x64xf32, #tpu.memory_space<hbm>>) target(%dma_start3A_1242 : memref<8x64xf32, #tpu.memory_space<vmem>>) target_semaphore(%arg10 : memref<!tpu.dma_semaphore, #tpu.memory_space<semaphore_mem>>)
    %scan3A = arith.constant 0 : i32
    %scan3A_1245 = arith.constant 0 : i32
    %scan3A_1246 = arith.constant 32 : i32
    %scan3A_1247 = arith.addi %scan3A_1245, %scan3A_1246 : i32
    %scan3A_1248 = arith.constant 1 : i32
    scf.for %scan3A_1250 = %scan3A_1245 to %scan3A_1247 step %scan3A_1248  : i32 {
      %lt3A = arith.constant 31 : i32
      %lt3A_1251 = arith.cmpi slt, %scan3A_1250, %lt3A : i32
      %convert_element_type3A = arith.extui %lt3A_1251 : i1 to i32
      %cond3A = arith.constant 0 : i32
      %cond3A_1252 = arith.cmpi ne, %convert_element_type3A, %cond3A : i32
      scf.if %cond3A_1252 {
        %add3A_3060 = arith.constant 1 : i32
        %add3A_3061 = arith.addi %scan3A_1250, %add3A_3060 : i32
        %rem3A_3062 = arith.constant 2 : i32
        %rem3A_3063 = arith.remsi %add3A_3061, %rem3A_3062 : i32
        %mul3A_3064 = arith.constant 16 : i32
        %mul3A_3065 = arith.muli %add3A_3061, %mul3A_3064 : i32
        %get3A_3066 = arith.index_cast %mul3A_3065 : i32 to index
        %get3A_3067 = tpu.vector_load %arg6[%get3A_3066] {strides = array<i32>} : memref<512xi32, #tpu.memory_space<vmem>>, vector<16xi32>,
        %eq3A_3068 = arith.constant 0 : i32
        %eq3A_3069 = vector.broadcast %eq3A_3068 : i32 to vector<16xi32>
        %eq3A_3070 = arith.cmpi eq, %iota3A, %eq3A_3069 : vector<16xi32>
        %select_n3A_3071 = arith.select %eq3A_3070, %get3A_3067, %broadcast_in_dim3A_3 : vector<16xi1>, vector<16xi32>
        %reduce_max3A_3072 = arith.constant true
        %reduce_max3A_3073 = vector.broadcast %reduce_max3A_3072 : i1 to vector<16xi1>
        %reduce_max3A_3074 = arith.constant -2147483648 : i32
        %reduce_max3A_3075 = vector.broadcast %reduce_max3A_3074 : i32 to vector<16xi32>
        %reduce_max3A_3076 = arith.xori %select_n3A_3071, %reduce_max3A_3075 : vector<16xi32>
        %reduce_max3A_3077 = tpu.scan <max>, %reduce_max3A_3076 masked %reduce_max3A_3073 : vector<16xi32>, vector<16xi1> -> vector<16xi32>
        %reduce_max3A_3078 = arith.xori %reduce_max3A_3077, %reduce_max3A_3075 : vector<16xi32>
        %reduce_max3A_3079 = vector.extract %reduce_max3A_3078[15] : i32 from vector<16xi32>
        %jit3A_3080 = arith.constant 1024 : i32
        %div3A_3081 = arith.divsi %reduce_max3A_3079, %jit3A_3080 : i32
        %sign3A_3082 = arith.constant 0 : i32
        %sign3A_3083 = arith.cmpi sgt, %reduce_max3A_3079, %sign3A_3082 : i32
        %sign3A_3084 = arith.extui %sign3A_3083 : i1 to i32
        %sign3A_3085 = arith.constant 0 : i32
        %sign3A_3086 = arith.cmpi slt, %reduce_max3A_3079, %sign3A_3085 : i32
        %sign3A_3087 = arith.extui %sign3A_3086 : i1 to i32
        %sign3A_3088 = arith.subi %sign3A_3084, %sign3A_3087 : i32
        %sign3A_3089 = arith.constant 0 : i32
        %sign3A_3090 = arith.cmpi sgt, %jit3A_3080, %sign3A_3089 : i32
        %sign3A_3091 = arith.extui %sign3A_3090 : i1 to i32
        %sign3A_3092 = arith.constant 0 : i32
        %sign3A_3093 = arith.cmpi slt, %jit3A_3080, %sign3A_3092 : i32
        %sign3A_3094 = arith.extui %sign3A_3093 : i1 to i32
        %sign3A_3095 = arith.subi %sign3A_3091, %sign3A_3094 : i32
        %ne3A_3096 = arith.cmpi ne, %sign3A_3088, %sign3A_3095 : i32
        %rem3A_3097 = arith.remsi %reduce_max3A_3079, %jit3A_3080 : i32
        %ne3A_3098 = arith.constant 0 : i32
        %ne3A_3099 = arith.cmpi ne, %rem3A_3097, %ne3A_3098 : i32
        %and3A_3100 = arith.andi %ne3A_3096, %ne3A_3099 : i1
        %sub3A_3101 = arith.constant 1 : i32
        %sub3A_3102 = arith.subi %div3A_3081, %sub3A_3101 : i32
        %select_n3A_3103 = arith.select %and3A_3100, %sub3A_3102, %div3A_3081 : i32
        %mul3A_3104 = arith.constant 1024 : i32
        %mul3A_3105 = arith.muli %select_n3A_3103, %mul3A_3104 : i32
        %sub3A_3106 = arith.subi %reduce_max3A_3079, %mul3A_3105 : i32
        %eq3A_3107 = arith.constant 1 : i32
        %eq3A_3108 = vector.broadcast %eq3A_3107 : i32 to vector<16xi32>
        %eq3A_3109 = arith.cmpi eq, %iota3A, %eq3A_3108 : vector<16xi32>
        %select_n3A_3110 = arith.select %eq3A_3109, %get3A_3067, %broadcast_in_dim3A_3 : vector<16xi1>, vector<16xi32>
        %reduce_max3A_3111 = arith.constant true
        %reduce_max3A_3112 = vector.broadcast %reduce_max3A_3111 : i1 to vector<16xi1>
        %reduce_max3A_3113 = arith.constant -2147483648 : i32
        %reduce_max3A_3114 = vector.broadcast %reduce_max3A_3113 : i32 to vector<16xi32>
        %reduce_max3A_3115 = arith.xori %select_n3A_3110, %reduce_max3A_3114 : vector<16xi32>
        %reduce_max3A_3116 = tpu.scan <max>, %reduce_max3A_3115 masked %reduce_max3A_3112 : vector<16xi32>, vector<16xi1> -> vector<16xi32>
        %reduce_max3A_3117 = arith.xori %reduce_max3A_3116, %reduce_max3A_3114 : vector<16xi32>
        %reduce_max3A_3118 = vector.extract %reduce_max3A_3117[15] : i32 from vector<16xi32>
        %jit3A_3119 = arith.constant 1024 : i32
        %div3A_3120 = arith.divsi %reduce_max3A_3118, %jit3A_3119 : i32
        %sign3A_3121 = arith.constant 0 : i32
        %sign3A_3122 = arith.cmpi sgt, %reduce_max3A_3118, %sign3A_3121 : i32
        %sign3A_3123 = arith.extui %sign3A_3122 : i1 to i32
        %sign3A_3124 = arith.constant 0 : i32
        %sign3A_3125 = arith.cmpi slt, %reduce_max3A_3118, %sign3A_3124 : i32
        %sign3A_3126 = arith.extui %sign3A_3125 : i1 to i32
        %sign3A_3127 = arith.subi %sign3A_3123, %sign3A_3126 : i32
        %sign3A_3128 = arith.constant 0 : i32
        %sign3A_3129 = arith.cmpi sgt, %jit3A_3119, %sign3A_3128 : i32
        %sign3A_3130 = arith.extui %sign3A_3129 : i1 to i32
        %sign3A_3131 = arith.constant 0 : i32
        %sign3A_3132 = arith.cmpi slt, %jit3A_3119, %sign3A_3131 : i32
        %sign3A_3133 = arith.extui %sign3A_3132 : i1 to i32
        %sign3A_3134 = arith.subi %sign3A_3130, %sign3A_3133 : i32
        %ne3A_3135 = arith.cmpi ne, %sign3A_3127, %sign3A_3134 : i32
        %rem3A_3136 = arith.remsi %reduce_max3A_3118, %jit3A_3119 : i32
        %ne3A_3137 = arith.constant 0 : i32
        %ne3A_3138 = arith.cmpi ne, %rem3A_3136, %ne3A_3137 : i32
        %and3A_3139 = arith.andi %ne3A_3135, %ne3A_3138 : i1
        %sub3A_3140 = arith.constant 1 : i32
        %sub3A_3141 = arith.subi %div3A_3120, %sub3A_3140 : i32
        %select_n3A_3142 = arith.select %and3A_3139, %sub3A_3141, %div3A_3120 : i32
        %mul3A_3143 = arith.constant 1024 : i32
        %mul3A_3144 = arith.muli %select_n3A_3142, %mul3A_3143 : i32
        %sub3A_3145 = arith.subi %reduce_max3A_3118, %mul3A_3144 : i32
        %eq3A_3146 = arith.constant 2 : i32
        %eq3A_3147 = vector.broadcast %eq3A_3146 : i32 to vector<16xi32>
        %eq3A_3148 = arith.cmpi eq, %iota3A, %eq3A_3147 : vector<16xi32>
        %select_n3A_3149 = arith.select %eq3A_3148, %get3A_3067, %broadcast_in_dim3A_3 : vector<16xi1>, vector<16xi32>
        %reduce_max3A_3150 = arith.constant true
        %reduce_max3A_3151 = vector.broadcast %reduce_max3A_3150 : i1 to vector<16xi1>
        %reduce_max3A_3152 = arith.constant -2147483648 : i32
        %reduce_max3A_3153 = vector.broadcast %reduce_max3A_3152 : i32 to vector<16xi32>
        %reduce_max3A_3154 = arith.xori %select_n3A_3149, %reduce_max3A_3153 : vector<16xi32>
        %reduce_max3A_3155 = tpu.scan <max>, %reduce_max3A_3154 masked %reduce_max3A_3151 : vector<16xi32>, vector<16xi1> -> vector<16xi32>
        %reduce_max3A_3156 = arith.xori %reduce_max3A_3155, %reduce_max3A_3153 : vector<16xi32>
        %reduce_max3A_3157 = vector.extract %reduce_max3A_3156[15] : i32 from vector<16xi32>
        %jit3A_3158 = arith.constant 1024 : i32
        %div3A_3159 = arith.divsi %reduce_max3A_3157, %jit3A_3158 : i32
        %sign3A_3160 = arith.constant 0 : i32
        %sign3A_3161 = arith.cmpi sgt, %reduce_max3A_3157, %sign3A_3160 : i32
        %sign3A_3162 = arith.extui %sign3A_3161 : i1 to i32
        %sign3A_3163 = arith.constant 0 : i32
        %sign3A_3164 = arith.cmpi slt, %reduce_max3A_3157, %sign3A_3163 : i32
        %sign3A_3165 = arith.extui %sign3A_3164 : i1 to i32
        %sign3A_3166 = arith.subi %sign3A_3162, %sign3A_3165 : i32
        %sign3A_3167 = arith.constant 0 : i32
        %sign3A_3168 = arith.cmpi sgt, %jit3A_3158, %sign3A_3167 : i32
        %sign3A_3169 = arith.extui %sign3A_3168 : i1 to i32
        %sign3A_3170 = arith.constant 0 : i32
        %sign3A_3171 = arith.cmpi slt, %jit3A_3158, %sign3A_3170 : i32
        %sign3A_3172 = arith.extui %sign3A_3171 : i1 to i32
        %sign3A_3173 = arith.subi %sign3A_3169, %sign3A_3172 : i32
        %ne3A_3174 = arith.cmpi ne, %sign3A_3166, %sign3A_3173 : i32
        %rem3A_3175 = arith.remsi %reduce_max3A_3157, %jit3A_3158 : i32
        %ne3A_3176 = arith.constant 0 : i32
        %ne3A_3177 = arith.cmpi ne, %rem3A_3175, %ne3A_3176 : i32
        %and3A_3178 = arith.andi %ne3A_3174, %ne3A_3177 : i1
        %sub3A_3179 = arith.constant 1 : i32
        %sub3A_3180 = arith.subi %div3A_3159, %sub3A_3179 : i32
        %select_n3A_3181 = arith.select %and3A_3178, %sub3A_3180, %div3A_3159 : i32
        %mul3A_3182 = arith.constant 1024 : i32
        %mul3A_3183 = arith.muli %select_n3A_3181, %mul3A_3182 : i32
        %sub3A_3184 = arith.subi %reduce_max3A_3157, %mul3A_3183 : i32
        %eq3A_3185 = arith.constant 3 : i32
        %eq3A_3186 = vector.broadcast %eq3A_3185 : i32 to vector<16xi32>
        %eq3A_3187 = arith.cmpi eq, %iota3A, %eq3A_3186 : vector<16xi32>
        %select_n3A_3188 = arith.select %eq3A_3187, %get3A_3067, %broadcast_in_dim3A_3 : vector<16xi1>, vector<16xi32>
        %reduce_max3A_3189 = arith.constant true
        %reduce_max3A_3190 = vector.broadcast %reduce_max3A_3189 : i1 to vector<16xi1>
        %reduce_max3A_3191 = arith.constant -2147483648 : i32
        %reduce_max3A_3192 = vector.broadcast %reduce_max3A_3191 : i32 to vector<16xi32>
        %reduce_max3A_3193 = arith.xori %select_n3A_3188, %reduce_max3A_3192 : vector<16xi32>
        %reduce_max3A_3194 = tpu.scan <max>, %reduce_max3A_3193 masked %reduce_max3A_3190 : vector<16xi32>, vector<16xi1> -> vector<16xi32>
        %reduce_max3A_3195 = arith.xori %reduce_max3A_3194, %reduce_max3A_3192 : vector<16xi32>
        %reduce_max3A_3196 = vector.extract %reduce_max3A_3195[15] : i32 from vector<16xi32>
        %jit3A_3197 = arith.constant 1024 : i32
        %div3A_3198 = arith.divsi %reduce_max3A_3196, %jit3A_3197 : i32
        %sign3A_3199 = arith.constant 0 : i32
        %sign3A_3200 = arith.cmpi sgt, %reduce_max3A_3196, %sign3A_3199 : i32
        %sign3A_3201 = arith.extui %sign3A_3200 : i1 to i32
        %sign3A_3202 = arith.constant 0 : i32
        %sign3A_3203 = arith.cmpi slt, %reduce_max3A_3196, %sign3A_3202 : i32
        %sign3A_3204 = arith.extui %sign3A_3203 : i1 to i32
        %sign3A_3205 = arith.subi %sign3A_3201, %sign3A_3204 : i32
        %sign3A_3206 = arith.constant 0 : i32
        %sign3A_3207 = arith.cmpi sgt, %jit3A_3197, %sign3A_3206 : i32
        %sign3A_3208 = arith.extui %sign3A_3207 : i1 to i32
        %sign3A_3209 = arith.constant 0 : i32
        %sign3A_3210 = arith.cmpi slt, %jit3A_3197, %sign3A_3209 : i32
        %sign3A_3211 = arith.extui %sign3A_3210 : i1 to i32
        %sign3A_3212 = arith.subi %sign3A_3208, %sign3A_3211 : i32
        %ne3A_3213 = arith.cmpi ne, %sign3A_3205, %sign3A_3212 : i32
        %rem3A_3214 = arith.remsi %reduce_max3A_3196, %jit3A_3197 : i32
        %ne3A_3215 = arith.constant 0 : i32
        %ne3A_3216 = arith.cmpi ne, %rem3A_3214, %ne3A_3215 : i32
        %and3A_3217 = arith.andi %ne3A_3213, %ne3A_3216 : i1
        %sub3A_3218 = arith.constant 1 : i32
        %sub3A_3219 = arith.subi %div3A_3198, %sub3A_3218 : i32
        %select_n3A_3220 = arith.select %and3A_3217, %sub3A_3219, %div3A_3198 : i32
        %mul3A_3221 = arith.constant 1024 : i32
        %mul3A_3222 = arith.muli %select_n3A_3220, %mul3A_3221 : i32
        %sub3A_3223 = arith.subi %reduce_max3A_3196, %mul3A_3222 : i32
        %eq3A_3224 = arith.constant 4 : i32
        %eq3A_3225 = vector.broadcast %eq3A_3224 : i32 to vector<16xi32>
        %eq3A_3226 = arith.cmpi eq, %iota3A, %eq3A_3225 : vector<16xi32>
        %select_n3A_3227 = arith.select %eq3A_3226, %get3A_3067, %broadcast_in_dim3A_3 : vector<16xi1>, vector<16xi32>
        %reduce_max3A_3228 = arith.constant true
        %reduce_max3A_3229 = vector.broadcast %reduce_max3A_3228 : i1 to vector<16xi1>
        %reduce_max3A_3230 = arith.constant -2147483648 : i32
        %reduce_max3A_3231 = vector.broadcast %reduce_max3A_3230 : i32 to vector<16xi32>
        %reduce_max3A_3232 = arith.xori %select_n3A_3227, %reduce_max3A_3231 : vector<16xi32>
        %reduce_max3A_3233 = tpu.scan <max>, %reduce_max3A_3232 masked %reduce_max3A_3229 : vector<16xi32>, vector<16xi1> -> vector<16xi32>
        %reduce_max3A_3234 = arith.xori %reduce_max3A_3233, %reduce_max3A_3231 : vector<16xi32>
        %reduce_max3A_3235 = vector.extract %reduce_max3A_3234[15] : i32 from vector<16xi32>
        %jit3A_3236 = arith.constant 1024 : i32
        %div3A_3237 = arith.divsi %reduce_max3A_3235, %jit3A_3236 : i32
        %sign3A_3238 = arith.constant 0 : i32
        %sign3A_3239 = arith.cmpi sgt, %reduce_max3A_3235, %sign3A_3238 : i32
        %sign3A_3240 = arith.extui %sign3A_3239 : i1 to i32
        %sign3A_3241 = arith.constant 0 : i32
        %sign3A_3242 = arith.cmpi slt, %reduce_max3A_3235, %sign3A_3241 : i32
        %sign3A_3243 = arith.extui %sign3A_3242 : i1 to i32
        %sign3A_3244 = arith.subi %sign3A_3240, %sign3A_3243 : i32
        %sign3A_3245 = arith.constant 0 : i32
        %sign3A_3246 = arith.cmpi sgt, %jit3A_3236, %sign3A_3245 : i32
        %sign3A_3247 = arith.extui %sign3A_3246 : i1 to i32
        %sign3A_3248 = arith.constant 0 : i32
        %sign3A_3249 = arith.cmpi slt, %jit3A_3236, %sign3A_3248 : i32
        %sign3A_3250 = arith.extui %sign3A_3249 : i1 to i32
        %sign3A_3251 = arith.subi %sign3A_3247, %sign3A_3250 : i32
        %ne3A_3252 = arith.cmpi ne, %sign3A_3244, %sign3A_3251 : i32
        %rem3A_3253 = arith.remsi %reduce_max3A_3235, %jit3A_3236 : i32
        %ne3A_3254 = arith.constant 0 : i32
        %ne3A_3255 = arith.cmpi ne, %rem3A_3253, %ne3A_3254 : i32
        %and3A_3256 = arith.andi %ne3A_3252, %ne3A_3255 : i1
        %sub3A_3257 = arith.constant 1 : i32
        %sub3A_3258 = arith.subi %div3A_3237, %sub3A_3257 : i32
        %select_n3A_3259 = arith.select %and3A_3256, %sub3A_3258, %div3A_3237 : i32
        %mul3A_3260 = arith.constant 1024 : i32
        %mul3A_3261 = arith.muli %select_n3A_3259, %mul3A_3260 : i32
        %sub3A_3262 = arith.subi %reduce_max3A_3235, %mul3A_3261 : i32
        %eq3A_3263 = arith.constant 5 : i32
        %eq3A_3264 = vector.broadcast %eq3A_3263 : i32 to vector<16xi32>
        %eq3A_3265 = arith.cmpi eq, %iota3A, %eq3A_3264 : vector<16xi32>
        %select_n3A_3266 = arith.select %eq3A_3265, %get3A_3067, %broadcast_in_dim3A_3 : vector<16xi1>, vector<16xi32>
        %reduce_max3A_3267 = arith.constant true
        %reduce_max3A_3268 = vector.broadcast %reduce_max3A_3267 : i1 to vector<16xi1>
        %reduce_max3A_3269 = arith.constant -2147483648 : i32
        %reduce_max3A_3270 = vector.broadcast %reduce_max3A_3269 : i32 to vector<16xi32>
        %reduce_max3A_3271 = arith.xori %select_n3A_3266, %reduce_max3A_3270 : vector<16xi32>
        %reduce_max3A_3272 = tpu.scan <max>, %reduce_max3A_3271 masked %reduce_max3A_3268 : vector<16xi32>, vector<16xi1> -> vector<16xi32>
        %reduce_max3A_3273 = arith.xori %reduce_max3A_3272, %reduce_max3A_3270 : vector<16xi32>
        %reduce_max3A_3274 = vector.extract %reduce_max3A_3273[15] : i32 from vector<16xi32>
        %jit3A_3275 = arith.constant 1024 : i32
        %div3A_3276 = arith.divsi %reduce_max3A_3274, %jit3A_3275 : i32
        %sign3A_3277 = arith.constant 0 : i32
        %sign3A_3278 = arith.cmpi sgt, %reduce_max3A_3274, %sign3A_3277 : i32
        %sign3A_3279 = arith.extui %sign3A_3278 : i1 to i32
        %sign3A_3280 = arith.constant 0 : i32
        %sign3A_3281 = arith.cmpi slt, %reduce_max3A_3274, %sign3A_3280 : i32
        %sign3A_3282 = arith.extui %sign3A_3281 : i1 to i32
        %sign3A_3283 = arith.subi %sign3A_3279, %sign3A_3282 : i32
        %sign3A_3284 = arith.constant 0 : i32
        %sign3A_3285 = arith.cmpi sgt, %jit3A_3275, %sign3A_3284 : i32
        %sign3A_3286 = arith.extui %sign3A_3285 : i1 to i32
        %sign3A_3287 = arith.constant 0 : i32
        %sign3A_3288 = arith.cmpi slt, %jit3A_3275, %sign3A_3287 : i32
        %sign3A_3289 = arith.extui %sign3A_3288 : i1 to i32
        %sign3A_3290 = arith.subi %sign3A_3286, %sign3A_3289 : i32
        %ne3A_3291 = arith.cmpi ne, %sign3A_3283, %sign3A_3290 : i32
        %rem3A_3292 = arith.remsi %reduce_max3A_3274, %jit3A_3275 : i32
        %ne3A_3293 = arith.constant 0 : i32
        %ne3A_3294 = arith.cmpi ne, %rem3A_3292, %ne3A_3293 : i32
        %and3A_3295 = arith.andi %ne3A_3291, %ne3A_3294 : i1
        %sub3A_3296 = arith.constant 1 : i32
        %sub3A_3297 = arith.subi %div3A_3276, %sub3A_3296 : i32
        %select_n3A_3298 = arith.select %and3A_3295, %sub3A_3297, %div3A_3276 : i32
        %mul3A_3299 = arith.constant 1024 : i32
        %mul3A_3300 = arith.muli %select_n3A_3298, %mul3A_3299 : i32
        %sub3A_3301 = arith.subi %reduce_max3A_3274, %mul3A_3300 : i32
        %eq3A_3302 = arith.constant 6 : i32
        %eq3A_3303 = vector.broadcast %eq3A_3302 : i32 to vector<16xi32>
        %eq3A_3304 = arith.cmpi eq, %iota3A, %eq3A_3303 : vector<16xi32>
        %select_n3A_3305 = arith.select %eq3A_3304, %get3A_3067, %broadcast_in_dim3A_3 : vector<16xi1>, vector<16xi32>
        %reduce_max3A_3306 = arith.constant true
        %reduce_max3A_3307 = vector.broadcast %reduce_max3A_3306 : i1 to vector<16xi1>
        %reduce_max3A_3308 = arith.constant -2147483648 : i32
        %reduce_max3A_3309 = vector.broadcast %reduce_max3A_3308 : i32 to vector<16xi32>
        %reduce_max3A_3310 = arith.xori %select_n3A_3305, %reduce_max3A_3309 : vector<16xi32>
        %reduce_max3A_3311 = tpu.scan <max>, %reduce_max3A_3310 masked %reduce_max3A_3307 : vector<16xi32>, vector<16xi1> -> vector<16xi32>
        %reduce_max3A_3312 = arith.xori %reduce_max3A_3311, %reduce_max3A_3309 : vector<16xi32>
        %reduce_max3A_3313 = vector.extract %reduce_max3A_3312[15] : i32 from vector<16xi32>
        %jit3A_3314 = arith.constant 1024 : i32
        %div3A_3315 = arith.divsi %reduce_max3A_3313, %jit3A_3314 : i32
        %sign3A_3316 = arith.constant 0 : i32
        %sign3A_3317 = arith.cmpi sgt, %reduce_max3A_3313, %sign3A_3316 : i32
        %sign3A_3318 = arith.extui %sign3A_3317 : i1 to i32
        %sign3A_3319 = arith.constant 0 : i32
        %sign3A_3320 = arith.cmpi slt, %reduce_max3A_3313, %sign3A_3319 : i32
        %sign3A_3321 = arith.extui %sign3A_3320 : i1 to i32
        %sign3A_3322 = arith.subi %sign3A_3318, %sign3A_3321 : i32
        %sign3A_3323 = arith.constant 0 : i32
        %sign3A_3324 = arith.cmpi sgt, %jit3A_3314, %sign3A_3323 : i32
        %sign3A_3325 = arith.extui %sign3A_3324 : i1 to i32
        %sign3A_3326 = arith.constant 0 : i32
        %sign3A_3327 = arith.cmpi slt, %jit3A_3314, %sign3A_3326 : i32
        %sign3A_3328 = arith.extui %sign3A_3327 : i1 to i32
        %sign3A_3329 = arith.subi %sign3A_3325, %sign3A_3328 : i32
        %ne3A_3330 = arith.cmpi ne, %sign3A_3322, %sign3A_3329 : i32
        %rem3A_3331 = arith.remsi %reduce_max3A_3313, %jit3A_3314 : i32
        %ne3A_3332 = arith.constant 0 : i32
        %ne3A_3333 = arith.cmpi ne, %rem3A_3331, %ne3A_3332 : i32
        %and3A_3334 = arith.andi %ne3A_3330, %ne3A_3333 : i1
        %sub3A_3335 = arith.constant 1 : i32
        %sub3A_3336 = arith.subi %div3A_3315, %sub3A_3335 : i32
        %select_n3A_3337 = arith.select %and3A_3334, %sub3A_3336, %div3A_3315 : i32
        %mul3A_3338 = arith.constant 1024 : i32
        %mul3A_3339 = arith.muli %select_n3A_3337, %mul3A_3338 : i32
        %sub3A_3340 = arith.subi %reduce_max3A_3313, %mul3A_3339 : i32
        %eq3A_3341 = arith.constant 7 : i32
        %eq3A_3342 = vector.broadcast %eq3A_3341 : i32 to vector<16xi32>
        %eq3A_3343 = arith.cmpi eq, %iota3A, %eq3A_3342 : vector<16xi32>
        %select_n3A_3344 = arith.select %eq3A_3343, %get3A_3067, %broadcast_in_dim3A_3 : vector<16xi1>, vector<16xi32>
        %reduce_max3A_3345 = arith.constant true
        %reduce_max3A_3346 = vector.broadcast %reduce_max3A_3345 : i1 to vector<16xi1>
        %reduce_max3A_3347 = arith.constant -2147483648 : i32
        %reduce_max3A_3348 = vector.broadcast %reduce_max3A_3347 : i32 to vector<16xi32>
        %reduce_max3A_3349 = arith.xori %select_n3A_3344, %reduce_max3A_3348 : vector<16xi32>
        %reduce_max3A_3350 = tpu.scan <max>, %reduce_max3A_3349 masked %reduce_max3A_3346 : vector<16xi32>, vector<16xi1> -> vector<16xi32>
        %reduce_max3A_3351 = arith.xori %reduce_max3A_3350, %reduce_max3A_3348 : vector<16xi32>
        %reduce_max3A_3352 = vector.extract %reduce_max3A_3351[15] : i32 from vector<16xi32>
        %jit3A_3353 = arith.constant 1024 : i32
        %div3A_3354 = arith.divsi %reduce_max3A_3352, %jit3A_3353 : i32
        %sign3A_3355 = arith.constant 0 : i32
        %sign3A_3356 = arith.cmpi sgt, %reduce_max3A_3352, %sign3A_3355 : i32
        %sign3A_3357 = arith.extui %sign3A_3356 : i1 to i32
        %sign3A_3358 = arith.constant 0 : i32
        %sign3A_3359 = arith.cmpi slt, %reduce_max3A_3352, %sign3A_3358 : i32
        %sign3A_3360 = arith.extui %sign3A_3359 : i1 to i32
        %sign3A_3361 = arith.subi %sign3A_3357, %sign3A_3360 : i32
        %sign3A_3362 = arith.constant 0 : i32
        %sign3A_3363 = arith.cmpi sgt, %jit3A_3353, %sign3A_3362 : i32
        %sign3A_3364 = arith.extui %sign3A_3363 : i1 to i32
        %sign3A_3365 = arith.constant 0 : i32
        %sign3A_3366 = arith.cmpi slt, %jit3A_3353, %sign3A_3365 : i32
        %sign3A_3367 = arith.extui %sign3A_3366 : i1 to i32
        %sign3A_3368 = arith.subi %sign3A_3364, %sign3A_3367 : i32
        %ne3A_3369 = arith.cmpi ne, %sign3A_3361, %sign3A_3368 : i32
        %rem3A_3370 = arith.remsi %reduce_max3A_3352, %jit3A_3353 : i32
        %ne3A_3371 = arith.constant 0 : i32
        %ne3A_3372 = arith.cmpi ne, %rem3A_3370, %ne3A_3371 : i32
        %and3A_3373 = arith.andi %ne3A_3369, %ne3A_3372 : i1
        %sub3A_3374 = arith.constant 1 : i32
        %sub3A_3375 = arith.subi %div3A_3354, %sub3A_3374 : i32
        %select_n3A_3376 = arith.select %and3A_3373, %sub3A_3375, %div3A_3354 : i32
        %mul3A_3377 = arith.constant 1024 : i32
        %mul3A_3378 = arith.muli %select_n3A_3376, %mul3A_3377 : i32
        %sub3A_3379 = arith.subi %reduce_max3A_3352, %mul3A_3378 : i32
        %eq3A_3380 = arith.constant 8 : i32
        %eq3A_3381 = vector.broadcast %eq3A_3380 : i32 to vector<16xi32>
        %eq3A_3382 = arith.cmpi eq, %iota3A, %eq3A_3381 : vector<16xi32>
        %select_n3A_3383 = arith.select %eq3A_3382, %get3A_3067, %broadcast_in_dim3A_3 : vector<16xi1>, vector<16xi32>
        %reduce_max3A_3384 = arith.constant true
        %reduce_max3A_3385 = vector.broadcast %reduce_max3A_3384 : i1 to vector<16xi1>
        %reduce_max3A_3386 = arith.constant -2147483648 : i32
        %reduce_max3A_3387 = vector.broadcast %reduce_max3A_3386 : i32 to vector<16xi32>
        %reduce_max3A_3388 = arith.xori %select_n3A_3383, %reduce_max3A_3387 : vector<16xi32>
        %reduce_max3A_3389 = tpu.scan <max>, %reduce_max3A_3388 masked %reduce_max3A_3385 : vector<16xi32>, vector<16xi1> -> vector<16xi32>
        %reduce_max3A_3390 = arith.xori %reduce_max3A_3389, %reduce_max3A_3387 : vector<16xi32>
        %reduce_max3A_3391 = vector.extract %reduce_max3A_3390[15] : i32 from vector<16xi32>
        %jit3A_3392 = arith.constant 1024 : i32
        %div3A_3393 = arith.divsi %reduce_max3A_3391, %jit3A_3392 : i32
        %sign3A_3394 = arith.constant 0 : i32
        %sign3A_3395 = arith.cmpi sgt, %reduce_max3A_3391, %sign3A_3394 : i32
        %sign3A_3396 = arith.extui %sign3A_3395 : i1 to i32
        %sign3A_3397 = arith.constant 0 : i32
        %sign3A_3398 = arith.cmpi slt, %reduce_max3A_3391, %sign3A_3397 : i32
        %sign3A_3399 = arith.extui %sign3A_3398 : i1 to i32
        %sign3A_3400 = arith.subi %sign3A_3396, %sign3A_3399 : i32
        %sign3A_3401 = arith.constant 0 : i32
        %sign3A_3402 = arith.cmpi sgt, %jit3A_3392, %sign3A_3401 : i32
        %sign3A_3403 = arith.extui %sign3A_3402 : i1 to i32
        %sign3A_3404 = arith.constant 0 : i32
        %sign3A_3405 = arith.cmpi slt, %jit3A_3392, %sign3A_3404 : i32
        %sign3A_3406 = arith.extui %sign3A_3405 : i1 to i32
        %sign3A_3407 = arith.subi %sign3A_3403, %sign3A_3406 : i32
        %ne3A_3408 = arith.cmpi ne, %sign3A_3400, %sign3A_3407 : i32
        %rem3A_3409 = arith.remsi %reduce_max3A_3391, %jit3A_3392 : i32
        %ne3A_3410 = arith.constant 0 : i32
        %ne3A_3411 = arith.cmpi ne, %rem3A_3409, %ne3A_3410 : i32
        %and3A_3412 = arith.andi %ne3A_3408, %ne3A_3411 : i1
        %sub3A_3413 = arith.constant 1 : i32
        %sub3A_3414 = arith.subi %div3A_3393, %sub3A_3413 : i32
        %select_n3A_3415 = arith.select %and3A_3412, %sub3A_3414, %div3A_3393 : i32
        %mul3A_3416 = arith.constant 1024 : i32
        %mul3A_3417 = arith.muli %select_n3A_3415, %mul3A_3416 : i32
        %sub3A_3418 = arith.subi %reduce_max3A_3391, %mul3A_3417 : i32
        %eq3A_3419 = arith.constant 9 : i32
        %eq3A_3420 = vector.broadcast %eq3A_3419 : i32 to vector<16xi32>
        %eq3A_3421 = arith.cmpi eq, %iota3A, %eq3A_3420 : vector<16xi32>
        %select_n3A_3422 = arith.select %eq3A_3421, %get3A_3067, %broadcast_in_dim3A_3 : vector<16xi1>, vector<16xi32>
        %reduce_max3A_3423 = arith.constant true
        %reduce_max3A_3424 = vector.broadcast %reduce_max3A_3423 : i1 to vector<16xi1>
        %reduce_max3A_3425 = arith.constant -2147483648 : i32
        %reduce_max3A_3426 = vector.broadcast %reduce_max3A_3425 : i32 to vector<16xi32>
        %reduce_max3A_3427 = arith.xori %select_n3A_3422, %reduce_max3A_3426 : vector<16xi32>
        %reduce_max3A_3428 = tpu.scan <max>, %reduce_max3A_3427 masked %reduce_max3A_3424 : vector<16xi32>, vector<16xi1> -> vector<16xi32>
        %reduce_max3A_3429 = arith.xori %reduce_max3A_3428, %reduce_max3A_3426 : vector<16xi32>
        %reduce_max3A_3430 = vector.extract %reduce_max3A_3429[15] : i32 from vector<16xi32>
        %jit3A_3431 = arith.constant 1024 : i32
        %div3A_3432 = arith.divsi %reduce_max3A_3430, %jit3A_3431 : i32
        %sign3A_3433 = arith.constant 0 : i32
        %sign3A_3434 = arith.cmpi sgt, %reduce_max3A_3430, %sign3A_3433 : i32
        %sign3A_3435 = arith.extui %sign3A_3434 : i1 to i32
        %sign3A_3436 = arith.constant 0 : i32
        %sign3A_3437 = arith.cmpi slt, %reduce_max3A_3430, %sign3A_3436 : i32
        %sign3A_3438 = arith.extui %sign3A_3437 : i1 to i32
        %sign3A_3439 = arith.subi %sign3A_3435, %sign3A_3438 : i32
        %sign3A_3440 = arith.constant 0 : i32
        %sign3A_3441 = arith.cmpi sgt, %jit3A_3431, %sign3A_3440 : i32
        %sign3A_3442 = arith.extui %sign3A_3441 : i1 to i32
        %sign3A_3443 = arith.constant 0 : i32
        %sign3A_3444 = arith.cmpi slt, %jit3A_3431, %sign3A_3443 : i32
        %sign3A_3445 = arith.extui %sign3A_3444 : i1 to i32
        %sign3A_3446 = arith.subi %sign3A_3442, %sign3A_3445 : i32
        %ne3A_3447 = arith.cmpi ne, %sign3A_3439, %sign3A_3446 : i32
        %rem3A_3448 = arith.remsi %reduce_max3A_3430, %jit3A_3431 : i32
        %ne3A_3449 = arith.constant 0 : i32
        %ne3A_3450 = arith.cmpi ne, %rem3A_3448, %ne3A_3449 : i32
        %and3A_3451 = arith.andi %ne3A_3447, %ne3A_3450 : i1
        %sub3A_3452 = arith.constant 1 : i32
        %sub3A_3453 = arith.subi %div3A_3432, %sub3A_3452 : i32
        %select_n3A_3454 = arith.select %and3A_3451, %sub3A_3453, %div3A_3432 : i32
        %mul3A_3455 = arith.constant 1024 : i32
        %mul3A_3456 = arith.muli %select_n3A_3454, %mul3A_3455 : i32
        %sub3A_3457 = arith.subi %reduce_max3A_3430, %mul3A_3456 : i32
        %eq3A_3458 = arith.constant 10 : i32
        %eq3A_3459 = vector.broadcast %eq3A_3458 : i32 to vector<16xi32>
        %eq3A_3460 = arith.cmpi eq, %iota3A, %eq3A_3459 : vector<16xi32>
        %select_n3A_3461 = arith.select %eq3A_3460, %get3A_3067, %broadcast_in_dim3A_3 : vector<16xi1>, vector<16xi32>
        %reduce_max3A_3462 = arith.constant true
        %reduce_max3A_3463 = vector.broadcast %reduce_max3A_3462 : i1 to vector<16xi1>
        %reduce_max3A_3464 = arith.constant -2147483648 : i32
        %reduce_max3A_3465 = vector.broadcast %reduce_max3A_3464 : i32 to vector<16xi32>
        %reduce_max3A_3466 = arith.xori %select_n3A_3461, %reduce_max3A_3465 : vector<16xi32>
        %reduce_max3A_3467 = tpu.scan <max>, %reduce_max3A_3466 masked %reduce_max3A_3463 : vector<16xi32>, vector<16xi1> -> vector<16xi32>
        %reduce_max3A_3468 = arith.xori %reduce_max3A_3467, %reduce_max3A_3465 : vector<16xi32>
        %reduce_max3A_3469 = vector.extract %reduce_max3A_3468[15] : i32 from vector<16xi32>
        %jit3A_3470 = arith.constant 1024 : i32
        %div3A_3471 = arith.divsi %reduce_max3A_3469, %jit3A_3470 : i32
        %sign3A_3472 = arith.constant 0 : i32
        %sign3A_3473 = arith.cmpi sgt, %reduce_max3A_3469, %sign3A_3472 : i32
        %sign3A_3474 = arith.extui %sign3A_3473 : i1 to i32
        %sign3A_3475 = arith.constant 0 : i32
        %sign3A_3476 = arith.cmpi slt, %reduce_max3A_3469, %sign3A_3475 : i32
        %sign3A_3477 = arith.extui %sign3A_3476 : i1 to i32
        %sign3A_3478 = arith.subi %sign3A_3474, %sign3A_3477 : i32
        %sign3A_3479 = arith.constant 0 : i32
        %sign3A_3480 = arith.cmpi sgt, %jit3A_3470, %sign3A_3479 : i32
        %sign3A_3481 = arith.extui %sign3A_3480 : i1 to i32
        %sign3A_3482 = arith.constant 0 : i32
        %sign3A_3483 = arith.cmpi slt, %jit3A_3470, %sign3A_3482 : i32
        %sign3A_3484 = arith.extui %sign3A_3483 : i1 to i32
        %sign3A_3485 = arith.subi %sign3A_3481, %sign3A_3484 : i32
        %ne3A_3486 = arith.cmpi ne, %sign3A_3478, %sign3A_3485 : i32
        %rem3A_3487 = arith.remsi %reduce_max3A_3469, %jit3A_3470 : i32
        %ne3A_3488 = arith.constant 0 : i32
        %ne3A_3489 = arith.cmpi ne, %rem3A_3487, %ne3A_3488 : i32
        %and3A_3490 = arith.andi %ne3A_3486, %ne3A_3489 : i1
        %sub3A_3491 = arith.constant 1 : i32
        %sub3A_3492 = arith.subi %div3A_3471, %sub3A_3491 : i32
        %select_n3A_3493 = arith.select %and3A_3490, %sub3A_3492, %div3A_3471 : i32
        %mul3A_3494 = arith.constant 1024 : i32
        %mul3A_3495 = arith.muli %select_n3A_3493, %mul3A_3494 : i32
        %sub3A_3496 = arith.subi %reduce_max3A_3469, %mul3A_3495 : i32
        %eq3A_3497 = arith.constant 11 : i32
        %eq3A_3498 = vector.broadcast %eq3A_3497 : i32 to vector<16xi32>
        %eq3A_3499 = arith.cmpi eq, %iota3A, %eq3A_3498 : vector<16xi32>
        %select_n3A_3500 = arith.select %eq3A_3499, %get3A_3067, %broadcast_in_dim3A_3 : vector<16xi1>, vector<16xi32>
        %reduce_max3A_3501 = arith.constant true
        %reduce_max3A_3502 = vector.broadcast %reduce_max3A_3501 : i1 to vector<16xi1>
        %reduce_max3A_3503 = arith.constant -2147483648 : i32
        %reduce_max3A_3504 = vector.broadcast %reduce_max3A_3503 : i32 to vector<16xi32>
        %reduce_max3A_3505 = arith.xori %select_n3A_3500, %reduce_max3A_3504 : vector<16xi32>
        %reduce_max3A_3506 = tpu.scan <max>, %reduce_max3A_3505 masked %reduce_max3A_3502 : vector<16xi32>, vector<16xi1> -> vector<16xi32>
        %reduce_max3A_3507 = arith.xori %reduce_max3A_3506, %reduce_max3A_3504 : vector<16xi32>
        %reduce_max3A_3508 = vector.extract %reduce_max3A_3507[15] : i32 from vector<16xi32>
        %jit3A_3509 = arith.constant 1024 : i32
        %div3A_3510 = arith.divsi %reduce_max3A_3508, %jit3A_3509 : i32
        %sign3A_3511 = arith.constant 0 : i32
        %sign3A_3512 = arith.cmpi sgt, %reduce_max3A_3508, %sign3A_3511 : i32
        %sign3A_3513 = arith.extui %sign3A_3512 : i1 to i32
        %sign3A_3514 = arith.constant 0 : i32
        %sign3A_3515 = arith.cmpi slt, %reduce_max3A_3508, %sign3A_3514 : i32
        %sign3A_3516 = arith.extui %sign3A_3515 : i1 to i32
        %sign3A_3517 = arith.subi %sign3A_3513, %sign3A_3516 : i32
        %sign3A_3518 = arith.constant 0 : i32
        %sign3A_3519 = arith.cmpi sgt, %jit3A_3509, %sign3A_3518 : i32
        %sign3A_3520 = arith.extui %sign3A_3519 : i1 to i32
        %sign3A_3521 = arith.constant 0 : i32
        %sign3A_3522 = arith.cmpi slt, %jit3A_3509, %sign3A_3521 : i32
        %sign3A_3523 = arith.extui %sign3A_3522 : i1 to i32
        %sign3A_3524 = arith.subi %sign3A_3520, %sign3A_3523 : i32
        %ne3A_3525 = arith.cmpi ne, %sign3A_3517, %sign3A_3524 : i32
        %rem3A_3526 = arith.remsi %reduce_max3A_3508, %jit3A_3509 : i32
        %ne3A_3527 = arith.constant 0 : i32
        %ne3A_3528 = arith.cmpi ne, %rem3A_3526, %ne3A_3527 : i32
        %and3A_3529 = arith.andi %ne3A_3525, %ne3A_3528 : i1
        %sub3A_3530 = arith.constant 1 : i32
        %sub3A_3531 = arith.subi %div3A_3510, %sub3A_3530 : i32
        %select_n3A_3532 = arith.select %and3A_3529, %sub3A_3531, %div3A_3510 : i32
        %mul3A_3533 = arith.constant 1024 : i32
        %mul3A_3534 = arith.muli %select_n3A_3532, %mul3A_3533 : i32
        %sub3A_3535 = arith.subi %reduce_max3A_3508, %mul3A_3534 : i32
        %eq3A_3536 = arith.constant 12 : i32
        %eq3A_3537 = vector.broadcast %eq3A_3536 : i32 to vector<16xi32>
        %eq3A_3538 = arith.cmpi eq, %iota3A, %eq3A_3537 : vector<16xi32>
        %select_n3A_3539 = arith.select %eq3A_3538, %get3A_3067, %broadcast_in_dim3A_3 : vector<16xi1>, vector<16xi32>
        %reduce_max3A_3540 = arith.constant true
        %reduce_max3A_3541 = vector.broadcast %reduce_max3A_3540 : i1 to vector<16xi1>
        %reduce_max3A_3542 = arith.constant -2147483648 : i32
        %reduce_max3A_3543 = vector.broadcast %reduce_max3A_3542 : i32 to vector<16xi32>
        %reduce_max3A_3544 = arith.xori %select_n3A_3539, %reduce_max3A_3543 : vector<16xi32>
        %reduce_max3A_3545 = tpu.scan <max>, %reduce_max3A_3544 masked %reduce_max3A_3541 : vector<16xi32>, vector<16xi1> -> vector<16xi32>
        %reduce_max3A_3546 = arith.xori %reduce_max3A_3545, %reduce_max3A_3543 : vector<16xi32>
        %reduce_max3A_3547 = vector.extract %reduce_max3A_3546[15] : i32 from vector<16xi32>
        %jit3A_3548 = arith.constant 1024 : i32
        %div3A_3549 = arith.divsi %reduce_max3A_3547, %jit3A_3548 : i32
        %sign3A_3550 = arith.constant 0 : i32
        %sign3A_3551 = arith.cmpi sgt, %reduce_max3A_3547, %sign3A_3550 : i32
        %sign3A_3552 = arith.extui %sign3A_3551 : i1 to i32
        %sign3A_3553 = arith.constant 0 : i32
        %sign3A_3554 = arith.cmpi slt, %reduce_max3A_3547, %sign3A_3553 : i32
        %sign3A_3555 = arith.extui %sign3A_3554 : i1 to i32
        %sign3A_3556 = arith.subi %sign3A_3552, %sign3A_3555 : i32
        %sign3A_3557 = arith.constant 0 : i32
        %sign3A_3558 = arith.cmpi sgt, %jit3A_3548, %sign3A_3557 : i32
        %sign3A_3559 = arith.extui %sign3A_3558 : i1 to i32
        %sign3A_3560 = arith.constant 0 : i32
        %sign3A_3561 = arith.cmpi slt, %jit3A_3548, %sign3A_3560 : i32
        %sign3A_3562 = arith.extui %sign3A_3561 : i1 to i32
        %sign3A_3563 = arith.subi %sign3A_3559, %sign3A_3562 : i32
        %ne3A_3564 = arith.cmpi ne, %sign3A_3556, %sign3A_3563 : i32
        %rem3A_3565 = arith.remsi %reduce_max3A_3547, %jit3A_3548 : i32
        %ne3A_3566 = arith.constant 0 : i32
        %ne3A_3567 = arith.cmpi ne, %rem3A_3565, %ne3A_3566 : i32
        %and3A_3568 = arith.andi %ne3A_3564, %ne3A_3567 : i1
        %sub3A_3569 = arith.constant 1 : i32
        %sub3A_3570 = arith.subi %div3A_3549, %sub3A_3569 : i32
        %select_n3A_3571 = arith.select %and3A_3568, %sub3A_3570, %div3A_3549 : i32
        %mul3A_3572 = arith.constant 1024 : i32
        %mul3A_3573 = arith.muli %select_n3A_3571, %mul3A_3572 : i32
        %sub3A_3574 = arith.subi %reduce_max3A_3547, %mul3A_3573 : i32
        %eq3A_3575 = arith.constant 13 : i32
        %eq3A_3576 = vector.broadcast %eq3A_3575 : i32 to vector<16xi32>
        %eq3A_3577 = arith.cmpi eq, %iota3A, %eq3A_3576 : vector<16xi32>
        %select_n3A_3578 = arith.select %eq3A_3577, %get3A_3067, %broadcast_in_dim3A_3 : vector<16xi1>, vector<16xi32>
        %reduce_max3A_3579 = arith.constant true
        %reduce_max3A_3580 = vector.broadcast %reduce_max3A_3579 : i1 to vector<16xi1>
        %reduce_max3A_3581 = arith.constant -2147483648 : i32
        %reduce_max3A_3582 = vector.broadcast %reduce_max3A_3581 : i32 to vector<16xi32>
        %reduce_max3A_3583 = arith.xori %select_n3A_3578, %reduce_max3A_3582 : vector<16xi32>
        %reduce_max3A_3584 = tpu.scan <max>, %reduce_max3A_3583 masked %reduce_max3A_3580 : vector<16xi32>, vector<16xi1> -> vector<16xi32>
        %reduce_max3A_3585 = arith.xori %reduce_max3A_3584, %reduce_max3A_3582 : vector<16xi32>
        %reduce_max3A_3586 = vector.extract %reduce_max3A_3585[15] : i32 from vector<16xi32>
        %jit3A_3587 = arith.constant 1024 : i32
        %div3A_3588 = arith.divsi %reduce_max3A_3586, %jit3A_3587 : i32
        %sign3A_3589 = arith.constant 0 : i32
        %sign3A_3590 = arith.cmpi sgt, %reduce_max3A_3586, %sign3A_3589 : i32
        %sign3A_3591 = arith.extui %sign3A_3590 : i1 to i32
        %sign3A_3592 = arith.constant 0 : i32
        %sign3A_3593 = arith.cmpi slt, %reduce_max3A_3586, %sign3A_3592 : i32
        %sign3A_3594 = arith.extui %sign3A_3593 : i1 to i32
        %sign3A_3595 = arith.subi %sign3A_3591, %sign3A_3594 : i32
        %sign3A_3596 = arith.constant 0 : i32
        %sign3A_3597 = arith.cmpi sgt, %jit3A_3587, %sign3A_3596 : i32
        %sign3A_3598 = arith.extui %sign3A_3597 : i1 to i32
        %sign3A_3599 = arith.constant 0 : i32
        %sign3A_3600 = arith.cmpi slt, %jit3A_3587, %sign3A_3599 : i32
        %sign3A_3601 = arith.extui %sign3A_3600 : i1 to i32
        %sign3A_3602 = arith.subi %sign3A_3598, %sign3A_3601 : i32
        %ne3A_3603 = arith.cmpi ne, %sign3A_3595, %sign3A_3602 : i32
        %rem3A_3604 = arith.remsi %reduce_max3A_3586, %jit3A_3587 : i32
        %ne3A_3605 = arith.constant 0 : i32
        %ne3A_3606 = arith.cmpi ne, %rem3A_3604, %ne3A_3605 : i32
        %and3A_3607 = arith.andi %ne3A_3603, %ne3A_3606 : i1
        %sub3A_3608 = arith.constant 1 : i32
        %sub3A_3609 = arith.subi %div3A_3588, %sub3A_3608 : i32
        %select_n3A_3610 = arith.select %and3A_3607, %sub3A_3609, %div3A_3588 : i32
        %mul3A_3611 = arith.constant 1024 : i32
        %mul3A_3612 = arith.muli %select_n3A_3610, %mul3A_3611 : i32
        %sub3A_3613 = arith.subi %reduce_max3A_3586, %mul3A_3612 : i32
        %eq3A_3614 = arith.constant 14 : i32
        %eq3A_3615 = vector.broadcast %eq3A_3614 : i32 to vector<16xi32>
        %eq3A_3616 = arith.cmpi eq, %iota3A, %eq3A_3615 : vector<16xi32>
        %select_n3A_3617 = arith.select %eq3A_3616, %get3A_3067, %broadcast_in_dim3A_3 : vector<16xi1>, vector<16xi32>
        %reduce_max3A_3618 = arith.constant true
        %reduce_max3A_3619 = vector.broadcast %reduce_max3A_3618 : i1 to vector<16xi1>
        %reduce_max3A_3620 = arith.constant -2147483648 : i32
        %reduce_max3A_3621 = vector.broadcast %reduce_max3A_3620 : i32 to vector<16xi32>
        %reduce_max3A_3622 = arith.xori %select_n3A_3617, %reduce_max3A_3621 : vector<16xi32>
        %reduce_max3A_3623 = tpu.scan <max>, %reduce_max3A_3622 masked %reduce_max3A_3619 : vector<16xi32>, vector<16xi1> -> vector<16xi32>
        %reduce_max3A_3624 = arith.xori %reduce_max3A_3623, %reduce_max3A_3621 : vector<16xi32>
        %reduce_max3A_3625 = vector.extract %reduce_max3A_3624[15] : i32 from vector<16xi32>
        %jit3A_3626 = arith.constant 1024 : i32
        %div3A_3627 = arith.divsi %reduce_max3A_3625, %jit3A_3626 : i32
        %sign3A_3628 = arith.constant 0 : i32
        %sign3A_3629 = arith.cmpi sgt, %reduce_max3A_3625, %sign3A_3628 : i32
        %sign3A_3630 = arith.extui %sign3A_3629 : i1 to i32
        %sign3A_3631 = arith.constant 0 : i32
        %sign3A_3632 = arith.cmpi slt, %reduce_max3A_3625, %sign3A_3631 : i32
        %sign3A_3633 = arith.extui %sign3A_3632 : i1 to i32
        %sign3A_3634 = arith.subi %sign3A_3630, %sign3A_3633 : i32
        %sign3A_3635 = arith.constant 0 : i32
        %sign3A_3636 = arith.cmpi sgt, %jit3A_3626, %sign3A_3635 : i32
        %sign3A_3637 = arith.extui %sign3A_3636 : i1 to i32
        %sign3A_3638 = arith.constant 0 : i32
        %sign3A_3639 = arith.cmpi slt, %jit3A_3626, %sign3A_3638 : i32
        %sign3A_3640 = arith.extui %sign3A_3639 : i1 to i32
        %sign3A_3641 = arith.subi %sign3A_3637, %sign3A_3640 : i32
        %ne3A_3642 = arith.cmpi ne, %sign3A_3634, %sign3A_3641 : i32
        %rem3A_3643 = arith.remsi %reduce_max3A_3625, %jit3A_3626 : i32
        %ne3A_3644 = arith.constant 0 : i32
        %ne3A_3645 = arith.cmpi ne, %rem3A_3643, %ne3A_3644 : i32
        %and3A_3646 = arith.andi %ne3A_3642, %ne3A_3645 : i1
        %sub3A_3647 = arith.constant 1 : i32
        %sub3A_3648 = arith.subi %div3A_3627, %sub3A_3647 : i32
        %select_n3A_3649 = arith.select %and3A_3646, %sub3A_3648, %div3A_3627 : i32
        %mul3A_3650 = arith.constant 1024 : i32
        %mul3A_3651 = arith.muli %select_n3A_3649, %mul3A_3650 : i32
        %sub3A_3652 = arith.subi %reduce_max3A_3625, %mul3A_3651 : i32
        %eq3A_3653 = arith.constant 15 : i32
        %eq3A_3654 = vector.broadcast %eq3A_3653 : i32 to vector<16xi32>
        %eq3A_3655 = arith.cmpi eq, %iota3A, %eq3A_3654 : vector<16xi32>
        %select_n3A_3656 = arith.select %eq3A_3655, %get3A_3067, %broadcast_in_dim3A_3 : vector<16xi1>, vector<16xi32>
        %reduce_max3A_3657 = arith.constant true
        %reduce_max3A_3658 = vector.broadcast %reduce_max3A_3657 : i1 to vector<16xi1>
        %reduce_max3A_3659 = arith.constant -2147483648 : i32
        %reduce_max3A_3660 = vector.broadcast %reduce_max3A_3659 : i32 to vector<16xi32>
        %reduce_max3A_3661 = arith.xori %select_n3A_3656, %reduce_max3A_3660 : vector<16xi32>
        %reduce_max3A_3662 = tpu.scan <max>, %reduce_max3A_3661 masked %reduce_max3A_3658 : vector<16xi32>, vector<16xi1> -> vector<16xi32>
        %reduce_max3A_3663 = arith.xori %reduce_max3A_3662, %reduce_max3A_3660 : vector<16xi32>
        %reduce_max3A_3664 = vector.extract %reduce_max3A_3663[15] : i32 from vector<16xi32>
        %jit3A_3665 = arith.constant 1024 : i32
        %div3A_3666 = arith.divsi %reduce_max3A_3664, %jit3A_3665 : i32
        %sign3A_3667 = arith.constant 0 : i32
        %sign3A_3668 = arith.cmpi sgt, %reduce_max3A_3664, %sign3A_3667 : i32
        %sign3A_3669 = arith.extui %sign3A_3668 : i1 to i32
        %sign3A_3670 = arith.constant 0 : i32
        %sign3A_3671 = arith.cmpi slt, %reduce_max3A_3664, %sign3A_3670 : i32
        %sign3A_3672 = arith.extui %sign3A_3671 : i1 to i32
        %sign3A_3673 = arith.subi %sign3A_3669, %sign3A_3672 : i32
        %sign3A_3674 = arith.constant 0 : i32
        %sign3A_3675 = arith.cmpi sgt, %jit3A_3665, %sign3A_3674 : i32
        %sign3A_3676 = arith.extui %sign3A_3675 : i1 to i32
        %sign3A_3677 = arith.constant 0 : i32
        %sign3A_3678 = arith.cmpi slt, %jit3A_3665, %sign3A_3677 : i32
        %sign3A_3679 = arith.extui %sign3A_3678 : i1 to i32
        %sign3A_3680 = arith.subi %sign3A_3676, %sign3A_3679 : i32
        %ne3A_3681 = arith.cmpi ne, %sign3A_3673, %sign3A_3680 : i32
        %rem3A_3682 = arith.remsi %reduce_max3A_3664, %jit3A_3665 : i32
        %ne3A_3683 = arith.constant 0 : i32
        %ne3A_3684 = arith.cmpi ne, %rem3A_3682, %ne3A_3683 : i32
        %and3A_3685 = arith.andi %ne3A_3681, %ne3A_3684 : i1
        %sub3A_3686 = arith.constant 1 : i32
        %sub3A_3687 = arith.subi %div3A_3666, %sub3A_3686 : i32
        %select_n3A_3688 = arith.select %and3A_3685, %sub3A_3687, %div3A_3666 : i32
        %mul3A_3689 = arith.constant 1024 : i32
        %mul3A_3690 = arith.muli %select_n3A_3688, %mul3A_3689 : i32
        %sub3A_3691 = arith.subi %reduce_max3A_3664, %mul3A_3690 : i32
        %jit3A_3692 = arith.constant 8 : i32
        %div3A_3693 = arith.divsi %select_n3A_3103, %jit3A_3692 : i32
        %sign3A_3694 = arith.constant 0 : i32
        %sign3A_3695 = arith.cmpi sgt, %select_n3A_3103, %sign3A_3694 : i32
        %sign3A_3696 = arith.extui %sign3A_3695 : i1 to i32
        %sign3A_3697 = arith.constant 0 : i32
        %sign3A_3698 = arith.cmpi slt, %select_n3A_3103, %sign3A_3697 : i32
        %sign3A_3699 = arith.extui %sign3A_3698 : i1 to i32
        %sign3A_3700 = arith.subi %sign3A_3696, %sign3A_3699 : i32
        %sign3A_3701 = arith.constant 0 : i32
        %sign3A_3702 = arith.cmpi sgt, %jit3A_3692, %sign3A_3701 : i32
        %sign3A_3703 = arith.extui %sign3A_3702 : i1 to i32
        %sign3A_3704 = arith.constant 0 : i32
        %sign3A_3705 = arith.cmpi slt, %jit3A_3692, %sign3A_3704 : i32
        %sign3A_3706 = arith.extui %sign3A_3705 : i1 to i32
        %sign3A_3707 = arith.subi %sign3A_3703, %sign3A_3706 : i32
        %ne3A_3708 = arith.cmpi ne, %sign3A_3700, %sign3A_3707 : i32
        %rem3A_3709 = arith.remsi %select_n3A_3103, %jit3A_3692 : i32
        %ne3A_3710 = arith.constant 0 : i32
        %ne3A_3711 = arith.cmpi ne, %rem3A_3709, %ne3A_3710 : i32
        %and3A_3712 = arith.andi %ne3A_3708, %ne3A_3711 : i1
        %sub3A_3713 = arith.constant 1 : i32
        %sub3A_3714 = arith.subi %div3A_3693, %sub3A_3713 : i32
        %select_n3A_3715 = arith.select %and3A_3712, %sub3A_3714, %div3A_3693 : i32
        %mul3A_3716 = arith.constant 8 : i32
        %mul3A_3717 = arith.muli %select_n3A_3715, %mul3A_3716 : i32
        %dma_start3A_3718 = arith.constant 0 : i32
        %dma_start3A_3719 = arith.constant 0 : i32
        %dma_start3A_3720 = arith.constant 0 : i32
        %dma_start3A_3721 = tpu.memref_slice %arg7[%rem3A_3063, %dma_start3A_3718, %dma_start3A_3719, %dma_start3A_3720] : memref<2x16x8x64xf32, #tpu.memory_space<vmem>> -> memref<1x1x8x64xf32, #tpu.memory_space<vmem>>
        %dma_start3A_3722 = tpu.memref_squeeze %dma_start3A_3721 : memref<1x1x8x64xf32, #tpu.memory_space<vmem>> -> memref<8x64xf32, #tpu.memory_space<vmem>>
        %dma_start3A_3723 = arith.constant 0 : i32
        %dma_start3A_3724 = tpu.memref_slice %arg4[%mul3A_3717, %dma_start3A_3723] : memref<1000001x64xf32, #tpu.memory_space<hbm>> -> memref<8x64xf32, #tpu.memory_space<hbm>>
        %dma_start3A_3725 = arith.constant 0 : i32
        %dma_start3A_3726 = arith.constant 0 : i32
        %dma_start3A_3727 = tpu.memref_slice %arg7[%rem3A_3063, %dma_start3A_3718, %dma_start3A_3725, %dma_start3A_3726] : memref<2x16x8x64xf32, #tpu.memory_space<vmem>> -> memref<1x1x8x64xf32, #tpu.memory_space<vmem>>
        %dma_start3A_3728 = tpu.memref_squeeze %dma_start3A_3727 : memref<1x1x8x64xf32, #tpu.memory_space<vmem>> -> memref<8x64xf32, #tpu.memory_space<vmem>>
        %dma_start3A_3729 = arith.constant 0 : i32
        %dma_start3A_3730 = tpu.memref_slice %arg4[%mul3A_3717, %dma_start3A_3729] : memref<1000001x64xf32, #tpu.memory_space<hbm>> -> memref<8x64xf32, #tpu.memory_space<hbm>>
        tpu.enqueue_dma source(%dma_start3A_3730 : memref<8x64xf32, #tpu.memory_space<hbm>>) target(%dma_start3A_3728 : memref<8x64xf32, #tpu.memory_space<vmem>>) target_semaphore(%arg10 : memref<!tpu.dma_semaphore, #tpu.memory_space<semaphore_mem>>)
        %jit3A_3731 = arith.constant 8 : i32
        %div3A_3732 = arith.divsi %select_n3A_3142, %jit3A_3731 : i32
        %sign3A_3733 = arith.constant 0 : i32
        %sign3A_3734 = arith.cmpi sgt, %select_n3A_3142, %sign3A_3733 : i32
        %sign3A_3735 = arith.extui %sign3A_3734 : i1 to i32
        %sign3A_3736 = arith.constant 0 : i32
        %sign3A_3737 = arith.cmpi slt, %select_n3A_3142, %sign3A_3736 : i32
        %sign3A_3738 = arith.extui %sign3A_3737 : i1 to i32
        %sign3A_3739 = arith.subi %sign3A_3735, %sign3A_3738 : i32
        %sign3A_3740 = arith.constant 0 : i32
        %sign3A_3741 = arith.cmpi sgt, %jit3A_3731, %sign3A_3740 : i32
        %sign3A_3742 = arith.extui %sign3A_3741 : i1 to i32
        %sign3A_3743 = arith.constant 0 : i32
        %sign3A_3744 = arith.cmpi slt, %jit3A_3731, %sign3A_3743 : i32
        %sign3A_3745 = arith.extui %sign3A_3744 : i1 to i32
        %sign3A_3746 = arith.subi %sign3A_3742, %sign3A_3745 : i32
        %ne3A_3747 = arith.cmpi ne, %sign3A_3739, %sign3A_3746 : i32
        %rem3A_3748 = arith.remsi %select_n3A_3142, %jit3A_3731 : i32
        %ne3A_3749 = arith.constant 0 : i32
        %ne3A_3750 = arith.cmpi ne, %rem3A_3748, %ne3A_3749 : i32
        %and3A_3751 = arith.andi %ne3A_3747, %ne3A_3750 : i1
        %sub3A_3752 = arith.constant 1 : i32
        %sub3A_3753 = arith.subi %div3A_3732, %sub3A_3752 : i32
        %select_n3A_3754 = arith.select %and3A_3751, %sub3A_3753, %div3A_3732 : i32
        %mul3A_3755 = arith.constant 8 : i32
        %mul3A_3756 = arith.muli %select_n3A_3754, %mul3A_3755 : i32
        %dma_start3A_3757 = arith.constant 1 : i32
        %dma_start3A_3758 = arith.constant 0 : i32
        %dma_start3A_3759 = arith.constant 0 : i32
        %dma_start3A_3760 = tpu.memref_slice %arg7[%rem3A_3063, %dma_start3A_3757, %dma_start3A_3758, %dma_start3A_3759] : memref<2x16x8x64xf32, #tpu.memory_space<vmem>> -> memref<1x1x8x64xf32, #tpu.memory_space<vmem>>
        %dma_start3A_3761 = tpu.memref_squeeze %dma_start3A_3760 : memref<1x1x8x64xf32, #tpu.memory_space<vmem>> -> memref<8x64xf32, #tpu.memory_space<vmem>>
        %dma_start3A_3762 = arith.constant 0 : i32
        %dma_start3A_3763 = tpu.memref_slice %arg4[%mul3A_3756, %dma_start3A_3762] : memref<1000001x64xf32, #tpu.memory_space<hbm>> -> memref<8x64xf32, #tpu.memory_space<hbm>>
        %dma_start3A_3764 = arith.constant 0 : i32
        %dma_start3A_3765 = arith.constant 0 : i32
        %dma_start3A_3766 = tpu.memref_slice %arg7[%rem3A_3063, %dma_start3A_3757, %dma_start3A_3764, %dma_start3A_3765] : memref<2x16x8x64xf32, #tpu.memory_space<vmem>> -> memref<1x1x8x64xf32, #tpu.memory_space<vmem>>
        %dma_start3A_3767 = tpu.memref_squeeze %dma_start3A_3766 : memref<1x1x8x64xf32, #tpu.memory_space<vmem>> -> memref<8x64xf32, #tpu.memory_space<vmem>>
        %dma_start3A_3768 = arith.constant 0 : i32
        %dma_start3A_3769 = tpu.memref_slice %arg4[%mul3A_3756, %dma_start3A_3768] : memref<1000001x64xf32, #tpu.memory_space<hbm>> -> memref<8x64xf32, #tpu.memory_space<hbm>>
        tpu.enqueue_dma source(%dma_start3A_3769 : memref<8x64xf32, #tpu.memory_space<hbm>>) target(%dma_start3A_3767 : memref<8x64xf32, #tpu.memory_space<vmem>>) target_semaphore(%arg10 : memref<!tpu.dma_semaphore, #tpu.memory_space<semaphore_mem>>)
        %jit3A_3770 = arith.constant 8 : i32
        %div3A_3771 = arith.divsi %select_n3A_3181, %jit3A_3770 : i32
        %sign3A_3772 = arith.constant 0 : i32
        %sign3A_3773 = arith.cmpi sgt, %select_n3A_3181, %sign3A_3772 : i32
        %sign3A_3774 = arith.extui %sign3A_3773 : i1 to i32
        %sign3A_3775 = arith.constant 0 : i32
        %sign3A_3776 = arith.cmpi slt, %select_n3A_3181, %sign3A_3775 : i32
        %sign3A_3777 = arith.extui %sign3A_3776 : i1 to i32
        %sign3A_3778 = arith.subi %sign3A_3774, %sign3A_3777 : i32
        %sign3A_3779 = arith.constant 0 : i32
        %sign3A_3780 = arith.cmpi sgt, %jit3A_3770, %sign3A_3779 : i32
        %sign3A_3781 = arith.extui %sign3A_3780 : i1 to i32
        %sign3A_3782 = arith.constant 0 : i32
        %sign3A_3783 = arith.cmpi slt, %jit3A_3770, %sign3A_3782 : i32
        %sign3A_3784 = arith.extui %sign3A_3783 : i1 to i32
        %sign3A_3785 = arith.subi %sign3A_3781, %sign3A_3784 : i32
        %ne3A_3786 = arith.cmpi ne, %sign3A_3778, %sign3A_3785 : i32
        %rem3A_3787 = arith.remsi %select_n3A_3181, %jit3A_3770 : i32
        %ne3A_3788 = arith.constant 0 : i32
        %ne3A_3789 = arith.cmpi ne, %rem3A_3787, %ne3A_3788 : i32
        %and3A_3790 = arith.andi %ne3A_3786, %ne3A_3789 : i1
        %sub3A_3791 = arith.constant 1 : i32
        %sub3A_3792 = arith.subi %div3A_3771, %sub3A_3791 : i32
        %select_n3A_3793 = arith.select %and3A_3790, %sub3A_3792, %div3A_3771 : i32
        %mul3A_3794 = arith.constant 8 : i32
        %mul3A_3795 = arith.muli %select_n3A_3793, %mul3A_3794 : i32
        %dma_start3A_3796 = arith.constant 2 : i32
        %dma_start3A_3797 = arith.constant 0 : i32
        %dma_start3A_3798 = arith.constant 0 : i32
        %dma_start3A_3799 = tpu.memref_slice %arg7[%rem3A_3063, %dma_start3A_3796, %dma_start3A_3797, %dma_start3A_3798] : memref<2x16x8x64xf32, #tpu.memory_space<vmem>> -> memref<1x1x8x64xf32, #tpu.memory_space<vmem>>
        %dma_start3A_3800 = tpu.memref_squeeze %dma_start3A_3799 : memref<1x1x8x64xf32, #tpu.memory_space<vmem>> -> memref<8x64xf32, #tpu.memory_space<vmem>>
        %dma_start3A_3801 = arith.constant 0 : i32
        %dma_start3A_3802 = tpu.memref_slice %arg4[%mul3A_3795, %dma_start3A_3801] : memref<1000001x64xf32, #tpu.memory_space<hbm>> -> memref<8x64xf32, #tpu.memory_space<hbm>>
        %dma_start3A_3803 = arith.constant 0 : i32
        %dma_start3A_3804 = arith.constant 0 : i32
        %dma_start3A_3805 = tpu.memref_slice %arg7[%rem3A_3063, %dma_start3A_3796, %dma_start3A_3803, %dma_start3A_3804] : memref<2x16x8x64xf32, #tpu.memory_space<vmem>> -> memref<1x1x8x64xf32, #tpu.memory_space<vmem>>
        %dma_start3A_3806 = tpu.memref_squeeze %dma_start3A_3805 : memref<1x1x8x64xf32, #tpu.memory_space<vmem>> -> memref<8x64xf32, #tpu.memory_space<vmem>>
        %dma_start3A_3807 = arith.constant 0 : i32
        %dma_start3A_3808 = tpu.memref_slice %arg4[%mul3A_3795, %dma_start3A_3807] : memref<1000001x64xf32, #tpu.memory_space<hbm>> -> memref<8x64xf32, #tpu.memory_space<hbm>>
        tpu.enqueue_dma source(%dma_start3A_3808 : memref<8x64xf32, #tpu.memory_space<hbm>>) target(%dma_start3A_3806 : memref<8x64xf32, #tpu.memory_space<vmem>>) target_semaphore(%arg10 : memref<!tpu.dma_semaphore, #tpu.memory_space<semaphore_mem>>)
        %jit3A_3809 = arith.constant 8 : i32
        %div3A_3810 = arith.divsi %select_n3A_3220, %jit3A_3809 : i32
        %sign3A_3811 = arith.constant 0 : i32
        %sign3A_3812 = arith.cmpi sgt, %select_n3A_3220, %sign3A_3811 : i32
        %sign3A_3813 = arith.extui %sign3A_3812 : i1 to i32
        %sign3A_3814 = arith.constant 0 : i32
        %sign3A_3815 = arith.cmpi slt, %select_n3A_3220, %sign3A_3814 : i32
        %sign3A_3816 = arith.extui %sign3A_3815 : i1 to i32
        %sign3A_3817 = arith.subi %sign3A_3813, %sign3A_3816 : i32
        %sign3A_3818 = arith.constant 0 : i32
        %sign3A_3819 = arith.cmpi sgt, %jit3A_3809, %sign3A_3818 : i32
        %sign3A_3820 = arith.extui %sign3A_3819 : i1 to i32
        %sign3A_3821 = arith.constant 0 : i32
        %sign3A_3822 = arith.cmpi slt, %jit3A_3809, %sign3A_3821 : i32
        %sign3A_3823 = arith.extui %sign3A_3822 : i1 to i32
        %sign3A_3824 = arith.subi %sign3A_3820, %sign3A_3823 : i32
        %ne3A_3825 = arith.cmpi ne, %sign3A_3817, %sign3A_3824 : i32
        %rem3A_3826 = arith.remsi %select_n3A_3220, %jit3A_3809 : i32
        %ne3A_3827 = arith.constant 0 : i32
        %ne3A_3828 = arith.cmpi ne, %rem3A_3826, %ne3A_3827 : i32
        %and3A_3829 = arith.andi %ne3A_3825, %ne3A_3828 : i1
        %sub3A_3830 = arith.constant 1 : i32
        %sub3A_3831 = arith.subi %div3A_3810, %sub3A_3830 : i32
        %select_n3A_3832 = arith.select %and3A_3829, %sub3A_3831, %div3A_3810 : i32
        %mul3A_3833 = arith.constant 8 : i32
        %mul3A_3834 = arith.muli %select_n3A_3832, %mul3A_3833 : i32
        %dma_start3A_3835 = arith.constant 3 : i32
        %dma_start3A_3836 = arith.constant 0 : i32
        %dma_start3A_3837 = arith.constant 0 : i32
        %dma_start3A_3838 = tpu.memref_slice %arg7[%rem3A_3063, %dma_start3A_3835, %dma_start3A_3836, %dma_start3A_3837] : memref<2x16x8x64xf32, #tpu.memory_space<vmem>> -> memref<1x1x8x64xf32, #tpu.memory_space<vmem>>
        %dma_start3A_3839 = tpu.memref_squeeze %dma_start3A_3838 : memref<1x1x8x64xf32, #tpu.memory_space<vmem>> -> memref<8x64xf32, #tpu.memory_space<vmem>>
        %dma_start3A_3840 = arith.constant 0 : i32
        %dma_start3A_3841 = tpu.memref_slice %arg4[%mul3A_3834, %dma_start3A_3840] : memref<1000001x64xf32, #tpu.memory_space<hbm>> -> memref<8x64xf32, #tpu.memory_space<hbm>>
        %dma_start3A_3842 = arith.constant 0 : i32
        %dma_start3A_3843 = arith.constant 0 : i32
        %dma_start3A_3844 = tpu.memref_slice %arg7[%rem3A_3063, %dma_start3A_3835, %dma_start3A_3842, %dma_start3A_3843] : memref<2x16x8x64xf32, #tpu.memory_space<vmem>> -> memref<1x1x8x64xf32, #tpu.memory_space<vmem>>
        %dma_start3A_3845 = tpu.memref_squeeze %dma_start3A_3844 : memref<1x1x8x64xf32, #tpu.memory_space<vmem>> -> memref<8x64xf32, #tpu.memory_space<vmem>>
        %dma_start3A_3846 = arith.constant 0 : i32
        %dma_start3A_3847 = tpu.memref_slice %arg4[%mul3A_3834, %dma_start3A_3846] : memref<1000001x64xf32, #tpu.memory_space<hbm>> -> memref<8x64xf32, #tpu.memory_space<hbm>>
        tpu.enqueue_dma source(%dma_start3A_3847 : memref<8x64xf32, #tpu.memory_space<hbm>>) target(%dma_start3A_3845 : memref<8x64xf32, #tpu.memory_space<vmem>>) target_semaphore(%arg10 : memref<!tpu.dma_semaphore, #tpu.memory_space<semaphore_mem>>)
        %jit3A_3848 = arith.constant 8 : i32
        %div3A_3849 = arith.divsi %select_n3A_3259, %jit3A_3848 : i32
        %sign3A_3850 = arith.constant 0 : i32
        %sign3A_3851 = arith.cmpi sgt, %select_n3A_3259, %sign3A_3850 : i32
        %sign3A_3852 = arith.extui %sign3A_3851 : i1 to i32
        %sign3A_3853 = arith.constant 0 : i32
        %sign3A_3854 = arith.cmpi slt, %select_n3A_3259, %sign3A_3853 : i32
        %sign3A_3855 = arith.extui %sign3A_3854 : i1 to i32
        %sign3A_3856 = arith.subi %sign3A_3852, %sign3A_3855 : i32
        %sign3A_3857 = arith.constant 0 : i32
        %sign3A_3858 = arith.cmpi sgt, %jit3A_3848, %sign3A_3857 : i32
        %sign3A_3859 = arith.extui %sign3A_3858 : i1 to i32
        %sign3A_3860 = arith.constant 0 : i32
        %sign3A_3861 = arith.cmpi slt, %jit3A_3848, %sign3A_3860 : i32
        %sign3A_3862 = arith.extui %sign3A_3861 : i1 to i32
        %sign3A_3863 = arith.subi %sign3A_3859, %sign3A_3862 : i32
        %ne3A_3864 = arith.cmpi ne, %sign3A_3856, %sign3A_3863 : i32
        %rem3A_3865 = arith.remsi %select_n3A_3259, %jit3A_3848 : i32
        %ne3A_3866 = arith.constant 0 : i32
        %ne3A_3867 = arith.cmpi ne, %rem3A_3865, %ne3A_3866 : i32
        %and3A_3868 = arith.andi %ne3A_3864, %ne3A_3867 : i1
        %sub3A_3869 = arith.constant 1 : i32
        %sub3A_3870 = arith.subi %div3A_3849, %sub3A_3869 : i32
        %select_n3A_3871 = arith.select %and3A_3868, %sub3A_3870, %div3A_3849 : i32
        %mul3A_3872 = arith.constant 8 : i32
        %mul3A_3873 = arith.muli %select_n3A_3871, %mul3A_3872 : i32
        %dma_start3A_3874 = arith.constant 4 : i32
        %dma_start3A_3875 = arith.constant 0 : i32
        %dma_start3A_3876 = arith.constant 0 : i32
        %dma_start3A_3877 = tpu.memref_slice %arg7[%rem3A_3063, %dma_start3A_3874, %dma_start3A_3875, %dma_start3A_3876] : memref<2x16x8x64xf32, #tpu.memory_space<vmem>> -> memref<1x1x8x64xf32, #tpu.memory_space<vmem>>
        %dma_start3A_3878 = tpu.memref_squeeze %dma_start3A_3877 : memref<1x1x8x64xf32, #tpu.memory_space<vmem>> -> memref<8x64xf32, #tpu.memory_space<vmem>>
        %dma_start3A_3879 = arith.constant 0 : i32
        %dma_start3A_3880 = tpu.memref_slice %arg4[%mul3A_3873, %dma_start3A_3879] : memref<1000001x64xf32, #tpu.memory_space<hbm>> -> memref<8x64xf32, #tpu.memory_space<hbm>>
        %dma_start3A_3881 = arith.constant 0 : i32
        %dma_start3A_3882 = arith.constant 0 : i32
        %dma_start3A_3883 = tpu.memref_slice %arg7[%rem3A_3063, %dma_start3A_3874, %dma_start3A_3881, %dma_start3A_3882] : memref<2x16x8x64xf32, #tpu.memory_space<vmem>> -> memref<1x1x8x64xf32, #tpu.memory_space<vmem>>
        %dma_start3A_3884 = tpu.memref_squeeze %dma_start3A_3883 : memref<1x1x8x64xf32, #tpu.memory_space<vmem>> -> memref<8x64xf32, #tpu.memory_space<vmem>>
        %dma_start3A_3885 = arith.constant 0 : i32
        %dma_start3A_3886 = tpu.memref_slice %arg4[%mul3A_3873, %dma_start3A_3885] : memref<1000001x64xf32, #tpu.memory_space<hbm>> -> memref<8x64xf32, #tpu.memory_space<hbm>>
        tpu.enqueue_dma source(%dma_start3A_3886 : memref<8x64xf32, #tpu.memory_space<hbm>>) target(%dma_start3A_3884 : memref<8x64xf32, #tpu.memory_space<vmem>>) target_semaphore(%arg10 : memref<!tpu.dma_semaphore, #tpu.memory_space<semaphore_mem>>)
        %jit3A_3887 = arith.constant 8 : i32
        %div3A_3888 = arith.divsi %select_n3A_3298, %jit3A_3887 : i32
        %sign3A_3889 = arith.constant 0 : i32
        %sign3A_3890 = arith.cmpi sgt, %select_n3A_3298, %sign3A_3889 : i32
        %sign3A_3891 = arith.extui %sign3A_3890 : i1 to i32
        %sign3A_3892 = arith.constant 0 : i32
        %sign3A_3893 = arith.cmpi slt, %select_n3A_3298, %sign3A_3892 : i32
        %sign3A_3894 = arith.extui %sign3A_3893 : i1 to i32
        %sign3A_3895 = arith.subi %sign3A_3891, %sign3A_3894 : i32
        %sign3A_3896 = arith.constant 0 : i32
        %sign3A_3897 = arith.cmpi sgt, %jit3A_3887, %sign3A_3896 : i32
        %sign3A_3898 = arith.extui %sign3A_3897 : i1 to i32
        %sign3A_3899 = arith.constant 0 : i32
        %sign3A_3900 = arith.cmpi slt, %jit3A_3887, %sign3A_3899 : i32
        %sign3A_3901 = arith.extui %sign3A_3900 : i1 to i32
        %sign3A_3902 = arith.subi %sign3A_3898, %sign3A_3901 : i32
        %ne3A_3903 = arith.cmpi ne, %sign3A_3895, %sign3A_3902 : i32
        %rem3A_3904 = arith.remsi %select_n3A_3298, %jit3A_3887 : i32
        %ne3A_3905 = arith.constant 0 : i32
        %ne3A_3906 = arith.cmpi ne, %rem3A_3904, %ne3A_3905 : i32
        %and3A_3907 = arith.andi %ne3A_3903, %ne3A_3906 : i1
        %sub3A_3908 = arith.constant 1 : i32
        %sub3A_3909 = arith.subi %div3A_3888, %sub3A_3908 : i32
        %select_n3A_3910 = arith.select %and3A_3907, %sub3A_3909, %div3A_3888 : i32
        %mul3A_3911 = arith.constant 8 : i32
        %mul3A_3912 = arith.muli %select_n3A_3910, %mul3A_3911 : i32
        %dma_start3A_3913 = arith.constant 5 : i32
        %dma_start3A_3914 = arith.constant 0 : i32
        %dma_start3A_3915 = arith.constant 0 : i32
        %dma_start3A_3916 = tpu.memref_slice %arg7[%rem3A_3063, %dma_start3A_3913, %dma_start3A_3914, %dma_start3A_3915] : memref<2x16x8x64xf32, #tpu.memory_space<vmem>> -> memref<1x1x8x64xf32, #tpu.memory_space<vmem>>
        %dma_start3A_3917 = tpu.memref_squeeze %dma_start3A_3916 : memref<1x1x8x64xf32, #tpu.memory_space<vmem>> -> memref<8x64xf32, #tpu.memory_space<vmem>>
        %dma_start3A_3918 = arith.constant 0 : i32
        %dma_start3A_3919 = tpu.memref_slice %arg4[%mul3A_3912, %dma_start3A_3918] : memref<1000001x64xf32, #tpu.memory_space<hbm>> -> memref<8x64xf32, #tpu.memory_space<hbm>>
        %dma_start3A_3920 = arith.constant 0 : i32
        %dma_start3A_3921 = arith.constant 0 : i32
        %dma_start3A_3922 = tpu.memref_slice %arg7[%rem3A_3063, %dma_start3A_3913, %dma_start3A_3920, %dma_start3A_3921] : memref<2x16x8x64xf32, #tpu.memory_space<vmem>> -> memref<1x1x8x64xf32, #tpu.memory_space<vmem>>
        %dma_start3A_3923 = tpu.memref_squeeze %dma_start3A_3922 : memref<1x1x8x64xf32, #tpu.memory_space<vmem>> -> memref<8x64xf32, #tpu.memory_space<vmem>>
        %dma_start3A_3924 = arith.constant 0 : i32
        %dma_start3A_3925 = tpu.memref_slice %arg4[%mul3A_3912, %dma_start3A_3924] : memref<1000001x64xf32, #tpu.memory_space<hbm>> -> memref<8x64xf32, #tpu.memory_space<hbm>>
        tpu.enqueue_dma source(%dma_start3A_3925 : memref<8x64xf32, #tpu.memory_space<hbm>>) target(%dma_start3A_3923 : memref<8x64xf32, #tpu.memory_space<vmem>>) target_semaphore(%arg10 : memref<!tpu.dma_semaphore, #tpu.memory_space<semaphore_mem>>)
        %jit3A_3926 = arith.constant 8 : i32
        %div3A_3927 = arith.divsi %select_n3A_3337, %jit3A_3926 : i32
        %sign3A_3928 = arith.constant 0 : i32
        %sign3A_3929 = arith.cmpi sgt, %select_n3A_3337, %sign3A_3928 : i32
        %sign3A_3930 = arith.extui %sign3A_3929 : i1 to i32
        %sign3A_3931 = arith.constant 0 : i32
        %sign3A_3932 = arith.cmpi slt, %select_n3A_3337, %sign3A_3931 : i32
        %sign3A_3933 = arith.extui %sign3A_3932 : i1 to i32
        %sign3A_3934 = arith.subi %sign3A_3930, %sign3A_3933 : i32
        %sign3A_3935 = arith.constant 0 : i32
        %sign3A_3936 = arith.cmpi sgt, %jit3A_3926, %sign3A_3935 : i32
        %sign3A_3937 = arith.extui %sign3A_3936 : i1 to i32
        %sign3A_3938 = arith.constant 0 : i32
        %sign3A_3939 = arith.cmpi slt, %jit3A_3926, %sign3A_3938 : i32
        %sign3A_3940 = arith.extui %sign3A_3939 : i1 to i32
        %sign3A_3941 = arith.subi %sign3A_3937, %sign3A_3940 : i32
        %ne3A_3942 = arith.cmpi ne, %sign3A_3934, %sign3A_3941 : i32
        %rem3A_3943 = arith.remsi %select_n3A_3337, %jit3A_3926 : i32
        %ne3A_3944 = arith.constant 0 : i32
        %ne3A_3945 = arith.cmpi ne, %rem3A_3943, %ne3A_3944 : i32
        %and3A_3946 = arith.andi %ne3A_3942, %ne3A_3945 : i1
        %sub3A_3947 = arith.constant 1 : i32
        %sub3A_3948 = arith.subi %div3A_3927, %sub3A_3947 : i32
        %select_n3A_3949 = arith.select %and3A_3946, %sub3A_3948, %div3A_3927 : i32
        %mul3A_3950 = arith.constant 8 : i32
        %mul3A_3951 = arith.muli %select_n3A_3949, %mul3A_3950 : i32
        %dma_start3A_3952 = arith.constant 6 : i32
        %dma_start3A_3953 = arith.constant 0 : i32
        %dma_start3A_3954 = arith.constant 0 : i32
        %dma_start3A_3955 = tpu.memref_slice %arg7[%rem3A_3063, %dma_start3A_3952, %dma_start3A_3953, %dma_start3A_3954] : memref<2x16x8x64xf32, #tpu.memory_space<vmem>> -> memref<1x1x8x64xf32, #tpu.memory_space<vmem>>
        %dma_start3A_3956 = tpu.memref_squeeze %dma_start3A_3955 : memref<1x1x8x64xf32, #tpu.memory_space<vmem>> -> memref<8x64xf32, #tpu.memory_space<vmem>>
        %dma_start3A_3957 = arith.constant 0 : i32
        %dma_start3A_3958 = tpu.memref_slice %arg4[%mul3A_3951, %dma_start3A_3957] : memref<1000001x64xf32, #tpu.memory_space<hbm>> -> memref<8x64xf32, #tpu.memory_space<hbm>>
        %dma_start3A_3959 = arith.constant 0 : i32
        %dma_start3A_3960 = arith.constant 0 : i32
        %dma_start3A_3961 = tpu.memref_slice %arg7[%rem3A_3063, %dma_start3A_3952, %dma_start3A_3959, %dma_start3A_3960] : memref<2x16x8x64xf32, #tpu.memory_space<vmem>> -> memref<1x1x8x64xf32, #tpu.memory_space<vmem>>
        %dma_start3A_3962 = tpu.memref_squeeze %dma_start3A_3961 : memref<1x1x8x64xf32, #tpu.memory_space<vmem>> -> memref<8x64xf32, #tpu.memory_space<vmem>>
        %dma_start3A_3963 = arith.constant 0 : i32
        %dma_start3A_3964 = tpu.memref_slice %arg4[%mul3A_3951, %dma_start3A_3963] : memref<1000001x64xf32, #tpu.memory_space<hbm>> -> memref<8x64xf32, #tpu.memory_space<hbm>>
        tpu.enqueue_dma source(%dma_start3A_3964 : memref<8x64xf32, #tpu.memory_space<hbm>>) target(%dma_start3A_3962 : memref<8x64xf32, #tpu.memory_space<vmem>>) target_semaphore(%arg10 : memref<!tpu.dma_semaphore, #tpu.memory_space<semaphore_mem>>)
        %jit3A_3965 = arith.constant 8 : i32
        %div3A_3966 = arith.divsi %select_n3A_3376, %jit3A_3965 : i32
        %sign3A_3967 = arith.constant 0 : i32
        %sign3A_3968 = arith.cmpi sgt, %select_n3A_3376, %sign3A_3967 : i32
        %sign3A_3969 = arith.extui %sign3A_3968 : i1 to i32
        %sign3A_3970 = arith.constant 0 : i32
        %sign3A_3971 = arith.cmpi slt, %select_n3A_3376, %sign3A_3970 : i32
        %sign3A_3972 = arith.extui %sign3A_3971 : i1 to i32
        %sign3A_3973 = arith.subi %sign3A_3969, %sign3A_3972 : i32
        %sign3A_3974 = arith.constant 0 : i32
        %sign3A_3975 = arith.cmpi sgt, %jit3A_3965, %sign3A_3974 : i32
        %sign3A_3976 = arith.extui %sign3A_3975 : i1 to i32
        %sign3A_3977 = arith.constant 0 : i32
        %sign3A_3978 = arith.cmpi slt, %jit3A_3965, %sign3A_3977 : i32
        %sign3A_3979 = arith.extui %sign3A_3978 : i1 to i32
        %sign3A_3980 = arith.subi %sign3A_3976, %sign3A_3979 : i32
        %ne3A_3981 = arith.cmpi ne, %sign3A_3973, %sign3A_3980 : i32
        %rem3A_3982 = arith.remsi %select_n3A_3376, %jit3A_3965 : i32
        %ne3A_3983 = arith.constant 0 : i32
        %ne3A_3984 = arith.cmpi ne, %rem3A_3982, %ne3A_3983 : i32
        %and3A_3985 = arith.andi %ne3A_3981, %ne3A_3984 : i1
        %sub3A_3986 = arith.constant 1 : i32
        %sub3A_3987 = arith.subi %div3A_3966, %sub3A_3986 : i32
        %select_n3A_3988 = arith.select %and3A_3985, %sub3A_3987, %div3A_3966 : i32
        %mul3A_3989 = arith.constant 8 : i32
        %mul3A_3990 = arith.muli %select_n3A_3988, %mul3A_3989 : i32
        %dma_start3A_3991 = arith.constant 7 : i32
        %dma_start3A_3992 = arith.constant 0 : i32
        %dma_start3A_3993 = arith.constant 0 : i32
        %dma_start3A_3994 = tpu.memref_slice %arg7[%rem3A_3063, %dma_start3A_3991, %dma_start3A_3992, %dma_start3A_3993] : memref<2x16x8x64xf32, #tpu.memory_space<vmem>> -> memref<1x1x8x64xf32, #tpu.memory_space<vmem>>
        %dma_start3A_3995 = tpu.memref_squeeze %dma_start3A_3994 : memref<1x1x8x64xf32, #tpu.memory_space<vmem>> -> memref<8x64xf32, #tpu.memory_space<vmem>>
        %dma_start3A_3996 = arith.constant 0 : i32
        %dma_start3A_3997 = tpu.memref_slice %arg4[%mul3A_3990, %dma_start3A_3996] : memref<1000001x64xf32, #tpu.memory_space<hbm>> -> memref<8x64xf32, #tpu.memory_space<hbm>>
        %dma_start3A_3998 = arith.constant 0 : i32
        %dma_start3A_3999 = arith.constant 0 : i32
        %dma_start3A_4000 = tpu.memref_slice %arg7[%rem3A_3063, %dma_start3A_3991, %dma_start3A_3998, %dma_start3A_3999] : memref<2x16x8x64xf32, #tpu.memory_space<vmem>> -> memref<1x1x8x64xf32, #tpu.memory_space<vmem>>
        %dma_start3A_4001 = tpu.memref_squeeze %dma_start3A_4000 : memref<1x1x8x64xf32, #tpu.memory_space<vmem>> -> memref<8x64xf32, #tpu.memory_space<vmem>>
        %dma_start3A_4002 = arith.constant 0 : i32
        %dma_start3A_4003 = tpu.memref_slice %arg4[%mul3A_3990, %dma_start3A_4002] : memref<1000001x64xf32, #tpu.memory_space<hbm>> -> memref<8x64xf32, #tpu.memory_space<hbm>>
        tpu.enqueue_dma source(%dma_start3A_4003 : memref<8x64xf32, #tpu.memory_space<hbm>>) target(%dma_start3A_4001 : memref<8x64xf32, #tpu.memory_space<vmem>>) target_semaphore(%arg10 : memref<!tpu.dma_semaphore, #tpu.memory_space<semaphore_mem>>)
        %jit3A_4004 = arith.constant 8 : i32
        %div3A_4005 = arith.divsi %select_n3A_3415, %jit3A_4004 : i32
        %sign3A_4006 = arith.constant 0 : i32
        %sign3A_4007 = arith.cmpi sgt, %select_n3A_3415, %sign3A_4006 : i32
        %sign3A_4008 = arith.extui %sign3A_4007 : i1 to i32
        %sign3A_4009 = arith.constant 0 : i32
        %sign3A_4010 = arith.cmpi slt, %select_n3A_3415, %sign3A_4009 : i32
        %sign3A_4011 = arith.extui %sign3A_4010 : i1 to i32
        %sign3A_4012 = arith.subi %sign3A_4008, %sign3A_4011 : i32
        %sign3A_4013 = arith.constant 0 : i32
        %sign3A_4014 = arith.cmpi sgt, %jit3A_4004, %sign3A_4013 : i32
        %sign3A_4015 = arith.extui %sign3A_4014 : i1 to i32
        %sign3A_4016 = arith.constant 0 : i32
        %sign3A_4017 = arith.cmpi slt, %jit3A_4004, %sign3A_4016 : i32
        %sign3A_4018 = arith.extui %sign3A_4017 : i1 to i32
        %sign3A_4019 = arith.subi %sign3A_4015, %sign3A_4018 : i32
        %ne3A_4020 = arith.cmpi ne, %sign3A_4012, %sign3A_4019 : i32
        %rem3A_4021 = arith.remsi %select_n3A_3415, %jit3A_4004 : i32
        %ne3A_4022 = arith.constant 0 : i32
        %ne3A_4023 = arith.cmpi ne, %rem3A_4021, %ne3A_4022 : i32
        %and3A_4024 = arith.andi %ne3A_4020, %ne3A_4023 : i1
        %sub3A_4025 = arith.constant 1 : i32
        %sub3A_4026 = arith.subi %div3A_4005, %sub3A_4025 : i32
        %select_n3A_4027 = arith.select %and3A_4024, %sub3A_4026, %div3A_4005 : i32
        %mul3A_4028 = arith.constant 8 : i32
        %mul3A_4029 = arith.muli %select_n3A_4027, %mul3A_4028 : i32
        %dma_start3A_4030 = arith.constant 8 : i32
        %dma_start3A_4031 = arith.constant 0 : i32
        %dma_start3A_4032 = arith.constant 0 : i32
        %dma_start3A_4033 = tpu.memref_slice %arg7[%rem3A_3063, %dma_start3A_4030, %dma_start3A_4031, %dma_start3A_4032] : memref<2x16x8x64xf32, #tpu.memory_space<vmem>> -> memref<1x1x8x64xf32, #tpu.memory_space<vmem>>
        %dma_start3A_4034 = tpu.memref_squeeze %dma_start3A_4033 : memref<1x1x8x64xf32, #tpu.memory_space<vmem>> -> memref<8x64xf32, #tpu.memory_space<vmem>>
        %dma_start3A_4035 = arith.constant 0 : i32
        %dma_start3A_4036 = tpu.memref_slice %arg4[%mul3A_4029, %dma_start3A_4035] : memref<1000001x64xf32, #tpu.memory_space<hbm>> -> memref<8x64xf32, #tpu.memory_space<hbm>>
        %dma_start3A_4037 = arith.constant 0 : i32
        %dma_start3A_4038 = arith.constant 0 : i32
        %dma_start3A_4039 = tpu.memref_slice %arg7[%rem3A_3063, %dma_start3A_4030, %dma_start3A_4037, %dma_start3A_4038] : memref<2x16x8x64xf32, #tpu.memory_space<vmem>> -> memref<1x1x8x64xf32, #tpu.memory_space<vmem>>
        %dma_start3A_4040 = tpu.memref_squeeze %dma_start3A_4039 : memref<1x1x8x64xf32, #tpu.memory_space<vmem>> -> memref<8x64xf32, #tpu.memory_space<vmem>>
        %dma_start3A_4041 = arith.constant 0 : i32
        %dma_start3A_4042 = tpu.memref_slice %arg4[%mul3A_4029, %dma_start3A_4041] : memref<1000001x64xf32, #tpu.memory_space<hbm>> -> memref<8x64xf32, #tpu.memory_space<hbm>>
        tpu.enqueue_dma source(%dma_start3A_4042 : memref<8x64xf32, #tpu.memory_space<hbm>>) target(%dma_start3A_4040 : memref<8x64xf32, #tpu.memory_space<vmem>>) target_semaphore(%arg10 : memref<!tpu.dma_semaphore, #tpu.memory_space<semaphore_mem>>)
        %jit3A_4043 = arith.constant 8 : i32
        %div3A_4044 = arith.divsi %select_n3A_3454, %jit3A_4043 : i32
        %sign3A_4045 = arith.constant 0 : i32
        %sign3A_4046 = arith.cmpi sgt, %select_n3A_3454, %sign3A_4045 : i32
        %sign3A_4047 = arith.extui %sign3A_4046 : i1 to i32
        %sign3A_4048 = arith.constant 0 : i32
        %sign3A_4049 = arith.cmpi slt, %select_n3A_3454, %sign3A_4048 : i32
        %sign3A_4050 = arith.extui %sign3A_4049 : i1 to i32
        %sign3A_4051 = arith.subi %sign3A_4047, %sign3A_4050 : i32
        %sign3A_4052 = arith.constant 0 : i32
        %sign3A_4053 = arith.cmpi sgt, %jit3A_4043, %sign3A_4052 : i32
        %sign3A_4054 = arith.extui %sign3A_4053 : i1 to i32
        %sign3A_4055 = arith.constant 0 : i32
        %sign3A_4056 = arith.cmpi slt, %jit3A_4043, %sign3A_4055 : i32
        %sign3A_4057 = arith.extui %sign3A_4056 : i1 to i32
        %sign3A_4058 = arith.subi %sign3A_4054, %sign3A_4057 : i32
        %ne3A_4059 = arith.cmpi ne, %sign3A_4051, %sign3A_4058 : i32
        %rem3A_4060 = arith.remsi %select_n3A_3454, %jit3A_4043 : i32
        %ne3A_4061 = arith.constant 0 : i32
        %ne3A_4062 = arith.cmpi ne, %rem3A_4060, %ne3A_4061 : i32
        %and3A_4063 = arith.andi %ne3A_4059, %ne3A_4062 : i1
        %sub3A_4064 = arith.constant 1 : i32
        %sub3A_4065 = arith.subi %div3A_4044, %sub3A_4064 : i32
        %select_n3A_4066 = arith.select %and3A_4063, %sub3A_4065, %div3A_4044 : i32
        %mul3A_4067 = arith.constant 8 : i32
        %mul3A_4068 = arith.muli %select_n3A_4066, %mul3A_4067 : i32
        %dma_start3A_4069 = arith.constant 9 : i32
        %dma_start3A_4070 = arith.constant 0 : i32
        %dma_start3A_4071 = arith.constant 0 : i32
        %dma_start3A_4072 = tpu.memref_slice %arg7[%rem3A_3063, %dma_start3A_4069, %dma_start3A_4070, %dma_start3A_4071] : memref<2x16x8x64xf32, #tpu.memory_space<vmem>> -> memref<1x1x8x64xf32, #tpu.memory_space<vmem>>
        %dma_start3A_4073 = tpu.memref_squeeze %dma_start3A_4072 : memref<1x1x8x64xf32, #tpu.memory_space<vmem>> -> memref<8x64xf32, #tpu.memory_space<vmem>>
        %dma_start3A_4074 = arith.constant 0 : i32
        %dma_start3A_4075 = tpu.memref_slice %arg4[%mul3A_4068, %dma_start3A_4074] : memref<1000001x64xf32, #tpu.memory_space<hbm>> -> memref<8x64xf32, #tpu.memory_space<hbm>>
        %dma_start3A_4076 = arith.constant 0 : i32
        %dma_start3A_4077 = arith.constant 0 : i32
        %dma_start3A_4078 = tpu.memref_slice %arg7[%rem3A_3063, %dma_start3A_4069, %dma_start3A_4076, %dma_start3A_4077] : memref<2x16x8x64xf32, #tpu.memory_space<vmem>> -> memref<1x1x8x64xf32, #tpu.memory_space<vmem>>
        %dma_start3A_4079 = tpu.memref_squeeze %dma_start3A_4078 : memref<1x1x8x64xf32, #tpu.memory_space<vmem>> -> memref<8x64xf32, #tpu.memory_space<vmem>>
        %dma_start3A_4080 = arith.constant 0 : i32
        %dma_start3A_4081 = tpu.memref_slice %arg4[%mul3A_4068, %dma_start3A_4080] : memref<1000001x64xf32, #tpu.memory_space<hbm>> -> memref<8x64xf32, #tpu.memory_space<hbm>>
        tpu.enqueue_dma source(%dma_start3A_4081 : memref<8x64xf32, #tpu.memory_space<hbm>>) target(%dma_start3A_4079 : memref<8x64xf32, #tpu.memory_space<vmem>>) target_semaphore(%arg10 : memref<!tpu.dma_semaphore, #tpu.memory_space<semaphore_mem>>)
        %jit3A_4082 = arith.constant 8 : i32
        %div3A_4083 = arith.divsi %select_n3A_3493, %jit3A_4082 : i32
        %sign3A_4084 = arith.constant 0 : i32
        %sign3A_4085 = arith.cmpi sgt, %select_n3A_3493, %sign3A_4084 : i32
        %sign3A_4086 = arith.extui %sign3A_4085 : i1 to i32
        %sign3A_4087 = arith.constant 0 : i32
        %sign3A_4088 = arith.cmpi slt, %select_n3A_3493, %sign3A_4087 : i32
        %sign3A_4089 = arith.extui %sign3A_4088 : i1 to i32
        %sign3A_4090 = arith.subi %sign3A_4086, %sign3A_4089 : i32
        %sign3A_4091 = arith.constant 0 : i32
        %sign3A_4092 = arith.cmpi sgt, %jit3A_4082, %sign3A_4091 : i32
        %sign3A_4093 = arith.extui %sign3A_4092 : i1 to i32
        %sign3A_4094 = arith.constant 0 : i32
        %sign3A_4095 = arith.cmpi slt, %jit3A_4082, %sign3A_4094 : i32
        %sign3A_4096 = arith.extui %sign3A_4095 : i1 to i32
        %sign3A_4097 = arith.subi %sign3A_4093, %sign3A_4096 : i32
        %ne3A_4098 = arith.cmpi ne, %sign3A_4090, %sign3A_4097 : i32
        %rem3A_4099 = arith.remsi %select_n3A_3493, %jit3A_4082 : i32
        %ne3A_4100 = arith.constant 0 : i32
        %ne3A_4101 = arith.cmpi ne, %rem3A_4099, %ne3A_4100 : i32
        %and3A_4102 = arith.andi %ne3A_4098, %ne3A_4101 : i1
        %sub3A_4103 = arith.constant 1 : i32
        %sub3A_4104 = arith.subi %div3A_4083, %sub3A_4103 : i32
        %select_n3A_4105 = arith.select %and3A_4102, %sub3A_4104, %div3A_4083 : i32
        %mul3A_4106 = arith.constant 8 : i32
        %mul3A_4107 = arith.muli %select_n3A_4105, %mul3A_4106 : i32
        %dma_start3A_4108 = arith.constant 10 : i32
        %dma_start3A_4109 = arith.constant 0 : i32
        %dma_start3A_4110 = arith.constant 0 : i32
        %dma_start3A_4111 = tpu.memref_slice %arg7[%rem3A_3063, %dma_start3A_4108, %dma_start3A_4109, %dma_start3A_4110] : memref<2x16x8x64xf32, #tpu.memory_space<vmem>> -> memref<1x1x8x64xf32, #tpu.memory_space<vmem>>
        %dma_start3A_4112 = tpu.memref_squeeze %dma_start3A_4111 : memref<1x1x8x64xf32, #tpu.memory_space<vmem>> -> memref<8x64xf32, #tpu.memory_space<vmem>>
        %dma_start3A_4113 = arith.constant 0 : i32
        %dma_start3A_4114 = tpu.memref_slice %arg4[%mul3A_4107, %dma_start3A_4113] : memref<1000001x64xf32, #tpu.memory_space<hbm>> -> memref<8x64xf32, #tpu.memory_space<hbm>>
        %dma_start3A_4115 = arith.constant 0 : i32
        %dma_start3A_4116 = arith.constant 0 : i32
        %dma_start3A_4117 = tpu.memref_slice %arg7[%rem3A_3063, %dma_start3A_4108, %dma_start3A_4115, %dma_start3A_4116] : memref<2x16x8x64xf32, #tpu.memory_space<vmem>> -> memref<1x1x8x64xf32, #tpu.memory_space<vmem>>
        %dma_start3A_4118 = tpu.memref_squeeze %dma_start3A_4117 : memref<1x1x8x64xf32, #tpu.memory_space<vmem>> -> memref<8x64xf32, #tpu.memory_space<vmem>>
        %dma_start3A_4119 = arith.constant 0 : i32
        %dma_start3A_4120 = tpu.memref_slice %arg4[%mul3A_4107, %dma_start3A_4119] : memref<1000001x64xf32, #tpu.memory_space<hbm>> -> memref<8x64xf32, #tpu.memory_space<hbm>>
        tpu.enqueue_dma source(%dma_start3A_4120 : memref<8x64xf32, #tpu.memory_space<hbm>>) target(%dma_start3A_4118 : memref<8x64xf32, #tpu.memory_space<vmem>>) target_semaphore(%arg10 : memref<!tpu.dma_semaphore, #tpu.memory_space<semaphore_mem>>)
        %jit3A_4121 = arith.constant 8 : i32
        %div3A_4122 = arith.divsi %select_n3A_3532, %jit3A_4121 : i32
        %sign3A_4123 = arith.constant 0 : i32
        %sign3A_4124 = arith.cmpi sgt, %select_n3A_3532, %sign3A_4123 : i32
        %sign3A_4125 = arith.extui %sign3A_4124 : i1 to i32
        %sign3A_4126 = arith.constant 0 : i32
        %sign3A_4127 = arith.cmpi slt, %select_n3A_3532, %sign3A_4126 : i32
        %sign3A_4128 = arith.extui %sign3A_4127 : i1 to i32
        %sign3A_4129 = arith.subi %sign3A_4125, %sign3A_4128 : i32
        %sign3A_4130 = arith.constant 0 : i32
        %sign3A_4131 = arith.cmpi sgt, %jit3A_4121, %sign3A_4130 : i32
        %sign3A_4132 = arith.extui %sign3A_4131 : i1 to i32
        %sign3A_4133 = arith.constant 0 : i32
        %sign3A_4134 = arith.cmpi slt, %jit3A_4121, %sign3A_4133 : i32
        %sign3A_4135 = arith.extui %sign3A_4134 : i1 to i32
        %sign3A_4136 = arith.subi %sign3A_4132, %sign3A_4135 : i32
        %ne3A_4137 = arith.cmpi ne, %sign3A_4129, %sign3A_4136 : i32
        %rem3A_4138 = arith.remsi %select_n3A_3532, %jit3A_4121 : i32
        %ne3A_4139 = arith.constant 0 : i32
        %ne3A_4140 = arith.cmpi ne, %rem3A_4138, %ne3A_4139 : i32
        %and3A_4141 = arith.andi %ne3A_4137, %ne3A_4140 : i1
        %sub3A_4142 = arith.constant 1 : i32
        %sub3A_4143 = arith.subi %div3A_4122, %sub3A_4142 : i32
        %select_n3A_4144 = arith.select %and3A_4141, %sub3A_4143, %div3A_4122 : i32
        %mul3A_4145 = arith.constant 8 : i32
        %mul3A_4146 = arith.muli %select_n3A_4144, %mul3A_4145 : i32
        %dma_start3A_4147 = arith.constant 11 : i32
        %dma_start3A_4148 = arith.constant 0 : i32
        %dma_start3A_4149 = arith.constant 0 : i32
        %dma_start3A_4150 = tpu.memref_slice %arg7[%rem3A_3063, %dma_start3A_4147, %dma_start3A_4148, %dma_start3A_4149] : memref<2x16x8x64xf32, #tpu.memory_space<vmem>> -> memref<1x1x8x64xf32, #tpu.memory_space<vmem>>
        %dma_start3A_4151 = tpu.memref_squeeze %dma_start3A_4150 : memref<1x1x8x64xf32, #tpu.memory_space<vmem>> -> memref<8x64xf32, #tpu.memory_space<vmem>>
        %dma_start3A_4152 = arith.constant 0 : i32
        %dma_start3A_4153 = tpu.memref_slice %arg4[%mul3A_4146, %dma_start3A_4152] : memref<1000001x64xf32, #tpu.memory_space<hbm>> -> memref<8x64xf32, #tpu.memory_space<hbm>>
        %dma_start3A_4154 = arith.constant 0 : i32
        %dma_start3A_4155 = arith.constant 0 : i32
        %dma_start3A_4156 = tpu.memref_slice %arg7[%rem3A_3063, %dma_start3A_4147, %dma_start3A_4154, %dma_start3A_4155] : memref<2x16x8x64xf32, #tpu.memory_space<vmem>> -> memref<1x1x8x64xf32, #tpu.memory_space<vmem>>
        %dma_start3A_4157 = tpu.memref_squeeze %dma_start3A_4156 : memref<1x1x8x64xf32, #tpu.memory_space<vmem>> -> memref<8x64xf32, #tpu.memory_space<vmem>>
        %dma_start3A_4158 = arith.constant 0 : i32
        %dma_start3A_4159 = tpu.memref_slice %arg4[%mul3A_4146, %dma_start3A_4158] : memref<1000001x64xf32, #tpu.memory_space<hbm>> -> memref<8x64xf32, #tpu.memory_space<hbm>>
        tpu.enqueue_dma source(%dma_start3A_4159 : memref<8x64xf32, #tpu.memory_space<hbm>>) target(%dma_start3A_4157 : memref<8x64xf32, #tpu.memory_space<vmem>>) target_semaphore(%arg10 : memref<!tpu.dma_semaphore, #tpu.memory_space<semaphore_mem>>)
        %jit3A_4160 = arith.constant 8 : i32
        %div3A_4161 = arith.divsi %select_n3A_3571, %jit3A_4160 : i32
        %sign3A_4162 = arith.constant 0 : i32
        %sign3A_4163 = arith.cmpi sgt, %select_n3A_3571, %sign3A_4162 : i32
        %sign3A_4164 = arith.extui %sign3A_4163 : i1 to i32
        %sign3A_4165 = arith.constant 0 : i32
        %sign3A_4166 = arith.cmpi slt, %select_n3A_3571, %sign3A_4165 : i32
        %sign3A_4167 = arith.extui %sign3A_4166 : i1 to i32
        %sign3A_4168 = arith.subi %sign3A_4164, %sign3A_4167 : i32
        %sign3A_4169 = arith.constant 0 : i32
        %sign3A_4170 = arith.cmpi sgt, %jit3A_4160, %sign3A_4169 : i32
        %sign3A_4171 = arith.extui %sign3A_4170 : i1 to i32
        %sign3A_4172 = arith.constant 0 : i32
        %sign3A_4173 = arith.cmpi slt, %jit3A_4160, %sign3A_4172 : i32
        %sign3A_4174 = arith.extui %sign3A_4173 : i1 to i32
        %sign3A_4175 = arith.subi %sign3A_4171, %sign3A_4174 : i32
        %ne3A_4176 = arith.cmpi ne, %sign3A_4168, %sign3A_4175 : i32
        %rem3A_4177 = arith.remsi %select_n3A_3571, %jit3A_4160 : i32
        %ne3A_4178 = arith.constant 0 : i32
        %ne3A_4179 = arith.cmpi ne, %rem3A_4177, %ne3A_4178 : i32
        %and3A_4180 = arith.andi %ne3A_4176, %ne3A_4179 : i1
        %sub3A_4181 = arith.constant 1 : i32
        %sub3A_4182 = arith.subi %div3A_4161, %sub3A_4181 : i32
        %select_n3A_4183 = arith.select %and3A_4180, %sub3A_4182, %div3A_4161 : i32
        %mul3A_4184 = arith.constant 8 : i32
        %mul3A_4185 = arith.muli %select_n3A_4183, %mul3A_4184 : i32
        %dma_start3A_4186 = arith.constant 12 : i32
        %dma_start3A_4187 = arith.constant 0 : i32
        %dma_start3A_4188 = arith.constant 0 : i32
        %dma_start3A_4189 = tpu.memref_slice %arg7[%rem3A_3063, %dma_start3A_4186, %dma_start3A_4187, %dma_start3A_4188] : memref<2x16x8x64xf32, #tpu.memory_space<vmem>> -> memref<1x1x8x64xf32, #tpu.memory_space<vmem>>
        %dma_start3A_4190 = tpu.memref_squeeze %dma_start3A_4189 : memref<1x1x8x64xf32, #tpu.memory_space<vmem>> -> memref<8x64xf32, #tpu.memory_space<vmem>>
        %dma_start3A_4191 = arith.constant 0 : i32
        %dma_start3A_4192 = tpu.memref_slice %arg4[%mul3A_4185, %dma_start3A_4191] : memref<1000001x64xf32, #tpu.memory_space<hbm>> -> memref<8x64xf32, #tpu.memory_space<hbm>>
        %dma_start3A_4193 = arith.constant 0 : i32
        %dma_start3A_4194 = arith.constant 0 : i32
        %dma_start3A_4195 = tpu.memref_slice %arg7[%rem3A_3063, %dma_start3A_4186, %dma_start3A_4193, %dma_start3A_4194] : memref<2x16x8x64xf32, #tpu.memory_space<vmem>> -> memref<1x1x8x64xf32, #tpu.memory_space<vmem>>
        %dma_start3A_4196 = tpu.memref_squeeze %dma_start3A_4195 : memref<1x1x8x64xf32, #tpu.memory_space<vmem>> -> memref<8x64xf32, #tpu.memory_space<vmem>>
        %dma_start3A_4197 = arith.constant 0 : i32
        %dma_start3A_4198 = tpu.memref_slice %arg4[%mul3A_4185, %dma_start3A_4197] : memref<1000001x64xf32, #tpu.memory_space<hbm>> -> memref<8x64xf32, #tpu.memory_space<hbm>>
        tpu.enqueue_dma source(%dma_start3A_4198 : memref<8x64xf32, #tpu.memory_space<hbm>>) target(%dma_start3A_4196 : memref<8x64xf32, #tpu.memory_space<vmem>>) target_semaphore(%arg10 : memref<!tpu.dma_semaphore, #tpu.memory_space<semaphore_mem>>)
        %jit3A_4199 = arith.constant 8 : i32
        %div3A_4200 = arith.divsi %select_n3A_3610, %jit3A_4199 : i32
        %sign3A_4201 = arith.constant 0 : i32
        %sign3A_4202 = arith.cmpi sgt, %select_n3A_3610, %sign3A_4201 : i32
        %sign3A_4203 = arith.extui %sign3A_4202 : i1 to i32
        %sign3A_4204 = arith.constant 0 : i32
        %sign3A_4205 = arith.cmpi slt, %select_n3A_3610, %sign3A_4204 : i32
        %sign3A_4206 = arith.extui %sign3A_4205 : i1 to i32
        %sign3A_4207 = arith.subi %sign3A_4203, %sign3A_4206 : i32
        %sign3A_4208 = arith.constant 0 : i32
        %sign3A_4209 = arith.cmpi sgt, %jit3A_4199, %sign3A_4208 : i32
        %sign3A_4210 = arith.extui %sign3A_4209 : i1 to i32
        %sign3A_4211 = arith.constant 0 : i32
        %sign3A_4212 = arith.cmpi slt, %jit3A_4199, %sign3A_4211 : i32
        %sign3A_4213 = arith.extui %sign3A_4212 : i1 to i32
        %sign3A_4214 = arith.subi %sign3A_4210, %sign3A_4213 : i32
        %ne3A_4215 = arith.cmpi ne, %sign3A_4207, %sign3A_4214 : i32
        %rem3A_4216 = arith.remsi %select_n3A_3610, %jit3A_4199 : i32
        %ne3A_4217 = arith.constant 0 : i32
        %ne3A_4218 = arith.cmpi ne, %rem3A_4216, %ne3A_4217 : i32
        %and3A_4219 = arith.andi %ne3A_4215, %ne3A_4218 : i1
        %sub3A_4220 = arith.constant 1 : i32
        %sub3A_4221 = arith.subi %div3A_4200, %sub3A_4220 : i32
        %select_n3A_4222 = arith.select %and3A_4219, %sub3A_4221, %div3A_4200 : i32
        %mul3A_4223 = arith.constant 8 : i32
        %mul3A_4224 = arith.muli %select_n3A_4222, %mul3A_4223 : i32
        %dma_start3A_4225 = arith.constant 13 : i32
        %dma_start3A_4226 = arith.constant 0 : i32
        %dma_start3A_4227 = arith.constant 0 : i32
        %dma_start3A_4228 = tpu.memref_slice %arg7[%rem3A_3063, %dma_start3A_4225, %dma_start3A_4226, %dma_start3A_4227] : memref<2x16x8x64xf32, #tpu.memory_space<vmem>> -> memref<1x1x8x64xf32, #tpu.memory_space<vmem>>
        %dma_start3A_4229 = tpu.memref_squeeze %dma_start3A_4228 : memref<1x1x8x64xf32, #tpu.memory_space<vmem>> -> memref<8x64xf32, #tpu.memory_space<vmem>>
        %dma_start3A_4230 = arith.constant 0 : i32
        %dma_start3A_4231 = tpu.memref_slice %arg4[%mul3A_4224, %dma_start3A_4230] : memref<1000001x64xf32, #tpu.memory_space<hbm>> -> memref<8x64xf32, #tpu.memory_space<hbm>>
        %dma_start3A_4232 = arith.constant 0 : i32
        %dma_start3A_4233 = arith.constant 0 : i32
        %dma_start3A_4234 = tpu.memref_slice %arg7[%rem3A_3063, %dma_start3A_4225, %dma_start3A_4232, %dma_start3A_4233] : memref<2x16x8x64xf32, #tpu.memory_space<vmem>> -> memref<1x1x8x64xf32, #tpu.memory_space<vmem>>
        %dma_start3A_4235 = tpu.memref_squeeze %dma_start3A_4234 : memref<1x1x8x64xf32, #tpu.memory_space<vmem>> -> memref<8x64xf32, #tpu.memory_space<vmem>>
        %dma_start3A_4236 = arith.constant 0 : i32
        %dma_start3A_4237 = tpu.memref_slice %arg4[%mul3A_4224, %dma_start3A_4236] : memref<1000001x64xf32, #tpu.memory_space<hbm>> -> memref<8x64xf32, #tpu.memory_space<hbm>>
        tpu.enqueue_dma source(%dma_start3A_4237 : memref<8x64xf32, #tpu.memory_space<hbm>>) target(%dma_start3A_4235 : memref<8x64xf32, #tpu.memory_space<vmem>>) target_semaphore(%arg10 : memref<!tpu.dma_semaphore, #tpu.memory_space<semaphore_mem>>)
        %jit3A_4238 = arith.constant 8 : i32
        %div3A_4239 = arith.divsi %select_n3A_3649, %jit3A_4238 : i32
        %sign3A_4240 = arith.constant 0 : i32
        %sign3A_4241 = arith.cmpi sgt, %select_n3A_3649, %sign3A_4240 : i32
        %sign3A_4242 = arith.extui %sign3A_4241 : i1 to i32
        %sign3A_4243 = arith.constant 0 : i32
        %sign3A_4244 = arith.cmpi slt, %select_n3A_3649, %sign3A_4243 : i32
        %sign3A_4245 = arith.extui %sign3A_4244 : i1 to i32
        %sign3A_4246 = arith.subi %sign3A_4242, %sign3A_4245 : i32
        %sign3A_4247 = arith.constant 0 : i32
        %sign3A_4248 = arith.cmpi sgt, %jit3A_4238, %sign3A_4247 : i32
        %sign3A_4249 = arith.extui %sign3A_4248 : i1 to i32
        %sign3A_4250 = arith.constant 0 : i32
        %sign3A_4251 = arith.cmpi slt, %jit3A_4238, %sign3A_4250 : i32
        %sign3A_4252 = arith.extui %sign3A_4251 : i1 to i32
        %sign3A_4253 = arith.subi %sign3A_4249, %sign3A_4252 : i32
        %ne3A_4254 = arith.cmpi ne, %sign3A_4246, %sign3A_4253 : i32
        %rem3A_4255 = arith.remsi %select_n3A_3649, %jit3A_4238 : i32
        %ne3A_4256 = arith.constant 0 : i32
        %ne3A_4257 = arith.cmpi ne, %rem3A_4255, %ne3A_4256 : i32
        %and3A_4258 = arith.andi %ne3A_4254, %ne3A_4257 : i1
        %sub3A_4259 = arith.constant 1 : i32
        %sub3A_4260 = arith.subi %div3A_4239, %sub3A_4259 : i32
        %select_n3A_4261 = arith.select %and3A_4258, %sub3A_4260, %div3A_4239 : i32
        %mul3A_4262 = arith.constant 8 : i32
        %mul3A_4263 = arith.muli %select_n3A_4261, %mul3A_4262 : i32
        %dma_start3A_4264 = arith.constant 14 : i32
        %dma_start3A_4265 = arith.constant 0 : i32
        %dma_start3A_4266 = arith.constant 0 : i32
        %dma_start3A_4267 = tpu.memref_slice %arg7[%rem3A_3063, %dma_start3A_4264, %dma_start3A_4265, %dma_start3A_4266] : memref<2x16x8x64xf32, #tpu.memory_space<vmem>> -> memref<1x1x8x64xf32, #tpu.memory_space<vmem>>
        %dma_start3A_4268 = tpu.memref_squeeze %dma_start3A_4267 : memref<1x1x8x64xf32, #tpu.memory_space<vmem>> -> memref<8x64xf32, #tpu.memory_space<vmem>>
        %dma_start3A_4269 = arith.constant 0 : i32
        %dma_start3A_4270 = tpu.memref_slice %arg4[%mul3A_4263, %dma_start3A_4269] : memref<1000001x64xf32, #tpu.memory_space<hbm>> -> memref<8x64xf32, #tpu.memory_space<hbm>>
        %dma_start3A_4271 = arith.constant 0 : i32
        %dma_start3A_4272 = arith.constant 0 : i32
        %dma_start3A_4273 = tpu.memref_slice %arg7[%rem3A_3063, %dma_start3A_4264, %dma_start3A_4271, %dma_start3A_4272] : memref<2x16x8x64xf32, #tpu.memory_space<vmem>> -> memref<1x1x8x64xf32, #tpu.memory_space<vmem>>
        %dma_start3A_4274 = tpu.memref_squeeze %dma_start3A_4273 : memref<1x1x8x64xf32, #tpu.memory_space<vmem>> -> memref<8x64xf32, #tpu.memory_space<vmem>>
        %dma_start3A_4275 = arith.constant 0 : i32
        %dma_start3A_4276 = tpu.memref_slice %arg4[%mul3A_4263, %dma_start3A_4275] : memref<1000001x64xf32, #tpu.memory_space<hbm>> -> memref<8x64xf32, #tpu.memory_space<hbm>>
        tpu.enqueue_dma source(%dma_start3A_4276 : memref<8x64xf32, #tpu.memory_space<hbm>>) target(%dma_start3A_4274 : memref<8x64xf32, #tpu.memory_space<vmem>>) target_semaphore(%arg10 : memref<!tpu.dma_semaphore, #tpu.memory_space<semaphore_mem>>)
        %jit3A_4277 = arith.constant 8 : i32
        %div3A_4278 = arith.divsi %select_n3A_3688, %jit3A_4277 : i32
        %sign3A_4279 = arith.constant 0 : i32
        %sign3A_4280 = arith.cmpi sgt, %select_n3A_3688, %sign3A_4279 : i32
        %sign3A_4281 = arith.extui %sign3A_4280 : i1 to i32
        %sign3A_4282 = arith.constant 0 : i32
        %sign3A_4283 = arith.cmpi slt, %select_n3A_3688, %sign3A_4282 : i32
        %sign3A_4284 = arith.extui %sign3A_4283 : i1 to i32
        %sign3A_4285 = arith.subi %sign3A_4281, %sign3A_4284 : i32
        %sign3A_4286 = arith.constant 0 : i32
        %sign3A_4287 = arith.cmpi sgt, %jit3A_4277, %sign3A_4286 : i32
        %sign3A_4288 = arith.extui %sign3A_4287 : i1 to i32
        %sign3A_4289 = arith.constant 0 : i32
        %sign3A_4290 = arith.cmpi slt, %jit3A_4277, %sign3A_4289 : i32
        %sign3A_4291 = arith.extui %sign3A_4290 : i1 to i32
        %sign3A_4292 = arith.subi %sign3A_4288, %sign3A_4291 : i32
        %ne3A_4293 = arith.cmpi ne, %sign3A_4285, %sign3A_4292 : i32
        %rem3A_4294 = arith.remsi %select_n3A_3688, %jit3A_4277 : i32
        %ne3A_4295 = arith.constant 0 : i32
        %ne3A_4296 = arith.cmpi ne, %rem3A_4294, %ne3A_4295 : i32
        %and3A_4297 = arith.andi %ne3A_4293, %ne3A_4296 : i1
        %sub3A_4298 = arith.constant 1 : i32
        %sub3A_4299 = arith.subi %div3A_4278, %sub3A_4298 : i32
        %select_n3A_4300 = arith.select %and3A_4297, %sub3A_4299, %div3A_4278 : i32
        %mul3A_4301 = arith.constant 8 : i32
        %mul3A_4302 = arith.muli %select_n3A_4300, %mul3A_4301 : i32
        %dma_start3A_4303 = arith.constant 15 : i32
        %dma_start3A_4304 = arith.constant 0 : i32
        %dma_start3A_4305 = arith.constant 0 : i32
        %dma_start3A_4306 = tpu.memref_slice %arg7[%rem3A_3063, %dma_start3A_4303, %dma_start3A_4304, %dma_start3A_4305] : memref<2x16x8x64xf32, #tpu.memory_space<vmem>> -> memref<1x1x8x64xf32, #tpu.memory_space<vmem>>
        %dma_start3A_4307 = tpu.memref_squeeze %dma_start3A_4306 : memref<1x1x8x64xf32, #tpu.memory_space<vmem>> -> memref<8x64xf32, #tpu.memory_space<vmem>>
        %dma_start3A_4308 = arith.constant 0 : i32
        %dma_start3A_4309 = tpu.memref_slice %arg4[%mul3A_4302, %dma_start3A_4308] : memref<1000001x64xf32, #tpu.memory_space<hbm>> -> memref<8x64xf32, #tpu.memory_space<hbm>>
        %dma_start3A_4310 = arith.constant 0 : i32
        %dma_start3A_4311 = arith.constant 0 : i32
        %dma_start3A_4312 = tpu.memref_slice %arg7[%rem3A_3063, %dma_start3A_4303, %dma_start3A_4310, %dma_start3A_4311] : memref<2x16x8x64xf32, #tpu.memory_space<vmem>> -> memref<1x1x8x64xf32, #tpu.memory_space<vmem>>
        %dma_start3A_4313 = tpu.memref_squeeze %dma_start3A_4312 : memref<1x1x8x64xf32, #tpu.memory_space<vmem>> -> memref<8x64xf32, #tpu.memory_space<vmem>>
        %dma_start3A_4314 = arith.constant 0 : i32
        %dma_start3A_4315 = tpu.memref_slice %arg4[%mul3A_4302, %dma_start3A_4314] : memref<1000001x64xf32, #tpu.memory_space<hbm>> -> memref<8x64xf32, #tpu.memory_space<hbm>>
        tpu.enqueue_dma source(%dma_start3A_4315 : memref<8x64xf32, #tpu.memory_space<hbm>>) target(%dma_start3A_4313 : memref<8x64xf32, #tpu.memory_space<vmem>>) target_semaphore(%arg10 : memref<!tpu.dma_semaphore, #tpu.memory_space<semaphore_mem>>)
      } else {
      }
      %rem3A_1253 = arith.constant 2 : i32
      %rem3A_1254 = arith.remsi %scan3A_1250, %rem3A_1253 : i32
      %dma_wait3A = arith.constant 0 : i32
      %dma_wait3A_1255 = arith.constant 0 : i32
      %dma_wait3A_1256 = arith.constant 0 : i32
      %dma_wait3A_1257 = tpu.memref_slice %arg7[%rem3A_1254, %dma_wait3A, %dma_wait3A_1255, %dma_wait3A_1256] : memref<2x16x8x64xf32, #tpu.memory_space<vmem>> -> memref<1x1x8x64xf32, #tpu.memory_space<vmem>>
      %dma_wait3A_1258 = tpu.memref_squeeze %dma_wait3A_1257 : memref<1x1x8x64xf32, #tpu.memory_space<vmem>> -> memref<8x64xf32, #tpu.memory_space<vmem>>
      %dma_wait3A_1259 = arith.constant 0 : i32
      %dma_wait3A_1260 = arith.constant 0 : i32
      %dma_wait3A_1261 = tpu.memref_slice %arg4[%dma_wait3A_1259, %dma_wait3A_1260] : memref<1000001x64xf32, #tpu.memory_space<hbm>> -> memref<8x64xf32, #tpu.memory_space<hbm>>
      %dma_wait3A_1262 = arith.constant 0 : i32
      %dma_wait3A_1263 = arith.constant 0 : i32
      %dma_wait3A_1264 = tpu.memref_slice %arg7[%rem3A_1254, %dma_wait3A, %dma_wait3A_1262, %dma_wait3A_1263] : memref<2x16x8x64xf32, #tpu.memory_space<vmem>> -> memref<1x1x8x64xf32, #tpu.memory_space<vmem>>
      %dma_wait3A_1265 = tpu.memref_squeeze %dma_wait3A_1264 : memref<1x1x8x64xf32, #tpu.memory_space<vmem>> -> memref<8x64xf32, #tpu.memory_space<vmem>>
      %dma_wait3A_1266 = arith.constant 0 : i32
      %dma_wait3A_1267 = arith.constant 0 : i32
      %dma_wait3A_1268 = tpu.memref_slice %arg4[%dma_wait3A_1266, %dma_wait3A_1267] : memref<1000001x64xf32, #tpu.memory_space<hbm>> -> memref<8x64xf32, #tpu.memory_space<hbm>>
      tpu.wait_dma2 semaphore(%arg10 : memref<!tpu.dma_semaphore, #tpu.memory_space<semaphore_mem>>) src(%dma_wait3A_1268 : memref<8x64xf32, #tpu.memory_space<hbm>>) dst(%dma_wait3A_1265 : memref<8x64xf32, #tpu.memory_space<vmem>>)
      %dma_wait3A_1269 = arith.constant 1 : i32
      %dma_wait3A_1270 = arith.constant 0 : i32
      %dma_wait3A_1271 = arith.constant 0 : i32
      %dma_wait3A_1272 = tpu.memref_slice %arg7[%rem3A_1254, %dma_wait3A_1269, %dma_wait3A_1270, %dma_wait3A_1271] : memref<2x16x8x64xf32, #tpu.memory_space<vmem>> -> memref<1x1x8x64xf32, #tpu.memory_space<vmem>>
      %dma_wait3A_1273 = tpu.memref_squeeze %dma_wait3A_1272 : memref<1x1x8x64xf32, #tpu.memory_space<vmem>> -> memref<8x64xf32, #tpu.memory_space<vmem>>
      %dma_wait3A_1274 = arith.constant 0 : i32
      %dma_wait3A_1275 = arith.constant 0 : i32
      %dma_wait3A_1276 = tpu.memref_slice %arg4[%dma_wait3A_1274, %dma_wait3A_1275] : memref<1000001x64xf32, #tpu.memory_space<hbm>> -> memref<8x64xf32, #tpu.memory_space<hbm>>
      %dma_wait3A_1277 = arith.constant 0 : i32
      %dma_wait3A_1278 = arith.constant 0 : i32
      %dma_wait3A_1279 = tpu.memref_slice %arg7[%rem3A_1254, %dma_wait3A_1269, %dma_wait3A_1277, %dma_wait3A_1278] : memref<2x16x8x64xf32, #tpu.memory_space<vmem>> -> memref<1x1x8x64xf32, #tpu.memory_space<vmem>>
      %dma_wait3A_1280 = tpu.memref_squeeze %dma_wait3A_1279 : memref<1x1x8x64xf32, #tpu.memory_space<vmem>> -> memref<8x64xf32, #tpu.memory_space<vmem>>
      %dma_wait3A_1281 = arith.constant 0 : i32
      %dma_wait3A_1282 = arith.constant 0 : i32
      %dma_wait3A_1283 = tpu.memref_slice %arg4[%dma_wait3A_1281, %dma_wait3A_1282] : memref<1000001x64xf32, #tpu.memory_space<hbm>> -> memref<8x64xf32, #tpu.memory_space<hbm>>
      tpu.wait_dma2 semaphore(%arg10 : memref<!tpu.dma_semaphore, #tpu.memory_space<semaphore_mem>>) src(%dma_wait3A_1283 : memref<8x64xf32, #tpu.memory_space<hbm>>) dst(%dma_wait3A_1280 : memref<8x64xf32, #tpu.memory_space<vmem>>)
      %dma_wait3A_1284 = arith.constant 2 : i32
      %dma_wait3A_1285 = arith.constant 0 : i32
      %dma_wait3A_1286 = arith.constant 0 : i32
      %dma_wait3A_1287 = tpu.memref_slice %arg7[%rem3A_1254, %dma_wait3A_1284, %dma_wait3A_1285, %dma_wait3A_1286] : memref<2x16x8x64xf32, #tpu.memory_space<vmem>> -> memref<1x1x8x64xf32, #tpu.memory_space<vmem>>
      %dma_wait3A_1288 = tpu.memref_squeeze %dma_wait3A_1287 : memref<1x1x8x64xf32, #tpu.memory_space<vmem>> -> memref<8x64xf32, #tpu.memory_space<vmem>>
      %dma_wait3A_1289 = arith.constant 0 : i32
      %dma_wait3A_1290 = arith.constant 0 : i32
      %dma_wait3A_1291 = tpu.memref_slice %arg4[%dma_wait3A_1289, %dma_wait3A_1290] : memref<1000001x64xf32, #tpu.memory_space<hbm>> -> memref<8x64xf32, #tpu.memory_space<hbm>>
      %dma_wait3A_1292 = arith.constant 0 : i32
      %dma_wait3A_1293 = arith.constant 0 : i32
      %dma_wait3A_1294 = tpu.memref_slice %arg7[%rem3A_1254, %dma_wait3A_1284, %dma_wait3A_1292, %dma_wait3A_1293] : memref<2x16x8x64xf32, #tpu.memory_space<vmem>> -> memref<1x1x8x64xf32, #tpu.memory_space<vmem>>
      %dma_wait3A_1295 = tpu.memref_squeeze %dma_wait3A_1294 : memref<1x1x8x64xf32, #tpu.memory_space<vmem>> -> memref<8x64xf32, #tpu.memory_space<vmem>>
      %dma_wait3A_1296 = arith.constant 0 : i32
      %dma_wait3A_1297 = arith.constant 0 : i32
      %dma_wait3A_1298 = tpu.memref_slice %arg4[%dma_wait3A_1296, %dma_wait3A_1297] : memref<1000001x64xf32, #tpu.memory_space<hbm>> -> memref<8x64xf32, #tpu.memory_space<hbm>>
      tpu.wait_dma2 semaphore(%arg10 : memref<!tpu.dma_semaphore, #tpu.memory_space<semaphore_mem>>) src(%dma_wait3A_1298 : memref<8x64xf32, #tpu.memory_space<hbm>>) dst(%dma_wait3A_1295 : memref<8x64xf32, #tpu.memory_space<vmem>>)
      %dma_wait3A_1299 = arith.constant 3 : i32
      %dma_wait3A_1300 = arith.constant 0 : i32
      %dma_wait3A_1301 = arith.constant 0 : i32
      %dma_wait3A_1302 = tpu.memref_slice %arg7[%rem3A_1254, %dma_wait3A_1299, %dma_wait3A_1300, %dma_wait3A_1301] : memref<2x16x8x64xf32, #tpu.memory_space<vmem>> -> memref<1x1x8x64xf32, #tpu.memory_space<vmem>>
      %dma_wait3A_1303 = tpu.memref_squeeze %dma_wait3A_1302 : memref<1x1x8x64xf32, #tpu.memory_space<vmem>> -> memref<8x64xf32, #tpu.memory_space<vmem>>
      %dma_wait3A_1304 = arith.constant 0 : i32
      %dma_wait3A_1305 = arith.constant 0 : i32
      %dma_wait3A_1306 = tpu.memref_slice %arg4[%dma_wait3A_1304, %dma_wait3A_1305] : memref<1000001x64xf32, #tpu.memory_space<hbm>> -> memref<8x64xf32, #tpu.memory_space<hbm>>
      %dma_wait3A_1307 = arith.constant 0 : i32
      %dma_wait3A_1308 = arith.constant 0 : i32
      %dma_wait3A_1309 = tpu.memref_slice %arg7[%rem3A_1254, %dma_wait3A_1299, %dma_wait3A_1307, %dma_wait3A_1308] : memref<2x16x8x64xf32, #tpu.memory_space<vmem>> -> memref<1x1x8x64xf32, #tpu.memory_space<vmem>>
      %dma_wait3A_1310 = tpu.memref_squeeze %dma_wait3A_1309 : memref<1x1x8x64xf32, #tpu.memory_space<vmem>> -> memref<8x64xf32, #tpu.memory_space<vmem>>
      %dma_wait3A_1311 = arith.constant 0 : i32
      %dma_wait3A_1312 = arith.constant 0 : i32
      %dma_wait3A_1313 = tpu.memref_slice %arg4[%dma_wait3A_1311, %dma_wait3A_1312] : memref<1000001x64xf32, #tpu.memory_space<hbm>> -> memref<8x64xf32, #tpu.memory_space<hbm>>
      tpu.wait_dma2 semaphore(%arg10 : memref<!tpu.dma_semaphore, #tpu.memory_space<semaphore_mem>>) src(%dma_wait3A_1313 : memref<8x64xf32, #tpu.memory_space<hbm>>) dst(%dma_wait3A_1310 : memref<8x64xf32, #tpu.memory_space<vmem>>)
      %dma_wait3A_1314 = arith.constant 4 : i32
      %dma_wait3A_1315 = arith.constant 0 : i32
      %dma_wait3A_1316 = arith.constant 0 : i32
      %dma_wait3A_1317 = tpu.memref_slice %arg7[%rem3A_1254, %dma_wait3A_1314, %dma_wait3A_1315, %dma_wait3A_1316] : memref<2x16x8x64xf32, #tpu.memory_space<vmem>> -> memref<1x1x8x64xf32, #tpu.memory_space<vmem>>
      %dma_wait3A_1318 = tpu.memref_squeeze %dma_wait3A_1317 : memref<1x1x8x64xf32, #tpu.memory_space<vmem>> -> memref<8x64xf32, #tpu.memory_space<vmem>>
      %dma_wait3A_1319 = arith.constant 0 : i32
      %dma_wait3A_1320 = arith.constant 0 : i32
      %dma_wait3A_1321 = tpu.memref_slice %arg4[%dma_wait3A_1319, %dma_wait3A_1320] : memref<1000001x64xf32, #tpu.memory_space<hbm>> -> memref<8x64xf32, #tpu.memory_space<hbm>>
      %dma_wait3A_1322 = arith.constant 0 : i32
      %dma_wait3A_1323 = arith.constant 0 : i32
      %dma_wait3A_1324 = tpu.memref_slice %arg7[%rem3A_1254, %dma_wait3A_1314, %dma_wait3A_1322, %dma_wait3A_1323] : memref<2x16x8x64xf32, #tpu.memory_space<vmem>> -> memref<1x1x8x64xf32, #tpu.memory_space<vmem>>
      %dma_wait3A_1325 = tpu.memref_squeeze %dma_wait3A_1324 : memref<1x1x8x64xf32, #tpu.memory_space<vmem>> -> memref<8x64xf32, #tpu.memory_space<vmem>>
      %dma_wait3A_1326 = arith.constant 0 : i32
      %dma_wait3A_1327 = arith.constant 0 : i32
      %dma_wait3A_1328 = tpu.memref_slice %arg4[%dma_wait3A_1326, %dma_wait3A_1327] : memref<1000001x64xf32, #tpu.memory_space<hbm>> -> memref<8x64xf32, #tpu.memory_space<hbm>>
      tpu.wait_dma2 semaphore(%arg10 : memref<!tpu.dma_semaphore, #tpu.memory_space<semaphore_mem>>) src(%dma_wait3A_1328 : memref<8x64xf32, #tpu.memory_space<hbm>>) dst(%dma_wait3A_1325 : memref<8x64xf32, #tpu.memory_space<vmem>>)
      %dma_wait3A_1329 = arith.constant 5 : i32
      %dma_wait3A_1330 = arith.constant 0 : i32
      %dma_wait3A_1331 = arith.constant 0 : i32
      %dma_wait3A_1332 = tpu.memref_slice %arg7[%rem3A_1254, %dma_wait3A_1329, %dma_wait3A_1330, %dma_wait3A_1331] : memref<2x16x8x64xf32, #tpu.memory_space<vmem>> -> memref<1x1x8x64xf32, #tpu.memory_space<vmem>>
      %dma_wait3A_1333 = tpu.memref_squeeze %dma_wait3A_1332 : memref<1x1x8x64xf32, #tpu.memory_space<vmem>> -> memref<8x64xf32, #tpu.memory_space<vmem>>
      %dma_wait3A_1334 = arith.constant 0 : i32
      %dma_wait3A_1335 = arith.constant 0 : i32
      %dma_wait3A_1336 = tpu.memref_slice %arg4[%dma_wait3A_1334, %dma_wait3A_1335] : memref<1000001x64xf32, #tpu.memory_space<hbm>> -> memref<8x64xf32, #tpu.memory_space<hbm>>
      %dma_wait3A_1337 = arith.constant 0 : i32
      %dma_wait3A_1338 = arith.constant 0 : i32
      %dma_wait3A_1339 = tpu.memref_slice %arg7[%rem3A_1254, %dma_wait3A_1329, %dma_wait3A_1337, %dma_wait3A_1338] : memref<2x16x8x64xf32, #tpu.memory_space<vmem>> -> memref<1x1x8x64xf32, #tpu.memory_space<vmem>>
      %dma_wait3A_1340 = tpu.memref_squeeze %dma_wait3A_1339 : memref<1x1x8x64xf32, #tpu.memory_space<vmem>> -> memref<8x64xf32, #tpu.memory_space<vmem>>
      %dma_wait3A_1341 = arith.constant 0 : i32
      %dma_wait3A_1342 = arith.constant 0 : i32
      %dma_wait3A_1343 = tpu.memref_slice %arg4[%dma_wait3A_1341, %dma_wait3A_1342] : memref<1000001x64xf32, #tpu.memory_space<hbm>> -> memref<8x64xf32, #tpu.memory_space<hbm>>
      tpu.wait_dma2 semaphore(%arg10 : memref<!tpu.dma_semaphore, #tpu.memory_space<semaphore_mem>>) src(%dma_wait3A_1343 : memref<8x64xf32, #tpu.memory_space<hbm>>) dst(%dma_wait3A_1340 : memref<8x64xf32, #tpu.memory_space<vmem>>)
      %dma_wait3A_1344 = arith.constant 6 : i32
      %dma_wait3A_1345 = arith.constant 0 : i32
      %dma_wait3A_1346 = arith.constant 0 : i32
      %dma_wait3A_1347 = tpu.memref_slice %arg7[%rem3A_1254, %dma_wait3A_1344, %dma_wait3A_1345, %dma_wait3A_1346] : memref<2x16x8x64xf32, #tpu.memory_space<vmem>> -> memref<1x1x8x64xf32, #tpu.memory_space<vmem>>
      %dma_wait3A_1348 = tpu.memref_squeeze %dma_wait3A_1347 : memref<1x1x8x64xf32, #tpu.memory_space<vmem>> -> memref<8x64xf32, #tpu.memory_space<vmem>>
      %dma_wait3A_1349 = arith.constant 0 : i32
      %dma_wait3A_1350 = arith.constant 0 : i32
      %dma_wait3A_1351 = tpu.memref_slice %arg4[%dma_wait3A_1349, %dma_wait3A_1350] : memref<1000001x64xf32, #tpu.memory_space<hbm>> -> memref<8x64xf32, #tpu.memory_space<hbm>>
      %dma_wait3A_1352 = arith.constant 0 : i32
      %dma_wait3A_1353 = arith.constant 0 : i32
      %dma_wait3A_1354 = tpu.memref_slice %arg7[%rem3A_1254, %dma_wait3A_1344, %dma_wait3A_1352, %dma_wait3A_1353] : memref<2x16x8x64xf32, #tpu.memory_space<vmem>> -> memref<1x1x8x64xf32, #tpu.memory_space<vmem>>
      %dma_wait3A_1355 = tpu.memref_squeeze %dma_wait3A_1354 : memref<1x1x8x64xf32, #tpu.memory_space<vmem>> -> memref<8x64xf32, #tpu.memory_space<vmem>>
      %dma_wait3A_1356 = arith.constant 0 : i32
      %dma_wait3A_1357 = arith.constant 0 : i32
      %dma_wait3A_1358 = tpu.memref_slice %arg4[%dma_wait3A_1356, %dma_wait3A_1357] : memref<1000001x64xf32, #tpu.memory_space<hbm>> -> memref<8x64xf32, #tpu.memory_space<hbm>>
      tpu.wait_dma2 semaphore(%arg10 : memref<!tpu.dma_semaphore, #tpu.memory_space<semaphore_mem>>) src(%dma_wait3A_1358 : memref<8x64xf32, #tpu.memory_space<hbm>>) dst(%dma_wait3A_1355 : memref<8x64xf32, #tpu.memory_space<vmem>>)
      %dma_wait3A_1359 = arith.constant 7 : i32
      %dma_wait3A_1360 = arith.constant 0 : i32
      %dma_wait3A_1361 = arith.constant 0 : i32
      %dma_wait3A_1362 = tpu.memref_slice %arg7[%rem3A_1254, %dma_wait3A_1359, %dma_wait3A_1360, %dma_wait3A_1361] : memref<2x16x8x64xf32, #tpu.memory_space<vmem>> -> memref<1x1x8x64xf32, #tpu.memory_space<vmem>>
      %dma_wait3A_1363 = tpu.memref_squeeze %dma_wait3A_1362 : memref<1x1x8x64xf32, #tpu.memory_space<vmem>> -> memref<8x64xf32, #tpu.memory_space<vmem>>
      %dma_wait3A_1364 = arith.constant 0 : i32
      %dma_wait3A_1365 = arith.constant 0 : i32
      %dma_wait3A_1366 = tpu.memref_slice %arg4[%dma_wait3A_1364, %dma_wait3A_1365] : memref<1000001x64xf32, #tpu.memory_space<hbm>> -> memref<8x64xf32, #tpu.memory_space<hbm>>
      %dma_wait3A_1367 = arith.constant 0 : i32
      %dma_wait3A_1368 = arith.constant 0 : i32
      %dma_wait3A_1369 = tpu.memref_slice %arg7[%rem3A_1254, %dma_wait3A_1359, %dma_wait3A_1367, %dma_wait3A_1368] : memref<2x16x8x64xf32, #tpu.memory_space<vmem>> -> memref<1x1x8x64xf32, #tpu.memory_space<vmem>>
      %dma_wait3A_1370 = tpu.memref_squeeze %dma_wait3A_1369 : memref<1x1x8x64xf32, #tpu.memory_space<vmem>> -> memref<8x64xf32, #tpu.memory_space<vmem>>
      %dma_wait3A_1371 = arith.constant 0 : i32
      %dma_wait3A_1372 = arith.constant 0 : i32
      %dma_wait3A_1373 = tpu.memref_slice %arg4[%dma_wait3A_1371, %dma_wait3A_1372] : memref<1000001x64xf32, #tpu.memory_space<hbm>> -> memref<8x64xf32, #tpu.memory_space<hbm>>
      tpu.wait_dma2 semaphore(%arg10 : memref<!tpu.dma_semaphore, #tpu.memory_space<semaphore_mem>>) src(%dma_wait3A_1373 : memref<8x64xf32, #tpu.memory_space<hbm>>) dst(%dma_wait3A_1370 : memref<8x64xf32, #tpu.memory_space<vmem>>)
      %dma_wait3A_1374 = arith.constant 8 : i32
      %dma_wait3A_1375 = arith.constant 0 : i32
      %dma_wait3A_1376 = arith.constant 0 : i32
      %dma_wait3A_1377 = tpu.memref_slice %arg7[%rem3A_1254, %dma_wait3A_1374, %dma_wait3A_1375, %dma_wait3A_1376] : memref<2x16x8x64xf32, #tpu.memory_space<vmem>> -> memref<1x1x8x64xf32, #tpu.memory_space<vmem>>
      %dma_wait3A_1378 = tpu.memref_squeeze %dma_wait3A_1377 : memref<1x1x8x64xf32, #tpu.memory_space<vmem>> -> memref<8x64xf32, #tpu.memory_space<vmem>>
      %dma_wait3A_1379 = arith.constant 0 : i32
      %dma_wait3A_1380 = arith.constant 0 : i32
      %dma_wait3A_1381 = tpu.memref_slice %arg4[%dma_wait3A_1379, %dma_wait3A_1380] : memref<1000001x64xf32, #tpu.memory_space<hbm>> -> memref<8x64xf32, #tpu.memory_space<hbm>>
      %dma_wait3A_1382 = arith.constant 0 : i32
      %dma_wait3A_1383 = arith.constant 0 : i32
      %dma_wait3A_1384 = tpu.memref_slice %arg7[%rem3A_1254, %dma_wait3A_1374, %dma_wait3A_1382, %dma_wait3A_1383] : memref<2x16x8x64xf32, #tpu.memory_space<vmem>> -> memref<1x1x8x64xf32, #tpu.memory_space<vmem>>
      %dma_wait3A_1385 = tpu.memref_squeeze %dma_wait3A_1384 : memref<1x1x8x64xf32, #tpu.memory_space<vmem>> -> memref<8x64xf32, #tpu.memory_space<vmem>>
      %dma_wait3A_1386 = arith.constant 0 : i32
      %dma_wait3A_1387 = arith.constant 0 : i32
      %dma_wait3A_1388 = tpu.memref_slice %arg4[%dma_wait3A_1386, %dma_wait3A_1387] : memref<1000001x64xf32, #tpu.memory_space<hbm>> -> memref<8x64xf32, #tpu.memory_space<hbm>>
      tpu.wait_dma2 semaphore(%arg10 : memref<!tpu.dma_semaphore, #tpu.memory_space<semaphore_mem>>) src(%dma_wait3A_1388 : memref<8x64xf32, #tpu.memory_space<hbm>>) dst(%dma_wait3A_1385 : memref<8x64xf32, #tpu.memory_space<vmem>>)
      %dma_wait3A_1389 = arith.constant 9 : i32
      %dma_wait3A_1390 = arith.constant 0 : i32
      %dma_wait3A_1391 = arith.constant 0 : i32
      %dma_wait3A_1392 = tpu.memref_slice %arg7[%rem3A_1254, %dma_wait3A_1389, %dma_wait3A_1390, %dma_wait3A_1391] : memref<2x16x8x64xf32, #tpu.memory_space<vmem>> -> memref<1x1x8x64xf32, #tpu.memory_space<vmem>>
      %dma_wait3A_1393 = tpu.memref_squeeze %dma_wait3A_1392 : memref<1x1x8x64xf32, #tpu.memory_space<vmem>> -> memref<8x64xf32, #tpu.memory_space<vmem>>
      %dma_wait3A_1394 = arith.constant 0 : i32
      %dma_wait3A_1395 = arith.constant 0 : i32
      %dma_wait3A_1396 = tpu.memref_slice %arg4[%dma_wait3A_1394, %dma_wait3A_1395] : memref<1000001x64xf32, #tpu.memory_space<hbm>> -> memref<8x64xf32, #tpu.memory_space<hbm>>
      %dma_wait3A_1397 = arith.constant 0 : i32
      %dma_wait3A_1398 = arith.constant 0 : i32
      %dma_wait3A_1399 = tpu.memref_slice %arg7[%rem3A_1254, %dma_wait3A_1389, %dma_wait3A_1397, %dma_wait3A_1398] : memref<2x16x8x64xf32, #tpu.memory_space<vmem>> -> memref<1x1x8x64xf32, #tpu.memory_space<vmem>>
      %dma_wait3A_1400 = tpu.memref_squeeze %dma_wait3A_1399 : memref<1x1x8x64xf32, #tpu.memory_space<vmem>> -> memref<8x64xf32, #tpu.memory_space<vmem>>
      %dma_wait3A_1401 = arith.constant 0 : i32
      %dma_wait3A_1402 = arith.constant 0 : i32
      %dma_wait3A_1403 = tpu.memref_slice %arg4[%dma_wait3A_1401, %dma_wait3A_1402] : memref<1000001x64xf32, #tpu.memory_space<hbm>> -> memref<8x64xf32, #tpu.memory_space<hbm>>
      tpu.wait_dma2 semaphore(%arg10 : memref<!tpu.dma_semaphore, #tpu.memory_space<semaphore_mem>>) src(%dma_wait3A_1403 : memref<8x64xf32, #tpu.memory_space<hbm>>) dst(%dma_wait3A_1400 : memref<8x64xf32, #tpu.memory_space<vmem>>)
      %dma_wait3A_1404 = arith.constant 10 : i32
      %dma_wait3A_1405 = arith.constant 0 : i32
      %dma_wait3A_1406 = arith.constant 0 : i32
      %dma_wait3A_1407 = tpu.memref_slice %arg7[%rem3A_1254, %dma_wait3A_1404, %dma_wait3A_1405, %dma_wait3A_1406] : memref<2x16x8x64xf32, #tpu.memory_space<vmem>> -> memref<1x1x8x64xf32, #tpu.memory_space<vmem>>
      %dma_wait3A_1408 = tpu.memref_squeeze %dma_wait3A_1407 : memref<1x1x8x64xf32, #tpu.memory_space<vmem>> -> memref<8x64xf32, #tpu.memory_space<vmem>>
      %dma_wait3A_1409 = arith.constant 0 : i32
      %dma_wait3A_1410 = arith.constant 0 : i32
      %dma_wait3A_1411 = tpu.memref_slice %arg4[%dma_wait3A_1409, %dma_wait3A_1410] : memref<1000001x64xf32, #tpu.memory_space<hbm>> -> memref<8x64xf32, #tpu.memory_space<hbm>>
      %dma_wait3A_1412 = arith.constant 0 : i32
      %dma_wait3A_1413 = arith.constant 0 : i32
      %dma_wait3A_1414 = tpu.memref_slice %arg7[%rem3A_1254, %dma_wait3A_1404, %dma_wait3A_1412, %dma_wait3A_1413] : memref<2x16x8x64xf32, #tpu.memory_space<vmem>> -> memref<1x1x8x64xf32, #tpu.memory_space<vmem>>
      %dma_wait3A_1415 = tpu.memref_squeeze %dma_wait3A_1414 : memref<1x1x8x64xf32, #tpu.memory_space<vmem>> -> memref<8x64xf32, #tpu.memory_space<vmem>>
      %dma_wait3A_1416 = arith.constant 0 : i32
      %dma_wait3A_1417 = arith.constant 0 : i32
      %dma_wait3A_1418 = tpu.memref_slice %arg4[%dma_wait3A_1416, %dma_wait3A_1417] : memref<1000001x64xf32, #tpu.memory_space<hbm>> -> memref<8x64xf32, #tpu.memory_space<hbm>>
      tpu.wait_dma2 semaphore(%arg10 : memref<!tpu.dma_semaphore, #tpu.memory_space<semaphore_mem>>) src(%dma_wait3A_1418 : memref<8x64xf32, #tpu.memory_space<hbm>>) dst(%dma_wait3A_1415 : memref<8x64xf32, #tpu.memory_space<vmem>>)
      %dma_wait3A_1419 = arith.constant 11 : i32
      %dma_wait3A_1420 = arith.constant 0 : i32
      %dma_wait3A_1421 = arith.constant 0 : i32
      %dma_wait3A_1422 = tpu.memref_slice %arg7[%rem3A_1254, %dma_wait3A_1419, %dma_wait3A_1420, %dma_wait3A_1421] : memref<2x16x8x64xf32, #tpu.memory_space<vmem>> -> memref<1x1x8x64xf32, #tpu.memory_space<vmem>>
      %dma_wait3A_1423 = tpu.memref_squeeze %dma_wait3A_1422 : memref<1x1x8x64xf32, #tpu.memory_space<vmem>> -> memref<8x64xf32, #tpu.memory_space<vmem>>
      %dma_wait3A_1424 = arith.constant 0 : i32
      %dma_wait3A_1425 = arith.constant 0 : i32
      %dma_wait3A_1426 = tpu.memref_slice %arg4[%dma_wait3A_1424, %dma_wait3A_1425] : memref<1000001x64xf32, #tpu.memory_space<hbm>> -> memref<8x64xf32, #tpu.memory_space<hbm>>
      %dma_wait3A_1427 = arith.constant 0 : i32
      %dma_wait3A_1428 = arith.constant 0 : i32
      %dma_wait3A_1429 = tpu.memref_slice %arg7[%rem3A_1254, %dma_wait3A_1419, %dma_wait3A_1427, %dma_wait3A_1428] : memref<2x16x8x64xf32, #tpu.memory_space<vmem>> -> memref<1x1x8x64xf32, #tpu.memory_space<vmem>>
      %dma_wait3A_1430 = tpu.memref_squeeze %dma_wait3A_1429 : memref<1x1x8x64xf32, #tpu.memory_space<vmem>> -> memref<8x64xf32, #tpu.memory_space<vmem>>
      %dma_wait3A_1431 = arith.constant 0 : i32
      %dma_wait3A_1432 = arith.constant 0 : i32
      %dma_wait3A_1433 = tpu.memref_slice %arg4[%dma_wait3A_1431, %dma_wait3A_1432] : memref<1000001x64xf32, #tpu.memory_space<hbm>> -> memref<8x64xf32, #tpu.memory_space<hbm>>
      tpu.wait_dma2 semaphore(%arg10 : memref<!tpu.dma_semaphore, #tpu.memory_space<semaphore_mem>>) src(%dma_wait3A_1433 : memref<8x64xf32, #tpu.memory_space<hbm>>) dst(%dma_wait3A_1430 : memref<8x64xf32, #tpu.memory_space<vmem>>)
      %dma_wait3A_1434 = arith.constant 12 : i32
      %dma_wait3A_1435 = arith.constant 0 : i32
      %dma_wait3A_1436 = arith.constant 0 : i32
      %dma_wait3A_1437 = tpu.memref_slice %arg7[%rem3A_1254, %dma_wait3A_1434, %dma_wait3A_1435, %dma_wait3A_1436] : memref<2x16x8x64xf32, #tpu.memory_space<vmem>> -> memref<1x1x8x64xf32, #tpu.memory_space<vmem>>
      %dma_wait3A_1438 = tpu.memref_squeeze %dma_wait3A_1437 : memref<1x1x8x64xf32, #tpu.memory_space<vmem>> -> memref<8x64xf32, #tpu.memory_space<vmem>>
      %dma_wait3A_1439 = arith.constant 0 : i32
      %dma_wait3A_1440 = arith.constant 0 : i32
      %dma_wait3A_1441 = tpu.memref_slice %arg4[%dma_wait3A_1439, %dma_wait3A_1440] : memref<1000001x64xf32, #tpu.memory_space<hbm>> -> memref<8x64xf32, #tpu.memory_space<hbm>>
      %dma_wait3A_1442 = arith.constant 0 : i32
      %dma_wait3A_1443 = arith.constant 0 : i32
      %dma_wait3A_1444 = tpu.memref_slice %arg7[%rem3A_1254, %dma_wait3A_1434, %dma_wait3A_1442, %dma_wait3A_1443] : memref<2x16x8x64xf32, #tpu.memory_space<vmem>> -> memref<1x1x8x64xf32, #tpu.memory_space<vmem>>
      %dma_wait3A_1445 = tpu.memref_squeeze %dma_wait3A_1444 : memref<1x1x8x64xf32, #tpu.memory_space<vmem>> -> memref<8x64xf32, #tpu.memory_space<vmem>>
      %dma_wait3A_1446 = arith.constant 0 : i32
      %dma_wait3A_1447 = arith.constant 0 : i32
      %dma_wait3A_1448 = tpu.memref_slice %arg4[%dma_wait3A_1446, %dma_wait3A_1447] : memref<1000001x64xf32, #tpu.memory_space<hbm>> -> memref<8x64xf32, #tpu.memory_space<hbm>>
      tpu.wait_dma2 semaphore(%arg10 : memref<!tpu.dma_semaphore, #tpu.memory_space<semaphore_mem>>) src(%dma_wait3A_1448 : memref<8x64xf32, #tpu.memory_space<hbm>>) dst(%dma_wait3A_1445 : memref<8x64xf32, #tpu.memory_space<vmem>>)
      %dma_wait3A_1449 = arith.constant 13 : i32
      %dma_wait3A_1450 = arith.constant 0 : i32
      %dma_wait3A_1451 = arith.constant 0 : i32
      %dma_wait3A_1452 = tpu.memref_slice %arg7[%rem3A_1254, %dma_wait3A_1449, %dma_wait3A_1450, %dma_wait3A_1451] : memref<2x16x8x64xf32, #tpu.memory_space<vmem>> -> memref<1x1x8x64xf32, #tpu.memory_space<vmem>>
      %dma_wait3A_1453 = tpu.memref_squeeze %dma_wait3A_1452 : memref<1x1x8x64xf32, #tpu.memory_space<vmem>> -> memref<8x64xf32, #tpu.memory_space<vmem>>
      %dma_wait3A_1454 = arith.constant 0 : i32
      %dma_wait3A_1455 = arith.constant 0 : i32
      %dma_wait3A_1456 = tpu.memref_slice %arg4[%dma_wait3A_1454, %dma_wait3A_1455] : memref<1000001x64xf32, #tpu.memory_space<hbm>> -> memref<8x64xf32, #tpu.memory_space<hbm>>
      %dma_wait3A_1457 = arith.constant 0 : i32
      %dma_wait3A_1458 = arith.constant 0 : i32
      %dma_wait3A_1459 = tpu.memref_slice %arg7[%rem3A_1254, %dma_wait3A_1449, %dma_wait3A_1457, %dma_wait3A_1458] : memref<2x16x8x64xf32, #tpu.memory_space<vmem>> -> memref<1x1x8x64xf32, #tpu.memory_space<vmem>>
      %dma_wait3A_1460 = tpu.memref_squeeze %dma_wait3A_1459 : memref<1x1x8x64xf32, #tpu.memory_space<vmem>> -> memref<8x64xf32, #tpu.memory_space<vmem>>
      %dma_wait3A_1461 = arith.constant 0 : i32
      %dma_wait3A_1462 = arith.constant 0 : i32
      %dma_wait3A_1463 = tpu.memref_slice %arg4[%dma_wait3A_1461, %dma_wait3A_1462] : memref<1000001x64xf32, #tpu.memory_space<hbm>> -> memref<8x64xf32, #tpu.memory_space<hbm>>
      tpu.wait_dma2 semaphore(%arg10 : memref<!tpu.dma_semaphore, #tpu.memory_space<semaphore_mem>>) src(%dma_wait3A_1463 : memref<8x64xf32, #tpu.memory_space<hbm>>) dst(%dma_wait3A_1460 : memref<8x64xf32, #tpu.memory_space<vmem>>)
      %dma_wait3A_1464 = arith.constant 14 : i32
      %dma_wait3A_1465 = arith.constant 0 : i32
      %dma_wait3A_1466 = arith.constant 0 : i32
      %dma_wait3A_1467 = tpu.memref_slice %arg7[%rem3A_1254, %dma_wait3A_1464, %dma_wait3A_1465, %dma_wait3A_1466] : memref<2x16x8x64xf32, #tpu.memory_space<vmem>> -> memref<1x1x8x64xf32, #tpu.memory_space<vmem>>
      %dma_wait3A_1468 = tpu.memref_squeeze %dma_wait3A_1467 : memref<1x1x8x64xf32, #tpu.memory_space<vmem>> -> memref<8x64xf32, #tpu.memory_space<vmem>>
      %dma_wait3A_1469 = arith.constant 0 : i32
      %dma_wait3A_1470 = arith.constant 0 : i32
      %dma_wait3A_1471 = tpu.memref_slice %arg4[%dma_wait3A_1469, %dma_wait3A_1470] : memref<1000001x64xf32, #tpu.memory_space<hbm>> -> memref<8x64xf32, #tpu.memory_space<hbm>>
      %dma_wait3A_1472 = arith.constant 0 : i32
      %dma_wait3A_1473 = arith.constant 0 : i32
      %dma_wait3A_1474 = tpu.memref_slice %arg7[%rem3A_1254, %dma_wait3A_1464, %dma_wait3A_1472, %dma_wait3A_1473] : memref<2x16x8x64xf32, #tpu.memory_space<vmem>> -> memref<1x1x8x64xf32, #tpu.memory_space<vmem>>
      %dma_wait3A_1475 = tpu.memref_squeeze %dma_wait3A_1474 : memref<1x1x8x64xf32, #tpu.memory_space<vmem>> -> memref<8x64xf32, #tpu.memory_space<vmem>>
      %dma_wait3A_1476 = arith.constant 0 : i32
      %dma_wait3A_1477 = arith.constant 0 : i32
      %dma_wait3A_1478 = tpu.memref_slice %arg4[%dma_wait3A_1476, %dma_wait3A_1477] : memref<1000001x64xf32, #tpu.memory_space<hbm>> -> memref<8x64xf32, #tpu.memory_space<hbm>>
      tpu.wait_dma2 semaphore(%arg10 : memref<!tpu.dma_semaphore, #tpu.memory_space<semaphore_mem>>) src(%dma_wait3A_1478 : memref<8x64xf32, #tpu.memory_space<hbm>>) dst(%dma_wait3A_1475 : memref<8x64xf32, #tpu.memory_space<vmem>>)
      %dma_wait3A_1479 = arith.constant 15 : i32
      %dma_wait3A_1480 = arith.constant 0 : i32
      %dma_wait3A_1481 = arith.constant 0 : i32
      %dma_wait3A_1482 = tpu.memref_slice %arg7[%rem3A_1254, %dma_wait3A_1479, %dma_wait3A_1480, %dma_wait3A_1481] : memref<2x16x8x64xf32, #tpu.memory_space<vmem>> -> memref<1x1x8x64xf32, #tpu.memory_space<vmem>>
      %dma_wait3A_1483 = tpu.memref_squeeze %dma_wait3A_1482 : memref<1x1x8x64xf32, #tpu.memory_space<vmem>> -> memref<8x64xf32, #tpu.memory_space<vmem>>
      %dma_wait3A_1484 = arith.constant 0 : i32
      %dma_wait3A_1485 = arith.constant 0 : i32
      %dma_wait3A_1486 = tpu.memref_slice %arg4[%dma_wait3A_1484, %dma_wait3A_1485] : memref<1000001x64xf32, #tpu.memory_space<hbm>> -> memref<8x64xf32, #tpu.memory_space<hbm>>
      %dma_wait3A_1487 = arith.constant 0 : i32
      %dma_wait3A_1488 = arith.constant 0 : i32
      %dma_wait3A_1489 = tpu.memref_slice %arg7[%rem3A_1254, %dma_wait3A_1479, %dma_wait3A_1487, %dma_wait3A_1488] : memref<2x16x8x64xf32, #tpu.memory_space<vmem>> -> memref<1x1x8x64xf32, #tpu.memory_space<vmem>>
      %dma_wait3A_1490 = tpu.memref_squeeze %dma_wait3A_1489 : memref<1x1x8x64xf32, #tpu.memory_space<vmem>> -> memref<8x64xf32, #tpu.memory_space<vmem>>
      %dma_wait3A_1491 = arith.constant 0 : i32
      %dma_wait3A_1492 = arith.constant 0 : i32
      %dma_wait3A_1493 = tpu.memref_slice %arg4[%dma_wait3A_1491, %dma_wait3A_1492] : memref<1000001x64xf32, #tpu.memory_space<hbm>> -> memref<8x64xf32, #tpu.memory_space<hbm>>
      tpu.wait_dma2 semaphore(%arg10 : memref<!tpu.dma_semaphore, #tpu.memory_space<semaphore_mem>>) src(%dma_wait3A_1493 : memref<8x64xf32, #tpu.memory_space<hbm>>) dst(%dma_wait3A_1490 : memref<8x64xf32, #tpu.memory_space<vmem>>)
      %rem3A_1494 = arith.constant 8 : i32
      %rem3A_1495 = arith.remsi %scan3A_1250, %rem3A_1494 : i32
      %mul3A_1496 = arith.constant 16 : i32
      %mul3A_1497 = arith.muli %rem3A_1495, %mul3A_1496 : i32
      %mul3A_1498 = arith.constant 16 : i32
      %mul3A_1499 = arith.muli %scan3A_1250, %mul3A_1498 : i32
      %get3A_1500 = arith.index_cast %mul3A_1499 : i32 to index
      %get3A_1501 = tpu.vector_load %arg6[%get3A_1500] {strides = array<i32>} : memref<512xi32, #tpu.memory_space<vmem>>, vector<16xi32>,
      %eq3A_1502 = arith.constant 0 : i32
      %eq3A_1503 = vector.broadcast %eq3A_1502 : i32 to vector<16xi32>
      %eq3A_1504 = arith.cmpi eq, %iota3A, %eq3A_1503 : vector<16xi32>
      %select_n3A_1505 = arith.select %eq3A_1504, %get3A_1501, %broadcast_in_dim3A_3 : vector<16xi1>, vector<16xi32>
      %reduce_max3A_1506 = arith.constant true
      %reduce_max3A_1507 = vector.broadcast %reduce_max3A_1506 : i1 to vector<16xi1>
      %reduce_max3A_1508 = arith.constant -2147483648 : i32
      %reduce_max3A_1509 = vector.broadcast %reduce_max3A_1508 : i32 to vector<16xi32>
      %reduce_max3A_1510 = arith.xori %select_n3A_1505, %reduce_max3A_1509 : vector<16xi32>
      %reduce_max3A_1511 = tpu.scan <max>, %reduce_max3A_1510 masked %reduce_max3A_1507 : vector<16xi32>, vector<16xi1> -> vector<16xi32>
      %reduce_max3A_1512 = arith.xori %reduce_max3A_1511, %reduce_max3A_1509 : vector<16xi32>
      %reduce_max3A_1513 = vector.extract %reduce_max3A_1512[15] : i32 from vector<16xi32>
      %jit3A_1514 = arith.constant 1024 : i32
      %div3A_1515 = arith.divsi %reduce_max3A_1513, %jit3A_1514 : i32
      %sign3A_1516 = arith.constant 0 : i32
      %sign3A_1517 = arith.cmpi sgt, %reduce_max3A_1513, %sign3A_1516 : i32
      %sign3A_1518 = arith.extui %sign3A_1517 : i1 to i32
      %sign3A_1519 = arith.constant 0 : i32
      %sign3A_1520 = arith.cmpi slt, %reduce_max3A_1513, %sign3A_1519 : i32
      %sign3A_1521 = arith.extui %sign3A_1520 : i1 to i32
      %sign3A_1522 = arith.subi %sign3A_1518, %sign3A_1521 : i32
      %sign3A_1523 = arith.constant 0 : i32
      %sign3A_1524 = arith.cmpi sgt, %jit3A_1514, %sign3A_1523 : i32
      %sign3A_1525 = arith.extui %sign3A_1524 : i1 to i32
      %sign3A_1526 = arith.constant 0 : i32
      %sign3A_1527 = arith.cmpi slt, %jit3A_1514, %sign3A_1526 : i32
      %sign3A_1528 = arith.extui %sign3A_1527 : i1 to i32
      %sign3A_1529 = arith.subi %sign3A_1525, %sign3A_1528 : i32
      %ne3A_1530 = arith.cmpi ne, %sign3A_1522, %sign3A_1529 : i32
      %rem3A_1531 = arith.remsi %reduce_max3A_1513, %jit3A_1514 : i32
      %ne3A_1532 = arith.constant 0 : i32
      %ne3A_1533 = arith.cmpi ne, %rem3A_1531, %ne3A_1532 : i32
      %and3A_1534 = arith.andi %ne3A_1530, %ne3A_1533 : i1
      %sub3A_1535 = arith.constant 1 : i32
      %sub3A_1536 = arith.subi %div3A_1515, %sub3A_1535 : i32
      %select_n3A_1537 = arith.select %and3A_1534, %sub3A_1536, %div3A_1515 : i32
      %mul3A_1538 = arith.constant 1024 : i32
      %mul3A_1539 = arith.muli %select_n3A_1537, %mul3A_1538 : i32
      %sub3A_1540 = arith.subi %reduce_max3A_1513, %mul3A_1539 : i32
      %eq3A_1541 = arith.constant 1 : i32
      %eq3A_1542 = vector.broadcast %eq3A_1541 : i32 to vector<16xi32>
      %eq3A_1543 = arith.cmpi eq, %iota3A, %eq3A_1542 : vector<16xi32>
      %select_n3A_1544 = arith.select %eq3A_1543, %get3A_1501, %broadcast_in_dim3A_3 : vector<16xi1>, vector<16xi32>
      %reduce_max3A_1545 = arith.constant true
      %reduce_max3A_1546 = vector.broadcast %reduce_max3A_1545 : i1 to vector<16xi1>
      %reduce_max3A_1547 = arith.constant -2147483648 : i32
      %reduce_max3A_1548 = vector.broadcast %reduce_max3A_1547 : i32 to vector<16xi32>
      %reduce_max3A_1549 = arith.xori %select_n3A_1544, %reduce_max3A_1548 : vector<16xi32>
      %reduce_max3A_1550 = tpu.scan <max>, %reduce_max3A_1549 masked %reduce_max3A_1546 : vector<16xi32>, vector<16xi1> -> vector<16xi32>
      %reduce_max3A_1551 = arith.xori %reduce_max3A_1550, %reduce_max3A_1548 : vector<16xi32>
      %reduce_max3A_1552 = vector.extract %reduce_max3A_1551[15] : i32 from vector<16xi32>
      %jit3A_1553 = arith.constant 1024 : i32
      %div3A_1554 = arith.divsi %reduce_max3A_1552, %jit3A_1553 : i32
      %sign3A_1555 = arith.constant 0 : i32
      %sign3A_1556 = arith.cmpi sgt, %reduce_max3A_1552, %sign3A_1555 : i32
      %sign3A_1557 = arith.extui %sign3A_1556 : i1 to i32
      %sign3A_1558 = arith.constant 0 : i32
      %sign3A_1559 = arith.cmpi slt, %reduce_max3A_1552, %sign3A_1558 : i32
      %sign3A_1560 = arith.extui %sign3A_1559 : i1 to i32
      %sign3A_1561 = arith.subi %sign3A_1557, %sign3A_1560 : i32
      %sign3A_1562 = arith.constant 0 : i32
      %sign3A_1563 = arith.cmpi sgt, %jit3A_1553, %sign3A_1562 : i32
      %sign3A_1564 = arith.extui %sign3A_1563 : i1 to i32
      %sign3A_1565 = arith.constant 0 : i32
      %sign3A_1566 = arith.cmpi slt, %jit3A_1553, %sign3A_1565 : i32
      %sign3A_1567 = arith.extui %sign3A_1566 : i1 to i32
      %sign3A_1568 = arith.subi %sign3A_1564, %sign3A_1567 : i32
      %ne3A_1569 = arith.cmpi ne, %sign3A_1561, %sign3A_1568 : i32
      %rem3A_1570 = arith.remsi %reduce_max3A_1552, %jit3A_1553 : i32
      %ne3A_1571 = arith.constant 0 : i32
      %ne3A_1572 = arith.cmpi ne, %rem3A_1570, %ne3A_1571 : i32
      %and3A_1573 = arith.andi %ne3A_1569, %ne3A_1572 : i1
      %sub3A_1574 = arith.constant 1 : i32
      %sub3A_1575 = arith.subi %div3A_1554, %sub3A_1574 : i32
      %select_n3A_1576 = arith.select %and3A_1573, %sub3A_1575, %div3A_1554 : i32
      %mul3A_1577 = arith.constant 1024 : i32
      %mul3A_1578 = arith.muli %select_n3A_1576, %mul3A_1577 : i32
      %sub3A_1579 = arith.subi %reduce_max3A_1552, %mul3A_1578 : i32
      %eq3A_1580 = arith.constant 2 : i32
      %eq3A_1581 = vector.broadcast %eq3A_1580 : i32 to vector<16xi32>
      %eq3A_1582 = arith.cmpi eq, %iota3A, %eq3A_1581 : vector<16xi32>
      %select_n3A_1583 = arith.select %eq3A_1582, %get3A_1501, %broadcast_in_dim3A_3 : vector<16xi1>, vector<16xi32>
      %reduce_max3A_1584 = arith.constant true
      %reduce_max3A_1585 = vector.broadcast %reduce_max3A_1584 : i1 to vector<16xi1>
      %reduce_max3A_1586 = arith.constant -2147483648 : i32
      %reduce_max3A_1587 = vector.broadcast %reduce_max3A_1586 : i32 to vector<16xi32>
      %reduce_max3A_1588 = arith.xori %select_n3A_1583, %reduce_max3A_1587 : vector<16xi32>
      %reduce_max3A_1589 = tpu.scan <max>, %reduce_max3A_1588 masked %reduce_max3A_1585 : vector<16xi32>, vector<16xi1> -> vector<16xi32>
      %reduce_max3A_1590 = arith.xori %reduce_max3A_1589, %reduce_max3A_1587 : vector<16xi32>
      %reduce_max3A_1591 = vector.extract %reduce_max3A_1590[15] : i32 from vector<16xi32>
      %jit3A_1592 = arith.constant 1024 : i32
      %div3A_1593 = arith.divsi %reduce_max3A_1591, %jit3A_1592 : i32
      %sign3A_1594 = arith.constant 0 : i32
      %sign3A_1595 = arith.cmpi sgt, %reduce_max3A_1591, %sign3A_1594 : i32
      %sign3A_1596 = arith.extui %sign3A_1595 : i1 to i32
      %sign3A_1597 = arith.constant 0 : i32
      %sign3A_1598 = arith.cmpi slt, %reduce_max3A_1591, %sign3A_1597 : i32
      %sign3A_1599 = arith.extui %sign3A_1598 : i1 to i32
      %sign3A_1600 = arith.subi %sign3A_1596, %sign3A_1599 : i32
      %sign3A_1601 = arith.constant 0 : i32
      %sign3A_1602 = arith.cmpi sgt, %jit3A_1592, %sign3A_1601 : i32
      %sign3A_1603 = arith.extui %sign3A_1602 : i1 to i32
      %sign3A_1604 = arith.constant 0 : i32
      %sign3A_1605 = arith.cmpi slt, %jit3A_1592, %sign3A_1604 : i32
      %sign3A_1606 = arith.extui %sign3A_1605 : i1 to i32
      %sign3A_1607 = arith.subi %sign3A_1603, %sign3A_1606 : i32
      %ne3A_1608 = arith.cmpi ne, %sign3A_1600, %sign3A_1607 : i32
      %rem3A_1609 = arith.remsi %reduce_max3A_1591, %jit3A_1592 : i32
      %ne3A_1610 = arith.constant 0 : i32
      %ne3A_1611 = arith.cmpi ne, %rem3A_1609, %ne3A_1610 : i32
      %and3A_1612 = arith.andi %ne3A_1608, %ne3A_1611 : i1
      %sub3A_1613 = arith.constant 1 : i32
      %sub3A_1614 = arith.subi %div3A_1593, %sub3A_1613 : i32
      %select_n3A_1615 = arith.select %and3A_1612, %sub3A_1614, %div3A_1593 : i32
      %mul3A_1616 = arith.constant 1024 : i32
      %mul3A_1617 = arith.muli %select_n3A_1615, %mul3A_1616 : i32
      %sub3A_1618 = arith.subi %reduce_max3A_1591, %mul3A_1617 : i32
      %eq3A_1619 = arith.constant 3 : i32
      %eq3A_1620 = vector.broadcast %eq3A_1619 : i32 to vector<16xi32>
      %eq3A_1621 = arith.cmpi eq, %iota3A, %eq3A_1620 : vector<16xi32>
      %select_n3A_1622 = arith.select %eq3A_1621, %get3A_1501, %broadcast_in_dim3A_3 : vector<16xi1>, vector<16xi32>
      %reduce_max3A_1623 = arith.constant true
      %reduce_max3A_1624 = vector.broadcast %reduce_max3A_1623 : i1 to vector<16xi1>
      %reduce_max3A_1625 = arith.constant -2147483648 : i32
      %reduce_max3A_1626 = vector.broadcast %reduce_max3A_1625 : i32 to vector<16xi32>
      %reduce_max3A_1627 = arith.xori %select_n3A_1622, %reduce_max3A_1626 : vector<16xi32>
      %reduce_max3A_1628 = tpu.scan <max>, %reduce_max3A_1627 masked %reduce_max3A_1624 : vector<16xi32>, vector<16xi1> -> vector<16xi32>
      %reduce_max3A_1629 = arith.xori %reduce_max3A_1628, %reduce_max3A_1626 : vector<16xi32>
      %reduce_max3A_1630 = vector.extract %reduce_max3A_1629[15] : i32 from vector<16xi32>
      %jit3A_1631 = arith.constant 1024 : i32
      %div3A_1632 = arith.divsi %reduce_max3A_1630, %jit3A_1631 : i32
      %sign3A_1633 = arith.constant 0 : i32
      %sign3A_1634 = arith.cmpi sgt, %reduce_max3A_1630, %sign3A_1633 : i32
      %sign3A_1635 = arith.extui %sign3A_1634 : i1 to i32
      %sign3A_1636 = arith.constant 0 : i32
      %sign3A_1637 = arith.cmpi slt, %reduce_max3A_1630, %sign3A_1636 : i32
      %sign3A_1638 = arith.extui %sign3A_1637 : i1 to i32
      %sign3A_1639 = arith.subi %sign3A_1635, %sign3A_1638 : i32
      %sign3A_1640 = arith.constant 0 : i32
      %sign3A_1641 = arith.cmpi sgt, %jit3A_1631, %sign3A_1640 : i32
      %sign3A_1642 = arith.extui %sign3A_1641 : i1 to i32
      %sign3A_1643 = arith.constant 0 : i32
      %sign3A_1644 = arith.cmpi slt, %jit3A_1631, %sign3A_1643 : i32
      %sign3A_1645 = arith.extui %sign3A_1644 : i1 to i32
      %sign3A_1646 = arith.subi %sign3A_1642, %sign3A_1645 : i32
      %ne3A_1647 = arith.cmpi ne, %sign3A_1639, %sign3A_1646 : i32
      %rem3A_1648 = arith.remsi %reduce_max3A_1630, %jit3A_1631 : i32
      %ne3A_1649 = arith.constant 0 : i32
      %ne3A_1650 = arith.cmpi ne, %rem3A_1648, %ne3A_1649 : i32
      %and3A_1651 = arith.andi %ne3A_1647, %ne3A_1650 : i1
      %sub3A_1652 = arith.constant 1 : i32
      %sub3A_1653 = arith.subi %div3A_1632, %sub3A_1652 : i32
      %select_n3A_1654 = arith.select %and3A_1651, %sub3A_1653, %div3A_1632 : i32
      %mul3A_1655 = arith.constant 1024 : i32
      %mul3A_1656 = arith.muli %select_n3A_1654, %mul3A_1655 : i32
      %sub3A_1657 = arith.subi %reduce_max3A_1630, %mul3A_1656 : i32
      %eq3A_1658 = arith.constant 4 : i32
      %eq3A_1659 = vector.broadcast %eq3A_1658 : i32 to vector<16xi32>
      %eq3A_1660 = arith.cmpi eq, %iota3A, %eq3A_1659 : vector<16xi32>
      %select_n3A_1661 = arith.select %eq3A_1660, %get3A_1501, %broadcast_in_dim3A_3 : vector<16xi1>, vector<16xi32>
      %reduce_max3A_1662 = arith.constant true
      %reduce_max3A_1663 = vector.broadcast %reduce_max3A_1662 : i1 to vector<16xi1>
      %reduce_max3A_1664 = arith.constant -2147483648 : i32
      %reduce_max3A_1665 = vector.broadcast %reduce_max3A_1664 : i32 to vector<16xi32>
      %reduce_max3A_1666 = arith.xori %select_n3A_1661, %reduce_max3A_1665 : vector<16xi32>
      %reduce_max3A_1667 = tpu.scan <max>, %reduce_max3A_1666 masked %reduce_max3A_1663 : vector<16xi32>, vector<16xi1> -> vector<16xi32>
      %reduce_max3A_1668 = arith.xori %reduce_max3A_1667, %reduce_max3A_1665 : vector<16xi32>
      %reduce_max3A_1669 = vector.extract %reduce_max3A_1668[15] : i32 from vector<16xi32>
      %jit3A_1670 = arith.constant 1024 : i32
      %div3A_1671 = arith.divsi %reduce_max3A_1669, %jit3A_1670 : i32
      %sign3A_1672 = arith.constant 0 : i32
      %sign3A_1673 = arith.cmpi sgt, %reduce_max3A_1669, %sign3A_1672 : i32
      %sign3A_1674 = arith.extui %sign3A_1673 : i1 to i32
      %sign3A_1675 = arith.constant 0 : i32
      %sign3A_1676 = arith.cmpi slt, %reduce_max3A_1669, %sign3A_1675 : i32
      %sign3A_1677 = arith.extui %sign3A_1676 : i1 to i32
      %sign3A_1678 = arith.subi %sign3A_1674, %sign3A_1677 : i32
      %sign3A_1679 = arith.constant 0 : i32
      %sign3A_1680 = arith.cmpi sgt, %jit3A_1670, %sign3A_1679 : i32
      %sign3A_1681 = arith.extui %sign3A_1680 : i1 to i32
      %sign3A_1682 = arith.constant 0 : i32
      %sign3A_1683 = arith.cmpi slt, %jit3A_1670, %sign3A_1682 : i32
      %sign3A_1684 = arith.extui %sign3A_1683 : i1 to i32
      %sign3A_1685 = arith.subi %sign3A_1681, %sign3A_1684 : i32
      %ne3A_1686 = arith.cmpi ne, %sign3A_1678, %sign3A_1685 : i32
      %rem3A_1687 = arith.remsi %reduce_max3A_1669, %jit3A_1670 : i32
      %ne3A_1688 = arith.constant 0 : i32
      %ne3A_1689 = arith.cmpi ne, %rem3A_1687, %ne3A_1688 : i32
      %and3A_1690 = arith.andi %ne3A_1686, %ne3A_1689 : i1
      %sub3A_1691 = arith.constant 1 : i32
      %sub3A_1692 = arith.subi %div3A_1671, %sub3A_1691 : i32
      %select_n3A_1693 = arith.select %and3A_1690, %sub3A_1692, %div3A_1671 : i32
      %mul3A_1694 = arith.constant 1024 : i32
      %mul3A_1695 = arith.muli %select_n3A_1693, %mul3A_1694 : i32
      %sub3A_1696 = arith.subi %reduce_max3A_1669, %mul3A_1695 : i32
      %eq3A_1697 = arith.constant 5 : i32
      %eq3A_1698 = vector.broadcast %eq3A_1697 : i32 to vector<16xi32>
      %eq3A_1699 = arith.cmpi eq, %iota3A, %eq3A_1698 : vector<16xi32>
      %select_n3A_1700 = arith.select %eq3A_1699, %get3A_1501, %broadcast_in_dim3A_3 : vector<16xi1>, vector<16xi32>
      %reduce_max3A_1701 = arith.constant true
      %reduce_max3A_1702 = vector.broadcast %reduce_max3A_1701 : i1 to vector<16xi1>
      %reduce_max3A_1703 = arith.constant -2147483648 : i32
      %reduce_max3A_1704 = vector.broadcast %reduce_max3A_1703 : i32 to vector<16xi32>
      %reduce_max3A_1705 = arith.xori %select_n3A_1700, %reduce_max3A_1704 : vector<16xi32>
      %reduce_max3A_1706 = tpu.scan <max>, %reduce_max3A_1705 masked %reduce_max3A_1702 : vector<16xi32>, vector<16xi1> -> vector<16xi32>
      %reduce_max3A_1707 = arith.xori %reduce_max3A_1706, %reduce_max3A_1704 : vector<16xi32>
      %reduce_max3A_1708 = vector.extract %reduce_max3A_1707[15] : i32 from vector<16xi32>
      %jit3A_1709 = arith.constant 1024 : i32
      %div3A_1710 = arith.divsi %reduce_max3A_1708, %jit3A_1709 : i32
      %sign3A_1711 = arith.constant 0 : i32
      %sign3A_1712 = arith.cmpi sgt, %reduce_max3A_1708, %sign3A_1711 : i32
      %sign3A_1713 = arith.extui %sign3A_1712 : i1 to i32
      %sign3A_1714 = arith.constant 0 : i32
      %sign3A_1715 = arith.cmpi slt, %reduce_max3A_1708, %sign3A_1714 : i32
      %sign3A_1716 = arith.extui %sign3A_1715 : i1 to i32
      %sign3A_1717 = arith.subi %sign3A_1713, %sign3A_1716 : i32
      %sign3A_1718 = arith.constant 0 : i32
      %sign3A_1719 = arith.cmpi sgt, %jit3A_1709, %sign3A_1718 : i32
      %sign3A_1720 = arith.extui %sign3A_1719 : i1 to i32
      %sign3A_1721 = arith.constant 0 : i32
      %sign3A_1722 = arith.cmpi slt, %jit3A_1709, %sign3A_1721 : i32
      %sign3A_1723 = arith.extui %sign3A_1722 : i1 to i32
      %sign3A_1724 = arith.subi %sign3A_1720, %sign3A_1723 : i32
      %ne3A_1725 = arith.cmpi ne, %sign3A_1717, %sign3A_1724 : i32
      %rem3A_1726 = arith.remsi %reduce_max3A_1708, %jit3A_1709 : i32
      %ne3A_1727 = arith.constant 0 : i32
      %ne3A_1728 = arith.cmpi ne, %rem3A_1726, %ne3A_1727 : i32
      %and3A_1729 = arith.andi %ne3A_1725, %ne3A_1728 : i1
      %sub3A_1730 = arith.constant 1 : i32
      %sub3A_1731 = arith.subi %div3A_1710, %sub3A_1730 : i32
      %select_n3A_1732 = arith.select %and3A_1729, %sub3A_1731, %div3A_1710 : i32
      %mul3A_1733 = arith.constant 1024 : i32
      %mul3A_1734 = arith.muli %select_n3A_1732, %mul3A_1733 : i32
      %sub3A_1735 = arith.subi %reduce_max3A_1708, %mul3A_1734 : i32
      %eq3A_1736 = arith.constant 6 : i32
      %eq3A_1737 = vector.broadcast %eq3A_1736 : i32 to vector<16xi32>
      %eq3A_1738 = arith.cmpi eq, %iota3A, %eq3A_1737 : vector<16xi32>
      %select_n3A_1739 = arith.select %eq3A_1738, %get3A_1501, %broadcast_in_dim3A_3 : vector<16xi1>, vector<16xi32>
      %reduce_max3A_1740 = arith.constant true
      %reduce_max3A_1741 = vector.broadcast %reduce_max3A_1740 : i1 to vector<16xi1>
      %reduce_max3A_1742 = arith.constant -2147483648 : i32
      %reduce_max3A_1743 = vector.broadcast %reduce_max3A_1742 : i32 to vector<16xi32>
      %reduce_max3A_1744 = arith.xori %select_n3A_1739, %reduce_max3A_1743 : vector<16xi32>
      %reduce_max3A_1745 = tpu.scan <max>, %reduce_max3A_1744 masked %reduce_max3A_1741 : vector<16xi32>, vector<16xi1> -> vector<16xi32>
      %reduce_max3A_1746 = arith.xori %reduce_max3A_1745, %reduce_max3A_1743 : vector<16xi32>
      %reduce_max3A_1747 = vector.extract %reduce_max3A_1746[15] : i32 from vector<16xi32>
      %jit3A_1748 = arith.constant 1024 : i32
      %div3A_1749 = arith.divsi %reduce_max3A_1747, %jit3A_1748 : i32
      %sign3A_1750 = arith.constant 0 : i32
      %sign3A_1751 = arith.cmpi sgt, %reduce_max3A_1747, %sign3A_1750 : i32
      %sign3A_1752 = arith.extui %sign3A_1751 : i1 to i32
      %sign3A_1753 = arith.constant 0 : i32
      %sign3A_1754 = arith.cmpi slt, %reduce_max3A_1747, %sign3A_1753 : i32
      %sign3A_1755 = arith.extui %sign3A_1754 : i1 to i32
      %sign3A_1756 = arith.subi %sign3A_1752, %sign3A_1755 : i32
      %sign3A_1757 = arith.constant 0 : i32
      %sign3A_1758 = arith.cmpi sgt, %jit3A_1748, %sign3A_1757 : i32
      %sign3A_1759 = arith.extui %sign3A_1758 : i1 to i32
      %sign3A_1760 = arith.constant 0 : i32
      %sign3A_1761 = arith.cmpi slt, %jit3A_1748, %sign3A_1760 : i32
      %sign3A_1762 = arith.extui %sign3A_1761 : i1 to i32
      %sign3A_1763 = arith.subi %sign3A_1759, %sign3A_1762 : i32
      %ne3A_1764 = arith.cmpi ne, %sign3A_1756, %sign3A_1763 : i32
      %rem3A_1765 = arith.remsi %reduce_max3A_1747, %jit3A_1748 : i32
      %ne3A_1766 = arith.constant 0 : i32
      %ne3A_1767 = arith.cmpi ne, %rem3A_1765, %ne3A_1766 : i32
      %and3A_1768 = arith.andi %ne3A_1764, %ne3A_1767 : i1
      %sub3A_1769 = arith.constant 1 : i32
      %sub3A_1770 = arith.subi %div3A_1749, %sub3A_1769 : i32
      %select_n3A_1771 = arith.select %and3A_1768, %sub3A_1770, %div3A_1749 : i32
      %mul3A_1772 = arith.constant 1024 : i32
      %mul3A_1773 = arith.muli %select_n3A_1771, %mul3A_1772 : i32
      %sub3A_1774 = arith.subi %reduce_max3A_1747, %mul3A_1773 : i32
      %eq3A_1775 = arith.constant 7 : i32
      %eq3A_1776 = vector.broadcast %eq3A_1775 : i32 to vector<16xi32>
      %eq3A_1777 = arith.cmpi eq, %iota3A, %eq3A_1776 : vector<16xi32>
      %select_n3A_1778 = arith.select %eq3A_1777, %get3A_1501, %broadcast_in_dim3A_3 : vector<16xi1>, vector<16xi32>
      %reduce_max3A_1779 = arith.constant true
      %reduce_max3A_1780 = vector.broadcast %reduce_max3A_1779 : i1 to vector<16xi1>
      %reduce_max3A_1781 = arith.constant -2147483648 : i32
      %reduce_max3A_1782 = vector.broadcast %reduce_max3A_1781 : i32 to vector<16xi32>
      %reduce_max3A_1783 = arith.xori %select_n3A_1778, %reduce_max3A_1782 : vector<16xi32>
      %reduce_max3A_1784 = tpu.scan <max>, %reduce_max3A_1783 masked %reduce_max3A_1780 : vector<16xi32>, vector<16xi1> -> vector<16xi32>
      %reduce_max3A_1785 = arith.xori %reduce_max3A_1784, %reduce_max3A_1782 : vector<16xi32>
      %reduce_max3A_1786 = vector.extract %reduce_max3A_1785[15] : i32 from vector<16xi32>
      %jit3A_1787 = arith.constant 1024 : i32
      %div3A_1788 = arith.divsi %reduce_max3A_1786, %jit3A_1787 : i32
      %sign3A_1789 = arith.constant 0 : i32
      %sign3A_1790 = arith.cmpi sgt, %reduce_max3A_1786, %sign3A_1789 : i32
      %sign3A_1791 = arith.extui %sign3A_1790 : i1 to i32
      %sign3A_1792 = arith.constant 0 : i32
      %sign3A_1793 = arith.cmpi slt, %reduce_max3A_1786, %sign3A_1792 : i32
      %sign3A_1794 = arith.extui %sign3A_1793 : i1 to i32
      %sign3A_1795 = arith.subi %sign3A_1791, %sign3A_1794 : i32
      %sign3A_1796 = arith.constant 0 : i32
      %sign3A_1797 = arith.cmpi sgt, %jit3A_1787, %sign3A_1796 : i32
      %sign3A_1798 = arith.extui %sign3A_1797 : i1 to i32
      %sign3A_1799 = arith.constant 0 : i32
      %sign3A_1800 = arith.cmpi slt, %jit3A_1787, %sign3A_1799 : i32
      %sign3A_1801 = arith.extui %sign3A_1800 : i1 to i32
      %sign3A_1802 = arith.subi %sign3A_1798, %sign3A_1801 : i32
      %ne3A_1803 = arith.cmpi ne, %sign3A_1795, %sign3A_1802 : i32
      %rem3A_1804 = arith.remsi %reduce_max3A_1786, %jit3A_1787 : i32
      %ne3A_1805 = arith.constant 0 : i32
      %ne3A_1806 = arith.cmpi ne, %rem3A_1804, %ne3A_1805 : i32
      %and3A_1807 = arith.andi %ne3A_1803, %ne3A_1806 : i1
      %sub3A_1808 = arith.constant 1 : i32
      %sub3A_1809 = arith.subi %div3A_1788, %sub3A_1808 : i32
      %select_n3A_1810 = arith.select %and3A_1807, %sub3A_1809, %div3A_1788 : i32
      %mul3A_1811 = arith.constant 1024 : i32
      %mul3A_1812 = arith.muli %select_n3A_1810, %mul3A_1811 : i32
      %sub3A_1813 = arith.subi %reduce_max3A_1786, %mul3A_1812 : i32
      %eq3A_1814 = arith.constant 8 : i32
      %eq3A_1815 = vector.broadcast %eq3A_1814 : i32 to vector<16xi32>
      %eq3A_1816 = arith.cmpi eq, %iota3A, %eq3A_1815 : vector<16xi32>
      %select_n3A_1817 = arith.select %eq3A_1816, %get3A_1501, %broadcast_in_dim3A_3 : vector<16xi1>, vector<16xi32>
      %reduce_max3A_1818 = arith.constant true
      %reduce_max3A_1819 = vector.broadcast %reduce_max3A_1818 : i1 to vector<16xi1>
      %reduce_max3A_1820 = arith.constant -2147483648 : i32
      %reduce_max3A_1821 = vector.broadcast %reduce_max3A_1820 : i32 to vector<16xi32>
      %reduce_max3A_1822 = arith.xori %select_n3A_1817, %reduce_max3A_1821 : vector<16xi32>
      %reduce_max3A_1823 = tpu.scan <max>, %reduce_max3A_1822 masked %reduce_max3A_1819 : vector<16xi32>, vector<16xi1> -> vector<16xi32>
      %reduce_max3A_1824 = arith.xori %reduce_max3A_1823, %reduce_max3A_1821 : vector<16xi32>
      %reduce_max3A_1825 = vector.extract %reduce_max3A_1824[15] : i32 from vector<16xi32>
      %jit3A_1826 = arith.constant 1024 : i32
      %div3A_1827 = arith.divsi %reduce_max3A_1825, %jit3A_1826 : i32
      %sign3A_1828 = arith.constant 0 : i32
      %sign3A_1829 = arith.cmpi sgt, %reduce_max3A_1825, %sign3A_1828 : i32
      %sign3A_1830 = arith.extui %sign3A_1829 : i1 to i32
      %sign3A_1831 = arith.constant 0 : i32
      %sign3A_1832 = arith.cmpi slt, %reduce_max3A_1825, %sign3A_1831 : i32
      %sign3A_1833 = arith.extui %sign3A_1832 : i1 to i32
      %sign3A_1834 = arith.subi %sign3A_1830, %sign3A_1833 : i32
      %sign3A_1835 = arith.constant 0 : i32
      %sign3A_1836 = arith.cmpi sgt, %jit3A_1826, %sign3A_1835 : i32
      %sign3A_1837 = arith.extui %sign3A_1836 : i1 to i32
      %sign3A_1838 = arith.constant 0 : i32
      %sign3A_1839 = arith.cmpi slt, %jit3A_1826, %sign3A_1838 : i32
      %sign3A_1840 = arith.extui %sign3A_1839 : i1 to i32
      %sign3A_1841 = arith.subi %sign3A_1837, %sign3A_1840 : i32
      %ne3A_1842 = arith.cmpi ne, %sign3A_1834, %sign3A_1841 : i32
      %rem3A_1843 = arith.remsi %reduce_max3A_1825, %jit3A_1826 : i32
      %ne3A_1844 = arith.constant 0 : i32
      %ne3A_1845 = arith.cmpi ne, %rem3A_1843, %ne3A_1844 : i32
      %and3A_1846 = arith.andi %ne3A_1842, %ne3A_1845 : i1
      %sub3A_1847 = arith.constant 1 : i32
      %sub3A_1848 = arith.subi %div3A_1827, %sub3A_1847 : i32
      %select_n3A_1849 = arith.select %and3A_1846, %sub3A_1848, %div3A_1827 : i32
      %mul3A_1850 = arith.constant 1024 : i32
      %mul3A_1851 = arith.muli %select_n3A_1849, %mul3A_1850 : i32
      %sub3A_1852 = arith.subi %reduce_max3A_1825, %mul3A_1851 : i32
      %eq3A_1853 = arith.constant 9 : i32
      %eq3A_1854 = vector.broadcast %eq3A_1853 : i32 to vector<16xi32>
      %eq3A_1855 = arith.cmpi eq, %iota3A, %eq3A_1854 : vector<16xi32>
      %select_n3A_1856 = arith.select %eq3A_1855, %get3A_1501, %broadcast_in_dim3A_3 : vector<16xi1>, vector<16xi32>
      %reduce_max3A_1857 = arith.constant true
      %reduce_max3A_1858 = vector.broadcast %reduce_max3A_1857 : i1 to vector<16xi1>
      %reduce_max3A_1859 = arith.constant -2147483648 : i32
      %reduce_max3A_1860 = vector.broadcast %reduce_max3A_1859 : i32 to vector<16xi32>
      %reduce_max3A_1861 = arith.xori %select_n3A_1856, %reduce_max3A_1860 : vector<16xi32>
      %reduce_max3A_1862 = tpu.scan <max>, %reduce_max3A_1861 masked %reduce_max3A_1858 : vector<16xi32>, vector<16xi1> -> vector<16xi32>
      %reduce_max3A_1863 = arith.xori %reduce_max3A_1862, %reduce_max3A_1860 : vector<16xi32>
      %reduce_max3A_1864 = vector.extract %reduce_max3A_1863[15] : i32 from vector<16xi32>
      %jit3A_1865 = arith.constant 1024 : i32
      %div3A_1866 = arith.divsi %reduce_max3A_1864, %jit3A_1865 : i32
      %sign3A_1867 = arith.constant 0 : i32
      %sign3A_1868 = arith.cmpi sgt, %reduce_max3A_1864, %sign3A_1867 : i32
      %sign3A_1869 = arith.extui %sign3A_1868 : i1 to i32
      %sign3A_1870 = arith.constant 0 : i32
      %sign3A_1871 = arith.cmpi slt, %reduce_max3A_1864, %sign3A_1870 : i32
      %sign3A_1872 = arith.extui %sign3A_1871 : i1 to i32
      %sign3A_1873 = arith.subi %sign3A_1869, %sign3A_1872 : i32
      %sign3A_1874 = arith.constant 0 : i32
      %sign3A_1875 = arith.cmpi sgt, %jit3A_1865, %sign3A_1874 : i32
      %sign3A_1876 = arith.extui %sign3A_1875 : i1 to i32
      %sign3A_1877 = arith.constant 0 : i32
      %sign3A_1878 = arith.cmpi slt, %jit3A_1865, %sign3A_1877 : i32
      %sign3A_1879 = arith.extui %sign3A_1878 : i1 to i32
      %sign3A_1880 = arith.subi %sign3A_1876, %sign3A_1879 : i32
      %ne3A_1881 = arith.cmpi ne, %sign3A_1873, %sign3A_1880 : i32
      %rem3A_1882 = arith.remsi %reduce_max3A_1864, %jit3A_1865 : i32
      %ne3A_1883 = arith.constant 0 : i32
      %ne3A_1884 = arith.cmpi ne, %rem3A_1882, %ne3A_1883 : i32
      %and3A_1885 = arith.andi %ne3A_1881, %ne3A_1884 : i1
      %sub3A_1886 = arith.constant 1 : i32
      %sub3A_1887 = arith.subi %div3A_1866, %sub3A_1886 : i32
      %select_n3A_1888 = arith.select %and3A_1885, %sub3A_1887, %div3A_1866 : i32
      %mul3A_1889 = arith.constant 1024 : i32
      %mul3A_1890 = arith.muli %select_n3A_1888, %mul3A_1889 : i32
      %sub3A_1891 = arith.subi %reduce_max3A_1864, %mul3A_1890 : i32
      %eq3A_1892 = arith.constant 10 : i32
      %eq3A_1893 = vector.broadcast %eq3A_1892 : i32 to vector<16xi32>
      %eq3A_1894 = arith.cmpi eq, %iota3A, %eq3A_1893 : vector<16xi32>
      %select_n3A_1895 = arith.select %eq3A_1894, %get3A_1501, %broadcast_in_dim3A_3 : vector<16xi1>, vector<16xi32>
      %reduce_max3A_1896 = arith.constant true
      %reduce_max3A_1897 = vector.broadcast %reduce_max3A_1896 : i1 to vector<16xi1>
      %reduce_max3A_1898 = arith.constant -2147483648 : i32
      %reduce_max3A_1899 = vector.broadcast %reduce_max3A_1898 : i32 to vector<16xi32>
      %reduce_max3A_1900 = arith.xori %select_n3A_1895, %reduce_max3A_1899 : vector<16xi32>
      %reduce_max3A_1901 = tpu.scan <max>, %reduce_max3A_1900 masked %reduce_max3A_1897 : vector<16xi32>, vector<16xi1> -> vector<16xi32>
      %reduce_max3A_1902 = arith.xori %reduce_max3A_1901, %reduce_max3A_1899 : vector<16xi32>
      %reduce_max3A_1903 = vector.extract %reduce_max3A_1902[15] : i32 from vector<16xi32>
      %jit3A_1904 = arith.constant 1024 : i32
      %div3A_1905 = arith.divsi %reduce_max3A_1903, %jit3A_1904 : i32
      %sign3A_1906 = arith.constant 0 : i32
      %sign3A_1907 = arith.cmpi sgt, %reduce_max3A_1903, %sign3A_1906 : i32
      %sign3A_1908 = arith.extui %sign3A_1907 : i1 to i32
      %sign3A_1909 = arith.constant 0 : i32
      %sign3A_1910 = arith.cmpi slt, %reduce_max3A_1903, %sign3A_1909 : i32
      %sign3A_1911 = arith.extui %sign3A_1910 : i1 to i32
      %sign3A_1912 = arith.subi %sign3A_1908, %sign3A_1911 : i32
      %sign3A_1913 = arith.constant 0 : i32
      %sign3A_1914 = arith.cmpi sgt, %jit3A_1904, %sign3A_1913 : i32
      %sign3A_1915 = arith.extui %sign3A_1914 : i1 to i32
      %sign3A_1916 = arith.constant 0 : i32
      %sign3A_1917 = arith.cmpi slt, %jit3A_1904, %sign3A_1916 : i32
      %sign3A_1918 = arith.extui %sign3A_1917 : i1 to i32
      %sign3A_1919 = arith.subi %sign3A_1915, %sign3A_1918 : i32
      %ne3A_1920 = arith.cmpi ne, %sign3A_1912, %sign3A_1919 : i32
      %rem3A_1921 = arith.remsi %reduce_max3A_1903, %jit3A_1904 : i32
      %ne3A_1922 = arith.constant 0 : i32
      %ne3A_1923 = arith.cmpi ne, %rem3A_1921, %ne3A_1922 : i32
      %and3A_1924 = arith.andi %ne3A_1920, %ne3A_1923 : i1
      %sub3A_1925 = arith.constant 1 : i32
      %sub3A_1926 = arith.subi %div3A_1905, %sub3A_1925 : i32
      %select_n3A_1927 = arith.select %and3A_1924, %sub3A_1926, %div3A_1905 : i32
      %mul3A_1928 = arith.constant 1024 : i32
      %mul3A_1929 = arith.muli %select_n3A_1927, %mul3A_1928 : i32
      %sub3A_1930 = arith.subi %reduce_max3A_1903, %mul3A_1929 : i32
      %eq3A_1931 = arith.constant 11 : i32
      %eq3A_1932 = vector.broadcast %eq3A_1931 : i32 to vector<16xi32>
      %eq3A_1933 = arith.cmpi eq, %iota3A, %eq3A_1932 : vector<16xi32>
      %select_n3A_1934 = arith.select %eq3A_1933, %get3A_1501, %broadcast_in_dim3A_3 : vector<16xi1>, vector<16xi32>
      %reduce_max3A_1935 = arith.constant true
      %reduce_max3A_1936 = vector.broadcast %reduce_max3A_1935 : i1 to vector<16xi1>
      %reduce_max3A_1937 = arith.constant -2147483648 : i32
      %reduce_max3A_1938 = vector.broadcast %reduce_max3A_1937 : i32 to vector<16xi32>
      %reduce_max3A_1939 = arith.xori %select_n3A_1934, %reduce_max3A_1938 : vector<16xi32>
      %reduce_max3A_1940 = tpu.scan <max>, %reduce_max3A_1939 masked %reduce_max3A_1936 : vector<16xi32>, vector<16xi1> -> vector<16xi32>
      %reduce_max3A_1941 = arith.xori %reduce_max3A_1940, %reduce_max3A_1938 : vector<16xi32>
      %reduce_max3A_1942 = vector.extract %reduce_max3A_1941[15] : i32 from vector<16xi32>
      %jit3A_1943 = arith.constant 1024 : i32
      %div3A_1944 = arith.divsi %reduce_max3A_1942, %jit3A_1943 : i32
      %sign3A_1945 = arith.constant 0 : i32
      %sign3A_1946 = arith.cmpi sgt, %reduce_max3A_1942, %sign3A_1945 : i32
      %sign3A_1947 = arith.extui %sign3A_1946 : i1 to i32
      %sign3A_1948 = arith.constant 0 : i32
      %sign3A_1949 = arith.cmpi slt, %reduce_max3A_1942, %sign3A_1948 : i32
      %sign3A_1950 = arith.extui %sign3A_1949 : i1 to i32
      %sign3A_1951 = arith.subi %sign3A_1947, %sign3A_1950 : i32
      %sign3A_1952 = arith.constant 0 : i32
      %sign3A_1953 = arith.cmpi sgt, %jit3A_1943, %sign3A_1952 : i32
      %sign3A_1954 = arith.extui %sign3A_1953 : i1 to i32
      %sign3A_1955 = arith.constant 0 : i32
      %sign3A_1956 = arith.cmpi slt, %jit3A_1943, %sign3A_1955 : i32
      %sign3A_1957 = arith.extui %sign3A_1956 : i1 to i32
      %sign3A_1958 = arith.subi %sign3A_1954, %sign3A_1957 : i32
      %ne3A_1959 = arith.cmpi ne, %sign3A_1951, %sign3A_1958 : i32
      %rem3A_1960 = arith.remsi %reduce_max3A_1942, %jit3A_1943 : i32
      %ne3A_1961 = arith.constant 0 : i32
      %ne3A_1962 = arith.cmpi ne, %rem3A_1960, %ne3A_1961 : i32
      %and3A_1963 = arith.andi %ne3A_1959, %ne3A_1962 : i1
      %sub3A_1964 = arith.constant 1 : i32
      %sub3A_1965 = arith.subi %div3A_1944, %sub3A_1964 : i32
      %select_n3A_1966 = arith.select %and3A_1963, %sub3A_1965, %div3A_1944 : i32
      %mul3A_1967 = arith.constant 1024 : i32
      %mul3A_1968 = arith.muli %select_n3A_1966, %mul3A_1967 : i32
      %sub3A_1969 = arith.subi %reduce_max3A_1942, %mul3A_1968 : i32
      %eq3A_1970 = arith.constant 12 : i32
      %eq3A_1971 = vector.broadcast %eq3A_1970 : i32 to vector<16xi32>
      %eq3A_1972 = arith.cmpi eq, %iota3A, %eq3A_1971 : vector<16xi32>
      %select_n3A_1973 = arith.select %eq3A_1972, %get3A_1501, %broadcast_in_dim3A_3 : vector<16xi1>, vector<16xi32>
      %reduce_max3A_1974 = arith.constant true
      %reduce_max3A_1975 = vector.broadcast %reduce_max3A_1974 : i1 to vector<16xi1>
      %reduce_max3A_1976 = arith.constant -2147483648 : i32
      %reduce_max3A_1977 = vector.broadcast %reduce_max3A_1976 : i32 to vector<16xi32>
      %reduce_max3A_1978 = arith.xori %select_n3A_1973, %reduce_max3A_1977 : vector<16xi32>
      %reduce_max3A_1979 = tpu.scan <max>, %reduce_max3A_1978 masked %reduce_max3A_1975 : vector<16xi32>, vector<16xi1> -> vector<16xi32>
      %reduce_max3A_1980 = arith.xori %reduce_max3A_1979, %reduce_max3A_1977 : vector<16xi32>
      %reduce_max3A_1981 = vector.extract %reduce_max3A_1980[15] : i32 from vector<16xi32>
      %jit3A_1982 = arith.constant 1024 : i32
      %div3A_1983 = arith.divsi %reduce_max3A_1981, %jit3A_1982 : i32
      %sign3A_1984 = arith.constant 0 : i32
      %sign3A_1985 = arith.cmpi sgt, %reduce_max3A_1981, %sign3A_1984 : i32
      %sign3A_1986 = arith.extui %sign3A_1985 : i1 to i32
      %sign3A_1987 = arith.constant 0 : i32
      %sign3A_1988 = arith.cmpi slt, %reduce_max3A_1981, %sign3A_1987 : i32
      %sign3A_1989 = arith.extui %sign3A_1988 : i1 to i32
      %sign3A_1990 = arith.subi %sign3A_1986, %sign3A_1989 : i32
      %sign3A_1991 = arith.constant 0 : i32
      %sign3A_1992 = arith.cmpi sgt, %jit3A_1982, %sign3A_1991 : i32
      %sign3A_1993 = arith.extui %sign3A_1992 : i1 to i32
      %sign3A_1994 = arith.constant 0 : i32
      %sign3A_1995 = arith.cmpi slt, %jit3A_1982, %sign3A_1994 : i32
      %sign3A_1996 = arith.extui %sign3A_1995 : i1 to i32
      %sign3A_1997 = arith.subi %sign3A_1993, %sign3A_1996 : i32
      %ne3A_1998 = arith.cmpi ne, %sign3A_1990, %sign3A_1997 : i32
      %rem3A_1999 = arith.remsi %reduce_max3A_1981, %jit3A_1982 : i32
      %ne3A_2000 = arith.constant 0 : i32
      %ne3A_2001 = arith.cmpi ne, %rem3A_1999, %ne3A_2000 : i32
      %and3A_2002 = arith.andi %ne3A_1998, %ne3A_2001 : i1
      %sub3A_2003 = arith.constant 1 : i32
      %sub3A_2004 = arith.subi %div3A_1983, %sub3A_2003 : i32
      %select_n3A_2005 = arith.select %and3A_2002, %sub3A_2004, %div3A_1983 : i32
      %mul3A_2006 = arith.constant 1024 : i32
      %mul3A_2007 = arith.muli %select_n3A_2005, %mul3A_2006 : i32
      %sub3A_2008 = arith.subi %reduce_max3A_1981, %mul3A_2007 : i32
      %eq3A_2009 = arith.constant 13 : i32
      %eq3A_2010 = vector.broadcast %eq3A_2009 : i32 to vector<16xi32>
      %eq3A_2011 = arith.cmpi eq, %iota3A, %eq3A_2010 : vector<16xi32>
      %select_n3A_2012 = arith.select %eq3A_2011, %get3A_1501, %broadcast_in_dim3A_3 : vector<16xi1>, vector<16xi32>
      %reduce_max3A_2013 = arith.constant true
      %reduce_max3A_2014 = vector.broadcast %reduce_max3A_2013 : i1 to vector<16xi1>
      %reduce_max3A_2015 = arith.constant -2147483648 : i32
      %reduce_max3A_2016 = vector.broadcast %reduce_max3A_2015 : i32 to vector<16xi32>
      %reduce_max3A_2017 = arith.xori %select_n3A_2012, %reduce_max3A_2016 : vector<16xi32>
      %reduce_max3A_2018 = tpu.scan <max>, %reduce_max3A_2017 masked %reduce_max3A_2014 : vector<16xi32>, vector<16xi1> -> vector<16xi32>
      %reduce_max3A_2019 = arith.xori %reduce_max3A_2018, %reduce_max3A_2016 : vector<16xi32>
      %reduce_max3A_2020 = vector.extract %reduce_max3A_2019[15] : i32 from vector<16xi32>
      %jit3A_2021 = arith.constant 1024 : i32
      %div3A_2022 = arith.divsi %reduce_max3A_2020, %jit3A_2021 : i32
      %sign3A_2023 = arith.constant 0 : i32
      %sign3A_2024 = arith.cmpi sgt, %reduce_max3A_2020, %sign3A_2023 : i32
      %sign3A_2025 = arith.extui %sign3A_2024 : i1 to i32
      %sign3A_2026 = arith.constant 0 : i32
      %sign3A_2027 = arith.cmpi slt, %reduce_max3A_2020, %sign3A_2026 : i32
      %sign3A_2028 = arith.extui %sign3A_2027 : i1 to i32
      %sign3A_2029 = arith.subi %sign3A_2025, %sign3A_2028 : i32
      %sign3A_2030 = arith.constant 0 : i32
      %sign3A_2031 = arith.cmpi sgt, %jit3A_2021, %sign3A_2030 : i32
      %sign3A_2032 = arith.extui %sign3A_2031 : i1 to i32
      %sign3A_2033 = arith.constant 0 : i32
      %sign3A_2034 = arith.cmpi slt, %jit3A_2021, %sign3A_2033 : i32
      %sign3A_2035 = arith.extui %sign3A_2034 : i1 to i32
      %sign3A_2036 = arith.subi %sign3A_2032, %sign3A_2035 : i32
      %ne3A_2037 = arith.cmpi ne, %sign3A_2029, %sign3A_2036 : i32
      %rem3A_2038 = arith.remsi %reduce_max3A_2020, %jit3A_2021 : i32
      %ne3A_2039 = arith.constant 0 : i32
      %ne3A_2040 = arith.cmpi ne, %rem3A_2038, %ne3A_2039 : i32
      %and3A_2041 = arith.andi %ne3A_2037, %ne3A_2040 : i1
      %sub3A_2042 = arith.constant 1 : i32
      %sub3A_2043 = arith.subi %div3A_2022, %sub3A_2042 : i32
      %select_n3A_2044 = arith.select %and3A_2041, %sub3A_2043, %div3A_2022 : i32
      %mul3A_2045 = arith.constant 1024 : i32
      %mul3A_2046 = arith.muli %select_n3A_2044, %mul3A_2045 : i32
      %sub3A_2047 = arith.subi %reduce_max3A_2020, %mul3A_2046 : i32
      %eq3A_2048 = arith.constant 14 : i32
      %eq3A_2049 = vector.broadcast %eq3A_2048 : i32 to vector<16xi32>
      %eq3A_2050 = arith.cmpi eq, %iota3A, %eq3A_2049 : vector<16xi32>
      %select_n3A_2051 = arith.select %eq3A_2050, %get3A_1501, %broadcast_in_dim3A_3 : vector<16xi1>, vector<16xi32>
      %reduce_max3A_2052 = arith.constant true
      %reduce_max3A_2053 = vector.broadcast %reduce_max3A_2052 : i1 to vector<16xi1>
      %reduce_max3A_2054 = arith.constant -2147483648 : i32
      %reduce_max3A_2055 = vector.broadcast %reduce_max3A_2054 : i32 to vector<16xi32>
      %reduce_max3A_2056 = arith.xori %select_n3A_2051, %reduce_max3A_2055 : vector<16xi32>
      %reduce_max3A_2057 = tpu.scan <max>, %reduce_max3A_2056 masked %reduce_max3A_2053 : vector<16xi32>, vector<16xi1> -> vector<16xi32>
      %reduce_max3A_2058 = arith.xori %reduce_max3A_2057, %reduce_max3A_2055 : vector<16xi32>
      %reduce_max3A_2059 = vector.extract %reduce_max3A_2058[15] : i32 from vector<16xi32>
      %jit3A_2060 = arith.constant 1024 : i32
      %div3A_2061 = arith.divsi %reduce_max3A_2059, %jit3A_2060 : i32
      %sign3A_2062 = arith.constant 0 : i32
      %sign3A_2063 = arith.cmpi sgt, %reduce_max3A_2059, %sign3A_2062 : i32
      %sign3A_2064 = arith.extui %sign3A_2063 : i1 to i32
      %sign3A_2065 = arith.constant 0 : i32
      %sign3A_2066 = arith.cmpi slt, %reduce_max3A_2059, %sign3A_2065 : i32
      %sign3A_2067 = arith.extui %sign3A_2066 : i1 to i32
      %sign3A_2068 = arith.subi %sign3A_2064, %sign3A_2067 : i32
      %sign3A_2069 = arith.constant 0 : i32
      %sign3A_2070 = arith.cmpi sgt, %jit3A_2060, %sign3A_2069 : i32
      %sign3A_2071 = arith.extui %sign3A_2070 : i1 to i32
      %sign3A_2072 = arith.constant 0 : i32
      %sign3A_2073 = arith.cmpi slt, %jit3A_2060, %sign3A_2072 : i32
      %sign3A_2074 = arith.extui %sign3A_2073 : i1 to i32
      %sign3A_2075 = arith.subi %sign3A_2071, %sign3A_2074 : i32
      %ne3A_2076 = arith.cmpi ne, %sign3A_2068, %sign3A_2075 : i32
      %rem3A_2077 = arith.remsi %reduce_max3A_2059, %jit3A_2060 : i32
      %ne3A_2078 = arith.constant 0 : i32
      %ne3A_2079 = arith.cmpi ne, %rem3A_2077, %ne3A_2078 : i32
      %and3A_2080 = arith.andi %ne3A_2076, %ne3A_2079 : i1
      %sub3A_2081 = arith.constant 1 : i32
      %sub3A_2082 = arith.subi %div3A_2061, %sub3A_2081 : i32
      %select_n3A_2083 = arith.select %and3A_2080, %sub3A_2082, %div3A_2061 : i32
      %mul3A_2084 = arith.constant 1024 : i32
      %mul3A_2085 = arith.muli %select_n3A_2083, %mul3A_2084 : i32
      %sub3A_2086 = arith.subi %reduce_max3A_2059, %mul3A_2085 : i32
      %eq3A_2087 = arith.constant 15 : i32
      %eq3A_2088 = vector.broadcast %eq3A_2087 : i32 to vector<16xi32>
      %eq3A_2089 = arith.cmpi eq, %iota3A, %eq3A_2088 : vector<16xi32>
      %select_n3A_2090 = arith.select %eq3A_2089, %get3A_1501, %broadcast_in_dim3A_3 : vector<16xi1>, vector<16xi32>
      %reduce_max3A_2091 = arith.constant true
      %reduce_max3A_2092 = vector.broadcast %reduce_max3A_2091 : i1 to vector<16xi1>
      %reduce_max3A_2093 = arith.constant -2147483648 : i32
      %reduce_max3A_2094 = vector.broadcast %reduce_max3A_2093 : i32 to vector<16xi32>
      %reduce_max3A_2095 = arith.xori %select_n3A_2090, %reduce_max3A_2094 : vector<16xi32>
      %reduce_max3A_2096 = tpu.scan <max>, %reduce_max3A_2095 masked %reduce_max3A_2092 : vector<16xi32>, vector<16xi1> -> vector<16xi32>
      %reduce_max3A_2097 = arith.xori %reduce_max3A_2096, %reduce_max3A_2094 : vector<16xi32>
      %reduce_max3A_2098 = vector.extract %reduce_max3A_2097[15] : i32 from vector<16xi32>
      %jit3A_2099 = arith.constant 1024 : i32
      %div3A_2100 = arith.divsi %reduce_max3A_2098, %jit3A_2099 : i32
      %sign3A_2101 = arith.constant 0 : i32
      %sign3A_2102 = arith.cmpi sgt, %reduce_max3A_2098, %sign3A_2101 : i32
      %sign3A_2103 = arith.extui %sign3A_2102 : i1 to i32
      %sign3A_2104 = arith.constant 0 : i32
      %sign3A_2105 = arith.cmpi slt, %reduce_max3A_2098, %sign3A_2104 : i32
      %sign3A_2106 = arith.extui %sign3A_2105 : i1 to i32
      %sign3A_2107 = arith.subi %sign3A_2103, %sign3A_2106 : i32
      %sign3A_2108 = arith.constant 0 : i32
      %sign3A_2109 = arith.cmpi sgt, %jit3A_2099, %sign3A_2108 : i32
      %sign3A_2110 = arith.extui %sign3A_2109 : i1 to i32
      %sign3A_2111 = arith.constant 0 : i32
      %sign3A_2112 = arith.cmpi slt, %jit3A_2099, %sign3A_2111 : i32
      %sign3A_2113 = arith.extui %sign3A_2112 : i1 to i32
      %sign3A_2114 = arith.subi %sign3A_2110, %sign3A_2113 : i32
      %ne3A_2115 = arith.cmpi ne, %sign3A_2107, %sign3A_2114 : i32
      %rem3A_2116 = arith.remsi %reduce_max3A_2098, %jit3A_2099 : i32
      %ne3A_2117 = arith.constant 0 : i32
      %ne3A_2118 = arith.cmpi ne, %rem3A_2116, %ne3A_2117 : i32
      %and3A_2119 = arith.andi %ne3A_2115, %ne3A_2118 : i1
      %sub3A_2120 = arith.constant 1 : i32
      %sub3A_2121 = arith.subi %div3A_2100, %sub3A_2120 : i32
      %select_n3A_2122 = arith.select %and3A_2119, %sub3A_2121, %div3A_2100 : i32
      %mul3A_2123 = arith.constant 1024 : i32
      %mul3A_2124 = arith.muli %select_n3A_2122, %mul3A_2123 : i32
      %sub3A_2125 = arith.subi %reduce_max3A_2098, %mul3A_2124 : i32
      %rem3A_2126 = arith.constant 8 : i32
      %rem3A_2127 = arith.remsi %select_n3A_1537, %rem3A_2126 : i32
      %add3A_2128 = arith.constant 0 : i32
      %add3A_2129 = arith.addi %mul3A_1497, %add3A_2128 : i32
      %get3A_2130 = arith.constant 0 : i32
      %get3A_2131 = arith.index_cast %rem3A_1254 : i32 to index
      %get3A_2132 = arith.index_cast %get3A_2130 : i32 to index
      %get3A_2133 = arith.index_cast %rem3A_2127 : i32 to index
      %get3A_2134 = arith.constant 0 : index
      %get3A_2135 = tpu.vector_load %arg7[%get3A_2131, %get3A_2132, %get3A_2133, %get3A_2134] {strides = array<i32>} : memref<2x16x8x64xf32, #tpu.memory_space<vmem>>, vector<16xf32>,
      %swap3A = arith.index_cast %add3A_2129 : i32 to index
      %swap3A_2136 = arith.constant 0 : index
      %swap3A_2137 = tpu.vector_load %arg9[%swap3A, %swap3A_2136] {strides = array<i32>} : memref<128x128xf32, #tpu.memory_space<vmem>>, vector<16xf32>,
      tpu.vector_store %arg9[%swap3A, %swap3A_2136], %get3A_2135 {strides = array<i32>} : memref<128x128xf32, #tpu.memory_space<vmem>>, vector<16xf32>,
      %get3A_2138 = arith.constant 0 : i32
      %get3A_2139 = arith.index_cast %rem3A_1254 : i32 to index
      %get3A_2140 = arith.index_cast %get3A_2138 : i32 to index
      %get3A_2141 = arith.index_cast %rem3A_2127 : i32 to index
      %get3A_2142 = arith.constant 16 : index
      %get3A_2143 = tpu.vector_load %arg7[%get3A_2139, %get3A_2140, %get3A_2141, %get3A_2142] {strides = array<i32>} : memref<2x16x8x64xf32, #tpu.memory_space<vmem>>, vector<16xf32>,
      %swap3A_2144 = arith.index_cast %add3A_2129 : i32 to index
      %swap3A_2145 = arith.constant 16 : index
      %swap3A_2146 = tpu.vector_load %arg9[%swap3A_2144, %swap3A_2145] {strides = array<i32>} : memref<128x128xf32, #tpu.memory_space<vmem>>, vector<16xf32>,
      tpu.vector_store %arg9[%swap3A_2144, %swap3A_2145], %get3A_2143 {strides = array<i32>} : memref<128x128xf32, #tpu.memory_space<vmem>>, vector<16xf32>,
      %get3A_2147 = arith.constant 0 : i32
      %get3A_2148 = arith.index_cast %rem3A_1254 : i32 to index
      %get3A_2149 = arith.index_cast %get3A_2147 : i32 to index
      %get3A_2150 = arith.index_cast %rem3A_2127 : i32 to index
      %get3A_2151 = arith.constant 32 : index
      %get3A_2152 = tpu.vector_load %arg7[%get3A_2148, %get3A_2149, %get3A_2150, %get3A_2151] {strides = array<i32>} : memref<2x16x8x64xf32, #tpu.memory_space<vmem>>, vector<16xf32>,
      %swap3A_2153 = arith.index_cast %add3A_2129 : i32 to index
      %swap3A_2154 = arith.constant 32 : index
      %swap3A_2155 = tpu.vector_load %arg9[%swap3A_2153, %swap3A_2154] {strides = array<i32>} : memref<128x128xf32, #tpu.memory_space<vmem>>, vector<16xf32>,
      tpu.vector_store %arg9[%swap3A_2153, %swap3A_2154], %get3A_2152 {strides = array<i32>} : memref<128x128xf32, #tpu.memory_space<vmem>>, vector<16xf32>,
      %get3A_2156 = arith.constant 0 : i32
      %get3A_2157 = arith.index_cast %rem3A_1254 : i32 to index
      %get3A_2158 = arith.index_cast %get3A_2156 : i32 to index
      %get3A_2159 = arith.index_cast %rem3A_2127 : i32 to index
      %get3A_2160 = arith.constant 48 : index
      %get3A_2161 = tpu.vector_load %arg7[%get3A_2157, %get3A_2158, %get3A_2159, %get3A_2160] {strides = array<i32>} : memref<2x16x8x64xf32, #tpu.memory_space<vmem>>, vector<16xf32>,
      %swap3A_2162 = arith.index_cast %add3A_2129 : i32 to index
      %swap3A_2163 = arith.constant 48 : index
      %swap3A_2164 = tpu.vector_load %arg9[%swap3A_2162, %swap3A_2163] {strides = array<i32>} : memref<128x128xf32, #tpu.memory_space<vmem>>, vector<16xf32>,
      tpu.vector_store %arg9[%swap3A_2162, %swap3A_2163], %get3A_2161 {strides = array<i32>} : memref<128x128xf32, #tpu.memory_space<vmem>>, vector<16xf32>,
      %mul3A_2165 = arith.constant 32 : i32
      %mul3A_2166 = arith.muli %sub3A_1540, %mul3A_2165 : i32
      %add3A_2167 = arith.constant 0 : i32
      %add3A_2168 = arith.addi %mul3A_2166, %add3A_2167 : i32
      %get3A_2169 = arith.index_cast %add3A_2168 : i32 to index
      %get3A_2170 = tpu.vector_load %arg8[%get3A_2169] {strides = array<i32>} : memref<32064xf32, #tpu.memory_space<vmem>>, vector<16xf32>,
      %swap3A_2171 = arith.index_cast %add3A_2129 : i32 to index
      %swap3A_2172 = arith.constant 64 : index
      %swap3A_2173 = tpu.vector_load %arg9[%swap3A_2171, %swap3A_2172] {strides = array<i32>} : memref<128x128xf32, #tpu.memory_space<vmem>>, vector<16xf32>,
      tpu.vector_store %arg9[%swap3A_2171, %swap3A_2172], %get3A_2170 {strides = array<i32>} : memref<128x128xf32, #tpu.memory_space<vmem>>, vector<16xf32>,
      %mul3A_2174 = arith.constant 32 : i32
      %mul3A_2175 = arith.muli %sub3A_1540, %mul3A_2174 : i32
      %add3A_2176 = arith.constant 16 : i32
      %add3A_2177 = arith.addi %mul3A_2175, %add3A_2176 : i32
      %get3A_2178 = arith.index_cast %add3A_2177 : i32 to index
      %get3A_2179 = tpu.vector_load %arg8[%get3A_2178] {strides = array<i32>} : memref<32064xf32, #tpu.memory_space<vmem>>, vector<16xf32>,
      %swap3A_2180 = arith.index_cast %add3A_2129 : i32 to index
      %swap3A_2181 = arith.constant 80 : index
      %swap3A_2182 = tpu.vector_load %arg9[%swap3A_2180, %swap3A_2181] {strides = array<i32>} : memref<128x128xf32, #tpu.memory_space<vmem>>, vector<16xf32>,
      tpu.vector_store %arg9[%swap3A_2180, %swap3A_2181], %get3A_2179 {strides = array<i32>} : memref<128x128xf32, #tpu.memory_space<vmem>>, vector<16xf32>,
      %rem3A_2183 = arith.constant 8 : i32
      %rem3A_2184 = arith.remsi %select_n3A_1576, %rem3A_2183 : i32
      %add3A_2185 = arith.constant 1 : i32
      %add3A_2186 = arith.addi %mul3A_1497, %add3A_2185 : i32
      %get3A_2187 = arith.constant 1 : i32
      %get3A_2188 = arith.index_cast %rem3A_1254 : i32 to index
      %get3A_2189 = arith.index_cast %get3A_2187 : i32 to index
      %get3A_2190 = arith.index_cast %rem3A_2184 : i32 to index
      %get3A_2191 = arith.constant 0 : index
      %get3A_2192 = tpu.vector_load %arg7[%get3A_2188, %get3A_2189, %get3A_2190, %get3A_2191] {strides = array<i32>} : memref<2x16x8x64xf32, #tpu.memory_space<vmem>>, vector<16xf32>,
      %swap3A_2193 = arith.index_cast %add3A_2186 : i32 to index
      %swap3A_2194 = arith.constant 0 : index
      %swap3A_2195 = tpu.vector_load %arg9[%swap3A_2193, %swap3A_2194] {strides = array<i32>} : memref<128x128xf32, #tpu.memory_space<vmem>>, vector<16xf32>,
      tpu.vector_store %arg9[%swap3A_2193, %swap3A_2194], %get3A_2192 {strides = array<i32>} : memref<128x128xf32, #tpu.memory_space<vmem>>, vector<16xf32>,
      %get3A_2196 = arith.constant 1 : i32
      %get3A_2197 = arith.index_cast %rem3A_1254 : i32 to index
      %get3A_2198 = arith.index_cast %get3A_2196 : i32 to index
      %get3A_2199 = arith.index_cast %rem3A_2184 : i32 to index
      %get3A_2200 = arith.constant 16 : index
      %get3A_2201 = tpu.vector_load %arg7[%get3A_2197, %get3A_2198, %get3A_2199, %get3A_2200] {strides = array<i32>} : memref<2x16x8x64xf32, #tpu.memory_space<vmem>>, vector<16xf32>,
      %swap3A_2202 = arith.index_cast %add3A_2186 : i32 to index
      %swap3A_2203 = arith.constant 16 : index
      %swap3A_2204 = tpu.vector_load %arg9[%swap3A_2202, %swap3A_2203] {strides = array<i32>} : memref<128x128xf32, #tpu.memory_space<vmem>>, vector<16xf32>,
      tpu.vector_store %arg9[%swap3A_2202, %swap3A_2203], %get3A_2201 {strides = array<i32>} : memref<128x128xf32, #tpu.memory_space<vmem>>, vector<16xf32>,
      %get3A_2205 = arith.constant 1 : i32
      %get3A_2206 = arith.index_cast %rem3A_1254 : i32 to index
      %get3A_2207 = arith.index_cast %get3A_2205 : i32 to index
      %get3A_2208 = arith.index_cast %rem3A_2184 : i32 to index
      %get3A_2209 = arith.constant 32 : index
      %get3A_2210 = tpu.vector_load %arg7[%get3A_2206, %get3A_2207, %get3A_2208, %get3A_2209] {strides = array<i32>} : memref<2x16x8x64xf32, #tpu.memory_space<vmem>>, vector<16xf32>,
      %swap3A_2211 = arith.index_cast %add3A_2186 : i32 to index
      %swap3A_2212 = arith.constant 32 : index
      %swap3A_2213 = tpu.vector_load %arg9[%swap3A_2211, %swap3A_2212] {strides = array<i32>} : memref<128x128xf32, #tpu.memory_space<vmem>>, vector<16xf32>,
      tpu.vector_store %arg9[%swap3A_2211, %swap3A_2212], %get3A_2210 {strides = array<i32>} : memref<128x128xf32, #tpu.memory_space<vmem>>, vector<16xf32>,
      %get3A_2214 = arith.constant 1 : i32
      %get3A_2215 = arith.index_cast %rem3A_1254 : i32 to index
      %get3A_2216 = arith.index_cast %get3A_2214 : i32 to index
      %get3A_2217 = arith.index_cast %rem3A_2184 : i32 to index
      %get3A_2218 = arith.constant 48 : index
      %get3A_2219 = tpu.vector_load %arg7[%get3A_2215, %get3A_2216, %get3A_2217, %get3A_2218] {strides = array<i32>} : memref<2x16x8x64xf32, #tpu.memory_space<vmem>>, vector<16xf32>,
      %swap3A_2220 = arith.index_cast %add3A_2186 : i32 to index
      %swap3A_2221 = arith.constant 48 : index
      %swap3A_2222 = tpu.vector_load %arg9[%swap3A_2220, %swap3A_2221] {strides = array<i32>} : memref<128x128xf32, #tpu.memory_space<vmem>>, vector<16xf32>,
      tpu.vector_store %arg9[%swap3A_2220, %swap3A_2221], %get3A_2219 {strides = array<i32>} : memref<128x128xf32, #tpu.memory_space<vmem>>, vector<16xf32>,
      %mul3A_2223 = arith.constant 32 : i32
      %mul3A_2224 = arith.muli %sub3A_1579, %mul3A_2223 : i32
      %add3A_2225 = arith.constant 0 : i32
      %add3A_2226 = arith.addi %mul3A_2224, %add3A_2225 : i32
      %get3A_2227 = arith.index_cast %add3A_2226 : i32 to index
      %get3A_2228 = tpu.vector_load %arg8[%get3A_2227] {strides = array<i32>} : memref<32064xf32, #tpu.memory_space<vmem>>, vector<16xf32>,
      %swap3A_2229 = arith.index_cast %add3A_2186 : i32 to index
      %swap3A_2230 = arith.constant 64 : index
      %swap3A_2231 = tpu.vector_load %arg9[%swap3A_2229, %swap3A_2230] {strides = array<i32>} : memref<128x128xf32, #tpu.memory_space<vmem>>, vector<16xf32>,
      tpu.vector_store %arg9[%swap3A_2229, %swap3A_2230], %get3A_2228 {strides = array<i32>} : memref<128x128xf32, #tpu.memory_space<vmem>>, vector<16xf32>,
      %mul3A_2232 = arith.constant 32 : i32
      %mul3A_2233 = arith.muli %sub3A_1579, %mul3A_2232 : i32
      %add3A_2234 = arith.constant 16 : i32
      %add3A_2235 = arith.addi %mul3A_2233, %add3A_2234 : i32
      %get3A_2236 = arith.index_cast %add3A_2235 : i32 to index
      %get3A_2237 = tpu.vector_load %arg8[%get3A_2236] {strides = array<i32>} : memref<32064xf32, #tpu.memory_space<vmem>>, vector<16xf32>,
      %swap3A_2238 = arith.index_cast %add3A_2186 : i32 to index
      %swap3A_2239 = arith.constant 80 : index
      %swap3A_2240 = tpu.vector_load %arg9[%swap3A_2238, %swap3A_2239] {strides = array<i32>} : memref<128x128xf32, #tpu.memory_space<vmem>>, vector<16xf32>,
      tpu.vector_store %arg9[%swap3A_2238, %swap3A_2239], %get3A_2237 {strides = array<i32>} : memref<128x128xf32, #tpu.memory_space<vmem>>, vector<16xf32>,
      %rem3A_2241 = arith.constant 8 : i32
      %rem3A_2242 = arith.remsi %select_n3A_1615, %rem3A_2241 : i32
      %add3A_2243 = arith.constant 2 : i32
      %add3A_2244 = arith.addi %mul3A_1497, %add3A_2243 : i32
      %get3A_2245 = arith.constant 2 : i32
      %get3A_2246 = arith.index_cast %rem3A_1254 : i32 to index
      %get3A_2247 = arith.index_cast %get3A_2245 : i32 to index
      %get3A_2248 = arith.index_cast %rem3A_2242 : i32 to index
      %get3A_2249 = arith.constant 0 : index
      %get3A_2250 = tpu.vector_load %arg7[%get3A_2246, %get3A_2247, %get3A_2248, %get3A_2249] {strides = array<i32>} : memref<2x16x8x64xf32, #tpu.memory_space<vmem>>, vector<16xf32>,
      %swap3A_2251 = arith.index_cast %add3A_2244 : i32 to index
      %swap3A_2252 = arith.constant 0 : index
      %swap3A_2253 = tpu.vector_load %arg9[%swap3A_2251, %swap3A_2252] {strides = array<i32>} : memref<128x128xf32, #tpu.memory_space<vmem>>, vector<16xf32>,
      tpu.vector_store %arg9[%swap3A_2251, %swap3A_2252], %get3A_2250 {strides = array<i32>} : memref<128x128xf32, #tpu.memory_space<vmem>>, vector<16xf32>,
      %get3A_2254 = arith.constant 2 : i32
      %get3A_2255 = arith.index_cast %rem3A_1254 : i32 to index
      %get3A_2256 = arith.index_cast %get3A_2254 : i32 to index
      %get3A_2257 = arith.index_cast %rem3A_2242 : i32 to index
      %get3A_2258 = arith.constant 16 : index
      %get3A_2259 = tpu.vector_load %arg7[%get3A_2255, %get3A_2256, %get3A_2257, %get3A_2258] {strides = array<i32>} : memref<2x16x8x64xf32, #tpu.memory_space<vmem>>, vector<16xf32>,
      %swap3A_2260 = arith.index_cast %add3A_2244 : i32 to index
      %swap3A_2261 = arith.constant 16 : index
      %swap3A_2262 = tpu.vector_load %arg9[%swap3A_2260, %swap3A_2261] {strides = array<i32>} : memref<128x128xf32, #tpu.memory_space<vmem>>, vector<16xf32>,
      tpu.vector_store %arg9[%swap3A_2260, %swap3A_2261], %get3A_2259 {strides = array<i32>} : memref<128x128xf32, #tpu.memory_space<vmem>>, vector<16xf32>,
      %get3A_2263 = arith.constant 2 : i32
      %get3A_2264 = arith.index_cast %rem3A_1254 : i32 to index
      %get3A_2265 = arith.index_cast %get3A_2263 : i32 to index
      %get3A_2266 = arith.index_cast %rem3A_2242 : i32 to index
      %get3A_2267 = arith.constant 32 : index
      %get3A_2268 = tpu.vector_load %arg7[%get3A_2264, %get3A_2265, %get3A_2266, %get3A_2267] {strides = array<i32>} : memref<2x16x8x64xf32, #tpu.memory_space<vmem>>, vector<16xf32>,
      %swap3A_2269 = arith.index_cast %add3A_2244 : i32 to index
      %swap3A_2270 = arith.constant 32 : index
      %swap3A_2271 = tpu.vector_load %arg9[%swap3A_2269, %swap3A_2270] {strides = array<i32>} : memref<128x128xf32, #tpu.memory_space<vmem>>, vector<16xf32>,
      tpu.vector_store %arg9[%swap3A_2269, %swap3A_2270], %get3A_2268 {strides = array<i32>} : memref<128x128xf32, #tpu.memory_space<vmem>>, vector<16xf32>,
      %get3A_2272 = arith.constant 2 : i32
      %get3A_2273 = arith.index_cast %rem3A_1254 : i32 to index
      %get3A_2274 = arith.index_cast %get3A_2272 : i32 to index
      %get3A_2275 = arith.index_cast %rem3A_2242 : i32 to index
      %get3A_2276 = arith.constant 48 : index
      %get3A_2277 = tpu.vector_load %arg7[%get3A_2273, %get3A_2274, %get3A_2275, %get3A_2276] {strides = array<i32>} : memref<2x16x8x64xf32, #tpu.memory_space<vmem>>, vector<16xf32>,
      %swap3A_2278 = arith.index_cast %add3A_2244 : i32 to index
      %swap3A_2279 = arith.constant 48 : index
      %swap3A_2280 = tpu.vector_load %arg9[%swap3A_2278, %swap3A_2279] {strides = array<i32>} : memref<128x128xf32, #tpu.memory_space<vmem>>, vector<16xf32>,
      tpu.vector_store %arg9[%swap3A_2278, %swap3A_2279], %get3A_2277 {strides = array<i32>} : memref<128x128xf32, #tpu.memory_space<vmem>>, vector<16xf32>,
      %mul3A_2281 = arith.constant 32 : i32
      %mul3A_2282 = arith.muli %sub3A_1618, %mul3A_2281 : i32
      %add3A_2283 = arith.constant 0 : i32
      %add3A_2284 = arith.addi %mul3A_2282, %add3A_2283 : i32
      %get3A_2285 = arith.index_cast %add3A_2284 : i32 to index
      %get3A_2286 = tpu.vector_load %arg8[%get3A_2285] {strides = array<i32>} : memref<32064xf32, #tpu.memory_space<vmem>>, vector<16xf32>,
      %swap3A_2287 = arith.index_cast %add3A_2244 : i32 to index
      %swap3A_2288 = arith.constant 64 : index
      %swap3A_2289 = tpu.vector_load %arg9[%swap3A_2287, %swap3A_2288] {strides = array<i32>} : memref<128x128xf32, #tpu.memory_space<vmem>>, vector<16xf32>,
      tpu.vector_store %arg9[%swap3A_2287, %swap3A_2288], %get3A_2286 {strides = array<i32>} : memref<128x128xf32, #tpu.memory_space<vmem>>, vector<16xf32>,
      %mul3A_2290 = arith.constant 32 : i32
      %mul3A_2291 = arith.muli %sub3A_1618, %mul3A_2290 : i32
      %add3A_2292 = arith.constant 16 : i32
      %add3A_2293 = arith.addi %mul3A_2291, %add3A_2292 : i32
      %get3A_2294 = arith.index_cast %add3A_2293 : i32 to index
      %get3A_2295 = tpu.vector_load %arg8[%get3A_2294] {strides = array<i32>} : memref<32064xf32, #tpu.memory_space<vmem>>, vector<16xf32>,
      %swap3A_2296 = arith.index_cast %add3A_2244 : i32 to index
      %swap3A_2297 = arith.constant 80 : index
      %swap3A_2298 = tpu.vector_load %arg9[%swap3A_2296, %swap3A_2297] {strides = array<i32>} : memref<128x128xf32, #tpu.memory_space<vmem>>, vector<16xf32>,
      tpu.vector_store %arg9[%swap3A_2296, %swap3A_2297], %get3A_2295 {strides = array<i32>} : memref<128x128xf32, #tpu.memory_space<vmem>>, vector<16xf32>,
      %rem3A_2299 = arith.constant 8 : i32
      %rem3A_2300 = arith.remsi %select_n3A_1654, %rem3A_2299 : i32
      %add3A_2301 = arith.constant 3 : i32
      %add3A_2302 = arith.addi %mul3A_1497, %add3A_2301 : i32
      %get3A_2303 = arith.constant 3 : i32
      %get3A_2304 = arith.index_cast %rem3A_1254 : i32 to index
      %get3A_2305 = arith.index_cast %get3A_2303 : i32 to index
      %get3A_2306 = arith.index_cast %rem3A_2300 : i32 to index
      %get3A_2307 = arith.constant 0 : index
      %get3A_2308 = tpu.vector_load %arg7[%get3A_2304, %get3A_2305, %get3A_2306, %get3A_2307] {strides = array<i32>} : memref<2x16x8x64xf32, #tpu.memory_space<vmem>>, vector<16xf32>,
      %swap3A_2309 = arith.index_cast %add3A_2302 : i32 to index
      %swap3A_2310 = arith.constant 0 : index
      %swap3A_2311 = tpu.vector_load %arg9[%swap3A_2309, %swap3A_2310] {strides = array<i32>} : memref<128x128xf32, #tpu.memory_space<vmem>>, vector<16xf32>,
      tpu.vector_store %arg9[%swap3A_2309, %swap3A_2310], %get3A_2308 {strides = array<i32>} : memref<128x128xf32, #tpu.memory_space<vmem>>, vector<16xf32>,
      %get3A_2312 = arith.constant 3 : i32
      %get3A_2313 = arith.index_cast %rem3A_1254 : i32 to index
      %get3A_2314 = arith.index_cast %get3A_2312 : i32 to index
      %get3A_2315 = arith.index_cast %rem3A_2300 : i32 to index
      %get3A_2316 = arith.constant 16 : index
      %get3A_2317 = tpu.vector_load %arg7[%get3A_2313, %get3A_2314, %get3A_2315, %get3A_2316] {strides = array<i32>} : memref<2x16x8x64xf32, #tpu.memory_space<vmem>>, vector<16xf32>,
      %swap3A_2318 = arith.index_cast %add3A_2302 : i32 to index
      %swap3A_2319 = arith.constant 16 : index
      %swap3A_2320 = tpu.vector_load %arg9[%swap3A_2318, %swap3A_2319] {strides = array<i32>} : memref<128x128xf32, #tpu.memory_space<vmem>>, vector<16xf32>,
      tpu.vector_store %arg9[%swap3A_2318, %swap3A_2319], %get3A_2317 {strides = array<i32>} : memref<128x128xf32, #tpu.memory_space<vmem>>, vector<16xf32>,
      %get3A_2321 = arith.constant 3 : i32
      %get3A_2322 = arith.index_cast %rem3A_1254 : i32 to index
      %get3A_2323 = arith.index_cast %get3A_2321 : i32 to index
      %get3A_2324 = arith.index_cast %rem3A_2300 : i32 to index
      %get3A_2325 = arith.constant 32 : index
      %get3A_2326 = tpu.vector_load %arg7[%get3A_2322, %get3A_2323, %get3A_2324, %get3A_2325] {strides = array<i32>} : memref<2x16x8x64xf32, #tpu.memory_space<vmem>>, vector<16xf32>,
      %swap3A_2327 = arith.index_cast %add3A_2302 : i32 to index
      %swap3A_2328 = arith.constant 32 : index
      %swap3A_2329 = tpu.vector_load %arg9[%swap3A_2327, %swap3A_2328] {strides = array<i32>} : memref<128x128xf32, #tpu.memory_space<vmem>>, vector<16xf32>,
      tpu.vector_store %arg9[%swap3A_2327, %swap3A_2328], %get3A_2326 {strides = array<i32>} : memref<128x128xf32, #tpu.memory_space<vmem>>, vector<16xf32>,
      %get3A_2330 = arith.constant 3 : i32
      %get3A_2331 = arith.index_cast %rem3A_1254 : i32 to index
      %get3A_2332 = arith.index_cast %get3A_2330 : i32 to index
      %get3A_2333 = arith.index_cast %rem3A_2300 : i32 to index
      %get3A_2334 = arith.constant 48 : index
      %get3A_2335 = tpu.vector_load %arg7[%get3A_2331, %get3A_2332, %get3A_2333, %get3A_2334] {strides = array<i32>} : memref<2x16x8x64xf32, #tpu.memory_space<vmem>>, vector<16xf32>,
      %swap3A_2336 = arith.index_cast %add3A_2302 : i32 to index
      %swap3A_2337 = arith.constant 48 : index
      %swap3A_2338 = tpu.vector_load %arg9[%swap3A_2336, %swap3A_2337] {strides = array<i32>} : memref<128x128xf32, #tpu.memory_space<vmem>>, vector<16xf32>,
      tpu.vector_store %arg9[%swap3A_2336, %swap3A_2337], %get3A_2335 {strides = array<i32>} : memref<128x128xf32, #tpu.memory_space<vmem>>, vector<16xf32>,
      %mul3A_2339 = arith.constant 32 : i32
      %mul3A_2340 = arith.muli %sub3A_1657, %mul3A_2339 : i32
      %add3A_2341 = arith.constant 0 : i32
      %add3A_2342 = arith.addi %mul3A_2340, %add3A_2341 : i32
      %get3A_2343 = arith.index_cast %add3A_2342 : i32 to index
      %get3A_2344 = tpu.vector_load %arg8[%get3A_2343] {strides = array<i32>} : memref<32064xf32, #tpu.memory_space<vmem>>, vector<16xf32>,
      %swap3A_2345 = arith.index_cast %add3A_2302 : i32 to index
      %swap3A_2346 = arith.constant 64 : index
      %swap3A_2347 = tpu.vector_load %arg9[%swap3A_2345, %swap3A_2346] {strides = array<i32>} : memref<128x128xf32, #tpu.memory_space<vmem>>, vector<16xf32>,
      tpu.vector_store %arg9[%swap3A_2345, %swap3A_2346], %get3A_2344 {strides = array<i32>} : memref<128x128xf32, #tpu.memory_space<vmem>>, vector<16xf32>,
      %mul3A_2348 = arith.constant 32 : i32
      %mul3A_2349 = arith.muli %sub3A_1657, %mul3A_2348 : i32
      %add3A_2350 = arith.constant 16 : i32
      %add3A_2351 = arith.addi %mul3A_2349, %add3A_2350 : i32
      %get3A_2352 = arith.index_cast %add3A_2351 : i32 to index
      %get3A_2353 = tpu.vector_load %arg8[%get3A_2352] {strides = array<i32>} : memref<32064xf32, #tpu.memory_space<vmem>>, vector<16xf32>,
      %swap3A_2354 = arith.index_cast %add3A_2302 : i32 to index
      %swap3A_2355 = arith.constant 80 : index
      %swap3A_2356 = tpu.vector_load %arg9[%swap3A_2354, %swap3A_2355] {strides = array<i32>} : memref<128x128xf32, #tpu.memory_space<vmem>>, vector<16xf32>,
      tpu.vector_store %arg9[%swap3A_2354, %swap3A_2355], %get3A_2353 {strides = array<i32>} : memref<128x128xf32, #tpu.memory_space<vmem>>, vector<16xf32>,
      %rem3A_2357 = arith.constant 8 : i32
      %rem3A_2358 = arith.remsi %select_n3A_1693, %rem3A_2357 : i32
      %add3A_2359 = arith.constant 4 : i32
      %add3A_2360 = arith.addi %mul3A_1497, %add3A_2359 : i32
      %get3A_2361 = arith.constant 4 : i32
      %get3A_2362 = arith.index_cast %rem3A_1254 : i32 to index
      %get3A_2363 = arith.index_cast %get3A_2361 : i32 to index
      %get3A_2364 = arith.index_cast %rem3A_2358 : i32 to index
      %get3A_2365 = arith.constant 0 : index
      %get3A_2366 = tpu.vector_load %arg7[%get3A_2362, %get3A_2363, %get3A_2364, %get3A_2365] {strides = array<i32>} : memref<2x16x8x64xf32, #tpu.memory_space<vmem>>, vector<16xf32>,
      %swap3A_2367 = arith.index_cast %add3A_2360 : i32 to index
      %swap3A_2368 = arith.constant 0 : index
      %swap3A_2369 = tpu.vector_load %arg9[%swap3A_2367, %swap3A_2368] {strides = array<i32>} : memref<128x128xf32, #tpu.memory_space<vmem>>, vector<16xf32>,
      tpu.vector_store %arg9[%swap3A_2367, %swap3A_2368], %get3A_2366 {strides = array<i32>} : memref<128x128xf32, #tpu.memory_space<vmem>>, vector<16xf32>,
      %get3A_2370 = arith.constant 4 : i32
      %get3A_2371 = arith.index_cast %rem3A_1254 : i32 to index
      %get3A_2372 = arith.index_cast %get3A_2370 : i32 to index
      %get3A_2373 = arith.index_cast %rem3A_2358 : i32 to index
      %get3A_2374 = arith.constant 16 : index
      %get3A_2375 = tpu.vector_load %arg7[%get3A_2371, %get3A_2372, %get3A_2373, %get3A_2374] {strides = array<i32>} : memref<2x16x8x64xf32, #tpu.memory_space<vmem>>, vector<16xf32>,
      %swap3A_2376 = arith.index_cast %add3A_2360 : i32 to index
      %swap3A_2377 = arith.constant 16 : index
      %swap3A_2378 = tpu.vector_load %arg9[%swap3A_2376, %swap3A_2377] {strides = array<i32>} : memref<128x128xf32, #tpu.memory_space<vmem>>, vector<16xf32>,
      tpu.vector_store %arg9[%swap3A_2376, %swap3A_2377], %get3A_2375 {strides = array<i32>} : memref<128x128xf32, #tpu.memory_space<vmem>>, vector<16xf32>,
      %get3A_2379 = arith.constant 4 : i32
      %get3A_2380 = arith.index_cast %rem3A_1254 : i32 to index
      %get3A_2381 = arith.index_cast %get3A_2379 : i32 to index
      %get3A_2382 = arith.index_cast %rem3A_2358 : i32 to index
      %get3A_2383 = arith.constant 32 : index
      %get3A_2384 = tpu.vector_load %arg7[%get3A_2380, %get3A_2381, %get3A_2382, %get3A_2383] {strides = array<i32>} : memref<2x16x8x64xf32, #tpu.memory_space<vmem>>, vector<16xf32>,
      %swap3A_2385 = arith.index_cast %add3A_2360 : i32 to index
      %swap3A_2386 = arith.constant 32 : index
      %swap3A_2387 = tpu.vector_load %arg9[%swap3A_2385, %swap3A_2386] {strides = array<i32>} : memref<128x128xf32, #tpu.memory_space<vmem>>, vector<16xf32>,
      tpu.vector_store %arg9[%swap3A_2385, %swap3A_2386], %get3A_2384 {strides = array<i32>} : memref<128x128xf32, #tpu.memory_space<vmem>>, vector<16xf32>,
      %get3A_2388 = arith.constant 4 : i32
      %get3A_2389 = arith.index_cast %rem3A_1254 : i32 to index
      %get3A_2390 = arith.index_cast %get3A_2388 : i32 to index
      %get3A_2391 = arith.index_cast %rem3A_2358 : i32 to index
      %get3A_2392 = arith.constant 48 : index
      %get3A_2393 = tpu.vector_load %arg7[%get3A_2389, %get3A_2390, %get3A_2391, %get3A_2392] {strides = array<i32>} : memref<2x16x8x64xf32, #tpu.memory_space<vmem>>, vector<16xf32>,
      %swap3A_2394 = arith.index_cast %add3A_2360 : i32 to index
      %swap3A_2395 = arith.constant 48 : index
      %swap3A_2396 = tpu.vector_load %arg9[%swap3A_2394, %swap3A_2395] {strides = array<i32>} : memref<128x128xf32, #tpu.memory_space<vmem>>, vector<16xf32>,
      tpu.vector_store %arg9[%swap3A_2394, %swap3A_2395], %get3A_2393 {strides = array<i32>} : memref<128x128xf32, #tpu.memory_space<vmem>>, vector<16xf32>,
      %mul3A_2397 = arith.constant 32 : i32
      %mul3A_2398 = arith.muli %sub3A_1696, %mul3A_2397 : i32
      %add3A_2399 = arith.constant 0 : i32
      %add3A_2400 = arith.addi %mul3A_2398, %add3A_2399 : i32
      %get3A_2401 = arith.index_cast %add3A_2400 : i32 to index
      %get3A_2402 = tpu.vector_load %arg8[%get3A_2401] {strides = array<i32>} : memref<32064xf32, #tpu.memory_space<vmem>>, vector<16xf32>,
      %swap3A_2403 = arith.index_cast %add3A_2360 : i32 to index
      %swap3A_2404 = arith.constant 64 : index
      %swap3A_2405 = tpu.vector_load %arg9[%swap3A_2403, %swap3A_2404] {strides = array<i32>} : memref<128x128xf32, #tpu.memory_space<vmem>>, vector<16xf32>,
      tpu.vector_store %arg9[%swap3A_2403, %swap3A_2404], %get3A_2402 {strides = array<i32>} : memref<128x128xf32, #tpu.memory_space<vmem>>, vector<16xf32>,
      %mul3A_2406 = arith.constant 32 : i32
      %mul3A_2407 = arith.muli %sub3A_1696, %mul3A_2406 : i32
      %add3A_2408 = arith.constant 16 : i32
      %add3A_2409 = arith.addi %mul3A_2407, %add3A_2408 : i32
      %get3A_2410 = arith.index_cast %add3A_2409 : i32 to index
      %get3A_2411 = tpu.vector_load %arg8[%get3A_2410] {strides = array<i32>} : memref<32064xf32, #tpu.memory_space<vmem>>, vector<16xf32>,
      %swap3A_2412 = arith.index_cast %add3A_2360 : i32 to index
      %swap3A_2413 = arith.constant 80 : index
      %swap3A_2414 = tpu.vector_load %arg9[%swap3A_2412, %swap3A_2413] {strides = array<i32>} : memref<128x128xf32, #tpu.memory_space<vmem>>, vector<16xf32>,
      tpu.vector_store %arg9[%swap3A_2412, %swap3A_2413], %get3A_2411 {strides = array<i32>} : memref<128x128xf32, #tpu.memory_space<vmem>>, vector<16xf32>,
      %rem3A_2415 = arith.constant 8 : i32
      %rem3A_2416 = arith.remsi %select_n3A_1732, %rem3A_2415 : i32
      %add3A_2417 = arith.constant 5 : i32
      %add3A_2418 = arith.addi %mul3A_1497, %add3A_2417 : i32
      %get3A_2419 = arith.constant 5 : i32
      %get3A_2420 = arith.index_cast %rem3A_1254 : i32 to index
      %get3A_2421 = arith.index_cast %get3A_2419 : i32 to index
      %get3A_2422 = arith.index_cast %rem3A_2416 : i32 to index
      %get3A_2423 = arith.constant 0 : index
      %get3A_2424 = tpu.vector_load %arg7[%get3A_2420, %get3A_2421, %get3A_2422, %get3A_2423] {strides = array<i32>} : memref<2x16x8x64xf32, #tpu.memory_space<vmem>>, vector<16xf32>,
      %swap3A_2425 = arith.index_cast %add3A_2418 : i32 to index
      %swap3A_2426 = arith.constant 0 : index
      %swap3A_2427 = tpu.vector_load %arg9[%swap3A_2425, %swap3A_2426] {strides = array<i32>} : memref<128x128xf32, #tpu.memory_space<vmem>>, vector<16xf32>,
      tpu.vector_store %arg9[%swap3A_2425, %swap3A_2426], %get3A_2424 {strides = array<i32>} : memref<128x128xf32, #tpu.memory_space<vmem>>, vector<16xf32>,
      %get3A_2428 = arith.constant 5 : i32
      %get3A_2429 = arith.index_cast %rem3A_1254 : i32 to index
      %get3A_2430 = arith.index_cast %get3A_2428 : i32 to index
      %get3A_2431 = arith.index_cast %rem3A_2416 : i32 to index
      %get3A_2432 = arith.constant 16 : index
      %get3A_2433 = tpu.vector_load %arg7[%get3A_2429, %get3A_2430, %get3A_2431, %get3A_2432] {strides = array<i32>} : memref<2x16x8x64xf32, #tpu.memory_space<vmem>>, vector<16xf32>,
      %swap3A_2434 = arith.index_cast %add3A_2418 : i32 to index
      %swap3A_2435 = arith.constant 16 : index
      %swap3A_2436 = tpu.vector_load %arg9[%swap3A_2434, %swap3A_2435] {strides = array<i32>} : memref<128x128xf32, #tpu.memory_space<vmem>>, vector<16xf32>,
      tpu.vector_store %arg9[%swap3A_2434, %swap3A_2435], %get3A_2433 {strides = array<i32>} : memref<128x128xf32, #tpu.memory_space<vmem>>, vector<16xf32>,
      %get3A_2437 = arith.constant 5 : i32
      %get3A_2438 = arith.index_cast %rem3A_1254 : i32 to index
      %get3A_2439 = arith.index_cast %get3A_2437 : i32 to index
      %get3A_2440 = arith.index_cast %rem3A_2416 : i32 to index
      %get3A_2441 = arith.constant 32 : index
      %get3A_2442 = tpu.vector_load %arg7[%get3A_2438, %get3A_2439, %get3A_2440, %get3A_2441] {strides = array<i32>} : memref<2x16x8x64xf32, #tpu.memory_space<vmem>>, vector<16xf32>,
      %swap3A_2443 = arith.index_cast %add3A_2418 : i32 to index
      %swap3A_2444 = arith.constant 32 : index
      %swap3A_2445 = tpu.vector_load %arg9[%swap3A_2443, %swap3A_2444] {strides = array<i32>} : memref<128x128xf32, #tpu.memory_space<vmem>>, vector<16xf32>,
      tpu.vector_store %arg9[%swap3A_2443, %swap3A_2444], %get3A_2442 {strides = array<i32>} : memref<128x128xf32, #tpu.memory_space<vmem>>, vector<16xf32>,
      %get3A_2446 = arith.constant 5 : i32
      %get3A_2447 = arith.index_cast %rem3A_1254 : i32 to index
      %get3A_2448 = arith.index_cast %get3A_2446 : i32 to index
      %get3A_2449 = arith.index_cast %rem3A_2416 : i32 to index
      %get3A_2450 = arith.constant 48 : index
      %get3A_2451 = tpu.vector_load %arg7[%get3A_2447, %get3A_2448, %get3A_2449, %get3A_2450] {strides = array<i32>} : memref<2x16x8x64xf32, #tpu.memory_space<vmem>>, vector<16xf32>,
      %swap3A_2452 = arith.index_cast %add3A_2418 : i32 to index
      %swap3A_2453 = arith.constant 48 : index
      %swap3A_2454 = tpu.vector_load %arg9[%swap3A_2452, %swap3A_2453] {strides = array<i32>} : memref<128x128xf32, #tpu.memory_space<vmem>>, vector<16xf32>,
      tpu.vector_store %arg9[%swap3A_2452, %swap3A_2453], %get3A_2451 {strides = array<i32>} : memref<128x128xf32, #tpu.memory_space<vmem>>, vector<16xf32>,
      %mul3A_2455 = arith.constant 32 : i32
      %mul3A_2456 = arith.muli %sub3A_1735, %mul3A_2455 : i32
      %add3A_2457 = arith.constant 0 : i32
      %add3A_2458 = arith.addi %mul3A_2456, %add3A_2457 : i32
      %get3A_2459 = arith.index_cast %add3A_2458 : i32 to index
      %get3A_2460 = tpu.vector_load %arg8[%get3A_2459] {strides = array<i32>} : memref<32064xf32, #tpu.memory_space<vmem>>, vector<16xf32>,
      %swap3A_2461 = arith.index_cast %add3A_2418 : i32 to index
      %swap3A_2462 = arith.constant 64 : index
      %swap3A_2463 = tpu.vector_load %arg9[%swap3A_2461, %swap3A_2462] {strides = array<i32>} : memref<128x128xf32, #tpu.memory_space<vmem>>, vector<16xf32>,
      tpu.vector_store %arg9[%swap3A_2461, %swap3A_2462], %get3A_2460 {strides = array<i32>} : memref<128x128xf32, #tpu.memory_space<vmem>>, vector<16xf32>,
      %mul3A_2464 = arith.constant 32 : i32
      %mul3A_2465 = arith.muli %sub3A_1735, %mul3A_2464 : i32
      %add3A_2466 = arith.constant 16 : i32
      %add3A_2467 = arith.addi %mul3A_2465, %add3A_2466 : i32
      %get3A_2468 = arith.index_cast %add3A_2467 : i32 to index
      %get3A_2469 = tpu.vector_load %arg8[%get3A_2468] {strides = array<i32>} : memref<32064xf32, #tpu.memory_space<vmem>>, vector<16xf32>,
      %swap3A_2470 = arith.index_cast %add3A_2418 : i32 to index
      %swap3A_2471 = arith.constant 80 : index
      %swap3A_2472 = tpu.vector_load %arg9[%swap3A_2470, %swap3A_2471] {strides = array<i32>} : memref<128x128xf32, #tpu.memory_space<vmem>>, vector<16xf32>,
      tpu.vector_store %arg9[%swap3A_2470, %swap3A_2471], %get3A_2469 {strides = array<i32>} : memref<128x128xf32, #tpu.memory_space<vmem>>, vector<16xf32>,
      %rem3A_2473 = arith.constant 8 : i32
      %rem3A_2474 = arith.remsi %select_n3A_1771, %rem3A_2473 : i32
      %add3A_2475 = arith.constant 6 : i32
      %add3A_2476 = arith.addi %mul3A_1497, %add3A_2475 : i32
      %get3A_2477 = arith.constant 6 : i32
      %get3A_2478 = arith.index_cast %rem3A_1254 : i32 to index
      %get3A_2479 = arith.index_cast %get3A_2477 : i32 to index
      %get3A_2480 = arith.index_cast %rem3A_2474 : i32 to index
      %get3A_2481 = arith.constant 0 : index
      %get3A_2482 = tpu.vector_load %arg7[%get3A_2478, %get3A_2479, %get3A_2480, %get3A_2481] {strides = array<i32>} : memref<2x16x8x64xf32, #tpu.memory_space<vmem>>, vector<16xf32>,
      %swap3A_2483 = arith.index_cast %add3A_2476 : i32 to index
      %swap3A_2484 = arith.constant 0 : index
      %swap3A_2485 = tpu.vector_load %arg9[%swap3A_2483, %swap3A_2484] {strides = array<i32>} : memref<128x128xf32, #tpu.memory_space<vmem>>, vector<16xf32>,
      tpu.vector_store %arg9[%swap3A_2483, %swap3A_2484], %get3A_2482 {strides = array<i32>} : memref<128x128xf32, #tpu.memory_space<vmem>>, vector<16xf32>,
      %get3A_2486 = arith.constant 6 : i32
      %get3A_2487 = arith.index_cast %rem3A_1254 : i32 to index
      %get3A_2488 = arith.index_cast %get3A_2486 : i32 to index
      %get3A_2489 = arith.index_cast %rem3A_2474 : i32 to index
      %get3A_2490 = arith.constant 16 : index
      %get3A_2491 = tpu.vector_load %arg7[%get3A_2487, %get3A_2488, %get3A_2489, %get3A_2490] {strides = array<i32>} : memref<2x16x8x64xf32, #tpu.memory_space<vmem>>, vector<16xf32>,
      %swap3A_2492 = arith.index_cast %add3A_2476 : i32 to index
      %swap3A_2493 = arith.constant 16 : index
      %swap3A_2494 = tpu.vector_load %arg9[%swap3A_2492, %swap3A_2493] {strides = array<i32>} : memref<128x128xf32, #tpu.memory_space<vmem>>, vector<16xf32>,
      tpu.vector_store %arg9[%swap3A_2492, %swap3A_2493], %get3A_2491 {strides = array<i32>} : memref<128x128xf32, #tpu.memory_space<vmem>>, vector<16xf32>,
      %get3A_2495 = arith.constant 6 : i32
      %get3A_2496 = arith.index_cast %rem3A_1254 : i32 to index
      %get3A_2497 = arith.index_cast %get3A_2495 : i32 to index
      %get3A_2498 = arith.index_cast %rem3A_2474 : i32 to index
      %get3A_2499 = arith.constant 32 : index
      %get3A_2500 = tpu.vector_load %arg7[%get3A_2496, %get3A_2497, %get3A_2498, %get3A_2499] {strides = array<i32>} : memref<2x16x8x64xf32, #tpu.memory_space<vmem>>, vector<16xf32>,
      %swap3A_2501 = arith.index_cast %add3A_2476 : i32 to index
      %swap3A_2502 = arith.constant 32 : index
      %swap3A_2503 = tpu.vector_load %arg9[%swap3A_2501, %swap3A_2502] {strides = array<i32>} : memref<128x128xf32, #tpu.memory_space<vmem>>, vector<16xf32>,
      tpu.vector_store %arg9[%swap3A_2501, %swap3A_2502], %get3A_2500 {strides = array<i32>} : memref<128x128xf32, #tpu.memory_space<vmem>>, vector<16xf32>,
      %get3A_2504 = arith.constant 6 : i32
      %get3A_2505 = arith.index_cast %rem3A_1254 : i32 to index
      %get3A_2506 = arith.index_cast %get3A_2504 : i32 to index
      %get3A_2507 = arith.index_cast %rem3A_2474 : i32 to index
      %get3A_2508 = arith.constant 48 : index
      %get3A_2509 = tpu.vector_load %arg7[%get3A_2505, %get3A_2506, %get3A_2507, %get3A_2508] {strides = array<i32>} : memref<2x16x8x64xf32, #tpu.memory_space<vmem>>, vector<16xf32>,
      %swap3A_2510 = arith.index_cast %add3A_2476 : i32 to index
      %swap3A_2511 = arith.constant 48 : index
      %swap3A_2512 = tpu.vector_load %arg9[%swap3A_2510, %swap3A_2511] {strides = array<i32>} : memref<128x128xf32, #tpu.memory_space<vmem>>, vector<16xf32>,
      tpu.vector_store %arg9[%swap3A_2510, %swap3A_2511], %get3A_2509 {strides = array<i32>} : memref<128x128xf32, #tpu.memory_space<vmem>>, vector<16xf32>,
      %mul3A_2513 = arith.constant 32 : i32
      %mul3A_2514 = arith.muli %sub3A_1774, %mul3A_2513 : i32
      %add3A_2515 = arith.constant 0 : i32
      %add3A_2516 = arith.addi %mul3A_2514, %add3A_2515 : i32
      %get3A_2517 = arith.index_cast %add3A_2516 : i32 to index
      %get3A_2518 = tpu.vector_load %arg8[%get3A_2517] {strides = array<i32>} : memref<32064xf32, #tpu.memory_space<vmem>>, vector<16xf32>,
      %swap3A_2519 = arith.index_cast %add3A_2476 : i32 to index
      %swap3A_2520 = arith.constant 64 : index
      %swap3A_2521 = tpu.vector_load %arg9[%swap3A_2519, %swap3A_2520] {strides = array<i32>} : memref<128x128xf32, #tpu.memory_space<vmem>>, vector<16xf32>,
      tpu.vector_store %arg9[%swap3A_2519, %swap3A_2520], %get3A_2518 {strides = array<i32>} : memref<128x128xf32, #tpu.memory_space<vmem>>, vector<16xf32>,
      %mul3A_2522 = arith.constant 32 : i32
      %mul3A_2523 = arith.muli %sub3A_1774, %mul3A_2522 : i32
      %add3A_2524 = arith.constant 16 : i32
      %add3A_2525 = arith.addi %mul3A_2523, %add3A_2524 : i32
      %get3A_2526 = arith.index_cast %add3A_2525 : i32 to index
      %get3A_2527 = tpu.vector_load %arg8[%get3A_2526] {strides = array<i32>} : memref<32064xf32, #tpu.memory_space<vmem>>, vector<16xf32>,
      %swap3A_2528 = arith.index_cast %add3A_2476 : i32 to index
      %swap3A_2529 = arith.constant 80 : index
      %swap3A_2530 = tpu.vector_load %arg9[%swap3A_2528, %swap3A_2529] {strides = array<i32>} : memref<128x128xf32, #tpu.memory_space<vmem>>, vector<16xf32>,
      tpu.vector_store %arg9[%swap3A_2528, %swap3A_2529], %get3A_2527 {strides = array<i32>} : memref<128x128xf32, #tpu.memory_space<vmem>>, vector<16xf32>,
      %rem3A_2531 = arith.constant 8 : i32
      %rem3A_2532 = arith.remsi %select_n3A_1810, %rem3A_2531 : i32
      %add3A_2533 = arith.constant 7 : i32
      %add3A_2534 = arith.addi %mul3A_1497, %add3A_2533 : i32
      %get3A_2535 = arith.constant 7 : i32
      %get3A_2536 = arith.index_cast %rem3A_1254 : i32 to index
      %get3A_2537 = arith.index_cast %get3A_2535 : i32 to index
      %get3A_2538 = arith.index_cast %rem3A_2532 : i32 to index
      %get3A_2539 = arith.constant 0 : index
      %get3A_2540 = tpu.vector_load %arg7[%get3A_2536, %get3A_2537, %get3A_2538, %get3A_2539] {strides = array<i32>} : memref<2x16x8x64xf32, #tpu.memory_space<vmem>>, vector<16xf32>,
      %swap3A_2541 = arith.index_cast %add3A_2534 : i32 to index
      %swap3A_2542 = arith.constant 0 : index
      %swap3A_2543 = tpu.vector_load %arg9[%swap3A_2541, %swap3A_2542] {strides = array<i32>} : memref<128x128xf32, #tpu.memory_space<vmem>>, vector<16xf32>,
      tpu.vector_store %arg9[%swap3A_2541, %swap3A_2542], %get3A_2540 {strides = array<i32>} : memref<128x128xf32, #tpu.memory_space<vmem>>, vector<16xf32>,
      %get3A_2544 = arith.constant 7 : i32
      %get3A_2545 = arith.index_cast %rem3A_1254 : i32 to index
      %get3A_2546 = arith.index_cast %get3A_2544 : i32 to index
      %get3A_2547 = arith.index_cast %rem3A_2532 : i32 to index
      %get3A_2548 = arith.constant 16 : index
      %get3A_2549 = tpu.vector_load %arg7[%get3A_2545, %get3A_2546, %get3A_2547, %get3A_2548] {strides = array<i32>} : memref<2x16x8x64xf32, #tpu.memory_space<vmem>>, vector<16xf32>,
      %swap3A_2550 = arith.index_cast %add3A_2534 : i32 to index
      %swap3A_2551 = arith.constant 16 : index
      %swap3A_2552 = tpu.vector_load %arg9[%swap3A_2550, %swap3A_2551] {strides = array<i32>} : memref<128x128xf32, #tpu.memory_space<vmem>>, vector<16xf32>,
      tpu.vector_store %arg9[%swap3A_2550, %swap3A_2551], %get3A_2549 {strides = array<i32>} : memref<128x128xf32, #tpu.memory_space<vmem>>, vector<16xf32>,
      %get3A_2553 = arith.constant 7 : i32
      %get3A_2554 = arith.index_cast %rem3A_1254 : i32 to index
      %get3A_2555 = arith.index_cast %get3A_2553 : i32 to index
      %get3A_2556 = arith.index_cast %rem3A_2532 : i32 to index
      %get3A_2557 = arith.constant 32 : index
      %get3A_2558 = tpu.vector_load %arg7[%get3A_2554, %get3A_2555, %get3A_2556, %get3A_2557] {strides = array<i32>} : memref<2x16x8x64xf32, #tpu.memory_space<vmem>>, vector<16xf32>,
      %swap3A_2559 = arith.index_cast %add3A_2534 : i32 to index
      %swap3A_2560 = arith.constant 32 : index
      %swap3A_2561 = tpu.vector_load %arg9[%swap3A_2559, %swap3A_2560] {strides = array<i32>} : memref<128x128xf32, #tpu.memory_space<vmem>>, vector<16xf32>,
      tpu.vector_store %arg9[%swap3A_2559, %swap3A_2560], %get3A_2558 {strides = array<i32>} : memref<128x128xf32, #tpu.memory_space<vmem>>, vector<16xf32>,
      %get3A_2562 = arith.constant 7 : i32
      %get3A_2563 = arith.index_cast %rem3A_1254 : i32 to index
      %get3A_2564 = arith.index_cast %get3A_2562 : i32 to index
      %get3A_2565 = arith.index_cast %rem3A_2532 : i32 to index
      %get3A_2566 = arith.constant 48 : index
      %get3A_2567 = tpu.vector_load %arg7[%get3A_2563, %get3A_2564, %get3A_2565, %get3A_2566] {strides = array<i32>} : memref<2x16x8x64xf32, #tpu.memory_space<vmem>>, vector<16xf32>,
      %swap3A_2568 = arith.index_cast %add3A_2534 : i32 to index
      %swap3A_2569 = arith.constant 48 : index
      %swap3A_2570 = tpu.vector_load %arg9[%swap3A_2568, %swap3A_2569] {strides = array<i32>} : memref<128x128xf32, #tpu.memory_space<vmem>>, vector<16xf32>,
      tpu.vector_store %arg9[%swap3A_2568, %swap3A_2569], %get3A_2567 {strides = array<i32>} : memref<128x128xf32, #tpu.memory_space<vmem>>, vector<16xf32>,
      %mul3A_2571 = arith.constant 32 : i32
      %mul3A_2572 = arith.muli %sub3A_1813, %mul3A_2571 : i32
      %add3A_2573 = arith.constant 0 : i32
      %add3A_2574 = arith.addi %mul3A_2572, %add3A_2573 : i32
      %get3A_2575 = arith.index_cast %add3A_2574 : i32 to index
      %get3A_2576 = tpu.vector_load %arg8[%get3A_2575] {strides = array<i32>} : memref<32064xf32, #tpu.memory_space<vmem>>, vector<16xf32>,
      %swap3A_2577 = arith.index_cast %add3A_2534 : i32 to index
      %swap3A_2578 = arith.constant 64 : index
      %swap3A_2579 = tpu.vector_load %arg9[%swap3A_2577, %swap3A_2578] {strides = array<i32>} : memref<128x128xf32, #tpu.memory_space<vmem>>, vector<16xf32>,
      tpu.vector_store %arg9[%swap3A_2577, %swap3A_2578], %get3A_2576 {strides = array<i32>} : memref<128x128xf32, #tpu.memory_space<vmem>>, vector<16xf32>,
      %mul3A_2580 = arith.constant 32 : i32
      %mul3A_2581 = arith.muli %sub3A_1813, %mul3A_2580 : i32
      %add3A_2582 = arith.constant 16 : i32
      %add3A_2583 = arith.addi %mul3A_2581, %add3A_2582 : i32
      %get3A_2584 = arith.index_cast %add3A_2583 : i32 to index
      %get3A_2585 = tpu.vector_load %arg8[%get3A_2584] {strides = array<i32>} : memref<32064xf32, #tpu.memory_space<vmem>>, vector<16xf32>,
      %swap3A_2586 = arith.index_cast %add3A_2534 : i32 to index
      %swap3A_2587 = arith.constant 80 : index
      %swap3A_2588 = tpu.vector_load %arg9[%swap3A_2586, %swap3A_2587] {strides = array<i32>} : memref<128x128xf32, #tpu.memory_space<vmem>>, vector<16xf32>,
      tpu.vector_store %arg9[%swap3A_2586, %swap3A_2587], %get3A_2585 {strides = array<i32>} : memref<128x128xf32, #tpu.memory_space<vmem>>, vector<16xf32>,
      %rem3A_2589 = arith.constant 8 : i32
      %rem3A_2590 = arith.remsi %select_n3A_1849, %rem3A_2589 : i32
      %add3A_2591 = arith.constant 8 : i32
      %add3A_2592 = arith.addi %mul3A_1497, %add3A_2591 : i32
      %get3A_2593 = arith.constant 8 : i32
      %get3A_2594 = arith.index_cast %rem3A_1254 : i32 to index
      %get3A_2595 = arith.index_cast %get3A_2593 : i32 to index
      %get3A_2596 = arith.index_cast %rem3A_2590 : i32 to index
      %get3A_2597 = arith.constant 0 : index
      %get3A_2598 = tpu.vector_load %arg7[%get3A_2594, %get3A_2595, %get3A_2596, %get3A_2597] {strides = array<i32>} : memref<2x16x8x64xf32, #tpu.memory_space<vmem>>, vector<16xf32>,
      %swap3A_2599 = arith.index_cast %add3A_2592 : i32 to index
      %swap3A_2600 = arith.constant 0 : index
      %swap3A_2601 = tpu.vector_load %arg9[%swap3A_2599, %swap3A_2600] {strides = array<i32>} : memref<128x128xf32, #tpu.memory_space<vmem>>, vector<16xf32>,
      tpu.vector_store %arg9[%swap3A_2599, %swap3A_2600], %get3A_2598 {strides = array<i32>} : memref<128x128xf32, #tpu.memory_space<vmem>>, vector<16xf32>,
      %get3A_2602 = arith.constant 8 : i32
      %get3A_2603 = arith.index_cast %rem3A_1254 : i32 to index
      %get3A_2604 = arith.index_cast %get3A_2602 : i32 to index
      %get3A_2605 = arith.index_cast %rem3A_2590 : i32 to index
      %get3A_2606 = arith.constant 16 : index
      %get3A_2607 = tpu.vector_load %arg7[%get3A_2603, %get3A_2604, %get3A_2605, %get3A_2606] {strides = array<i32>} : memref<2x16x8x64xf32, #tpu.memory_space<vmem>>, vector<16xf32>,
      %swap3A_2608 = arith.index_cast %add3A_2592 : i32 to index
      %swap3A_2609 = arith.constant 16 : index
      %swap3A_2610 = tpu.vector_load %arg9[%swap3A_2608, %swap3A_2609] {strides = array<i32>} : memref<128x128xf32, #tpu.memory_space<vmem>>, vector<16xf32>,
      tpu.vector_store %arg9[%swap3A_2608, %swap3A_2609], %get3A_2607 {strides = array<i32>} : memref<128x128xf32, #tpu.memory_space<vmem>>, vector<16xf32>,
      %get3A_2611 = arith.constant 8 : i32
      %get3A_2612 = arith.index_cast %rem3A_1254 : i32 to index
      %get3A_2613 = arith.index_cast %get3A_2611 : i32 to index
      %get3A_2614 = arith.index_cast %rem3A_2590 : i32 to index
      %get3A_2615 = arith.constant 32 : index
      %get3A_2616 = tpu.vector_load %arg7[%get3A_2612, %get3A_2613, %get3A_2614, %get3A_2615] {strides = array<i32>} : memref<2x16x8x64xf32, #tpu.memory_space<vmem>>, vector<16xf32>,
      %swap3A_2617 = arith.index_cast %add3A_2592 : i32 to index
      %swap3A_2618 = arith.constant 32 : index
      %swap3A_2619 = tpu.vector_load %arg9[%swap3A_2617, %swap3A_2618] {strides = array<i32>} : memref<128x128xf32, #tpu.memory_space<vmem>>, vector<16xf32>,
      tpu.vector_store %arg9[%swap3A_2617, %swap3A_2618], %get3A_2616 {strides = array<i32>} : memref<128x128xf32, #tpu.memory_space<vmem>>, vector<16xf32>,
      %get3A_2620 = arith.constant 8 : i32
      %get3A_2621 = arith.index_cast %rem3A_1254 : i32 to index
      %get3A_2622 = arith.index_cast %get3A_2620 : i32 to index
      %get3A_2623 = arith.index_cast %rem3A_2590 : i32 to index
      %get3A_2624 = arith.constant 48 : index
      %get3A_2625 = tpu.vector_load %arg7[%get3A_2621, %get3A_2622, %get3A_2623, %get3A_2624] {strides = array<i32>} : memref<2x16x8x64xf32, #tpu.memory_space<vmem>>, vector<16xf32>,
      %swap3A_2626 = arith.index_cast %add3A_2592 : i32 to index
      %swap3A_2627 = arith.constant 48 : index
      %swap3A_2628 = tpu.vector_load %arg9[%swap3A_2626, %swap3A_2627] {strides = array<i32>} : memref<128x128xf32, #tpu.memory_space<vmem>>, vector<16xf32>,
      tpu.vector_store %arg9[%swap3A_2626, %swap3A_2627], %get3A_2625 {strides = array<i32>} : memref<128x128xf32, #tpu.memory_space<vmem>>, vector<16xf32>,
      %mul3A_2629 = arith.constant 32 : i32
      %mul3A_2630 = arith.muli %sub3A_1852, %mul3A_2629 : i32
      %add3A_2631 = arith.constant 0 : i32
      %add3A_2632 = arith.addi %mul3A_2630, %add3A_2631 : i32
      %get3A_2633 = arith.index_cast %add3A_2632 : i32 to index
      %get3A_2634 = tpu.vector_load %arg8[%get3A_2633] {strides = array<i32>} : memref<32064xf32, #tpu.memory_space<vmem>>, vector<16xf32>,
      %swap3A_2635 = arith.index_cast %add3A_2592 : i32 to index
      %swap3A_2636 = arith.constant 64 : index
      %swap3A_2637 = tpu.vector_load %arg9[%swap3A_2635, %swap3A_2636] {strides = array<i32>} : memref<128x128xf32, #tpu.memory_space<vmem>>, vector<16xf32>,
      tpu.vector_store %arg9[%swap3A_2635, %swap3A_2636], %get3A_2634 {strides = array<i32>} : memref<128x128xf32, #tpu.memory_space<vmem>>, vector<16xf32>,
      %mul3A_2638 = arith.constant 32 : i32
      %mul3A_2639 = arith.muli %sub3A_1852, %mul3A_2638 : i32
      %add3A_2640 = arith.constant 16 : i32
      %add3A_2641 = arith.addi %mul3A_2639, %add3A_2640 : i32
      %get3A_2642 = arith.index_cast %add3A_2641 : i32 to index
      %get3A_2643 = tpu.vector_load %arg8[%get3A_2642] {strides = array<i32>} : memref<32064xf32, #tpu.memory_space<vmem>>, vector<16xf32>,
      %swap3A_2644 = arith.index_cast %add3A_2592 : i32 to index
      %swap3A_2645 = arith.constant 80 : index
      %swap3A_2646 = tpu.vector_load %arg9[%swap3A_2644, %swap3A_2645] {strides = array<i32>} : memref<128x128xf32, #tpu.memory_space<vmem>>, vector<16xf32>,
      tpu.vector_store %arg9[%swap3A_2644, %swap3A_2645], %get3A_2643 {strides = array<i32>} : memref<128x128xf32, #tpu.memory_space<vmem>>, vector<16xf32>,
      %rem3A_2647 = arith.constant 8 : i32
      %rem3A_2648 = arith.remsi %select_n3A_1888, %rem3A_2647 : i32
      %add3A_2649 = arith.constant 9 : i32
      %add3A_2650 = arith.addi %mul3A_1497, %add3A_2649 : i32
      %get3A_2651 = arith.constant 9 : i32
      %get3A_2652 = arith.index_cast %rem3A_1254 : i32 to index
      %get3A_2653 = arith.index_cast %get3A_2651 : i32 to index
      %get3A_2654 = arith.index_cast %rem3A_2648 : i32 to index
      %get3A_2655 = arith.constant 0 : index
      %get3A_2656 = tpu.vector_load %arg7[%get3A_2652, %get3A_2653, %get3A_2654, %get3A_2655] {strides = array<i32>} : memref<2x16x8x64xf32, #tpu.memory_space<vmem>>, vector<16xf32>,
      %swap3A_2657 = arith.index_cast %add3A_2650 : i32 to index
      %swap3A_2658 = arith.constant 0 : index
      %swap3A_2659 = tpu.vector_load %arg9[%swap3A_2657, %swap3A_2658] {strides = array<i32>} : memref<128x128xf32, #tpu.memory_space<vmem>>, vector<16xf32>,
      tpu.vector_store %arg9[%swap3A_2657, %swap3A_2658], %get3A_2656 {strides = array<i32>} : memref<128x128xf32, #tpu.memory_space<vmem>>, vector<16xf32>,
      %get3A_2660 = arith.constant 9 : i32
      %get3A_2661 = arith.index_cast %rem3A_1254 : i32 to index
      %get3A_2662 = arith.index_cast %get3A_2660 : i32 to index
      %get3A_2663 = arith.index_cast %rem3A_2648 : i32 to index
      %get3A_2664 = arith.constant 16 : index
      %get3A_2665 = tpu.vector_load %arg7[%get3A_2661, %get3A_2662, %get3A_2663, %get3A_2664] {strides = array<i32>} : memref<2x16x8x64xf32, #tpu.memory_space<vmem>>, vector<16xf32>,
      %swap3A_2666 = arith.index_cast %add3A_2650 : i32 to index
      %swap3A_2667 = arith.constant 16 : index
      %swap3A_2668 = tpu.vector_load %arg9[%swap3A_2666, %swap3A_2667] {strides = array<i32>} : memref<128x128xf32, #tpu.memory_space<vmem>>, vector<16xf32>,
      tpu.vector_store %arg9[%swap3A_2666, %swap3A_2667], %get3A_2665 {strides = array<i32>} : memref<128x128xf32, #tpu.memory_space<vmem>>, vector<16xf32>,
      %get3A_2669 = arith.constant 9 : i32
      %get3A_2670 = arith.index_cast %rem3A_1254 : i32 to index
      %get3A_2671 = arith.index_cast %get3A_2669 : i32 to index
      %get3A_2672 = arith.index_cast %rem3A_2648 : i32 to index
      %get3A_2673 = arith.constant 32 : index
      %get3A_2674 = tpu.vector_load %arg7[%get3A_2670, %get3A_2671, %get3A_2672, %get3A_2673] {strides = array<i32>} : memref<2x16x8x64xf32, #tpu.memory_space<vmem>>, vector<16xf32>,
      %swap3A_2675 = arith.index_cast %add3A_2650 : i32 to index
      %swap3A_2676 = arith.constant 32 : index
      %swap3A_2677 = tpu.vector_load %arg9[%swap3A_2675, %swap3A_2676] {strides = array<i32>} : memref<128x128xf32, #tpu.memory_space<vmem>>, vector<16xf32>,
      tpu.vector_store %arg9[%swap3A_2675, %swap3A_2676], %get3A_2674 {strides = array<i32>} : memref<128x128xf32, #tpu.memory_space<vmem>>, vector<16xf32>,
      %get3A_2678 = arith.constant 9 : i32
      %get3A_2679 = arith.index_cast %rem3A_1254 : i32 to index
      %get3A_2680 = arith.index_cast %get3A_2678 : i32 to index
      %get3A_2681 = arith.index_cast %rem3A_2648 : i32 to index
      %get3A_2682 = arith.constant 48 : index
      %get3A_2683 = tpu.vector_load %arg7[%get3A_2679, %get3A_2680, %get3A_2681, %get3A_2682] {strides = array<i32>} : memref<2x16x8x64xf32, #tpu.memory_space<vmem>>, vector<16xf32>,
      %swap3A_2684 = arith.index_cast %add3A_2650 : i32 to index
      %swap3A_2685 = arith.constant 48 : index
      %swap3A_2686 = tpu.vector_load %arg9[%swap3A_2684, %swap3A_2685] {strides = array<i32>} : memref<128x128xf32, #tpu.memory_space<vmem>>, vector<16xf32>,
      tpu.vector_store %arg9[%swap3A_2684, %swap3A_2685], %get3A_2683 {strides = array<i32>} : memref<128x128xf32, #tpu.memory_space<vmem>>, vector<16xf32>,
      %mul3A_2687 = arith.constant 32 : i32
      %mul3A_2688 = arith.muli %sub3A_1891, %mul3A_2687 : i32
      %add3A_2689 = arith.constant 0 : i32
      %add3A_2690 = arith.addi %mul3A_2688, %add3A_2689 : i32
      %get3A_2691 = arith.index_cast %add3A_2690 : i32 to index
      %get3A_2692 = tpu.vector_load %arg8[%get3A_2691] {strides = array<i32>} : memref<32064xf32, #tpu.memory_space<vmem>>, vector<16xf32>,
      %swap3A_2693 = arith.index_cast %add3A_2650 : i32 to index
      %swap3A_2694 = arith.constant 64 : index
      %swap3A_2695 = tpu.vector_load %arg9[%swap3A_2693, %swap3A_2694] {strides = array<i32>} : memref<128x128xf32, #tpu.memory_space<vmem>>, vector<16xf32>,
      tpu.vector_store %arg9[%swap3A_2693, %swap3A_2694], %get3A_2692 {strides = array<i32>} : memref<128x128xf32, #tpu.memory_space<vmem>>, vector<16xf32>,
      %mul3A_2696 = arith.constant 32 : i32
      %mul3A_2697 = arith.muli %sub3A_1891, %mul3A_2696 : i32
      %add3A_2698 = arith.constant 16 : i32
      %add3A_2699 = arith.addi %mul3A_2697, %add3A_2698 : i32
      %get3A_2700 = arith.index_cast %add3A_2699 : i32 to index
      %get3A_2701 = tpu.vector_load %arg8[%get3A_2700] {strides = array<i32>} : memref<32064xf32, #tpu.memory_space<vmem>>, vector<16xf32>,
      %swap3A_2702 = arith.index_cast %add3A_2650 : i32 to index
      %swap3A_2703 = arith.constant 80 : index
      %swap3A_2704 = tpu.vector_load %arg9[%swap3A_2702, %swap3A_2703] {strides = array<i32>} : memref<128x128xf32, #tpu.memory_space<vmem>>, vector<16xf32>,
      tpu.vector_store %arg9[%swap3A_2702, %swap3A_2703], %get3A_2701 {strides = array<i32>} : memref<128x128xf32, #tpu.memory_space<vmem>>, vector<16xf32>,
      %rem3A_2705 = arith.constant 8 : i32
      %rem3A_2706 = arith.remsi %select_n3A_1927, %rem3A_2705 : i32
      %add3A_2707 = arith.constant 10 : i32
      %add3A_2708 = arith.addi %mul3A_1497, %add3A_2707 : i32
      %get3A_2709 = arith.constant 10 : i32
      %get3A_2710 = arith.index_cast %rem3A_1254 : i32 to index
      %get3A_2711 = arith.index_cast %get3A_2709 : i32 to index
      %get3A_2712 = arith.index_cast %rem3A_2706 : i32 to index
      %get3A_2713 = arith.constant 0 : index
      %get3A_2714 = tpu.vector_load %arg7[%get3A_2710, %get3A_2711, %get3A_2712, %get3A_2713] {strides = array<i32>} : memref<2x16x8x64xf32, #tpu.memory_space<vmem>>, vector<16xf32>,
      %swap3A_2715 = arith.index_cast %add3A_2708 : i32 to index
      %swap3A_2716 = arith.constant 0 : index
      %swap3A_2717 = tpu.vector_load %arg9[%swap3A_2715, %swap3A_2716] {strides = array<i32>} : memref<128x128xf32, #tpu.memory_space<vmem>>, vector<16xf32>,
      tpu.vector_store %arg9[%swap3A_2715, %swap3A_2716], %get3A_2714 {strides = array<i32>} : memref<128x128xf32, #tpu.memory_space<vmem>>, vector<16xf32>,
      %get3A_2718 = arith.constant 10 : i32
      %get3A_2719 = arith.index_cast %rem3A_1254 : i32 to index
      %get3A_2720 = arith.index_cast %get3A_2718 : i32 to index
      %get3A_2721 = arith.index_cast %rem3A_2706 : i32 to index
      %get3A_2722 = arith.constant 16 : index
      %get3A_2723 = tpu.vector_load %arg7[%get3A_2719, %get3A_2720, %get3A_2721, %get3A_2722] {strides = array<i32>} : memref<2x16x8x64xf32, #tpu.memory_space<vmem>>, vector<16xf32>,
      %swap3A_2724 = arith.index_cast %add3A_2708 : i32 to index
      %swap3A_2725 = arith.constant 16 : index
      %swap3A_2726 = tpu.vector_load %arg9[%swap3A_2724, %swap3A_2725] {strides = array<i32>} : memref<128x128xf32, #tpu.memory_space<vmem>>, vector<16xf32>,
      tpu.vector_store %arg9[%swap3A_2724, %swap3A_2725], %get3A_2723 {strides = array<i32>} : memref<128x128xf32, #tpu.memory_space<vmem>>, vector<16xf32>,
      %get3A_2727 = arith.constant 10 : i32
      %get3A_2728 = arith.index_cast %rem3A_1254 : i32 to index
      %get3A_2729 = arith.index_cast %get3A_2727 : i32 to index
      %get3A_2730 = arith.index_cast %rem3A_2706 : i32 to index
      %get3A_2731 = arith.constant 32 : index
      %get3A_2732 = tpu.vector_load %arg7[%get3A_2728, %get3A_2729, %get3A_2730, %get3A_2731] {strides = array<i32>} : memref<2x16x8x64xf32, #tpu.memory_space<vmem>>, vector<16xf32>,
      %swap3A_2733 = arith.index_cast %add3A_2708 : i32 to index
      %swap3A_2734 = arith.constant 32 : index
      %swap3A_2735 = tpu.vector_load %arg9[%swap3A_2733, %swap3A_2734] {strides = array<i32>} : memref<128x128xf32, #tpu.memory_space<vmem>>, vector<16xf32>,
      tpu.vector_store %arg9[%swap3A_2733, %swap3A_2734], %get3A_2732 {strides = array<i32>} : memref<128x128xf32, #tpu.memory_space<vmem>>, vector<16xf32>,
      %get3A_2736 = arith.constant 10 : i32
      %get3A_2737 = arith.index_cast %rem3A_1254 : i32 to index
      %get3A_2738 = arith.index_cast %get3A_2736 : i32 to index
      %get3A_2739 = arith.index_cast %rem3A_2706 : i32 to index
      %get3A_2740 = arith.constant 48 : index
      %get3A_2741 = tpu.vector_load %arg7[%get3A_2737, %get3A_2738, %get3A_2739, %get3A_2740] {strides = array<i32>} : memref<2x16x8x64xf32, #tpu.memory_space<vmem>>, vector<16xf32>,
      %swap3A_2742 = arith.index_cast %add3A_2708 : i32 to index
      %swap3A_2743 = arith.constant 48 : index
      %swap3A_2744 = tpu.vector_load %arg9[%swap3A_2742, %swap3A_2743] {strides = array<i32>} : memref<128x128xf32, #tpu.memory_space<vmem>>, vector<16xf32>,
      tpu.vector_store %arg9[%swap3A_2742, %swap3A_2743], %get3A_2741 {strides = array<i32>} : memref<128x128xf32, #tpu.memory_space<vmem>>, vector<16xf32>,
      %mul3A_2745 = arith.constant 32 : i32
      %mul3A_2746 = arith.muli %sub3A_1930, %mul3A_2745 : i32
      %add3A_2747 = arith.constant 0 : i32
      %add3A_2748 = arith.addi %mul3A_2746, %add3A_2747 : i32
      %get3A_2749 = arith.index_cast %add3A_2748 : i32 to index
      %get3A_2750 = tpu.vector_load %arg8[%get3A_2749] {strides = array<i32>} : memref<32064xf32, #tpu.memory_space<vmem>>, vector<16xf32>,
      %swap3A_2751 = arith.index_cast %add3A_2708 : i32 to index
      %swap3A_2752 = arith.constant 64 : index
      %swap3A_2753 = tpu.vector_load %arg9[%swap3A_2751, %swap3A_2752] {strides = array<i32>} : memref<128x128xf32, #tpu.memory_space<vmem>>, vector<16xf32>,
      tpu.vector_store %arg9[%swap3A_2751, %swap3A_2752], %get3A_2750 {strides = array<i32>} : memref<128x128xf32, #tpu.memory_space<vmem>>, vector<16xf32>,
      %mul3A_2754 = arith.constant 32 : i32
      %mul3A_2755 = arith.muli %sub3A_1930, %mul3A_2754 : i32
      %add3A_2756 = arith.constant 16 : i32
      %add3A_2757 = arith.addi %mul3A_2755, %add3A_2756 : i32
      %get3A_2758 = arith.index_cast %add3A_2757 : i32 to index
      %get3A_2759 = tpu.vector_load %arg8[%get3A_2758] {strides = array<i32>} : memref<32064xf32, #tpu.memory_space<vmem>>, vector<16xf32>,
      %swap3A_2760 = arith.index_cast %add3A_2708 : i32 to index
      %swap3A_2761 = arith.constant 80 : index
      %swap3A_2762 = tpu.vector_load %arg9[%swap3A_2760, %swap3A_2761] {strides = array<i32>} : memref<128x128xf32, #tpu.memory_space<vmem>>, vector<16xf32>,
      tpu.vector_store %arg9[%swap3A_2760, %swap3A_2761], %get3A_2759 {strides = array<i32>} : memref<128x128xf32, #tpu.memory_space<vmem>>, vector<16xf32>,
      %rem3A_2763 = arith.constant 8 : i32
      %rem3A_2764 = arith.remsi %select_n3A_1966, %rem3A_2763 : i32
      %add3A_2765 = arith.constant 11 : i32
      %add3A_2766 = arith.addi %mul3A_1497, %add3A_2765 : i32
      %get3A_2767 = arith.constant 11 : i32
      %get3A_2768 = arith.index_cast %rem3A_1254 : i32 to index
      %get3A_2769 = arith.index_cast %get3A_2767 : i32 to index
      %get3A_2770 = arith.index_cast %rem3A_2764 : i32 to index
      %get3A_2771 = arith.constant 0 : index
      %get3A_2772 = tpu.vector_load %arg7[%get3A_2768, %get3A_2769, %get3A_2770, %get3A_2771] {strides = array<i32>} : memref<2x16x8x64xf32, #tpu.memory_space<vmem>>, vector<16xf32>,
      %swap3A_2773 = arith.index_cast %add3A_2766 : i32 to index
      %swap3A_2774 = arith.constant 0 : index
      %swap3A_2775 = tpu.vector_load %arg9[%swap3A_2773, %swap3A_2774] {strides = array<i32>} : memref<128x128xf32, #tpu.memory_space<vmem>>, vector<16xf32>,
      tpu.vector_store %arg9[%swap3A_2773, %swap3A_2774], %get3A_2772 {strides = array<i32>} : memref<128x128xf32, #tpu.memory_space<vmem>>, vector<16xf32>,
      %get3A_2776 = arith.constant 11 : i32
      %get3A_2777 = arith.index_cast %rem3A_1254 : i32 to index
      %get3A_2778 = arith.index_cast %get3A_2776 : i32 to index
      %get3A_2779 = arith.index_cast %rem3A_2764 : i32 to index
      %get3A_2780 = arith.constant 16 : index
      %get3A_2781 = tpu.vector_load %arg7[%get3A_2777, %get3A_2778, %get3A_2779, %get3A_2780] {strides = array<i32>} : memref<2x16x8x64xf32, #tpu.memory_space<vmem>>, vector<16xf32>,
      %swap3A_2782 = arith.index_cast %add3A_2766 : i32 to index
      %swap3A_2783 = arith.constant 16 : index
      %swap3A_2784 = tpu.vector_load %arg9[%swap3A_2782, %swap3A_2783] {strides = array<i32>} : memref<128x128xf32, #tpu.memory_space<vmem>>, vector<16xf32>,
      tpu.vector_store %arg9[%swap3A_2782, %swap3A_2783], %get3A_2781 {strides = array<i32>} : memref<128x128xf32, #tpu.memory_space<vmem>>, vector<16xf32>,
      %get3A_2785 = arith.constant 11 : i32
      %get3A_2786 = arith.index_cast %rem3A_1254 : i32 to index
      %get3A_2787 = arith.index_cast %get3A_2785 : i32 to index
      %get3A_2788 = arith.index_cast %rem3A_2764 : i32 to index
      %get3A_2789 = arith.constant 32 : index
      %get3A_2790 = tpu.vector_load %arg7[%get3A_2786, %get3A_2787, %get3A_2788, %get3A_2789] {strides = array<i32>} : memref<2x16x8x64xf32, #tpu.memory_space<vmem>>, vector<16xf32>,
      %swap3A_2791 = arith.index_cast %add3A_2766 : i32 to index
      %swap3A_2792 = arith.constant 32 : index
      %swap3A_2793 = tpu.vector_load %arg9[%swap3A_2791, %swap3A_2792] {strides = array<i32>} : memref<128x128xf32, #tpu.memory_space<vmem>>, vector<16xf32>,
      tpu.vector_store %arg9[%swap3A_2791, %swap3A_2792], %get3A_2790 {strides = array<i32>} : memref<128x128xf32, #tpu.memory_space<vmem>>, vector<16xf32>,
      %get3A_2794 = arith.constant 11 : i32
      %get3A_2795 = arith.index_cast %rem3A_1254 : i32 to index
      %get3A_2796 = arith.index_cast %get3A_2794 : i32 to index
      %get3A_2797 = arith.index_cast %rem3A_2764 : i32 to index
      %get3A_2798 = arith.constant 48 : index
      %get3A_2799 = tpu.vector_load %arg7[%get3A_2795, %get3A_2796, %get3A_2797, %get3A_2798] {strides = array<i32>} : memref<2x16x8x64xf32, #tpu.memory_space<vmem>>, vector<16xf32>,
      %swap3A_2800 = arith.index_cast %add3A_2766 : i32 to index
      %swap3A_2801 = arith.constant 48 : index
      %swap3A_2802 = tpu.vector_load %arg9[%swap3A_2800, %swap3A_2801] {strides = array<i32>} : memref<128x128xf32, #tpu.memory_space<vmem>>, vector<16xf32>,
      tpu.vector_store %arg9[%swap3A_2800, %swap3A_2801], %get3A_2799 {strides = array<i32>} : memref<128x128xf32, #tpu.memory_space<vmem>>, vector<16xf32>,
      %mul3A_2803 = arith.constant 32 : i32
      %mul3A_2804 = arith.muli %sub3A_1969, %mul3A_2803 : i32
      %add3A_2805 = arith.constant 0 : i32
      %add3A_2806 = arith.addi %mul3A_2804, %add3A_2805 : i32
      %get3A_2807 = arith.index_cast %add3A_2806 : i32 to index
      %get3A_2808 = tpu.vector_load %arg8[%get3A_2807] {strides = array<i32>} : memref<32064xf32, #tpu.memory_space<vmem>>, vector<16xf32>,
      %swap3A_2809 = arith.index_cast %add3A_2766 : i32 to index
      %swap3A_2810 = arith.constant 64 : index
      %swap3A_2811 = tpu.vector_load %arg9[%swap3A_2809, %swap3A_2810] {strides = array<i32>} : memref<128x128xf32, #tpu.memory_space<vmem>>, vector<16xf32>,
      tpu.vector_store %arg9[%swap3A_2809, %swap3A_2810], %get3A_2808 {strides = array<i32>} : memref<128x128xf32, #tpu.memory_space<vmem>>, vector<16xf32>,
      %mul3A_2812 = arith.constant 32 : i32
      %mul3A_2813 = arith.muli %sub3A_1969, %mul3A_2812 : i32
      %add3A_2814 = arith.constant 16 : i32
      %add3A_2815 = arith.addi %mul3A_2813, %add3A_2814 : i32
      %get3A_2816 = arith.index_cast %add3A_2815 : i32 to index
      %get3A_2817 = tpu.vector_load %arg8[%get3A_2816] {strides = array<i32>} : memref<32064xf32, #tpu.memory_space<vmem>>, vector<16xf32>,
      %swap3A_2818 = arith.index_cast %add3A_2766 : i32 to index
      %swap3A_2819 = arith.constant 80 : index
      %swap3A_2820 = tpu.vector_load %arg9[%swap3A_2818, %swap3A_2819] {strides = array<i32>} : memref<128x128xf32, #tpu.memory_space<vmem>>, vector<16xf32>,
      tpu.vector_store %arg9[%swap3A_2818, %swap3A_2819], %get3A_2817 {strides = array<i32>} : memref<128x128xf32, #tpu.memory_space<vmem>>, vector<16xf32>,
      %rem3A_2821 = arith.constant 8 : i32
      %rem3A_2822 = arith.remsi %select_n3A_2005, %rem3A_2821 : i32
      %add3A_2823 = arith.constant 12 : i32
      %add3A_2824 = arith.addi %mul3A_1497, %add3A_2823 : i32
      %get3A_2825 = arith.constant 12 : i32
      %get3A_2826 = arith.index_cast %rem3A_1254 : i32 to index
      %get3A_2827 = arith.index_cast %get3A_2825 : i32 to index
      %get3A_2828 = arith.index_cast %rem3A_2822 : i32 to index
      %get3A_2829 = arith.constant 0 : index
      %get3A_2830 = tpu.vector_load %arg7[%get3A_2826, %get3A_2827, %get3A_2828, %get3A_2829] {strides = array<i32>} : memref<2x16x8x64xf32, #tpu.memory_space<vmem>>, vector<16xf32>,
      %swap3A_2831 = arith.index_cast %add3A_2824 : i32 to index
      %swap3A_2832 = arith.constant 0 : index
      %swap3A_2833 = tpu.vector_load %arg9[%swap3A_2831, %swap3A_2832] {strides = array<i32>} : memref<128x128xf32, #tpu.memory_space<vmem>>, vector<16xf32>,
      tpu.vector_store %arg9[%swap3A_2831, %swap3A_2832], %get3A_2830 {strides = array<i32>} : memref<128x128xf32, #tpu.memory_space<vmem>>, vector<16xf32>,
      %get3A_2834 = arith.constant 12 : i32
      %get3A_2835 = arith.index_cast %rem3A_1254 : i32 to index
      %get3A_2836 = arith.index_cast %get3A_2834 : i32 to index
      %get3A_2837 = arith.index_cast %rem3A_2822 : i32 to index
      %get3A_2838 = arith.constant 16 : index
      %get3A_2839 = tpu.vector_load %arg7[%get3A_2835, %get3A_2836, %get3A_2837, %get3A_2838] {strides = array<i32>} : memref<2x16x8x64xf32, #tpu.memory_space<vmem>>, vector<16xf32>,
      %swap3A_2840 = arith.index_cast %add3A_2824 : i32 to index
      %swap3A_2841 = arith.constant 16 : index
      %swap3A_2842 = tpu.vector_load %arg9[%swap3A_2840, %swap3A_2841] {strides = array<i32>} : memref<128x128xf32, #tpu.memory_space<vmem>>, vector<16xf32>,
      tpu.vector_store %arg9[%swap3A_2840, %swap3A_2841], %get3A_2839 {strides = array<i32>} : memref<128x128xf32, #tpu.memory_space<vmem>>, vector<16xf32>,
      %get3A_2843 = arith.constant 12 : i32
      %get3A_2844 = arith.index_cast %rem3A_1254 : i32 to index
      %get3A_2845 = arith.index_cast %get3A_2843 : i32 to index
      %get3A_2846 = arith.index_cast %rem3A_2822 : i32 to index
      %get3A_2847 = arith.constant 32 : index
      %get3A_2848 = tpu.vector_load %arg7[%get3A_2844, %get3A_2845, %get3A_2846, %get3A_2847] {strides = array<i32>} : memref<2x16x8x64xf32, #tpu.memory_space<vmem>>, vector<16xf32>,
      %swap3A_2849 = arith.index_cast %add3A_2824 : i32 to index
      %swap3A_2850 = arith.constant 32 : index
      %swap3A_2851 = tpu.vector_load %arg9[%swap3A_2849, %swap3A_2850] {strides = array<i32>} : memref<128x128xf32, #tpu.memory_space<vmem>>, vector<16xf32>,
      tpu.vector_store %arg9[%swap3A_2849, %swap3A_2850], %get3A_2848 {strides = array<i32>} : memref<128x128xf32, #tpu.memory_space<vmem>>, vector<16xf32>,
      %get3A_2852 = arith.constant 12 : i32
      %get3A_2853 = arith.index_cast %rem3A_1254 : i32 to index
      %get3A_2854 = arith.index_cast %get3A_2852 : i32 to index
      %get3A_2855 = arith.index_cast %rem3A_2822 : i32 to index
      %get3A_2856 = arith.constant 48 : index
      %get3A_2857 = tpu.vector_load %arg7[%get3A_2853, %get3A_2854, %get3A_2855, %get3A_2856] {strides = array<i32>} : memref<2x16x8x64xf32, #tpu.memory_space<vmem>>, vector<16xf32>,
      %swap3A_2858 = arith.index_cast %add3A_2824 : i32 to index
      %swap3A_2859 = arith.constant 48 : index
      %swap3A_2860 = tpu.vector_load %arg9[%swap3A_2858, %swap3A_2859] {strides = array<i32>} : memref<128x128xf32, #tpu.memory_space<vmem>>, vector<16xf32>,
      tpu.vector_store %arg9[%swap3A_2858, %swap3A_2859], %get3A_2857 {strides = array<i32>} : memref<128x128xf32, #tpu.memory_space<vmem>>, vector<16xf32>,
      %mul3A_2861 = arith.constant 32 : i32
      %mul3A_2862 = arith.muli %sub3A_2008, %mul3A_2861 : i32
      %add3A_2863 = arith.constant 0 : i32
      %add3A_2864 = arith.addi %mul3A_2862, %add3A_2863 : i32
      %get3A_2865 = arith.index_cast %add3A_2864 : i32 to index
      %get3A_2866 = tpu.vector_load %arg8[%get3A_2865] {strides = array<i32>} : memref<32064xf32, #tpu.memory_space<vmem>>, vector<16xf32>,
      %swap3A_2867 = arith.index_cast %add3A_2824 : i32 to index
      %swap3A_2868 = arith.constant 64 : index
      %swap3A_2869 = tpu.vector_load %arg9[%swap3A_2867, %swap3A_2868] {strides = array<i32>} : memref<128x128xf32, #tpu.memory_space<vmem>>, vector<16xf32>,
      tpu.vector_store %arg9[%swap3A_2867, %swap3A_2868], %get3A_2866 {strides = array<i32>} : memref<128x128xf32, #tpu.memory_space<vmem>>, vector<16xf32>,
      %mul3A_2870 = arith.constant 32 : i32
      %mul3A_2871 = arith.muli %sub3A_2008, %mul3A_2870 : i32
      %add3A_2872 = arith.constant 16 : i32
      %add3A_2873 = arith.addi %mul3A_2871, %add3A_2872 : i32
      %get3A_2874 = arith.index_cast %add3A_2873 : i32 to index
      %get3A_2875 = tpu.vector_load %arg8[%get3A_2874] {strides = array<i32>} : memref<32064xf32, #tpu.memory_space<vmem>>, vector<16xf32>,
      %swap3A_2876 = arith.index_cast %add3A_2824 : i32 to index
      %swap3A_2877 = arith.constant 80 : index
      %swap3A_2878 = tpu.vector_load %arg9[%swap3A_2876, %swap3A_2877] {strides = array<i32>} : memref<128x128xf32, #tpu.memory_space<vmem>>, vector<16xf32>,
      tpu.vector_store %arg9[%swap3A_2876, %swap3A_2877], %get3A_2875 {strides = array<i32>} : memref<128x128xf32, #tpu.memory_space<vmem>>, vector<16xf32>,
      %rem3A_2879 = arith.constant 8 : i32
      %rem3A_2880 = arith.remsi %select_n3A_2044, %rem3A_2879 : i32
      %add3A_2881 = arith.constant 13 : i32
      %add3A_2882 = arith.addi %mul3A_1497, %add3A_2881 : i32
      %get3A_2883 = arith.constant 13 : i32
      %get3A_2884 = arith.index_cast %rem3A_1254 : i32 to index
      %get3A_2885 = arith.index_cast %get3A_2883 : i32 to index
      %get3A_2886 = arith.index_cast %rem3A_2880 : i32 to index
      %get3A_2887 = arith.constant 0 : index
      %get3A_2888 = tpu.vector_load %arg7[%get3A_2884, %get3A_2885, %get3A_2886, %get3A_2887] {strides = array<i32>} : memref<2x16x8x64xf32, #tpu.memory_space<vmem>>, vector<16xf32>,
      %swap3A_2889 = arith.index_cast %add3A_2882 : i32 to index
      %swap3A_2890 = arith.constant 0 : index
      %swap3A_2891 = tpu.vector_load %arg9[%swap3A_2889, %swap3A_2890] {strides = array<i32>} : memref<128x128xf32, #tpu.memory_space<vmem>>, vector<16xf32>,
      tpu.vector_store %arg9[%swap3A_2889, %swap3A_2890], %get3A_2888 {strides = array<i32>} : memref<128x128xf32, #tpu.memory_space<vmem>>, vector<16xf32>,
      %get3A_2892 = arith.constant 13 : i32
      %get3A_2893 = arith.index_cast %rem3A_1254 : i32 to index
      %get3A_2894 = arith.index_cast %get3A_2892 : i32 to index
      %get3A_2895 = arith.index_cast %rem3A_2880 : i32 to index
      %get3A_2896 = arith.constant 16 : index
      %get3A_2897 = tpu.vector_load %arg7[%get3A_2893, %get3A_2894, %get3A_2895, %get3A_2896] {strides = array<i32>} : memref<2x16x8x64xf32, #tpu.memory_space<vmem>>, vector<16xf32>,
      %swap3A_2898 = arith.index_cast %add3A_2882 : i32 to index
      %swap3A_2899 = arith.constant 16 : index
      %swap3A_2900 = tpu.vector_load %arg9[%swap3A_2898, %swap3A_2899] {strides = array<i32>} : memref<128x128xf32, #tpu.memory_space<vmem>>, vector<16xf32>,
      tpu.vector_store %arg9[%swap3A_2898, %swap3A_2899], %get3A_2897 {strides = array<i32>} : memref<128x128xf32, #tpu.memory_space<vmem>>, vector<16xf32>,
      %get3A_2901 = arith.constant 13 : i32
      %get3A_2902 = arith.index_cast %rem3A_1254 : i32 to index
      %get3A_2903 = arith.index_cast %get3A_2901 : i32 to index
      %get3A_2904 = arith.index_cast %rem3A_2880 : i32 to index
      %get3A_2905 = arith.constant 32 : index
      %get3A_2906 = tpu.vector_load %arg7[%get3A_2902, %get3A_2903, %get3A_2904, %get3A_2905] {strides = array<i32>} : memref<2x16x8x64xf32, #tpu.memory_space<vmem>>, vector<16xf32>,
      %swap3A_2907 = arith.index_cast %add3A_2882 : i32 to index
      %swap3A_2908 = arith.constant 32 : index
      %swap3A_2909 = tpu.vector_load %arg9[%swap3A_2907, %swap3A_2908] {strides = array<i32>} : memref<128x128xf32, #tpu.memory_space<vmem>>, vector<16xf32>,
      tpu.vector_store %arg9[%swap3A_2907, %swap3A_2908], %get3A_2906 {strides = array<i32>} : memref<128x128xf32, #tpu.memory_space<vmem>>, vector<16xf32>,
      %get3A_2910 = arith.constant 13 : i32
      %get3A_2911 = arith.index_cast %rem3A_1254 : i32 to index
      %get3A_2912 = arith.index_cast %get3A_2910 : i32 to index
      %get3A_2913 = arith.index_cast %rem3A_2880 : i32 to index
      %get3A_2914 = arith.constant 48 : index
      %get3A_2915 = tpu.vector_load %arg7[%get3A_2911, %get3A_2912, %get3A_2913, %get3A_2914] {strides = array<i32>} : memref<2x16x8x64xf32, #tpu.memory_space<vmem>>, vector<16xf32>,
      %swap3A_2916 = arith.index_cast %add3A_2882 : i32 to index
      %swap3A_2917 = arith.constant 48 : index
      %swap3A_2918 = tpu.vector_load %arg9[%swap3A_2916, %swap3A_2917] {strides = array<i32>} : memref<128x128xf32, #tpu.memory_space<vmem>>, vector<16xf32>,
      tpu.vector_store %arg9[%swap3A_2916, %swap3A_2917], %get3A_2915 {strides = array<i32>} : memref<128x128xf32, #tpu.memory_space<vmem>>, vector<16xf32>,
      %mul3A_2919 = arith.constant 32 : i32
      %mul3A_2920 = arith.muli %sub3A_2047, %mul3A_2919 : i32
      %add3A_2921 = arith.constant 0 : i32
      %add3A_2922 = arith.addi %mul3A_2920, %add3A_2921 : i32
      %get3A_2923 = arith.index_cast %add3A_2922 : i32 to index
      %get3A_2924 = tpu.vector_load %arg8[%get3A_2923] {strides = array<i32>} : memref<32064xf32, #tpu.memory_space<vmem>>, vector<16xf32>,
      %swap3A_2925 = arith.index_cast %add3A_2882 : i32 to index
      %swap3A_2926 = arith.constant 64 : index
      %swap3A_2927 = tpu.vector_load %arg9[%swap3A_2925, %swap3A_2926] {strides = array<i32>} : memref<128x128xf32, #tpu.memory_space<vmem>>, vector<16xf32>,
      tpu.vector_store %arg9[%swap3A_2925, %swap3A_2926], %get3A_2924 {strides = array<i32>} : memref<128x128xf32, #tpu.memory_space<vmem>>, vector<16xf32>,
      %mul3A_2928 = arith.constant 32 : i32
      %mul3A_2929 = arith.muli %sub3A_2047, %mul3A_2928 : i32
      %add3A_2930 = arith.constant 16 : i32
      %add3A_2931 = arith.addi %mul3A_2929, %add3A_2930 : i32
      %get3A_2932 = arith.index_cast %add3A_2931 : i32 to index
      %get3A_2933 = tpu.vector_load %arg8[%get3A_2932] {strides = array<i32>} : memref<32064xf32, #tpu.memory_space<vmem>>, vector<16xf32>,
      %swap3A_2934 = arith.index_cast %add3A_2882 : i32 to index
      %swap3A_2935 = arith.constant 80 : index
      %swap3A_2936 = tpu.vector_load %arg9[%swap3A_2934, %swap3A_2935] {strides = array<i32>} : memref<128x128xf32, #tpu.memory_space<vmem>>, vector<16xf32>,
      tpu.vector_store %arg9[%swap3A_2934, %swap3A_2935], %get3A_2933 {strides = array<i32>} : memref<128x128xf32, #tpu.memory_space<vmem>>, vector<16xf32>,
      %rem3A_2937 = arith.constant 8 : i32
      %rem3A_2938 = arith.remsi %select_n3A_2083, %rem3A_2937 : i32
      %add3A_2939 = arith.constant 14 : i32
      %add3A_2940 = arith.addi %mul3A_1497, %add3A_2939 : i32
      %get3A_2941 = arith.constant 14 : i32
      %get3A_2942 = arith.index_cast %rem3A_1254 : i32 to index
      %get3A_2943 = arith.index_cast %get3A_2941 : i32 to index
      %get3A_2944 = arith.index_cast %rem3A_2938 : i32 to index
      %get3A_2945 = arith.constant 0 : index
      %get3A_2946 = tpu.vector_load %arg7[%get3A_2942, %get3A_2943, %get3A_2944, %get3A_2945] {strides = array<i32>} : memref<2x16x8x64xf32, #tpu.memory_space<vmem>>, vector<16xf32>,
      %swap3A_2947 = arith.index_cast %add3A_2940 : i32 to index
      %swap3A_2948 = arith.constant 0 : index
      %swap3A_2949 = tpu.vector_load %arg9[%swap3A_2947, %swap3A_2948] {strides = array<i32>} : memref<128x128xf32, #tpu.memory_space<vmem>>, vector<16xf32>,
      tpu.vector_store %arg9[%swap3A_2947, %swap3A_2948], %get3A_2946 {strides = array<i32>} : memref<128x128xf32, #tpu.memory_space<vmem>>, vector<16xf32>,
      %get3A_2950 = arith.constant 14 : i32
      %get3A_2951 = arith.index_cast %rem3A_1254 : i32 to index
      %get3A_2952 = arith.index_cast %get3A_2950 : i32 to index
      %get3A_2953 = arith.index_cast %rem3A_2938 : i32 to index
      %get3A_2954 = arith.constant 16 : index
      %get3A_2955 = tpu.vector_load %arg7[%get3A_2951, %get3A_2952, %get3A_2953, %get3A_2954] {strides = array<i32>} : memref<2x16x8x64xf32, #tpu.memory_space<vmem>>, vector<16xf32>,
      %swap3A_2956 = arith.index_cast %add3A_2940 : i32 to index
      %swap3A_2957 = arith.constant 16 : index
      %swap3A_2958 = tpu.vector_load %arg9[%swap3A_2956, %swap3A_2957] {strides = array<i32>} : memref<128x128xf32, #tpu.memory_space<vmem>>, vector<16xf32>,
      tpu.vector_store %arg9[%swap3A_2956, %swap3A_2957], %get3A_2955 {strides = array<i32>} : memref<128x128xf32, #tpu.memory_space<vmem>>, vector<16xf32>,
      %get3A_2959 = arith.constant 14 : i32
      %get3A_2960 = arith.index_cast %rem3A_1254 : i32 to index
      %get3A_2961 = arith.index_cast %get3A_2959 : i32 to index
      %get3A_2962 = arith.index_cast %rem3A_2938 : i32 to index
      %get3A_2963 = arith.constant 32 : index
      %get3A_2964 = tpu.vector_load %arg7[%get3A_2960, %get3A_2961, %get3A_2962, %get3A_2963] {strides = array<i32>} : memref<2x16x8x64xf32, #tpu.memory_space<vmem>>, vector<16xf32>,
      %swap3A_2965 = arith.index_cast %add3A_2940 : i32 to index
      %swap3A_2966 = arith.constant 32 : index
      %swap3A_2967 = tpu.vector_load %arg9[%swap3A_2965, %swap3A_2966] {strides = array<i32>} : memref<128x128xf32, #tpu.memory_space<vmem>>, vector<16xf32>,
      tpu.vector_store %arg9[%swap3A_2965, %swap3A_2966], %get3A_2964 {strides = array<i32>} : memref<128x128xf32, #tpu.memory_space<vmem>>, vector<16xf32>,
      %get3A_2968 = arith.constant 14 : i32
      %get3A_2969 = arith.index_cast %rem3A_1254 : i32 to index
      %get3A_2970 = arith.index_cast %get3A_2968 : i32 to index
      %get3A_2971 = arith.index_cast %rem3A_2938 : i32 to index
      %get3A_2972 = arith.constant 48 : index
      %get3A_2973 = tpu.vector_load %arg7[%get3A_2969, %get3A_2970, %get3A_2971, %get3A_2972] {strides = array<i32>} : memref<2x16x8x64xf32, #tpu.memory_space<vmem>>, vector<16xf32>,
      %swap3A_2974 = arith.index_cast %add3A_2940 : i32 to index
      %swap3A_2975 = arith.constant 48 : index
      %swap3A_2976 = tpu.vector_load %arg9[%swap3A_2974, %swap3A_2975] {strides = array<i32>} : memref<128x128xf32, #tpu.memory_space<vmem>>, vector<16xf32>,
      tpu.vector_store %arg9[%swap3A_2974, %swap3A_2975], %get3A_2973 {strides = array<i32>} : memref<128x128xf32, #tpu.memory_space<vmem>>, vector<16xf32>,
      %mul3A_2977 = arith.constant 32 : i32
      %mul3A_2978 = arith.muli %sub3A_2086, %mul3A_2977 : i32
      %add3A_2979 = arith.constant 0 : i32
      %add3A_2980 = arith.addi %mul3A_2978, %add3A_2979 : i32
      %get3A_2981 = arith.index_cast %add3A_2980 : i32 to index
      %get3A_2982 = tpu.vector_load %arg8[%get3A_2981] {strides = array<i32>} : memref<32064xf32, #tpu.memory_space<vmem>>, vector<16xf32>,
      %swap3A_2983 = arith.index_cast %add3A_2940 : i32 to index
      %swap3A_2984 = arith.constant 64 : index
      %swap3A_2985 = tpu.vector_load %arg9[%swap3A_2983, %swap3A_2984] {strides = array<i32>} : memref<128x128xf32, #tpu.memory_space<vmem>>, vector<16xf32>,
      tpu.vector_store %arg9[%swap3A_2983, %swap3A_2984], %get3A_2982 {strides = array<i32>} : memref<128x128xf32, #tpu.memory_space<vmem>>, vector<16xf32>,
      %mul3A_2986 = arith.constant 32 : i32
      %mul3A_2987 = arith.muli %sub3A_2086, %mul3A_2986 : i32
      %add3A_2988 = arith.constant 16 : i32
      %add3A_2989 = arith.addi %mul3A_2987, %add3A_2988 : i32
      %get3A_2990 = arith.index_cast %add3A_2989 : i32 to index
      %get3A_2991 = tpu.vector_load %arg8[%get3A_2990] {strides = array<i32>} : memref<32064xf32, #tpu.memory_space<vmem>>, vector<16xf32>,
      %swap3A_2992 = arith.index_cast %add3A_2940 : i32 to index
      %swap3A_2993 = arith.constant 80 : index
      %swap3A_2994 = tpu.vector_load %arg9[%swap3A_2992, %swap3A_2993] {strides = array<i32>} : memref<128x128xf32, #tpu.memory_space<vmem>>, vector<16xf32>,
      tpu.vector_store %arg9[%swap3A_2992, %swap3A_2993], %get3A_2991 {strides = array<i32>} : memref<128x128xf32, #tpu.memory_space<vmem>>, vector<16xf32>,
      %rem3A_2995 = arith.constant 8 : i32
      %rem3A_2996 = arith.remsi %select_n3A_2122, %rem3A_2995 : i32
      %add3A_2997 = arith.constant 15 : i32
      %add3A_2998 = arith.addi %mul3A_1497, %add3A_2997 : i32
      %get3A_2999 = arith.constant 15 : i32
      %get3A_3000 = arith.index_cast %rem3A_1254 : i32 to index
      %get3A_3001 = arith.index_cast %get3A_2999 : i32 to index
      %get3A_3002 = arith.index_cast %rem3A_2996 : i32 to index
      %get3A_3003 = arith.constant 0 : index
      %get3A_3004 = tpu.vector_load %arg7[%get3A_3000, %get3A_3001, %get3A_3002, %get3A_3003] {strides = array<i32>} : memref<2x16x8x64xf32, #tpu.memory_space<vmem>>, vector<16xf32>,
      %swap3A_3005 = arith.index_cast %add3A_2998 : i32 to index
      %swap3A_3006 = arith.constant 0 : index
      %swap3A_3007 = tpu.vector_load %arg9[%swap3A_3005, %swap3A_3006] {strides = array<i32>} : memref<128x128xf32, #tpu.memory_space<vmem>>, vector<16xf32>,
      tpu.vector_store %arg9[%swap3A_3005, %swap3A_3006], %get3A_3004 {strides = array<i32>} : memref<128x128xf32, #tpu.memory_space<vmem>>, vector<16xf32>,
      %get3A_3008 = arith.constant 15 : i32
      %get3A_3009 = arith.index_cast %rem3A_1254 : i32 to index
      %get3A_3010 = arith.index_cast %get3A_3008 : i32 to index
      %get3A_3011 = arith.index_cast %rem3A_2996 : i32 to index
      %get3A_3012 = arith.constant 16 : index
      %get3A_3013 = tpu.vector_load %arg7[%get3A_3009, %get3A_3010, %get3A_3011, %get3A_3012] {strides = array<i32>} : memref<2x16x8x64xf32, #tpu.memory_space<vmem>>, vector<16xf32>,
      %swap3A_3014 = arith.index_cast %add3A_2998 : i32 to index
      %swap3A_3015 = arith.constant 16 : index
      %swap3A_3016 = tpu.vector_load %arg9[%swap3A_3014, %swap3A_3015] {strides = array<i32>} : memref<128x128xf32, #tpu.memory_space<vmem>>, vector<16xf32>,
      tpu.vector_store %arg9[%swap3A_3014, %swap3A_3015], %get3A_3013 {strides = array<i32>} : memref<128x128xf32, #tpu.memory_space<vmem>>, vector<16xf32>,
      %get3A_3017 = arith.constant 15 : i32
      %get3A_3018 = arith.index_cast %rem3A_1254 : i32 to index
      %get3A_3019 = arith.index_cast %get3A_3017 : i32 to index
      %get3A_3020 = arith.index_cast %rem3A_2996 : i32 to index
      %get3A_3021 = arith.constant 32 : index
      %get3A_3022 = tpu.vector_load %arg7[%get3A_3018, %get3A_3019, %get3A_3020, %get3A_3021] {strides = array<i32>} : memref<2x16x8x64xf32, #tpu.memory_space<vmem>>, vector<16xf32>,
      %swap3A_3023 = arith.index_cast %add3A_2998 : i32 to index
      %swap3A_3024 = arith.constant 32 : index
      %swap3A_3025 = tpu.vector_load %arg9[%swap3A_3023, %swap3A_3024] {strides = array<i32>} : memref<128x128xf32, #tpu.memory_space<vmem>>, vector<16xf32>,
      tpu.vector_store %arg9[%swap3A_3023, %swap3A_3024], %get3A_3022 {strides = array<i32>} : memref<128x128xf32, #tpu.memory_space<vmem>>, vector<16xf32>,
      %get3A_3026 = arith.constant 15 : i32
      %get3A_3027 = arith.index_cast %rem3A_1254 : i32 to index
      %get3A_3028 = arith.index_cast %get3A_3026 : i32 to index
      %get3A_3029 = arith.index_cast %rem3A_2996 : i32 to index
      %get3A_3030 = arith.constant 48 : index
      %get3A_3031 = tpu.vector_load %arg7[%get3A_3027, %get3A_3028, %get3A_3029, %get3A_3030] {strides = array<i32>} : memref<2x16x8x64xf32, #tpu.memory_space<vmem>>, vector<16xf32>,
      %swap3A_3032 = arith.index_cast %add3A_2998 : i32 to index
      %swap3A_3033 = arith.constant 48 : index
      %swap3A_3034 = tpu.vector_load %arg9[%swap3A_3032, %swap3A_3033] {strides = array<i32>} : memref<128x128xf32, #tpu.memory_space<vmem>>, vector<16xf32>,
      tpu.vector_store %arg9[%swap3A_3032, %swap3A_3033], %get3A_3031 {strides = array<i32>} : memref<128x128xf32, #tpu.memory_space<vmem>>, vector<16xf32>,
      %mul3A_3035 = arith.constant 32 : i32
      %mul3A_3036 = arith.muli %sub3A_2125, %mul3A_3035 : i32
      %add3A_3037 = arith.constant 0 : i32
      %add3A_3038 = arith.addi %mul3A_3036, %add3A_3037 : i32
      %get3A_3039 = arith.index_cast %add3A_3038 : i32 to index
      %get3A_3040 = tpu.vector_load %arg8[%get3A_3039] {strides = array<i32>} : memref<32064xf32, #tpu.memory_space<vmem>>, vector<16xf32>,
      %swap3A_3041 = arith.index_cast %add3A_2998 : i32 to index
      %swap3A_3042 = arith.constant 64 : index
      %swap3A_3043 = tpu.vector_load %arg9[%swap3A_3041, %swap3A_3042] {strides = array<i32>} : memref<128x128xf32, #tpu.memory_space<vmem>>, vector<16xf32>,
      tpu.vector_store %arg9[%swap3A_3041, %swap3A_3042], %get3A_3040 {strides = array<i32>} : memref<128x128xf32, #tpu.memory_space<vmem>>, vector<16xf32>,
      %mul3A_3044 = arith.constant 32 : i32
      %mul3A_3045 = arith.muli %sub3A_2125, %mul3A_3044 : i32
      %add3A_3046 = arith.constant 16 : i32
      %add3A_3047 = arith.addi %mul3A_3045, %add3A_3046 : i32
      %get3A_3048 = arith.index_cast %add3A_3047 : i32 to index
      %get3A_3049 = tpu.vector_load %arg8[%get3A_3048] {strides = array<i32>} : memref<32064xf32, #tpu.memory_space<vmem>>, vector<16xf32>,
      %swap3A_3050 = arith.index_cast %add3A_2998 : i32 to index
      %swap3A_3051 = arith.constant 80 : index
      %swap3A_3052 = tpu.vector_load %arg9[%swap3A_3050, %swap3A_3051] {strides = array<i32>} : memref<128x128xf32, #tpu.memory_space<vmem>>, vector<16xf32>,
      tpu.vector_store %arg9[%swap3A_3050, %swap3A_3051], %get3A_3049 {strides = array<i32>} : memref<128x128xf32, #tpu.memory_space<vmem>>, vector<16xf32>,
      %rem3A_3053 = arith.constant 8 : i32
      %rem3A_3054 = arith.remsi %scan3A_1250, %rem3A_3053 : i32
      %eq3A_3055 = arith.constant 7 : i32
      %eq3A_3056 = arith.cmpi eq, %rem3A_3054, %eq3A_3055 : i32
      %convert_element_type3A_3057 = arith.extui %eq3A_3056 : i1 to i32
      %cond3A_3058 = arith.constant 0 : i32
      %cond3A_3059 = arith.cmpi ne, %convert_element_type3A_3057, %cond3A_3058 : i32
      scf.if %cond3A_3059 {
        %jit3A_3060 = arith.constant 8 : i32
        %div3A_3061 = arith.divsi %scan3A_1250, %jit3A_3060 : i32
        %sign3A_3062 = arith.constant 0 : i32
        %sign3A_3063 = arith.cmpi sgt, %scan3A_1250, %sign3A_3062 : i32
        %sign3A_3064 = arith.extui %sign3A_3063 : i1 to i32
        %sign3A_3065 = arith.constant 0 : i32
        %sign3A_3066 = arith.cmpi slt, %scan3A_1250, %sign3A_3065 : i32
        %sign3A_3067 = arith.extui %sign3A_3066 : i1 to i32
        %sign3A_3068 = arith.subi %sign3A_3064, %sign3A_3067 : i32
        %sign3A_3069 = arith.constant 0 : i32
        %sign3A_3070 = arith.cmpi sgt, %jit3A_3060, %sign3A_3069 : i32
        %sign3A_3071 = arith.extui %sign3A_3070 : i1 to i32
        %sign3A_3072 = arith.constant 0 : i32
        %sign3A_3073 = arith.cmpi slt, %jit3A_3060, %sign3A_3072 : i32
        %sign3A_3074 = arith.extui %sign3A_3073 : i1 to i32
        %sign3A_3075 = arith.subi %sign3A_3071, %sign3A_3074 : i32
        %ne3A_3076 = arith.cmpi ne, %sign3A_3068, %sign3A_3075 : i32
        %rem3A_3077 = arith.remsi %scan3A_1250, %jit3A_3060 : i32
        %ne3A_3078 = arith.constant 0 : i32
        %ne3A_3079 = arith.cmpi ne, %rem3A_3077, %ne3A_3078 : i32
        %and3A_3080 = arith.andi %ne3A_3076, %ne3A_3079 : i1
        %sub3A_3081 = arith.constant 1 : i32
        %sub3A_3082 = arith.subi %div3A_3061, %sub3A_3081 : i32
        %select_n3A_3083 = arith.select %and3A_3080, %sub3A_3082, %div3A_3061 : i32
        %mul3A_3084 = arith.constant 128 : i32
        %mul3A_3085 = arith.muli %select_n3A_3083, %mul3A_3084 : i32
        %add3A_3086 = arith.addi %mul3A_2, %mul3A_3085 : i32
        "tpu.region"() ({
          %run_scoped3A = tpu.sem_alloc : memref<!tpu.dma_semaphore, #tpu.memory_space<semaphore_mem>>
          %dma_start3A_3087 = arith.constant 0 : i32
          %dma_start3A_3088 = tpu.memref_slice %arg5[%add3A_3086, %dma_start3A_3087] : memref<16384x128xf32, #tpu.memory_space<hbm>> -> memref<128x128xf32, #tpu.memory_space<hbm>>
          %dma_start3A_3089 = arith.constant 0 : i32
          %dma_start3A_3090 = tpu.memref_slice %arg5[%add3A_3086, %dma_start3A_3089] : memref<16384x128xf32, #tpu.memory_space<hbm>> -> memref<128x128xf32, #tpu.memory_space<hbm>>
          tpu.enqueue_dma source(%arg9 : memref<128x128xf32, #tpu.memory_space<vmem>>) target(%dma_start3A_3090 : memref<128x128xf32, #tpu.memory_space<hbm>>) target_semaphore(%run_scoped3A : memref<!tpu.dma_semaphore, #tpu.memory_space<semaphore_mem>>)
          %dma_wait3A_3091 = arith.constant 0 : i32
          %dma_wait3A_3092 = tpu.memref_slice %arg5[%add3A_3086, %dma_wait3A_3091] : memref<16384x128xf32, #tpu.memory_space<hbm>> -> memref<128x128xf32, #tpu.memory_space<hbm>>
          %dma_wait3A_3093 = arith.constant 0 : i32
          %dma_wait3A_3094 = tpu.memref_slice %arg5[%add3A_3086, %dma_wait3A_3093] : memref<16384x128xf32, #tpu.memory_space<hbm>> -> memref<128x128xf32, #tpu.memory_space<hbm>>
          tpu.wait_dma2 semaphore(%run_scoped3A : memref<!tpu.dma_semaphore, #tpu.memory_space<semaphore_mem>>) src(%arg9 : memref<128x128xf32, #tpu.memory_space<vmem>>) dst(%dma_wait3A_3094 : memref<128x128xf32, #tpu.memory_space<hbm>>)
          tpu.yield
        }) : () -> ()
      } else {
      }
    }
    %scan3A_1249 = arith.constant 32 : i32
    return
  }
}

</mosaic_0001>

<sc_bundles>
// kernel: kernel.3.cloned.1.call-start
scs
__scs_entry_jumppad:
0x0: {  	(pc) =	sbr.rel $0x88, $3  }
0x1: {  	(tag) =	ssettag $0x0;
	lr =	simm.s32 $0x1  }
0x2: {  	[smem:$0x3F9D] =	sst lr;
	_ =	strace $0xD0000000  }
0x3: {  	_ = 	snop  }
0x4: {  	_ = 	snop  }
0x5: {  	_ = 	snop  }
0x6: {  	_ = 	snop  }
0x7: {  	_ = 	snop  }
__scs_overlays_trampoline_lowered:
0x8: {  	[smem:$0x3FAC] =	sst s0  }
0x9: {  	[smem:$0x3FAD] =	sst s1  }
0xa: {  	[smem:$0x3FAE] =	sst s2  }
0xb: {  	[smem:$0x3FAF] =	sst s3  }
0xc: {  	[smem:$0x3FB0] =	sst s4  }
0xd: {  	[smem:$0x3FB1] =	sst s5  }
0xe: {  	[smem:$0x3FB2] =	sst s6  }
0xf: {  	[smem:$0x3FB3] =	sst s7  }
0x10: {  	[smem:$0x3FB4] =	sst s8  }
0x11: {  	[smem:$0x3FB5] =	sst s9;
	s0 =	simm.s32 @!p0 $0x0  }
0x12: {  	s1 =	sld [smem:$0x3F9B];
	s0 =	simm.s32 @p0 $0x1  }
0x13: {  	[smem:$0x3FB6] =	sst s0;
	s0 =	simm.s32 @!p1 $0x0  }
0x14: {  	s2 =	sld [smem:$0x3F9A];
	s0 =	simm.s32 @p1 $0x1  }
0x15: {  	[smem:$0x3FB7] =	sst s0;
	s0 =	simm.s32 @!p2 $0x0  }
0x16: {  	s3 =	sld [smem:$0x3FDB];
	s0 =	simm.s32 @p2 $0x1  }
0x17: {  	s4 =	simm.s32 $0x1BF5;
	[smem:$0x3FB9] =	sst s0  }
0x18: {  	s0 =	sld [smem:$0x3F9C];
	_ =	swait.ge [sflag:s4], $0x0  }
0x19: {  	s7 =	sld [smem:$0x3F9D]  }
0x1a: {  	s8 =	sadd.s32 $0xFFFFE003, lr  }
0x1b: {  	s9 =	sadd.s32 $0xFFFFFEF7, lr;
	s5 =	simm.s32 $0xFFFFFFFF;
	p2 =	slt.u32 s8, $0xFFFFF086  }
0x1c: {  	p1 =	slt.u32 s9, $0xF7A;
	s5 =	simm.s32 @!p2 $0x0  }
0x1d: {  	s5 =	simm.s32 @p1 $0x1;
	p0 =	seq.s32 s7, s2  }
0x1e: {  	s7 =	smul.u32 @!p0 $0xF7A, s2;
	p2 =	seq.s32 @!p0 s5, $0x0  }
0x1f: {  	s9 =	smul.u32 $0xF7A, s1;
	s8 =	simm.s32 @!p0 $0x1BF5;
	p2 =	por !p2, p0  }
0x20: {  	[sflag:s8] =	ssyncset.s32 @!p0 $0xFFFFF086;
	s6 =	sadd.s32 @!p0 s3, s7;
	s7 =	simm.s32 @!p0 $0x108  }
0x21: {  	s3 =	sadd.s32 s3, s9;
	s6 =	sadd.s32 @!p0 $0x88, s6;
	s7 =	simm.s32 @p2 $0x1082  }
0x22: {  	[simem:s7], [sflag:s8] =	dma.local @!p0 [hbm:s6], $0xF7A  }
0x23: {  	s9 =	sor.u32 $0xD0000000, s2;
	s6 =	simm.s32 $0x108;
	_ =	swait.ge @!p0 [sflag:s8], $0x0  }
0x24: {  	s3 =	sadd.s32 $0x88, s3;
	s6 =	simm.s32 @!p1 $0x1082;
	[sflag:s4] =	ssyncset.s32 $0xFFFFF086  }
0x25: {  	[simem:s6], [sflag:s4] =	dma.local [hbm:s3], $0xF7A  }
0x26: {  	[smem:$0x3F9D] =	sst s1;
	(tag) =	ssettag s2;
	_ =	strace s9  }
0x27: {  	s1 =	sld [smem:$0x3FAD]  }
0x28: {  	s2 =	sld [smem:$0x3FAE]  }
0x29: {  	s4 =	sld [smem:$0x3FB0]  }
0x2a: {  	p0 =	seq.s32 s5, $0x0;
	s5 =	sld [smem:$0x3FB1]  }
0x2b: {  	s6 =	sld [smem:$0x3FB2]  }
0x2c: {  	s7 =	sld [smem:$0x3FB3]  }
0x2d: {  	s3 =	simm.s32 $0x108;
	s8 =	sld [smem:$0x3FB4]  }
0x2e: {  	s3 =	simm.s32 @!p0 $0x1082;
	s9 =	sld [smem:$0x3FB5]  }
0x2f: {  	lr =	sadd.s32 s0, s3;
	s0 =	sld [smem:$0x3FAC]  }
0x30: {  	s3 =	sld [smem:$0x3FAF]  }
0x31: {  	[smem:$0x3FB8] =	sst s10  }
0x32: {  	s10 =	sld [smem:$0x3FB6];
	_ =	sdelay $0x3  }
0x33: {  	p0 =	seq.s32 s10, $0x1;
	s10 =	sld [smem:$0x3FB8];
	_ =	sdelay $0x3  }
0x34: {  	[smem:$0x3FB8] =	sst s10  }
0x35: {  	s10 =	sld [smem:$0x3FB7];
	_ =	sdelay $0x3  }
0x36: {  	p1 =	seq.s32 s10, $0x1;
	s10 =	sld [smem:$0x3FB8];
	_ =	sdelay $0x3  }
0x37: {  	[smem:$0x3FB8] =	sst s10  }
0x38: {  	s10 =	sld [smem:$0x3FB9]  }
0x39: {  	_ = 	snop;
	(pc) =	sbr.ind lr, $3  }
0x3a: {  	_ = 	snop  }
0x3b: {  	_ = 	snop  }
0x3c: {  	p2 =	seq.s32 s10, $0x1;
	s10 =	sld [smem:$0x3FB8]  }
0x3d: {  	_ =	shalt  }
0x3e: {  	_ =	shalt  }
0x3f: {  	_ =	shalt  }
0x40: {  	_ =	shalt  }
0x41: {  	_ =	shalt  }
0x42: {  	_ =	shalt  }
0x43: {  	_ =	shalt  }
0x44: {  	_ =	shalt  }
0x45: {  	_ =	shalt  }
0x46: {  	_ =	shalt  }
0x47: {  	_ =	shalt  }
0x48: {  	_ =	shalt  }
0x49: {  	_ =	shalt  }
0x4a: {  	_ =	shalt  }
0x4b: {  	_ =	shalt  }
0x4c: {  	_ =	shalt  }
0x4d: {  	_ =	shalt  }
0x4e: {  	_ =	shalt  }
0x4f: {  	_ =	shalt  }
0x50: {  	_ =	shalt  }
0x51: {  	_ =	shalt  }
0x52: {  	_ =	shalt  }
0x53: {  	_ =	shalt  }
0x54: {  	_ =	shalt  }
0x55: {  	_ =	shalt  }
0x56: {  	_ =	shalt  }
0x57: {  	_ =	shalt  }
0x58: {  	_ =	shalt  }
0x59: {  	_ =	shalt  }
0x5a: {  	_ =	shalt  }
0x5b: {  	_ =	shalt  }
0x5c: {  	_ =	shalt  }
0x5d: {  	_ =	shalt  }
0x5e: {  	_ =	shalt  }
0x5f: {  	_ =	shalt  }
0x60: {  	_ =	shalt  }
0x61: {  	_ =	shalt  }
0x62: {  	_ =	shalt  }
0x63: {  	_ =	shalt  }
0x64: {  	_ =	shalt  }
0x65: {  	_ =	shalt  }
0x66: {  	_ =	shalt  }
0x67: {  	_ =	shalt  }
0x68: {  	_ =	shalt  }
0x69: {  	_ =	shalt  }
0x6a: {  	_ =	shalt  }
0x6b: {  	_ =	shalt  }
0x6c: {  	_ =	shalt  }
0x6d: {  	_ =	shalt  }
0x6e: {  	_ =	shalt  }
0x6f: {  	_ =	shalt  }
0x70: {  	_ =	shalt  }
0x71: {  	_ =	shalt  }
0x72: {  	_ =	shalt  }
0x73: {  	_ =	shalt  }
0x74: {  	_ =	shalt  }
0x75: {  	_ =	shalt  }
0x76: {  	_ =	shalt  }
0x77: {  	_ =	shalt  }
0x78: {  	_ =	shalt  }
0x79: {  	_ =	shalt  }
0x7a: {  	_ =	shalt  }
0x7b: {  	_ =	shalt  }
0x7c: {  	_ =	shalt  }
0x7d: {  	_ =	shalt  }
0x7e: {  	_ =	shalt  }
0x7f: {  	_ =	shalt  }
0x80: {  	_ =	shalt  }
0x81: {  	_ =	shalt  }
0x82: {  	_ =	shalt  }
0x83: {  	_ =	shalt  }
0x84: {  	_ =	shalt  }
0x85: {  	_ =	shalt  }
0x86: {  	_ =	shalt  }
0x87: {  	_ =	shalt  }
.Lfunc_end0:
.L_simem_size_0:
called_computation_lowered:
.L_overlay_start_0:
0x88: {  	s2 =	sld [smem:$0x3FD9]  }
0x89: {  	s3 =	sld [smem:$0x3FFE];
	_ =	sdelay $0x1  }
0x8a: {  	s1 =	srdreg.scid  }
0x8b: {  	s0 =	sand.u32 $0x1, s1  }
0x8c: {  	s17 =	sshll.u32 s0, $0xA;
	s2 =	sadd.s32 s3, s2  }
0x8d: {  	s2 =	sadd.s32 s2, s17  }
0x8e: {  	[smem:$0x3FC4] =	sst s2  }
0x8f: {  	_ = 	snop  }
0x90: {  	s2 =	sld [smem:$0x3FD0];
	(tm) =	ssettm $0x1  }
0x91: {  	s18 =	sld [smem:$0x3FFB];
	_ =	sdelay $0x3  }
0x92: {  	_ =	strace s18  }
0x93: {  	s3 =	sld [smem:$0x3FFC];
	_ =	sdelay $0x3  }
0x94: {  	_ =	strace s3  }
0x95: {  	s3 =	sld [smem:$0x3FFD];
	_ =	sdelay $0x3  }
0x96: {  	_ =	strace s3  }
0x97: {  	_ =	strace $0x8FFFFFFF  }
0x98: {  	s19 =	sld [smem:$0x3FDB];
	_ =	sdelay $0x1  }
0x99: {  	s4 =	simm.s32 $_scs_section_size  }
0x9a: {  	s5 =	simm.s32 $_size__tile_overlayer_lowered;
	s6 =	simm.s32 $_tile_overlayer_lowered  }
0x9b: {  	s22 =	simm.s32 $0x1BFF;
	s21 =	sshll.u32 s6, $0x1;
	s3 =	sadd.s32 s4, s19  }
0x9c: {  	s7 =	simm.s32 $0x0;
	s20 =	sshll.u32 s5, $0x1;
	s5 =	sadd.s32 s21, s3  }
0x9d: {  	[timem:s7], [sflag:s22] =	dma.local [hbm:s5], s20  }
0x9e: {  	_ =	swait.ge [sflag:s22], s20  }
0x9f: {  	s4 =	ssub.s32 $0x0, s20;
	[sflag:s22] =	ssyncset.done $0x0  }
0xa0: {  	[sflag:s22] =	ssyncadd.s32 s4;
	_ =	sdelay $0x1  }
0xa1: {  	s23 =	simm.s32 $0x1B8B  }
0xa2: {  	_ =	swait.ge [sflag:s23], $0x1  }
0xa3: {  	[sflag:s23] =	ssyncset.done $0x0  }
0xa4: {  	s25 =	simm.s32 $0x1B8E;
	s24 =	sld [smem:$0x3FFE];
	[sflag:s23] =	ssyncadd.s32 $0xFFFFFFFF  }
0xa5: {  	s26 =	simm.s32 $execute0_lowered;
	[smem:$0x3FD2] =	sst s25  }
0xa6: {  	s5 =	sshll.u32 s26, $0x1;
	_ =	strace $0x80000046;
	[dreg:$0x1] =	wrdreg $0xFFFFFFFF  }
0xa7: {  	s28 =	simm.s32 $_size_execute0_lowered;
	s3 =	sadd.s32 s3, s5;
	[dreg:$0x0] =	wrdreg $0x0  }
0xa8: {  	s5 =	sshll.u32 s28, $0x1;
	[dreg:$0x2] =	wrdreg s3  }
0xa9: {  	[dreg:$0x3] =	wrdreg s5  }
0xaa: {  	[dreg:$0x4] =	wrdreg $0xC0  }
0xab: {  	_ =	task [dreg:s7], $0x5FFFF  }
0xac: {  	[dreg:$0x1] =	wrdreg $0xFFFFFFFF  }
0xad: {  	[dreg:$0x0] =	wrdreg $0x60  }
0xae: {  	[dreg:$0x2] =	wrdreg s24  }
0xaf: {  	[dreg:$0x3] =	wrdreg s2  }
0xb0: {  	[dreg:$0x4] =	wrdreg $0x9  }
0xb1: {  	_ =	task.clear_ibuf [dreg:s7], $0x5FFFF;
	_ =	strace $0x90000046  }
0xb2: {  	s29 =	simm.s32 $0x9;
	_ =	strace $0x80000048  }
0xb3: {  	_ =	swait.ge [sflag:s29], $0x1  }
0xb4: {  	[sflag:s29] =	ssyncadd.s32 $0xFFFFFFFF  }
0xb5: {  	_ =	strace $0x90000048  }
0xb6: {  	_ =	sfence  }
0xb7: {  	s30 =	sld [smem:$0x0];
	_ =	sdelay $0x2  }
0xb8: {  	s31 =	sshll.u32 s1, $0xD;
	s1 =	sshrl.u32 s1, $0x2  }
0xb9: {  	s3 =	sand.u32 $0x4000, s31;
	s1 =	sadd.s32 s1, s30  }
0xba: {  	s0 =	sor.u32 s3, s0;
	s1 =	sshll.u32 s1, $0x11  }
0xbb: {  	s0 =	sor.u32 s1, s0  }
0xbc: {  	s0 =	sadd.s32 $0x8F2B, s0  }
0xbd: {  	[sflag:s0] =	ssyncadd.remote.s32 $0x1  }
0xbe: {  	_ =	sfence.sel $0xFFFF  }
0xbf: {  	[dreg:$0x0] =	wrdreg $0xFFFFFFFF;
	(pc) =	sbr.abs _section_cstart, $3  }
0xc0: {  	[dreg:$0x1] =	wrdreg $0xFFFFFFFF  }
0xc1: {  	_ =	task.clear_ibuf [dreg:s7], $0x2FFFF;
	_ =	strace $0x9FFFFFFF  }
0xc2: {  	(tm) =	ssettm $0x7FFFFFFF  }
0xc3: {  	_ =	shalt  }
tec
execute0_lowered:
.L_overlay_start_1:
0x0: {  	(tag) =	ssettag $0x1  }
0x1: {  	s0 =	rddreg [dreg:$0x0];
	s1 =	srdreg.scid  }
0x2: {  	s2 =	stileid.u32;
	s3 =	simm.s32 $0x0;
	s8 =	simm.s32 $0x2  }
0x3: {  	s10 =	simm.s32 $0x1;
	s28 =	simm.s32 $0x0;
	s1 =	sand.u32 $0x1, s1  }
0x4: {  	vm0 =	vcmask $0x70C;
	s2 =	sshll.u32 s2, $0xA;
	[smem:$0x7FF] =	sst s3;
	s4 =	sshll.u32 s1, $0x9  }
.Ltmp0:
0x5: {  	vm1 =	vcmask $0xB10;
	vm2 =	vcmask $0xF14;
	vm3 =	vcmask $0x1318;
	s1 =	ssub.s32 $0x2, s1;
	s2 =	sor.u32 s4, s2;
	(pc) =	sbr.rel .LBB2_1-.Ltmp0, $4  }
0x6: {  	vm4 =	vcmask $0x171C;
	vm5 =	vcmask $0x1B20;
	vm6 =	vcmask $0x1F24;
	_ =	strace $0x80000047;
	s30 =	sshrl.u32 s1, $0x1;
	s4 =	sshrl.u32 s2, $0x3  }
0x7: {  	vm7 =	vcmask $0x2328;
	vm8 =	vcmask $0x272C;
	vm9 =	vcmask $0x2B30;
	s2 =	sshll.u32 s2, $0x4;
	s1 =	ssub.s32 s1, s30;
	s5 =	sadd.s32 s4, s0  }
0x8: {  	vm10 =	vcmask $0x2F34;
	vm11 =	vcmask $0x3338;
	vm12 =	vcmask $0x373C;
	s4 =	sadd.s32 $0x800, s0;
	s0 =	sadd.s32 s2, s0;
	s31 =	sadd.s32 $0xF42E00, s5  }
0x9: {  	vm13 =	vmmov $0x7fff;
	vm14 =	vmmov $0x1;
	vm15 =	vcmask $0x308;
	s7 =	smax.u32 s1, $0x1;
	s6 =	sadd.s32 $0xF43600, s0;
	[dreg:$0x3] =	wrdreg s31  }
.LBB2_5:
0xa: {  	s28 =	sadd.s32 $0x1, s28  }
0xb: {  	p0 =	sne.s32 s28, s7  }
.Ltmp1:
0xc: {  	_ = 	snop;
	(pc) =	sbr.rel @!p0 .LBB2_6-.Ltmp1, $1  }
0xd: {  	_ =	sdelay $0x3  }
.LBB2_1:
0xe: {  	s0 =	rddreg [dreg:$0x3]  }
0xf: {  	[tilespmem:s3], [sflag:$0x2] =	stream.linear.gather [hbm4b:s0+s3], $0x200, $0x38;
	[tilespmem:$0x13F80] =	vst v63  }
0x10: {  	_ =	swait.ge [sflag:s8], $0x200  }
0x11: {  	[sflag:s8] =	ssyncset.done $0x0  }
0x12: {  	[sflag:s8] =	ssyncadd.s32 $0xFFFFFE00  }
0x13: {  	s1 =	simm.s32 $0x8200;
	s23 =	rddreg [dreg:$0x1]  }
0x14: {  	[tilespmem:s1], [sflag:$0x2] =	stream.linear.gather [hbm4b:s23+s3], $0x7D80, $0x38;
	[tilespmem:$0x13F80] =	vst v63  }
0x15: {  	_ =	swait.ge [sflag:s8], $0x7D80  }
0x16: {  	[sflag:s8] =	ssyncset.done $0x0  }
0x17: {  	[sflag:s8] =	ssyncadd.s32 $0xFFFF8280  }
0x18: {  	v0 =	vld [tilespmem:$0x0];
	_ =	sdelay $0x4  }
0x19: {  	v1 =	vsel vm0, $0x0, v0  }
0x1a: {  	v2 =	vsel vm1, $0x0, v0;
	v1 =	vxor.u32 $0x80000000, v1  }
0x1b: {  	v24 =	vsel vm2, $0x0, v0;
	v23 =	vxor.u32 $0x80000000, v2;
	(xrf0) =	vmax.scan.msk.u32 $0xffff, v1  }
0x1c: {  	v26 =	vsel vm3, $0x0, v0;
	v25 =	vxor.u32 $0x80000000, v24;
	(xrf0) =	vmax.scan.msk.u32 $0xffff, v23  }
0x1d: {  	v28 =	vsel vm4, $0x0, v0;
	v27 =	vxor.u32 $0x80000000, v26;
	(xrf0) =	vmax.scan.msk.u32 $0xffff, v25  }
0x1e: {  	v30 =	vsel vm5, $0x0, v0;
	v29 =	vxor.u32 $0x80000000, v28;
	(xrf0) =	vmax.scan.msk.u32 $0xffff, v27  }
0x1f: {  	v32 =	vsel vm6, $0x0, v0;
	v31 =	vxor.u32 $0x80000000, v30;
	(xrf0) =	vmax.scan.msk.u32 $0xffff, v29  }
0x20: {  	v34 =	vsel vm7, $0x0, v0;
	v33 =	vxor.u32 $0x80000000, v32;
	(xrf0) =	vmax.scan.msk.u32 $0xffff, v31  }
0x21: {  	v36 =	vsel vm8, $0x0, v0;
	v35 =	vxor.u32 $0x80000000, v34;
	v3, _, _ =	vpop (xrf0);
	(xrf0) =	vmax.scan.msk.u32 $0xffff, v33  }
0x22: {  	v39 =	vsel vm9, $0x0, v0;
	v38 =	vxor.u32 $0x80000000, v36;
	(v2sf) =	vpush v3, $0xF;
	v37, _, _ =	vpop (xrf0);
	(xrf0) =	vmax.scan.msk.u32 $0xffff, v35  }
0x23: {  	v42 =	vsel vm10, $0x0, v0;
	v41 =	vxor.u32 $0x80000000, v39;
	(v2sf) =	vpush v37, $0xF;
	v40, _, _ =	vpop (xrf0);
	(xrf0) =	vmax.scan.msk.u32 $0xffff, v38  }
0x24: {  	v45 =	vsel vm11, $0x0, v0;
	v44 =	vxor.u32 $0x80000000, v42;
	(v2sf) =	vpush v40, $0xF;
	v43, _, _ =	vpop (xrf0);
	(xrf0) =	vmax.scan.msk.u32 $0xffff, v41  }
0x25: {  	v48 =	vsel vm12, $0x0, v0;
	v47 =	vxor.u32 $0x80000000, v45;
	(v2sf) =	vpush v43, $0xF;
	v46, _, _ =	vpop (xrf0);
	(xrf0) =	vmax.scan.msk.u32 $0xffff, v44  }
0x26: {  	v51 =	vsel vm13, $0x0, v0;
	v50 =	vxor.u32 $0x80000000, v48;
	(v2sf) =	vpush v46, $0xF;
	v49, _, _ =	vpop (xrf0);
	(xrf0) =	vmax.scan.msk.u32 $0xffff, v47  }
0x27: {  	v54 =	vnsel vm14, $0x0, v0;
	v53 =	vxor.u32 $0x80000000, v51;
	(v2sf) =	vpush v49, $0xF;
	v52, _, _ =	vpop (xrf0);
	(xrf0) =	vmax.scan.msk.u32 $0xffff, v50  }
0x28: {  	v56 =	vxor.u32 $0x80000000, v54;
	(v2sf) =	vpush v52, $0xF;
	v55, _, _ =	vpop (xrf0);
	(xrf0) =	vmax.scan.msk.u32 $0xffff, v53  }
0x29: {  	(v2sf) =	vpush v55, $0xF;
	v57, _, _ =	vpop (xrf0);
	(xrf0) =	vmax.scan.msk.u32 $0xffff, v56  }
0x2a: {  	v58, _, _ =	vpop (xrf0);
	(v2sf) =	vpush v57, $0xF  }
0x2b: {  	v59, _, _ =	vpop (xrf0);
	(v2sf) =	vpush v58, $0xF  }
0x2c: {  	v60, _, _ =	vpop (xrf0);
	(v2sf) =	vpush v59, $0xF  }
0x2d: {  	v61, _, _ =	vpop (xrf0);
	(v2sf) =	vpush v60, $0xF  }
0x2e: {  	v62, _, _ =	vpop (xrf0);
	(v2sf) =	vpush v61, $0xF  }
0x2f: {  	(v2sf) =	vpush v62, $0xF;
	v63, _, _ =	vpop (xrf0)  }
0x30: {  	(v2sf) =	vpush v63, $0xF  }
0x31: {  	s20 =	spop (v2sf)  }
0x32: {  	s19 =	spop (v2sf)  }
0x33: {  	s18 =	spop (v2sf)  }
0x34: {  	s17 =	spop (v2sf)  }
0x35: {  	s16 =	spop (v2sf)  }
0x36: {  	v0 =	vsel vm15, $0x0, v0;
	s15 =	spop (v2sf)  }
0x37: {  	v0 =	vxor.u32 $0x80000000, v0;
	s14 =	spop (v2sf)  }
0x38: {  	(xrf0) =	vmax.scan.msk.u32 $0xffff, v0;
	s13 =	spop (v2sf)  }
0x39: {  	s12 =	spop (v2sf)  }
0x3a: {  	s11 =	spop (v2sf)  }
0x3b: {  	s9 =	spop (v2sf)  }
0x3c: {  	s2 =	spop (v2sf)  }
0x3d: {  	s1 =	spop (v2sf)  }
0x3e: {  	v0, _, _ =	vpop (xrf0);
	s0 =	spop (v2sf)  }
0x3f: {  	(v2sf) =	vpush v0, $0xF;
	s21 =	spop (v2sf)  }
0x40: {  	s22 =	sxor.u32 $0x80000000, s21  }
0x41: {  	p0 =	sgt.s32 s21, $0xFFFFFFFF;
	s21 =	sand.u32 $0x3FF, s21;
	p1 =	slt.s32 s22, $0x1  }
0x42: {  	s29 =	sshra.s32 s22, $0x1F;
	p2 =	sne.s32 s21, $0x0;
	p0 =	por p0, p1  }
0x43: {  	s24 =	sshrl.u32 s29, $0x16;
	p0 =	por !p2, !p0  }
0x44: {  	s21 =	sadd.s32 s24, s22;
	s22 =	simm.s32 $0x1;
	p0 =	por !p0, !p0  }
0x45: {  	s21 =	sshra.s32 s21, $0xA;
	s22 =	simm.s32 @!p0 $0x0  }
0x46: {  	s21 =	ssub.s32 s21, s22  }
0x47: {  	s22 =	sand.u32 $0x7, s21  }
0x48: {  	p3 =	slt.s32 s21, $0x1;
	p4 =	sne.s32 s22, $0x0  }
0x49: {  	s25 =	sshrl.u32 s21, $0x1D;
	p0 =	por !p3, !p4  }
0x4a: {  	s21 =	sadd.s32 s25, s21;
	s22 =	simm.s32 $0x1;
	p0 =	por !p0, !p0  }
0x4b: {  	s21 =	sshrl.u32 s21, $0x3;
	s22 =	simm.s32 @!p0 $0x0  }
0x4c: {  	s21 =	ssub.s32 s21, s22  }
0x4d: {  	s21 =	sshll.u32 s21, $0x7  }
0x4e: {  	s5 =	simm.s32 $0x200;
	s26 =	spop (v2sf);
	s21 =	sand.u32 $0x1FFFFF80, s21  }
0x4f: {  	p5 =	sgt.s32 s26, $0xFFFFFFFF;
	s22 =	simm.s32 $0x1;
	s21 =	sadd.s32 s4, s21  }
0x50: {  	[tilespmem:s5], [sflag:$0x1] =	stream.linear.gather [hbm4b:s21+s3], $0x400, $0x38;
	[tilespmem:$0x13F80] =	vst v63  }
0x51: {  	s5 =	sxor.u32 $0x80000000, s26;
	s21 =	sand.u32 $0x3FF, s26;
	s26 =	simm.s32 $0x600  }
0x52: {  	p6 =	slt.s32 s5, $0x1;
	s29 =	sshra.s32 s5, $0x1F;
	p2 =	sne.s32 s21, $0x0  }
0x53: {  	p0 =	por p5, p6;
	s23 =	sshrl.u32 s29, $0x16;
	s29 =	sxor.u32 $0x80000000, s20  }
0x54: {  	p0 =	por !p2, !p0;
	s21 =	sadd.s32 s23, s5;
	s24 =	sshra.s32 s29, $0x1F  }
0x55: {  	p4 =	slt.s32 s29, $0x1;
	p2 =	sgt.s32 s20, $0xFFFFFFFF;
	p0 =	por !p0, !p0  }
0x56: {  	s20 =	sand.u32 $0x3FF, s20;
	s21 =	sshra.s32 s21, $0xA;
	s22 =	simm.s32 @!p0 $0x0  }
0x57: {  	s23 =	sxor.u32 $0x80000000, s19;
	s5 =	sxor.u32 $0x80000000, s17;
	s21 =	ssub.s32 s21, s22  }
0x58: {  	p1 =	por p2, p4;
	p6 =	sne.s32 s20, $0x0;
	s22 =	sand.u32 $0x7, s21  }
0x59: {  	p5 =	slt.s32 s21, $0x1;
	s25 =	sshrl.u32 s21, $0x1D;
	p3 =	sne.s32 s22, $0x0  }
0x5a: {  	s20 =	sadd.s32 s25, s21;
	s21 =	simm.s32 $0x1;
	s22 =	sshrl.u32 s24, $0x16  }
0x5b: {  	s24 =	sshra.s32 s23, $0x1F;
	p0 =	por !p5, !p3;
	s20 =	sshrl.u32 s20, $0x3  }
0x5c: {  	s22 =	sadd.s32 s22, s29;
	p3 =	por !p6, !p1;
	p0 =	por !p0, !p0  }
0x5d: {  	p5 =	slt.s32 s23, $0x1;
	p6 =	sgt.s32 s19, $0xFFFFFFFF;
	s21 =	simm.s32 @!p0 $0x0  }
0x5e: {  	p0 =	por !p3, !p3;
	s20 =	ssub.s32 s20, s21;
	s21 =	simm.s32 $0x1  }
0x5f: {  	s22 =	sshra.s32 s22, $0xA;
	s20 =	sshll.u32 s20, $0x7;
	s21 =	simm.s32 @!p0 $0x0  }
0x60: {  	s19 =	sand.u32 $0x3FF, s19;
	s20 =	sand.u32 $0x1FFFFF80, s20;
	s21 =	ssub.s32 s22, s21  }
0x61: {  	p1 =	por p6, p5;
	s20 =	sadd.s32 s4, s20;
	s22 =	sand.u32 $0x7, s21  }
0x62: {  	[tilespmem:s26], [sflag:$0x1] =	stream.linear.gather [hbm4b:s20+s3], $0x400, $0x38;
	[tilespmem:$0x13F80] =	vst v63  }
0x63: {  	p3 =	slt.s32 s21, $0x1;
	s25 =	sshrl.u32 s21, $0x1D;
	p4 =	sne.s32 s22, $0x0  }
0x64: {  	s20 =	sshrl.u32 s24, $0x16;
	s26 =	simm.s32 $0xA00;
	s22 =	sxor.u32 $0x80000000, s18  }
0x65: {  	p0 =	por !p3, !p4;
	p4 =	sne.s32 s19, $0x0;
	s19 =	sadd.s32 s25, s21  }
0x66: {  	s21 =	simm.s32 $0x1;
	s20 =	sadd.s32 s20, s23;
	s23 =	sshra.s32 s22, $0x1F  }
0x67: {  	p3 =	slt.s32 s22, $0x1;
	s25 =	simm.s32 $0xE00;
	p0 =	por !p0, !p0  }
0x68: {  	s19 =	sshrl.u32 s19, $0x3;
	p5 =	por !p4, !p1;
	s21 =	simm.s32 @!p0 $0x0  }
0x69: {  	s20 =	sshra.s32 s20, $0xA;
	p4 =	sgt.s32 s18, $0xFFFFFFFF;
	s19 =	ssub.s32 s19, s21  }
0x6a: {  	p0 =	por !p5, !p5;
	s21 =	simm.s32 $0x1;
	s19 =	sshll.u32 s19, $0x7  }
0x6b: {  	s18 =	sand.u32 $0x3FF, s18;
	s21 =	simm.s32 @!p0 $0x0;
	s19 =	sand.u32 $0x1FFFFF80, s19  }
0x6c: {  	p1 =	por p4, p3;
	s20 =	ssub.s32 s20, s21;
	s19 =	sadd.s32 s4, s19  }
0x6d: {  	s21 =	sand.u32 $0x7, s20;
	p5 =	slt.s32 s20, $0x1;
	s24 =	sshrl.u32 s20, $0x1D  }
0x6e: {  	[tilespmem:s26], [sflag:$0x1] =	stream.linear.gather [hbm4b:s19+s3], $0x400, $0x38;
	[tilespmem:$0x13F80] =	vst v63  }
0x6f: {  	p6 =	sne.s32 s21, $0x0;
	s19 =	sshrl.u32 s23, $0x16;
	s21 =	sshra.s32 s5, $0x1F  }
0x70: {  	s23 =	simm.s32 $0x1200;
	p0 =	por !p5, !p6;
	p6 =	sne.s32 s18, $0x0  }
0x71: {  	s18 =	sadd.s32 s24, s20;
	s20 =	simm.s32 $0x1;
	s19 =	sadd.s32 s19, s22  }
0x72: {  	p5 =	slt.s32 s5, $0x1;
	p0 =	por !p0, !p0;
	s18 =	sshrl.u32 s18, $0x3  }
0x73: {  	p3 =	por !p6, !p1;
	s19 =	sshra.s32 s19, $0xA;
	s20 =	simm.s32 @!p0 $0x0  }
0x74: {  	p6 =	sgt.s32 s17, $0xFFFFFFFF;
	s17 =	sand.u32 $0x3FF, s17;
	s18 =	ssub.s32 s18, s20  }
0x75: {  	p0 =	por !p3, !p3;
	s20 =	simm.s32 $0x1;
	s18 =	sshll.u32 s18, $0x7  }
0x76: {  	p1 =	por p6, p5;
	s20 =	simm.s32 @!p0 $0x0;
	s18 =	sand.u32 $0x1FFFFF80, s18  }
0x77: {  	s19 =	ssub.s32 s19, s20;
	s20 =	sxor.u32 $0x80000000, s15;
	s18 =	sadd.s32 s4, s18  }
0x78: {  	s26 =	sand.u32 $0x7, s19;
	p3 =	slt.s32 s19, $0x1;
	s22 =	sshrl.u32 s19, $0x1D  }
0x79: {  	[tilespmem:s25], [sflag:$0x1] =	stream.linear.gather [hbm4b:s18+s3], $0x400, $0x38;
	[tilespmem:$0x13F80] =	vst v63  }
0x7a: {  	p4 =	sne.s32 s26, $0x0;
	s18 =	sshrl.u32 s21, $0x16;
	s25 =	sxor.u32 $0x80000000, s16  }
0x7b: {  	s21 =	sshra.s32 s20, $0x1F;
	p0 =	por !p3, !p4;
	p4 =	sne.s32 s17, $0x0  }
0x7c: {  	s17 =	sadd.s32 s22, s19;
	s19 =	simm.s32 $0x1;
	s18 =	sadd.s32 s18, s5  }
0x7d: {  	s26 =	sshra.s32 s25, $0x1F;
	p3 =	slt.s32 s25, $0x1;
	p0 =	por !p0, !p0  }
0x7e: {  	s17 =	sshrl.u32 s17, $0x3;
	p5 =	por !p4, !p1;
	s19 =	simm.s32 @!p0 $0x0  }
0x7f: {  	s18 =	sshra.s32 s18, $0xA;
	p4 =	sgt.s32 s16, $0xFFFFFFFF;
	s17 =	ssub.s32 s17, s19  }
0x80: {  	p0 =	por !p5, !p5;
	s19 =	simm.s32 $0x1;
	s17 =	sshll.u32 s17, $0x7  }
0x81: {  	s16 =	sand.u32 $0x3FF, s16;
	s19 =	simm.s32 @!p0 $0x0;
	s17 =	sand.u32 $0x1FFFFF80, s17  }
0x82: {  	p1 =	por p4, p3;
	s18 =	ssub.s32 s18, s19;
	s17 =	sadd.s32 s4, s17  }
0x83: {  	s24 =	sand.u32 $0x7, s18;
	p5 =	slt.s32 s18, $0x1;
	s5 =	sshrl.u32 s18, $0x1D  }
0x84: {  	[tilespmem:s23], [sflag:$0x1] =	stream.linear.gather [hbm4b:s17+s3], $0x400, $0x38;
	[tilespmem:$0x13F80] =	vst v63  }
0x85: {  	p6 =	sne.s32 s24, $0x0;
	s17 =	sshrl.u32 s26, $0x16;
	s23 =	simm.s32 $0x1A00  }
0x86: {  	p0 =	por !p5, !p6;
	p6 =	sne.s32 s16, $0x0;
	s16 =	sadd.s32 s5, s18  }
0x87: {  	s18 =	simm.s32 $0x1;
	s17 =	sadd.s32 s17, s25;
	p5 =	slt.s32 s20, $0x1  }
0x88: {  	s25 =	sxor.u32 $0x80000000, s14;
	p0 =	por !p0, !p0;
	s16 =	sshrl.u32 s16, $0x3  }
0x89: {  	p3 =	por !p6, !p1;
	s17 =	sshra.s32 s17, $0xA;
	p6 =	sgt.s32 s15, $0xFFFFFFFF  }
0x8a: {  	s15 =	sand.u32 $0x3FF, s15;
	s26 =	sshra.s32 s25, $0x1F;
	s18 =	simm.s32 @!p0 $0x0  }
0x8b: {  	p0 =	por !p3, !p3;
	s16 =	ssub.s32 s16, s18;
	s18 =	simm.s32 $0x1  }
0x8c: {  	p1 =	por p6, p5;
	s16 =	sshll.u32 s16, $0x7;
	s18 =	simm.s32 @!p0 $0x0  }
0x8d: {  	s16 =	sand.u32 $0x1FFFFF80, s16;
	s17 =	ssub.s32 s17, s18;
	s18 =	simm.s32 $0x1600  }
0x8e: {  	s16 =	sadd.s32 s4, s16;
	s19 =	sand.u32 $0x7, s17;
	p3 =	slt.s32 s17, $0x1  }
0x8f: {  	[tilespmem:s18], [sflag:$0x1] =	stream.linear.gather [hbm4b:s16+s3], $0x400, $0x38;
	[tilespmem:$0x13F80] =	vst v63  }
0x90: {  	s22 =	sshrl.u32 s17, $0x1D;
	p4 =	sne.s32 s19, $0x0;
	s16 =	sshrl.u32 s21, $0x16  }
0x91: {  	s18 =	sxor.u32 $0x80000000, s13;
	s21 =	simm.s32 $0x2200;
	p0 =	por !p3, !p4  }
0x92: {  	p4 =	sne.s32 s15, $0x0;
	s15 =	sadd.s32 s22, s17;
	s17 =	simm.s32 $0x1  }
0x93: {  	s16 =	sadd.s32 s16, s20;
	p3 =	slt.s32 s25, $0x1;
	s19 =	sshra.s32 s18, $0x1F  }
0x94: {  	p0 =	por !p0, !p0;
	s15 =	sshrl.u32 s15, $0x3;
	p5 =	por !p4, !p1  }
0x95: {  	s16 =	sshra.s32 s16, $0xA;
	p4 =	sgt.s32 s14, $0xFFFFFFFF;
	s17 =	simm.s32 @!p0 $0x0  }
0x96: {  	p0 =	por !p5, !p5;
	s15 =	ssub.s32 s15, s17;
	s17 =	simm.s32 $0x1  }
0x97: {  	s14 =	sand.u32 $0x3FF, s14;
	s15 =	sshll.u32 s15, $0x7;
	s17 =	simm.s32 @!p0 $0x0  }
0x98: {  	p1 =	por p4, p3;
	s15 =	sand.u32 $0x1FFFFF80, s15;
	s16 =	ssub.s32 s16, s17  }
0x99: {  	s15 =	sadd.s32 s4, s15;
	s24 =	sand.u32 $0x7, s16;
	p5 =	slt.s32 s16, $0x1  }
0x9a: {  	[tilespmem:s23], [sflag:$0x1] =	stream.linear.gather [hbm4b:s15+s3], $0x400, $0x38;
	[tilespmem:$0x13F80] =	vst v63  }
0x9b: {  	s5 =	sshrl.u32 s16, $0x1D;
	p6 =	sne.s32 s24, $0x0;
	s15 =	sshrl.u32 s26, $0x16  }
0x9c: {  	s23 =	sxor.u32 $0x80000000, s12;
	s26 =	simm.s32 $0x2600;
	p0 =	por !p5, !p6  }
0x9d: {  	p6 =	sne.s32 s14, $0x0;
	s14 =	sadd.s32 s5, s16;
	s16 =	simm.s32 $0x1  }
0x9e: {  	s15 =	sadd.s32 s15, s25;
	p5 =	slt.s32 s18, $0x1;
	s24 =	sshra.s32 s23, $0x1F  }
0x9f: {  	p0 =	por !p0, !p0;
	s14 =	sshrl.u32 s14, $0x3;
	p3 =	por !p6, !p1  }
0xa0: {  	s15 =	sshra.s32 s15, $0xA;
	p6 =	sgt.s32 s13, $0xFFFFFFFF;
	s16 =	simm.s32 @!p0 $0x0  }
0xa1: {  	p0 =	por !p3, !p3;
	s14 =	ssub.s32 s14, s16;
	s16 =	simm.s32 $0x1  }
0xa2: {  	s13 =	sand.u32 $0x3FF, s13;
	s14 =	sshll.u32 s14, $0x7;
	s16 =	simm.s32 @!p0 $0x0  }
0xa3: {  	p1 =	por p6, p5;
	s14 =	sand.u32 $0x1FFFFF80, s14;
	s15 =	ssub.s32 s15, s16  }
0xa4: {  	s16 =	simm.s32 $0x1E00;
	s14 =	sadd.s32 s4, s14;
	s17 =	sand.u32 $0x7, s15  }
0xa5: {  	[tilespmem:s16], [sflag:$0x1] =	stream.linear.gather [hbm4b:s14+s3], $0x400, $0x38;
	[tilespmem:$0x13F80] =	vst v63  }
0xa6: {  	p3 =	slt.s32 s15, $0x1;
	s20 =	sshrl.u32 s15, $0x1D;
	p4 =	sne.s32 s17, $0x0  }
0xa7: {  	s14 =	sshrl.u32 s19, $0x16;
	p0 =	por !p3, !p4;
	p4 =	sne.s32 s13, $0x0  }
0xa8: {  	s13 =	sadd.s32 s20, s15;
	s15 =	simm.s32 $0x1;
	s14 =	sadd.s32 s14, s18  }
0xa9: {  	p3 =	slt.s32 s23, $0x1;
	s18 =	simm.s32 $0x2A00;
	s20 =	sxor.u32 $0x80000000, s9  }
0xaa: {  	p0 =	por !p0, !p0;
	s13 =	sshrl.u32 s13, $0x3;
	p5 =	por !p4, !p1  }
0xab: {  	s14 =	sshra.s32 s14, $0xA;
	p4 =	sgt.s32 s12, $0xFFFFFFFF;
	s15 =	simm.s32 @!p0 $0x0  }
0xac: {  	p0 =	por !p5, !p5;
	s13 =	ssub.s32 s13, s15;
	s15 =	simm.s32 $0x1  }
0xad: {  	s12 =	sand.u32 $0x3FF, s12;
	s13 =	sshll.u32 s13, $0x7;
	s15 =	simm.s32 @!p0 $0x0  }
0xae: {  	p1 =	por p4, p3;
	s13 =	sand.u32 $0x1FFFFF80, s13;
	s14 =	ssub.s32 s14, s15  }
0xaf: {  	s15 =	sxor.u32 $0x80000000, s11;
	s13 =	sadd.s32 s4, s13;
	s22 =	sand.u32 $0x7, s14  }
0xb0: {  	p5 =	slt.s32 s14, $0x1;
	s25 =	sshrl.u32 s14, $0x1D;
	s16 =	sshra.s32 s15, $0x1F  }
0xb1: {  	[tilespmem:s21], [sflag:$0x1] =	stream.linear.gather [hbm4b:s13+s3], $0x400, $0x38;
	[tilespmem:$0x13F80] =	vst v63  }
0xb2: {  	p6 =	sne.s32 s22, $0x0;
	s13 =	sshrl.u32 s24, $0x16;
	s21 =	sshra.s32 s20, $0x1F  }
0xb3: {  	p0 =	por !p5, !p6;
	p6 =	sne.s32 s12, $0x0;
	s12 =	sadd.s32 s25, s14  }
0xb4: {  	s14 =	simm.s32 $0x1;
	s13 =	sadd.s32 s13, s23;
	p5 =	slt.s32 s15, $0x1  }
0xb5: {  	s23 =	simm.s32 $0x2E00;
	s25 =	sxor.u32 $0x80000000, s2;
	p0 =	por !p0, !p0  }
0xb6: {  	s12 =	sshrl.u32 s12, $0x3;
	p3 =	por !p6, !p1;
	s14 =	simm.s32 @!p0 $0x0  }
0xb7: {  	s13 =	sshra.s32 s13, $0xA;
	p6 =	sgt.s32 s11, $0xFFFFFFFF;
	s12 =	ssub.s32 s12, s14  }
0xb8: {  	p0 =	por !p3, !p3;
	s14 =	simm.s32 $0x1;
	s12 =	sshll.u32 s12, $0x7  }
0xb9: {  	s11 =	sand.u32 $0x3FF, s11;
	s14 =	simm.s32 @!p0 $0x0;
	s12 =	sand.u32 $0x1FFFFF80, s12  }
0xba: {  	p1 =	por p6, p5;
	s13 =	ssub.s32 s13, s14;
	s12 =	sadd.s32 s4, s12  }
0xbb: {  	s14 =	sand.u32 $0x7, s13;
	p3 =	slt.s32 s13, $0x1;
	s17 =	sshrl.u32 s13, $0x1D  }
0xbc: {  	[tilespmem:s26], [sflag:$0x1] =	stream.linear.gather [hbm4b:s12+s3], $0x400, $0x38;
	[tilespmem:$0x13F80] =	vst v63  }
0xbd: {  	p4 =	sne.s32 s14, $0x0;
	s12 =	sshrl.u32 s16, $0x16;
	s26 =	sshra.s32 s25, $0x1F  }
0xbe: {  	p0 =	por !p3, !p4;
	p4 =	sne.s32 s11, $0x0;
	s11 =	sadd.s32 s17, s13  }
0xbf: {  	s13 =	simm.s32 $0x1;
	s12 =	sadd.s32 s12, s15;
	p3 =	slt.s32 s20, $0x1  }
0xc0: {  	s15 =	sxor.u32 $0x80000000, s1;
	p0 =	por !p0, !p0;
	s11 =	sshrl.u32 s11, $0x3  }
0xc1: {  	p5 =	por !p4, !p1;
	s12 =	sshra.s32 s12, $0xA;
	p4 =	sgt.s32 s9, $0xFFFFFFFF  }
0xc2: {  	s9 =	sand.u32 $0x3FF, s9;
	s16 =	sshra.s32 s15, $0x1F;
	s13 =	simm.s32 @!p0 $0x0  }
0xc3: {  	p0 =	por !p5, !p5;
	s11 =	ssub.s32 s11, s13;
	s13 =	simm.s32 $0x1  }
0xc4: {  	p1 =	por p4, p3;
	s11 =	sshll.u32 s11, $0x7;
	s13 =	simm.s32 @!p0 $0x0  }
0xc5: {  	s11 =	sand.u32 $0x1FFFFF80, s11;
	s12 =	ssub.s32 s12, s13;
	s13 =	simm.s32 $0x3200  }
0xc6: {  	s11 =	sadd.s32 s4, s11;
	s19 =	sand.u32 $0x7, s12;
	p5 =	slt.s32 s12, $0x1  }
0xc7: {  	[tilespmem:s18], [sflag:$0x1] =	stream.linear.gather [hbm4b:s11+s3], $0x400, $0x38;
	[tilespmem:$0x13F80] =	vst v63  }
0xc8: {  	s22 =	sshrl.u32 s12, $0x1D;
	p6 =	sne.s32 s19, $0x0;
	s11 =	sshrl.u32 s21, $0x16  }
0xc9: {  	s18 =	simm.s32 $0x3600;
	p0 =	por !p5, !p6;
	p6 =	sne.s32 s9, $0x0  }
0xca: {  	s9 =	sadd.s32 s22, s12;
	s12 =	simm.s32 $0x1;
	s11 =	sadd.s32 s11, s20  }
0xcb: {  	p5 =	slt.s32 s25, $0x1;
	s20 =	sxor.u32 $0x80000000, s0;
	p0 =	por !p0, !p0  }
0xcc: {  	s9 =	sshrl.u32 s9, $0x3;
	p3 =	por !p6, !p1;
	s11 =	sshra.s32 s11, $0xA  }
0xcd: {  	p6 =	sgt.s32 s2, $0xFFFFFFFF;
	s2 =	sand.u32 $0x3FF, s2;
	s12 =	simm.s32 @!p0 $0x0  }
0xce: {  	p0 =	por !p3, !p3;
	s9 =	ssub.s32 s9, s12;
	s12 =	simm.s32 $0x1  }
0xcf: {  	s21 =	sshra.s32 s20, $0x1F;
	s9 =	sshll.u32 s9, $0x7;
	s12 =	simm.s32 @!p0 $0x0  }
0xd0: {  	p1 =	por p6, p5;
	s9 =	sand.u32 $0x1FFFFF80, s9;
	s11 =	ssub.s32 s11, s12  }
0xd1: {  	s9 =	sadd.s32 s4, s9;
	s24 =	sand.u32 $0x7, s11;
	p3 =	slt.s32 s11, $0x1  }
0xd2: {  	[tilespmem:s23], [sflag:$0x1] =	stream.linear.gather [hbm4b:s9+s3], $0x400, $0x38;
	[tilespmem:$0x13F80] =	vst v63  }
0xd3: {  	s5 =	sshrl.u32 s11, $0x1D;
	p4 =	sne.s32 s24, $0x0;
	s9 =	sshrl.u32 s26, $0x16  }
0xd4: {  	p0 =	por !p3, !p4;
	p4 =	sne.s32 s2, $0x0;
	s2 =	sadd.s32 s5, s11  }
0xd5: {  	s11 =	simm.s32 $0x1;
	s9 =	sadd.s32 s9, s25;
	p3 =	slt.s32 s15, $0x1  }
0xd6: {  	p0 =	por !p0, !p0;
	s2 =	sshrl.u32 s2, $0x3;
	p5 =	por !p4, !p1  }
0xd7: {  	s9 =	sshra.s32 s9, $0xA;
	p4 =	sgt.s32 s1, $0xFFFFFFFF;
	s11 =	simm.s32 @!p0 $0x0  }
0xd8: {  	p0 =	por !p5, !p5;
	s2 =	ssub.s32 s2, s11;
	s11 =	simm.s32 $0x1  }
0xd9: {  	s1 =	sand.u32 $0x3FF, s1;
	s2 =	sshll.u32 s2, $0x7;
	s11 =	simm.s32 @!p0 $0x0  }
0xda: {  	p1 =	por p4, p3;
	s2 =	sand.u32 $0x1FFFFF80, s2;
	s9 =	ssub.s32 s9, s11  }
0xdb: {  	p4 =	slt.s32 s20, $0x1;
	s2 =	sadd.s32 s4, s2;
	s14 =	sand.u32 $0x7, s9  }
0xdc: {  	[tilespmem:s13], [sflag:$0x1] =	stream.linear.gather [hbm4b:s2+s3], $0x400, $0x38;
	[tilespmem:$0x13F80] =	vst v63  }
0xdd: {  	p5 =	slt.s32 s9, $0x1;
	s17 =	sshrl.u32 s9, $0x1D;
	p6 =	sne.s32 s14, $0x0  }
0xde: {  	s2 =	sshrl.u32 s16, $0x16;
	p0 =	por !p5, !p6;
	p6 =	sne.s32 s1, $0x0  }
0xdf: {  	s1 =	sadd.s32 s17, s9;
	s9 =	simm.s32 $0x1;
	s2 =	sadd.s32 s2, s15  }
0xe0: {  	p5 =	sgt.s32 s0, $0xFFFFFFFF;
	s0 =	sand.u32 $0x3FF, s0;
	p0 =	por !p0, !p0  }
0xe1: {  	s1 =	sshrl.u32 s1, $0x3;
	p2 =	por !p6, !p1;
	s9 =	simm.s32 @!p0 $0x0  }
0xe2: {  	p0 =	por !p2, !p2;
	s1 =	ssub.s32 s1, s9;
	s9 =	simm.s32 $0x1  }
0xe3: {  	s2 =	sshra.s32 s2, $0xA;
	s1 =	sshll.u32 s1, $0x7;
	s9 =	simm.s32 @!p0 $0x0  }
0xe4: {  	p1 =	por p5, p4;
	s1 =	sand.u32 $0x1FFFFF80, s1;
	s2 =	ssub.s32 s2, s9  }
0xe5: {  	s1 =	sadd.s32 s4, s1;
	s19 =	sand.u32 $0x7, s2;
	p6 =	slt.s32 s2, $0x1  }
0xe6: {  	[tilespmem:s18], [sflag:$0x1] =	stream.linear.gather [hbm4b:s1+s3], $0x400, $0x38;
	[tilespmem:$0x13F80] =	vst v63  }
0xe7: {  	s22 =	sshrl.u32 s2, $0x1D;
	p3 =	sne.s32 s19, $0x0;
	s1 =	sshrl.u32 s21, $0x16  }
0xe8: {  	p0 =	por !p6, !p3;
	p3 =	sne.s32 s0, $0x0;
	s0 =	sadd.s32 s22, s2  }
0xe9: {  	s2 =	simm.s32 $0x1;
	s1 =	sadd.s32 s1, s20;
	p0 =	por !p0, !p0  }
0xea: {  	s0 =	sshrl.u32 s0, $0x3;
	p4 =	por !p3, !p1;
	s2 =	simm.s32 @!p0 $0x0  }
0xeb: {  	p0 =	por !p4, !p4;
	s0 =	ssub.s32 s0, s2;
	s2 =	simm.s32 $0x1  }
0xec: {  	s1 =	sshra.s32 s1, $0xA;
	s0 =	sshll.u32 s0, $0x7;
	s2 =	simm.s32 @!p0 $0x0  }
0xed: {  	s0 =	sand.u32 $0x1FFFFF80, s0;
	s1 =	ssub.s32 s1, s2  }
0xee: {  	s23 =	simm.s32 $0x3A00;
	s0 =	sadd.s32 s4, s0;
	s24 =	sand.u32 $0x7, s1  }
0xef: {  	[tilespmem:s23], [sflag:$0x1] =	stream.linear.gather [hbm4b:s0+s3], $0x400, $0x38;
	[tilespmem:$0x13F80] =	vst v63  }
0xf0: {  	p5 =	slt.s32 s1, $0x1;
	p6 =	sne.s32 s24, $0x0  }
0xf1: {  	s25 =	sshrl.u32 s1, $0x1D;
	p0 =	por !p5, !p6  }
0xf2: {  	s0 =	sadd.s32 s25, s1;
	s1 =	simm.s32 $0x1;
	p0 =	por !p0, !p0  }
0xf3: {  	s0 =	sshrl.u32 s0, $0x3;
	s1 =	simm.s32 @!p0 $0x0  }
0xf4: {  	s0 =	ssub.s32 s0, s1  }
.Ltmp2:
0xf5: {  	s0 =	sshll.u32 s0, $0x7;
	(pc) =	sbr.rel .LBB2_2-.Ltmp2, $4  }
0xf6: {  	s0 =	sand.u32 $0x1FFFFF80, s0  }
0xf7: {  	s30 =	simm.s32 $0x10;
	s26 =	simm.s32 $0x3E00;
	s0 =	sadd.s32 s4, s0  }
0xf8: {  	[tilespmem:s26], [sflag:$0x1] =	stream.linear.gather [hbm4b:s0+s3], $0x400, $0x38;
	[tilespmem:$0x13F80] =	vst v63  }
0xf9: {  	s31 =	simm.s32 $0x0;
	s29 =	simm.s32 $0x4000;
	s0 =	simm.s32 $0x0  }
.LBB2_4:
0xfa: {  	_ =	swait.ge [sflag:s10], $0x400  }
0xfb: {  	[sflag:s10] =	ssyncset.done $0x0  }
0xfc: {  	[sflag:s10] =	ssyncadd.s32 $0xFFFFFC00  }
0xfd: {  	_ =	swait.ge [sflag:s10], $0x400  }
0xfe: {  	[sflag:s10] =	ssyncset.done $0x0  }
0xff: {  	[sflag:s10] =	ssyncadd.s32 $0xFFFFFC00  }
0x100: {  	_ =	swait.ge [sflag:s10], $0x400  }
0x101: {  	[sflag:s10] =	ssyncset.done $0x0  }
0x102: {  	[sflag:s10] =	ssyncadd.s32 $0xFFFFFC00  }
0x103: {  	_ =	swait.ge [sflag:s10], $0x400  }
0x104: {  	[sflag:s10] =	ssyncset.done $0x0  }
0x105: {  	[sflag:s10] =	ssyncadd.s32 $0xFFFFFC00  }
0x106: {  	_ =	swait.ge [sflag:s10], $0x400  }
0x107: {  	[sflag:s10] =	ssyncset.done $0x0  }
0x108: {  	[sflag:s10] =	ssyncadd.s32 $0xFFFFFC00  }
0x109: {  	_ =	swait.ge [sflag:s10], $0x400  }
0x10a: {  	[sflag:s10] =	ssyncset.done $0x0  }
0x10b: {  	[sflag:s10] =	ssyncadd.s32 $0xFFFFFC00  }
0x10c: {  	_ =	swait.ge [sflag:s10], $0x400  }
0x10d: {  	[sflag:s10] =	ssyncset.done $0x0  }
0x10e: {  	[sflag:s10] =	ssyncadd.s32 $0xFFFFFC00  }
0x10f: {  	_ =	swait.ge [sflag:s10], $0x400  }
0x110: {  	[sflag:s10] =	ssyncset.done $0x0  }
0x111: {  	[sflag:s10] =	ssyncadd.s32 $0xFFFFFC00  }
0x112: {  	_ =	swait.ge [sflag:s10], $0x400  }
0x113: {  	[sflag:s10] =	ssyncset.done $0x0  }
0x114: {  	[sflag:s10] =	ssyncadd.s32 $0xFFFFFC00  }
0x115: {  	_ =	swait.ge [sflag:s10], $0x400  }
0x116: {  	[sflag:s10] =	ssyncset.done $0x0  }
0x117: {  	[sflag:s10] =	ssyncadd.s32 $0xFFFFFC00  }
0x118: {  	_ =	swait.ge [sflag:s10], $0x400  }
0x119: {  	[sflag:s10] =	ssyncset.done $0x0  }
0x11a: {  	[sflag:s10] =	ssyncadd.s32 $0xFFFFFC00  }
0x11b: {  	_ =	swait.ge [sflag:s10], $0x400  }
0x11c: {  	[sflag:s10] =	ssyncset.done $0x0  }
0x11d: {  	[sflag:s10] =	ssyncadd.s32 $0xFFFFFC00  }
0x11e: {  	_ =	swait.ge [sflag:s10], $0x400  }
0x11f: {  	[sflag:s10] =	ssyncset.done $0x0  }
0x120: {  	[sflag:s10] =	ssyncadd.s32 $0xFFFFFC00  }
0x121: {  	_ =	swait.ge [sflag:s10], $0x400  }
0x122: {  	[sflag:s10] =	ssyncset.done $0x0  }
0x123: {  	[sflag:s10] =	ssyncadd.s32 $0xFFFFFC00  }
0x124: {  	_ =	swait.ge [sflag:s10], $0x400  }
0x125: {  	[sflag:s10] =	ssyncset.done $0x0  }
0x126: {  	[sflag:s10] =	ssyncadd.s32 $0xFFFFFC00  }
0x127: {  	_ =	swait.ge [sflag:s10], $0x400  }
0x128: {  	[sflag:s10] =	ssyncset.done $0x0  }
0x129: {  	[sflag:s10] =	ssyncadd.s32 $0xFFFFFC00  }
0x12a: {  	v0 =	vld [tilespmem:s30+$0xFFFFFFF0];
	_ =	sdelay $0x4  }
0x12b: {  	v1 =	vnsel vm14, $0x0, v0  }
0x12c: {  	v1 =	vxor.u32 $0x80000000, v1  }
0x12d: {  	(xrf0) =	vmax.scan.msk.u32 $0xffff, v1;
	_ =	sdelay $0x5  }
0x12e: {  	v1, _, _ =	vpop (xrf0)  }
0x12f: {  	(v2sf) =	vpush v1, $0xF;
	_ =	sdelay $0xe  }
0x130: {  	s5 =	spop (v2sf)  }
0x131: {  	s1 =	sxor.u32 $0x80000000, s5  }
0x132: {  	p1 =	sgt.s32 s5, $0xFFFFFFFF;
	s2 =	sand.u32 $0x3FF, s5;
	p0 =	slt.s32 s1, $0x1  }
0x133: {  	s9 =	sshra.s32 s1, $0x1F;
	p3 =	sne.s32 s2, $0x0;
	p0 =	por p1, p0  }
0x134: {  	s15 =	sshrl.u32 s9, $0x16;
	p0 =	por !p3, !p0  }
0x135: {  	s2 =	simm.s32 $0x1;
	s1 =	sadd.s32 s15, s1;
	p0 =	por !p0, !p0  }
0x136: {  	s1 =	sshra.s32 s1, $0xA;
	s2 =	simm.s32 @!p0 $0x0  }
0x137: {  	s11 =	ssub.s32 s1, s2  }
0x138: {  	s1 =	sshrl.u32 s11, $0x1D  }
0x139: {  	s1 =	sadd.s32 s1, s11  }
0x13a: {  	s1 =	sand.u32 $0x7FFFF8, s1  }
0x13b: {  	s1 =	ssub.s32 s11, s1  }
0x13c: {  	s16 =	sadd.s32 $0xFFFFC000, s29;
	v47 =	vsel vm15, $0x0, v0;
	s1 =	sshll.u32 s1, $0x9  }
0x13d: {  	v1 =	vxor.u32 $0x80000000, v47;
	s9 =	sand.u32 $0x4000, s16;
	s1 =	sshra.s32 s1, $0x2  }
0x13e: {  	(xrf0) =	vmax.scan.msk.u32 $0xffff, v1;
	s12 =	sadd.s32 s1, s9  }
0x13f: {  	v48 =	vld [tilespmem:s12+$0x200];
	_ =	sdelay $0x2  }
0x140: {  	s1 =	sand.u32 $0x7, s0  }
0x141: {  	s2 =	sshll.u32 s1, $0xB  }
0x142: {  	v2, _, _ =	vpop (xrf0);
	[tilespmem:s2+$0xFF80] =	vst v48  }
0x143: {  	(v2sf) =	vpush v2, $0xF;
	v1 =	vld [tilespmem:s12+$0x210];
	_ =	sdelay $0x4  }
0x144: {  	[tilespmem:s2+$0xFF90] =	vst v1  }
0x145: {  	v1 =	vld [tilespmem:s12+$0x220];
	_ =	sdelay $0x4  }
0x146: {  	[tilespmem:s2+$0xFFA0] =	vst v1  }
0x147: {  	v1 =	vld [tilespmem:s12+$0x230]  }
0x148: {  	s5 =	sshll.u32 s5, $0x5;
	s11 =	sshll.u32 s11, $0xF  }
0x149: {  	s11 =	ssub.s32 s5, s11  }
0x14a: {  	s5 =	sand.u32 $0x60, s5;
	s11 =	sand.u32 $0xFFFFFF80, s11;
	s17 =	spop (v2sf)  }
0x14b: {  	s5 =	sor.u32 s5, s11;
	s13 =	sxor.u32 $0x80000000, s17  }
0x14c: {  	p5 =	sgt.s32 s17, $0xFFFFFFFF;
	s18 =	sand.u32 $0x3FF, s17;
	p4 =	slt.s32 s13, $0x1;
	[tilespmem:s2+$0xFFB0] =	vst v1  }
0x14d: {  	p6 =	sne.s32 s18, $0x0;
	s19 =	sshra.s32 s13, $0x1F;
	p0 =	por p5, p4;
	v1 =	vld [tilespmem:s5+$0x8200]  }
0x14e: {  	s11 =	sshrl.u32 s19, $0x16;
	p0 =	por !p6, !p0  }
0x14f: {  	s11 =	sadd.s32 s11, s13;
	s13 =	simm.s32 $0x1;
	p0 =	por !p0, !p0  }
0x150: {  	s11 =	sshra.s32 s11, $0xA;
	s13 =	simm.s32 @!p0 $0x0  }
0x151: {  	s11 =	ssub.s32 s11, s13  }
0x152: {  	s13 =	sshrl.u32 s11, $0x1D;
	[tilespmem:s2+$0xFFC0] =	vst v1  }
0x153: {  	s20 =	sadd.s32 s13, s11;
	v1 =	vld [tilespmem:s5+$0x8210]  }
0x154: {  	s5 =	sand.u32 $0x7FFFF8, s20  }
0x155: {  	v49 =	vsel vm0, $0x0, v0;
	s5 =	ssub.s32 s11, s5  }
0x156: {  	v2 =	vxor.u32 $0x80000000, v49;
	s5 =	sshll.u32 s5, $0x9  }
0x157: {  	(xrf0) =	vmax.scan.msk.u32 $0xffff, v2;
	s5 =	sshra.s32 s5, $0x2  }
0x158: {  	s5 =	sadd.s32 s5, s9;
	[tilespmem:s2+$0xFFD0] =	vst v1  }
0x159: {  	v1 =	vld [tilespmem:s5+$0x600];
	_ =	sdelay $0x3  }
0x15a: {  	v2, _, _ =	vpop (xrf0)  }
0x15b: {  	(v2sf) =	vpush v2, $0xF;
	[tilespmem:s2+$0x10000] =	vst v1  }
0x15c: {  	v1 =	vld [tilespmem:s5+$0x610];
	_ =	sdelay $0x4  }
0x15d: {  	[tilespmem:s2+$0x10010] =	vst v1  }
0x15e: {  	v1 =	vld [tilespmem:s5+$0x620];
	_ =	sdelay $0x4  }
0x15f: {  	[tilespmem:s2+$0x10020] =	vst v1  }
0x160: {  	v1 =	vld [tilespmem:s5+$0x630];
	_ =	sdelay $0x1  }
0x161: {  	s21 =	spop (v2sf);
	s12 =	sshll.u32 s17, $0x5;
	s11 =	sshll.u32 s11, $0xF  }
0x162: {  	s22 =	sxor.u32 $0x80000000, s21;
	s11 =	ssub.s32 s12, s11  }
0x163: {  	p2 =	sgt.s32 s21, $0xFFFFFFFF;
	s12 =	sand.u32 $0x60, s12;
	s11 =	sand.u32 $0xFFFFFF80, s11  }
0x164: {  	s23 =	sand.u32 $0x3FF, s21;
	p1 =	slt.s32 s22, $0x1;
	s11 =	sor.u32 s12, s11;
	[tilespmem:s2+$0x10030] =	vst v1  }
0x165: {  	p3 =	sne.s32 s23, $0x0;
	s24 =	sshra.s32 s22, $0x1F;
	p0 =	por p2, p1;
	v1 =	vld [tilespmem:s11+$0x8200]  }
0x166: {  	p0 =	por !p3, !p0;
	s12 =	sshrl.u32 s24, $0x16  }
0x167: {  	s13 =	simm.s32 $0x1;
	p0 =	por !p0, !p0;
	s12 =	sadd.s32 s12, s22  }
0x168: {  	s13 =	simm.s32 @!p0 $0x0;
	s12 =	sshra.s32 s12, $0xA  }
0x169: {  	s12 =	ssub.s32 s12, s13  }
0x16a: {  	s13 =	sshrl.u32 s12, $0x1D;
	[tilespmem:s2+$0x10040] =	vst v1  }
0x16b: {  	s25 =	sadd.s32 s13, s12;
	v1 =	vld [tilespmem:s11+$0x8210]  }
0x16c: {  	s11 =	sand.u32 $0x7FFFF8, s25  }
0x16d: {  	v50 =	vsel vm1, $0x0, v0;
	s11 =	ssub.s32 s12, s11  }
0x16e: {  	v2 =	vxor.u32 $0x80000000, v50;
	s11 =	sshll.u32 s11, $0x9  }
0x16f: {  	(xrf0) =	vmax.scan.msk.u32 $0xffff, v2;
	s11 =	sshra.s32 s11, $0x2  }
0x170: {  	s11 =	sadd.s32 s11, s9;
	[tilespmem:s2+$0x10050] =	vst v1  }
0x171: {  	v1 =	vld [tilespmem:s11+$0xA00];
	_ =	sdelay $0x3  }
0x172: {  	v2, _, _ =	vpop (xrf0)  }
0x173: {  	(v2sf) =	vpush v2, $0xF;
	[tilespmem:s2+$0x10080] =	vst v1  }
0x174: {  	v1 =	vld [tilespmem:s11+$0xA10];
	_ =	sdelay $0x4  }
0x175: {  	[tilespmem:s2+$0x10090] =	vst v1  }
0x176: {  	v1 =	vld [tilespmem:s11+$0xA20];
	_ =	sdelay $0x4  }
0x177: {  	[tilespmem:s2+$0x100A0] =	vst v1  }
0x178: {  	v1 =	vld [tilespmem:s11+$0xA30];
	_ =	sdelay $0x1  }
0x179: {  	s26 =	spop (v2sf);
	s5 =	sshll.u32 s21, $0x5;
	s12 =	sshll.u32 s12, $0xF  }
0x17a: {  	s14 =	sxor.u32 $0x80000000, s26;
	s12 =	ssub.s32 s5, s12  }
0x17b: {  	p5 =	sgt.s32 s26, $0xFFFFFFFF;
	s5 =	sand.u32 $0x60, s5;
	s12 =	sand.u32 $0xFFFFFF80, s12  }
0x17c: {  	s15 =	sand.u32 $0x3FF, s26;
	p4 =	slt.s32 s14, $0x1;
	s5 =	sor.u32 s5, s12;
	[tilespmem:s2+$0x100B0] =	vst v1  }
0x17d: {  	p6 =	sne.s32 s15, $0x0;
	s16 =	sshra.s32 s14, $0x1F;
	p0 =	por p5, p4;
	v1 =	vld [tilespmem:s5+$0x8200]  }
0x17e: {  	p0 =	por !p6, !p0;
	s12 =	sshrl.u32 s16, $0x16  }
0x17f: {  	p0 =	por !p0, !p0;
	s13 =	simm.s32 $0x1;
	s12 =	sadd.s32 s12, s14  }
0x180: {  	s13 =	simm.s32 @!p0 $0x0;
	s12 =	sshra.s32 s12, $0xA  }
0x181: {  	s12 =	ssub.s32 s12, s13  }
0x182: {  	s13 =	sshrl.u32 s12, $0x1D;
	[tilespmem:s2+$0x100C0] =	vst v1  }
0x183: {  	s17 =	sadd.s32 s13, s12;
	v1 =	vld [tilespmem:s5+$0x8210]  }
0x184: {  	s5 =	sand.u32 $0x7FFFF8, s17  }
0x185: {  	v51 =	vsel vm2, $0x0, v0;
	s5 =	ssub.s32 s12, s5  }
0x186: {  	v2 =	vxor.u32 $0x80000000, v51;
	s5 =	sshll.u32 s5, $0x9  }
0x187: {  	(xrf0) =	vmax.scan.msk.u32 $0xffff, v2;
	s5 =	sshra.s32 s5, $0x2  }
0x188: {  	s5 =	sadd.s32 s5, s9;
	[tilespmem:s2+$0x100D0] =	vst v1  }
0x189: {  	v1 =	vld [tilespmem:s5+$0xE00];
	_ =	sdelay $0x3  }
0x18a: {  	v2, _, _ =	vpop (xrf0)  }
0x18b: {  	(v2sf) =	vpush v2, $0xF;
	[tilespmem:s2+$0x10100] =	vst v1  }
0x18c: {  	v1 =	vld [tilespmem:s5+$0xE10];
	_ =	sdelay $0x4  }
0x18d: {  	[tilespmem:s2+$0x10110] =	vst v1  }
0x18e: {  	v1 =	vld [tilespmem:s5+$0xE20];
	_ =	sdelay $0x4  }
0x18f: {  	[tilespmem:s2+$0x10120] =	vst v1  }
0x190: {  	v1 =	vld [tilespmem:s5+$0xE30];
	_ =	sdelay $0x1  }
0x191: {  	s18 =	spop (v2sf);
	s11 =	sshll.u32 s26, $0x5;
	s12 =	sshll.u32 s12, $0xF  }
0x192: {  	s19 =	sxor.u32 $0x80000000, s18;
	s12 =	ssub.s32 s11, s12  }
0x193: {  	p2 =	sgt.s32 s18, $0xFFFFFFFF;
	s11 =	sand.u32 $0x60, s11;
	s12 =	sand.u32 $0xFFFFFF80, s12  }
0x194: {  	s20 =	sand.u32 $0x3FF, s18;
	p1 =	slt.s32 s19, $0x1;
	s11 =	sor.u32 s11, s12;
	[tilespmem:s2+$0x10130] =	vst v1  }
0x195: {  	p3 =	sne.s32 s20, $0x0;
	p0 =	por p2, p1;
	s21 =	sshra.s32 s19, $0x1F;
	v1 =	vld [tilespmem:s11+$0x8200]  }
0x196: {  	p0 =	por !p3, !p0;
	s12 =	sshrl.u32 s21, $0x16  }
0x197: {  	p0 =	por !p0, !p0;
	s13 =	simm.s32 $0x1;
	s12 =	sadd.s32 s12, s19  }
0x198: {  	s13 =	simm.s32 @!p0 $0x0;
	s12 =	sshra.s32 s12, $0xA  }
0x199: {  	s12 =	ssub.s32 s12, s13  }
0x19a: {  	s13 =	sshrl.u32 s12, $0x1D;
	[tilespmem:s2+$0x10140] =	vst v1  }
0x19b: {  	s22 =	sadd.s32 s13, s12;
	v1 =	vld [tilespmem:s11+$0x8210]  }
0x19c: {  	s11 =	sand.u32 $0x7FFFF8, s22  }
0x19d: {  	v52 =	vsel vm3, $0x0, v0;
	s11 =	ssub.s32 s12, s11  }
0x19e: {  	v2 =	vxor.u32 $0x80000000, v52;
	s11 =	sshll.u32 s11, $0x9  }
0x19f: {  	(xrf0) =	vmax.scan.msk.u32 $0xffff, v2;
	s11 =	sshra.s32 s11, $0x2  }
0x1a0: {  	s11 =	sadd.s32 s11, s9;
	[tilespmem:s2+$0x10150] =	vst v1  }
0x1a1: {  	v1 =	vld [tilespmem:s11+$0x1200];
	_ =	sdelay $0x3  }
0x1a2: {  	v2, _, _ =	vpop (xrf0)  }
0x1a3: {  	(v2sf) =	vpush v2, $0xF;
	[tilespmem:s2+$0x10180] =	vst v1  }
0x1a4: {  	v1 =	vld [tilespmem:s11+$0x1210];
	_ =	sdelay $0x4  }
0x1a5: {  	[tilespmem:s2+$0x10190] =	vst v1  }
0x1a6: {  	v1 =	vld [tilespmem:s11+$0x1220];
	_ =	sdelay $0x4  }
0x1a7: {  	[tilespmem:s2+$0x101A0] =	vst v1  }
0x1a8: {  	v1 =	vld [tilespmem:s11+$0x1230];
	_ =	sdelay $0x1  }
0x1a9: {  	s23 =	spop (v2sf);
	s5 =	sshll.u32 s18, $0x5;
	s12 =	sshll.u32 s12, $0xF  }
0x1aa: {  	s24 =	sxor.u32 $0x80000000, s23;
	s12 =	ssub.s32 s5, s12  }
0x1ab: {  	p5 =	sgt.s32 s23, $0xFFFFFFFF;
	s5 =	sand.u32 $0x60, s5;
	s12 =	sand.u32 $0xFFFFFF80, s12  }
0x1ac: {  	p4 =	slt.s32 s24, $0x1;
	s25 =	sand.u32 $0x3FF, s23;
	s5 =	sor.u32 s5, s12;
	[tilespmem:s2+$0x101B0] =	vst v1  }
0x1ad: {  	p6 =	sne.s32 s25, $0x0;
	p0 =	por p5, p4;
	s26 =	sshra.s32 s24, $0x1F;
	v1 =	vld [tilespmem:s5+$0x8200]  }
0x1ae: {  	p0 =	por !p6, !p0;
	s12 =	sshrl.u32 s26, $0x16  }
0x1af: {  	p0 =	por !p0, !p0;
	s13 =	simm.s32 $0x1;
	s12 =	sadd.s32 s12, s24  }
0x1b0: {  	s13 =	simm.s32 @!p0 $0x0;
	s12 =	sshra.s32 s12, $0xA  }
0x1b1: {  	s12 =	ssub.s32 s12, s13  }
0x1b2: {  	s13 =	sshrl.u32 s12, $0x1D;
	[tilespmem:s2+$0x101C0] =	vst v1  }
0x1b3: {  	s13 =	sadd.s32 s13, s12;
	v1 =	vld [tilespmem:s5+$0x8210]  }
0x1b4: {  	s5 =	sand.u32 $0x7FFFF8, s13  }
0x1b5: {  	v53 =	vsel vm4, $0x0, v0;
	s5 =	ssub.s32 s12, s5  }
0x1b6: {  	v2 =	vxor.u32 $0x80000000, v53;
	s5 =	sshll.u32 s5, $0x9  }
0x1b7: {  	(xrf0) =	vmax.scan.msk.u32 $0xffff, v2;
	s5 =	sshra.s32 s5, $0x2  }
0x1b8: {  	s5 =	sadd.s32 s5, s9;
	[tilespmem:s2+$0x101D0] =	vst v1  }
0x1b9: {  	v1 =	vld [tilespmem:s5+$0x1600];
	_ =	sdelay $0x3  }
0x1ba: {  	v2, _, _ =	vpop (xrf0)  }
0x1bb: {  	(v2sf) =	vpush v2, $0xF;
	[tilespmem:s2+$0x10200] =	vst v1  }
0x1bc: {  	v1 =	vld [tilespmem:s5+$0x1610];
	_ =	sdelay $0x4  }
0x1bd: {  	[tilespmem:s2+$0x10210] =	vst v1  }
0x1be: {  	v1 =	vld [tilespmem:s5+$0x1620];
	_ =	sdelay $0x4  }
0x1bf: {  	[tilespmem:s2+$0x10220] =	vst v1  }
0x1c0: {  	v1 =	vld [tilespmem:s5+$0x1630];
	_ =	sdelay $0x1  }
0x1c1: {  	s14 =	spop (v2sf);
	s11 =	sshll.u32 s23, $0x5;
	s12 =	sshll.u32 s12, $0xF  }
0x1c2: {  	s15 =	sxor.u32 $0x80000000, s14;
	s12 =	ssub.s32 s11, s12  }
0x1c3: {  	p2 =	sgt.s32 s14, $0xFFFFFFFF;
	s11 =	sand.u32 $0x60, s11;
	s12 =	sand.u32 $0xFFFFFF80, s12  }
0x1c4: {  	s16 =	sand.u32 $0x3FF, s14;
	p1 =	slt.s32 s15, $0x1;
	s11 =	sor.u32 s11, s12;
	[tilespmem:s2+$0x10230] =	vst v1  }
0x1c5: {  	p3 =	sne.s32 s16, $0x0;
	s17 =	sshra.s32 s15, $0x1F;
	p0 =	por p2, p1;
	v1 =	vld [tilespmem:s11+$0x8200]  }
0x1c6: {  	p0 =	por !p3, !p0;
	s12 =	sshrl.u32 s17, $0x16  }
0x1c7: {  	p0 =	por !p0, !p0;
	s13 =	simm.s32 $0x1;
	s12 =	sadd.s32 s12, s15  }
0x1c8: {  	s13 =	simm.s32 @!p0 $0x0;
	s12 =	sshra.s32 s12, $0xA  }
0x1c9: {  	s12 =	ssub.s32 s12, s13  }
0x1ca: {  	s13 =	sshrl.u32 s12, $0x1D;
	[tilespmem:s2+$0x10240] =	vst v1  }
0x1cb: {  	s18 =	sadd.s32 s13, s12;
	v1 =	vld [tilespmem:s11+$0x8210]  }
0x1cc: {  	s11 =	sand.u32 $0x7FFFF8, s18  }
0x1cd: {  	v54 =	vsel vm5, $0x0, v0;
	s11 =	ssub.s32 s12, s11  }
0x1ce: {  	v2 =	vxor.u32 $0x80000000, v54;
	s11 =	sshll.u32 s11, $0x9  }
0x1cf: {  	(xrf0) =	vmax.scan.msk.u32 $0xffff, v2;
	s11 =	sshra.s32 s11, $0x2  }
0x1d0: {  	s11 =	sadd.s32 s11, s9;
	[tilespmem:s2+$0x10250] =	vst v1  }
0x1d1: {  	v1 =	vld [tilespmem:s11+$0x1A00];
	_ =	sdelay $0x3  }
0x1d2: {  	v2, _, _ =	vpop (xrf0)  }
0x1d3: {  	(v2sf) =	vpush v2, $0xF;
	[tilespmem:s2+$0x10280] =	vst v1  }
0x1d4: {  	v1 =	vld [tilespmem:s11+$0x1A10];
	_ =	sdelay $0x4  }
0x1d5: {  	[tilespmem:s2+$0x10290] =	vst v1  }
0x1d6: {  	v1 =	vld [tilespmem:s11+$0x1A20];
	_ =	sdelay $0x4  }
0x1d7: {  	[tilespmem:s2+$0x102A0] =	vst v1  }
0x1d8: {  	v1 =	vld [tilespmem:s11+$0x1A30];
	_ =	sdelay $0x1  }
0x1d9: {  	s19 =	spop (v2sf);
	s5 =	sshll.u32 s14, $0x5;
	s12 =	sshll.u32 s12, $0xF  }
0x1da: {  	s20 =	sxor.u32 $0x80000000, s19;
	s12 =	ssub.s32 s5, s12  }
0x1db: {  	p5 =	sgt.s32 s19, $0xFFFFFFFF;
	s5 =	sand.u32 $0x60, s5;
	s12 =	sand.u32 $0xFFFFFF80, s12  }
0x1dc: {  	s21 =	sand.u32 $0x3FF, s19;
	p4 =	slt.s32 s20, $0x1;
	s5 =	sor.u32 s5, s12;
	[tilespmem:s2+$0x102B0] =	vst v1  }
0x1dd: {  	p6 =	sne.s32 s21, $0x0;
	s22 =	sshra.s32 s20, $0x1F;
	p0 =	por p5, p4;
	v1 =	vld [tilespmem:s5+$0x8200]  }
0x1de: {  	p0 =	por !p6, !p0;
	s12 =	sshrl.u32 s22, $0x16  }
0x1df: {  	p0 =	por !p0, !p0;
	s13 =	simm.s32 $0x1;
	s12 =	sadd.s32 s12, s20  }
0x1e0: {  	s13 =	simm.s32 @!p0 $0x0;
	s12 =	sshra.s32 s12, $0xA  }
0x1e1: {  	s12 =	ssub.s32 s12, s13  }
0x1e2: {  	s13 =	sshrl.u32 s12, $0x1D;
	[tilespmem:s2+$0x102C0] =	vst v1  }
0x1e3: {  	s23 =	sadd.s32 s13, s12;
	v1 =	vld [tilespmem:s5+$0x8210]  }
0x1e4: {  	s5 =	sand.u32 $0x7FFFF8, s23  }
0x1e5: {  	v55 =	vsel vm6, $0x0, v0;
	s5 =	ssub.s32 s12, s5  }
0x1e6: {  	v2 =	vxor.u32 $0x80000000, v55;
	s5 =	sshll.u32 s5, $0x9  }
0x1e7: {  	(xrf0) =	vmax.scan.msk.u32 $0xffff, v2;
	s5 =	sshra.s32 s5, $0x2  }
0x1e8: {  	s5 =	sadd.s32 s5, s9;
	[tilespmem:s2+$0x102D0] =	vst v1  }
0x1e9: {  	v1 =	vld [tilespmem:s5+$0x1E00];
	_ =	sdelay $0x3  }
0x1ea: {  	v2, _, _ =	vpop (xrf0)  }
0x1eb: {  	(v2sf) =	vpush v2, $0xF;
	[tilespmem:s2+$0x10300] =	vst v1  }
0x1ec: {  	v1 =	vld [tilespmem:s5+$0x1E10];
	_ =	sdelay $0x4  }
0x1ed: {  	[tilespmem:s2+$0x10310] =	vst v1  }
0x1ee: {  	v1 =	vld [tilespmem:s5+$0x1E20];
	_ =	sdelay $0x4  }
0x1ef: {  	[tilespmem:s2+$0x10320] =	vst v1  }
0x1f0: {  	v1 =	vld [tilespmem:s5+$0x1E30];
	_ =	sdelay $0x1  }
0x1f1: {  	s24 =	spop (v2sf);
	s11 =	sshll.u32 s19, $0x5;
	s12 =	sshll.u32 s12, $0xF  }
0x1f2: {  	s25 =	sxor.u32 $0x80000000, s24;
	s12 =	ssub.s32 s11, s12  }
0x1f3: {  	p2 =	sgt.s32 s24, $0xFFFFFFFF;
	s11 =	sand.u32 $0x60, s11;
	s12 =	sand.u32 $0xFFFFFF80, s12  }
0x1f4: {  	s26 =	sand.u32 $0x3FF, s24;
	p1 =	slt.s32 s25, $0x1;
	s11 =	sor.u32 s11, s12;
	[tilespmem:s2+$0x10330] =	vst v1  }
0x1f5: {  	p3 =	sne.s32 s26, $0x0;
	p0 =	por p2, p1;
	s14 =	sshra.s32 s25, $0x1F;
	v1 =	vld [tilespmem:s11+$0x8200]  }
0x1f6: {  	p0 =	por !p3, !p0;
	s12 =	sshrl.u32 s14, $0x16  }
0x1f7: {  	p0 =	por !p0, !p0;
	s13 =	simm.s32 $0x1;
	s12 =	sadd.s32 s12, s25  }
0x1f8: {  	s13 =	simm.s32 @!p0 $0x0;
	s12 =	sshra.s32 s12, $0xA  }
0x1f9: {  	s12 =	ssub.s32 s12, s13  }
0x1fa: {  	s13 =	sshrl.u32 s12, $0x1D;
	[tilespmem:s2+$0x10340] =	vst v1  }
0x1fb: {  	s15 =	sadd.s32 s13, s12;
	v1 =	vld [tilespmem:s11+$0x8210]  }
0x1fc: {  	s11 =	sand.u32 $0x7FFFF8, s15  }
0x1fd: {  	v56 =	vsel vm7, $0x0, v0;
	s11 =	ssub.s32 s12, s11  }
0x1fe: {  	v2 =	vxor.u32 $0x80000000, v56;
	s11 =	sshll.u32 s11, $0x9  }
0x1ff: {  	(xrf0) =	vmax.scan.msk.u32 $0xffff, v2;
	s11 =	sshra.s32 s11, $0x2  }
0x200: {  	s11 =	sadd.s32 s11, s9;
	[tilespmem:s2+$0x10350] =	vst v1  }
0x201: {  	v1 =	vld [tilespmem:s11+$0x2200];
	_ =	sdelay $0x3  }
0x202: {  	v2, _, _ =	vpop (xrf0)  }
0x203: {  	(v2sf) =	vpush v2, $0xF;
	[tilespmem:s2+$0x10380] =	vst v1  }
0x204: {  	v1 =	vld [tilespmem:s11+$0x2210];
	_ =	sdelay $0x4  }
0x205: {  	[tilespmem:s2+$0x10390] =	vst v1  }
0x206: {  	v1 =	vld [tilespmem:s11+$0x2220];
	_ =	sdelay $0x4  }
0x207: {  	[tilespmem:s2+$0x103A0] =	vst v1  }
0x208: {  	v1 =	vld [tilespmem:s11+$0x2230];
	_ =	sdelay $0x1  }
0x209: {  	s16 =	spop (v2sf);
	s5 =	sshll.u32 s24, $0x5;
	s12 =	sshll.u32 s12, $0xF  }
0x20a: {  	p5 =	sgt.s32 s16, $0xFFFFFFFF;
	s12 =	ssub.s32 s5, s12  }
0x20b: {  	s17 =	sxor.u32 $0x80000000, s16;
	s5 =	sand.u32 $0x60, s5;
	s12 =	sand.u32 $0xFFFFFF80, s12  }
0x20c: {  	p4 =	slt.s32 s17, $0x1;
	s18 =	sand.u32 $0x3FF, s16;
	s5 =	sor.u32 s5, s12;
	[tilespmem:s2+$0x103B0] =	vst v1  }
0x20d: {  	p6 =	sne.s32 s18, $0x0;
	p0 =	por p5, p4;
	s19 =	sshra.s32 s17, $0x1F;
	v1 =	vld [tilespmem:s5+$0x8200]  }
0x20e: {  	p0 =	por !p6, !p0;
	s12 =	sshrl.u32 s19, $0x16  }
0x20f: {  	p0 =	por !p0, !p0;
	s13 =	simm.s32 $0x1;
	s12 =	sadd.s32 s12, s17  }
0x210: {  	s13 =	simm.s32 @!p0 $0x0;
	s12 =	sshra.s32 s12, $0xA  }
0x211: {  	s12 =	ssub.s32 s12, s13  }
0x212: {  	s13 =	sshrl.u32 s12, $0x1D;
	[tilespmem:s2+$0x103C0] =	vst v1  }
0x213: {  	s20 =	sadd.s32 s13, s12;
	v1 =	vld [tilespmem:s5+$0x8210]  }
0x214: {  	s5 =	sand.u32 $0x7FFFF8, s20  }
0x215: {  	v57 =	vsel vm8, $0x0, v0;
	s5 =	ssub.s32 s12, s5  }
0x216: {  	v2 =	vxor.u32 $0x80000000, v57;
	s5 =	sshll.u32 s5, $0x9  }
0x217: {  	(xrf0) =	vmax.scan.msk.u32 $0xffff, v2;
	s5 =	sshra.s32 s5, $0x2  }
0x218: {  	s5 =	sadd.s32 s5, s9;
	[tilespmem:s2+$0x103D0] =	vst v1  }
0x219: {  	v1 =	vld [tilespmem:s5+$0x2600];
	_ =	sdelay $0x3  }
0x21a: {  	v2, _, _ =	vpop (xrf0)  }
0x21b: {  	(v2sf) =	vpush v2, $0xF;
	[tilespmem:s2+$0x10400] =	vst v1  }
0x21c: {  	v1 =	vld [tilespmem:s5+$0x2610];
	_ =	sdelay $0x4  }
0x21d: {  	[tilespmem:s2+$0x10410] =	vst v1  }
0x21e: {  	v1 =	vld [tilespmem:s5+$0x2620];
	_ =	sdelay $0x4  }
0x21f: {  	[tilespmem:s2+$0x10420] =	vst v1  }
0x220: {  	v1 =	vld [tilespmem:s5+$0x2630];
	_ =	sdelay $0x1  }
0x221: {  	s21 =	spop (v2sf);
	s11 =	sshll.u32 s16, $0x5;
	s12 =	sshll.u32 s12, $0xF  }
0x222: {  	p2 =	sgt.s32 s21, $0xFFFFFFFF;
	s12 =	ssub.s32 s11, s12  }
0x223: {  	s22 =	sxor.u32 $0x80000000, s21;
	s11 =	sand.u32 $0x60, s11;
	s12 =	sand.u32 $0xFFFFFF80, s12  }
0x224: {  	p1 =	slt.s32 s22, $0x1;
	s23 =	sand.u32 $0x3FF, s21;
	s11 =	sor.u32 s11, s12;
	[tilespmem:s2+$0x10430] =	vst v1  }
0x225: {  	p3 =	sne.s32 s23, $0x0;
	p0 =	por p2, p1;
	s24 =	sshra.s32 s22, $0x1F;
	v1 =	vld [tilespmem:s11+$0x8200]  }
0x226: {  	p0 =	por !p3, !p0;
	s12 =	sshrl.u32 s24, $0x16  }
0x227: {  	p0 =	por !p0, !p0;
	s13 =	simm.s32 $0x1;
	s12 =	sadd.s32 s12, s22  }
0x228: {  	s13 =	simm.s32 @!p0 $0x0;
	s12 =	sshra.s32 s12, $0xA  }
0x229: {  	s12 =	ssub.s32 s12, s13  }
0x22a: {  	s13 =	sshrl.u32 s12, $0x1D;
	[tilespmem:s2+$0x10440] =	vst v1  }
0x22b: {  	s25 =	sadd.s32 s13, s12;
	v1 =	vld [tilespmem:s11+$0x8210]  }
0x22c: {  	s11 =	sand.u32 $0x7FFFF8, s25  }
0x22d: {  	v58 =	vsel vm9, $0x0, v0;
	s11 =	ssub.s32 s12, s11  }
0x22e: {  	v2 =	vxor.u32 $0x80000000, v58;
	s11 =	sshll.u32 s11, $0x9  }
0x22f: {  	(xrf0) =	vmax.scan.msk.u32 $0xffff, v2;
	s11 =	sshra.s32 s11, $0x2  }
0x230: {  	s11 =	sadd.s32 s11, s9;
	[tilespmem:s2+$0x10450] =	vst v1  }
0x231: {  	v1 =	vld [tilespmem:s11+$0x2A00];
	_ =	sdelay $0x3  }
0x232: {  	v2, _, _ =	vpop (xrf0)  }
0x233: {  	(v2sf) =	vpush v2, $0xF;
	[tilespmem:s2+$0x10480] =	vst v1  }
0x234: {  	v1 =	vld [tilespmem:s11+$0x2A10];
	_ =	sdelay $0x4  }
0x235: {  	[tilespmem:s2+$0x10490] =	vst v1  }
0x236: {  	v1 =	vld [tilespmem:s11+$0x2A20];
	_ =	sdelay $0x4  }
0x237: {  	[tilespmem:s2+$0x104A0] =	vst v1  }
0x238: {  	v1 =	vld [tilespmem:s11+$0x2A30];
	_ =	sdelay $0x1  }
0x239: {  	s26 =	spop (v2sf);
	s5 =	sshll.u32 s21, $0x5;
	s12 =	sshll.u32 s12, $0xF  }
0x23a: {  	p5 =	sgt.s32 s26, $0xFFFFFFFF;
	s12 =	ssub.s32 s5, s12  }
0x23b: {  	s14 =	sxor.u32 $0x80000000, s26;
	s5 =	sand.u32 $0x60, s5;
	s12 =	sand.u32 $0xFFFFFF80, s12  }
0x23c: {  	p4 =	slt.s32 s14, $0x1;
	s15 =	sand.u32 $0x3FF, s26;
	s5 =	sor.u32 s5, s12;
	[tilespmem:s2+$0x104B0] =	vst v1  }
0x23d: {  	p6 =	sne.s32 s15, $0x0;
	p0 =	por p5, p4;
	s16 =	sshra.s32 s14, $0x1F;
	v1 =	vld [tilespmem:s5+$0x8200]  }
0x23e: {  	p0 =	por !p6, !p0;
	s12 =	sshrl.u32 s16, $0x16  }
0x23f: {  	p0 =	por !p0, !p0;
	s13 =	simm.s32 $0x1;
	s12 =	sadd.s32 s12, s14  }
0x240: {  	s13 =	simm.s32 @!p0 $0x0;
	s12 =	sshra.s32 s12, $0xA  }
0x241: {  	s12 =	ssub.s32 s12, s13  }
0x242: {  	s13 =	sshrl.u32 s12, $0x1D;
	[tilespmem:s2+$0x104C0] =	vst v1  }
0x243: {  	s17 =	sadd.s32 s13, s12;
	v1 =	vld [tilespmem:s5+$0x8210]  }
0x244: {  	s5 =	sand.u32 $0x7FFFF8, s17  }
0x245: {  	v59 =	vsel vm10, $0x0, v0;
	s5 =	ssub.s32 s12, s5  }
0x246: {  	v2 =	vxor.u32 $0x80000000, v59;
	s5 =	sshll.u32 s5, $0x9  }
0x247: {  	(xrf0) =	vmax.scan.msk.u32 $0xffff, v2;
	s5 =	sshra.s32 s5, $0x2  }
0x248: {  	s5 =	sadd.s32 s5, s9;
	[tilespmem:s2+$0x104D0] =	vst v1  }
0x249: {  	v1 =	vld [tilespmem:s5+$0x2E00];
	_ =	sdelay $0x3  }
0x24a: {  	v2, _, _ =	vpop (xrf0)  }
0x24b: {  	(v2sf) =	vpush v2, $0xF;
	[tilespmem:s2+$0x10500] =	vst v1  }
0x24c: {  	v1 =	vld [tilespmem:s5+$0x2E10];
	_ =	sdelay $0x4  }
0x24d: {  	[tilespmem:s2+$0x10510] =	vst v1  }
0x24e: {  	v1 =	vld [tilespmem:s5+$0x2E20];
	_ =	sdelay $0x4  }
0x24f: {  	[tilespmem:s2+$0x10520] =	vst v1  }
0x250: {  	v1 =	vld [tilespmem:s5+$0x2E30];
	_ =	sdelay $0x1  }
0x251: {  	s18 =	spop (v2sf);
	s11 =	sshll.u32 s26, $0x5;
	s12 =	sshll.u32 s12, $0xF  }
0x252: {  	p2 =	sgt.s32 s18, $0xFFFFFFFF;
	s12 =	ssub.s32 s11, s12  }
0x253: {  	s19 =	sxor.u32 $0x80000000, s18;
	s11 =	sand.u32 $0x60, s11;
	s12 =	sand.u32 $0xFFFFFF80, s12  }
0x254: {  	p1 =	slt.s32 s19, $0x1;
	s20 =	sand.u32 $0x3FF, s18;
	s11 =	sor.u32 s11, s12;
	[tilespmem:s2+$0x10530] =	vst v1  }
0x255: {  	p3 =	sne.s32 s20, $0x0;
	p0 =	por p2, p1;
	s21 =	sshra.s32 s19, $0x1F;
	v1 =	vld [tilespmem:s11+$0x8200]  }
0x256: {  	p0 =	por !p3, !p0;
	s12 =	sshrl.u32 s21, $0x16  }
0x257: {  	p0 =	por !p0, !p0;
	s13 =	simm.s32 $0x1;
	s12 =	sadd.s32 s12, s19  }
0x258: {  	s13 =	simm.s32 @!p0 $0x0;
	s12 =	sshra.s32 s12, $0xA  }
0x259: {  	s12 =	ssub.s32 s12, s13  }
0x25a: {  	s13 =	sshrl.u32 s12, $0x1D;
	[tilespmem:s2+$0x10540] =	vst v1  }
0x25b: {  	s22 =	sadd.s32 s13, s12;
	v1 =	vld [tilespmem:s11+$0x8210]  }
0x25c: {  	s11 =	sand.u32 $0x7FFFF8, s22  }
0x25d: {  	v60 =	vsel vm11, $0x0, v0;
	s11 =	ssub.s32 s12, s11  }
0x25e: {  	v2 =	vxor.u32 $0x80000000, v60;
	s11 =	sshll.u32 s11, $0x9  }
0x25f: {  	(xrf0) =	vmax.scan.msk.u32 $0xffff, v2;
	s11 =	sshra.s32 s11, $0x2  }
0x260: {  	s11 =	sadd.s32 s11, s9;
	[tilespmem:s2+$0x10550] =	vst v1  }
0x261: {  	v1 =	vld [tilespmem:s11+$0x3200];
	_ =	sdelay $0x3  }
0x262: {  	v2, _, _ =	vpop (xrf0)  }
0x263: {  	(v2sf) =	vpush v2, $0xF;
	[tilespmem:s2+$0x10580] =	vst v1  }
0x264: {  	v1 =	vld [tilespmem:s11+$0x3210];
	_ =	sdelay $0x4  }
0x265: {  	[tilespmem:s2+$0x10590] =	vst v1  }
0x266: {  	v1 =	vld [tilespmem:s11+$0x3220];
	_ =	sdelay $0x4  }
0x267: {  	[tilespmem:s2+$0x105A0] =	vst v1  }
0x268: {  	v1 =	vld [tilespmem:s11+$0x3230];
	_ =	sdelay $0x1  }
0x269: {  	s23 =	spop (v2sf);
	s5 =	sshll.u32 s18, $0x5;
	s12 =	sshll.u32 s12, $0xF  }
0x26a: {  	p5 =	sgt.s32 s23, $0xFFFFFFFF;
	s12 =	ssub.s32 s5, s12  }
0x26b: {  	s24 =	sxor.u32 $0x80000000, s23;
	s5 =	sand.u32 $0x60, s5;
	s12 =	sand.u32 $0xFFFFFF80, s12  }
0x26c: {  	p4 =	slt.s32 s24, $0x1;
	s25 =	sand.u32 $0x3FF, s23;
	s5 =	sor.u32 s5, s12;
	[tilespmem:s2+$0x105B0] =	vst v1  }
0x26d: {  	p6 =	sne.s32 s25, $0x0;
	p0 =	por p5, p4;
	s26 =	sshra.s32 s24, $0x1F;
	v1 =	vld [tilespmem:s5+$0x8200]  }
0x26e: {  	p0 =	por !p6, !p0;
	s12 =	sshrl.u32 s26, $0x16  }
0x26f: {  	p0 =	por !p0, !p0;
	s13 =	simm.s32 $0x1;
	s12 =	sadd.s32 s12, s24  }
0x270: {  	s13 =	simm.s32 @!p0 $0x0;
	s12 =	sshra.s32 s12, $0xA  }
0x271: {  	s12 =	ssub.s32 s12, s13  }
0x272: {  	s13 =	sshrl.u32 s12, $0x1D;
	[tilespmem:s2+$0x105C0] =	vst v1  }
0x273: {  	s14 =	sadd.s32 s13, s12;
	v1 =	vld [tilespmem:s5+$0x8210]  }
0x274: {  	s5 =	sand.u32 $0x7FFFF8, s14  }
0x275: {  	v61 =	vsel vm12, $0x0, v0;
	s5 =	ssub.s32 s12, s5  }
0x276: {  	v2 =	vxor.u32 $0x80000000, v61;
	s5 =	sshll.u32 s5, $0x9  }
0x277: {  	(xrf0) =	vmax.scan.msk.u32 $0xffff, v2;
	s5 =	sshra.s32 s5, $0x2  }
0x278: {  	s5 =	sadd.s32 s5, s9;
	[tilespmem:s2+$0x105D0] =	vst v1  }
0x279: {  	v1 =	vld [tilespmem:s5+$0x3600];
	_ =	sdelay $0x3  }
0x27a: {  	v2, _, _ =	vpop (xrf0)  }
0x27b: {  	(v2sf) =	vpush v2, $0xF;
	[tilespmem:s2+$0x10600] =	vst v1  }
0x27c: {  	v1 =	vld [tilespmem:s5+$0x3610];
	_ =	sdelay $0x4  }
0x27d: {  	[tilespmem:s2+$0x10610] =	vst v1  }
0x27e: {  	v1 =	vld [tilespmem:s5+$0x3620];
	_ =	sdelay $0x4  }
0x27f: {  	[tilespmem:s2+$0x10620] =	vst v1  }
0x280: {  	v1 =	vld [tilespmem:s5+$0x3630];
	_ =	sdelay $0x1  }
0x281: {  	s15 =	spop (v2sf);
	s11 =	sshll.u32 s23, $0x5;
	s12 =	sshll.u32 s12, $0xF  }
0x282: {  	p2 =	sgt.s32 s15, $0xFFFFFFFF;
	s12 =	ssub.s32 s11, s12  }
0x283: {  	s16 =	sxor.u32 $0x80000000, s15;
	s11 =	sand.u32 $0x60, s11;
	s12 =	sand.u32 $0xFFFFFF80, s12  }
0x284: {  	p1 =	slt.s32 s16, $0x1;
	s17 =	sand.u32 $0x3FF, s15;
	s11 =	sor.u32 s11, s12;
	[tilespmem:s2+$0x10630] =	vst v1  }
0x285: {  	p3 =	sne.s32 s17, $0x0;
	p0 =	por p2, p1;
	s18 =	sshra.s32 s16, $0x1F;
	v1 =	vld [tilespmem:s11+$0x8200]  }
0x286: {  	p0 =	por !p3, !p0;
	s12 =	sshrl.u32 s18, $0x16  }
0x287: {  	p0 =	por !p0, !p0;
	s13 =	simm.s32 $0x1;
	s12 =	sadd.s32 s12, s16  }
0x288: {  	s13 =	simm.s32 @!p0 $0x0;
	s12 =	sshra.s32 s12, $0xA  }
0x289: {  	s12 =	ssub.s32 s12, s13  }
0x28a: {  	s13 =	sshrl.u32 s12, $0x1D;
	[tilespmem:s2+$0x10640] =	vst v1  }
0x28b: {  	s19 =	sadd.s32 s13, s12;
	v1 =	vld [tilespmem:s11+$0x8210]  }
0x28c: {  	s11 =	sand.u32 $0x7FFFF8, s19  }
0x28d: {  	v0 =	vsel vm13, $0x0, v0;
	s11 =	ssub.s32 s12, s11  }
0x28e: {  	v0 =	vxor.u32 $0x80000000, v0;
	s11 =	sshll.u32 s11, $0x9  }
0x28f: {  	(xrf0) =	vmax.scan.msk.u32 $0xffff, v0;
	s11 =	sshra.s32 s11, $0x2  }
0x290: {  	s11 =	sadd.s32 s11, s9;
	[tilespmem:s2+$0x10650] =	vst v1  }
0x291: {  	v62 =	vld [tilespmem:s11+$0x3A00];
	_ =	sdelay $0x3  }
0x292: {  	v63, _, _ =	vpop (xrf0)  }
0x293: {  	(v2sf) =	vpush v63, $0xF;
	[tilespmem:s2+$0x10680] =	vst v62  }
0x294: {  	v0 =	vld [tilespmem:s11+$0x3A10];
	_ =	sdelay $0x4  }
0x295: {  	[tilespmem:s2+$0x10690] =	vst v0  }
0x296: {  	v0 =	vld [tilespmem:s11+$0x3A20];
	_ =	sdelay $0x4  }
0x297: {  	[tilespmem:s2+$0x106A0] =	vst v0  }
0x298: {  	v0 =	vld [tilespmem:s11+$0x3A30];
	_ =	sdelay $0x1  }
0x299: {  	s20 =	spop (v2sf);
	s5 =	sshll.u32 s15, $0x5;
	s12 =	sshll.u32 s12, $0xF  }
0x29a: {  	p5 =	sgt.s32 s20, $0xFFFFFFFF;
	s12 =	ssub.s32 s5, s12  }
0x29b: {  	s21 =	sxor.u32 $0x80000000, s20;
	s5 =	sand.u32 $0x60, s5;
	s12 =	sand.u32 $0xFFFFFF80, s12  }
0x29c: {  	p4 =	slt.s32 s21, $0x1;
	s22 =	sand.u32 $0x3FF, s20;
	s5 =	sor.u32 s5, s12;
	[tilespmem:s2+$0x106B0] =	vst v0  }
0x29d: {  	p6 =	sne.s32 s22, $0x0;
	p0 =	por p5, p4;
	s23 =	sshra.s32 s21, $0x1F;
	v0 =	vld [tilespmem:s5+$0x8200]  }
0x29e: {  	p0 =	por !p6, !p0;
	s12 =	sshrl.u32 s23, $0x16  }
0x29f: {  	p0 =	por !p0, !p0;
	s13 =	simm.s32 $0x1;
	s12 =	sadd.s32 s12, s21  }
0x2a0: {  	s13 =	simm.s32 @!p0 $0x0;
	s12 =	sshra.s32 s12, $0xA  }
0x2a1: {  	s12 =	ssub.s32 s12, s13  }
0x2a2: {  	s13 =	sshrl.u32 s12, $0x1D;
	[tilespmem:s2+$0x106C0] =	vst v0  }
0x2a3: {  	s24 =	sadd.s32 s13, s12;
	v0 =	vld [tilespmem:s5+$0x8210]  }
0x2a4: {  	s5 =	sand.u32 $0x7FFFF8, s24  }
0x2a5: {  	s5 =	ssub.s32 s12, s5  }
0x2a6: {  	s5 =	sshll.u32 s5, $0x9  }
0x2a7: {  	s5 =	sshra.s32 s5, $0x2  }
0x2a8: {  	s5 =	sadd.s32 s5, s9;
	[tilespmem:s2+$0x106D0] =	vst v0  }
0x2a9: {  	v0 =	vld [tilespmem:s5+$0x3E00];
	_ =	sdelay $0x4  }
0x2aa: {  	[tilespmem:s2+$0x10700] =	vst v0  }
0x2ab: {  	v0 =	vld [tilespmem:s5+$0x3E10];
	_ =	sdelay $0x4  }
0x2ac: {  	[tilespmem:s2+$0x10710] =	vst v0  }
0x2ad: {  	v0 =	vld [tilespmem:s5+$0x3E20];
	_ =	sdelay $0x4  }
0x2ae: {  	[tilespmem:s2+$0x10720] =	vst v0  }
0x2af: {  	v0 =	vld [tilespmem:s5+$0x3E30];
	_ =	sdelay $0x1  }
0x2b0: {  	s26 =	sshll.u32 s20, $0x5;
	s25 =	sshll.u32 s12, $0xF  }
0x2b1: {  	s5 =	ssub.s32 s26, s25  }
0x2b2: {  	s9 =	sand.u32 $0x60, s26;
	s5 =	sand.u32 $0xFFFFFF80, s5  }
0x2b3: {  	s5 =	sor.u32 s9, s5;
	[tilespmem:s2+$0x10730] =	vst v0  }
0x2b4: {  	v0 =	vld [tilespmem:s5+$0x8200];
	_ =	sdelay $0x4  }
0x2b5: {  	[tilespmem:s2+$0x10740] =	vst v0  }
0x2b6: {  	v0 =	vld [tilespmem:s5+$0x8210];
	_ =	sdelay $0x2  }
0x2b7: {  	p0 =	sne.s32 s1, $0x7  }
0x2b8: {  	s1 =	sand.u32 @!p0 $0x1800, s31  }
0x2b9: {  	s1 =	sadd.s32 @!p0 s1, s6;
	s5 =	simm.s32 @!p0 $0xFF80;
	[tilespmem:s2+$0x10750] =	vst v0;
	s2 =	simm.s32 @!p0 $0x0  }
0x2ba: {  	[hbm4b:s1+s2] =	stream.linear.scatter @!p0 [tilespmem:s5], [sflag:$0x2], $0x4000, $0x38;
	[tilespmem:$0x13F80] =	vst v63  }
0x2bb: {  	s1 =	simm.s32 @!p0 $0x2  }
0x2bc: {  	_ =	swait.ge @!p0 [sflag:s1], $0x4000  }
0x2bd: {  	s29 =	sadd.s32 $0x4000, s29;
	[sflag:s1] =	ssyncset.done @!p0 $0x0  }
0x2be: {  	[sflag:s1] =	ssyncadd.s32 @!p0 $0xFFFFC000;
	p0 =	sne.s32 s29, $0x84000  }
.Ltmp3:
0x2bf: {  	_ = 	snop;
	(pc) =	sbr.rel @!p0 .LBB2_5-.Ltmp3, $2  }
0x2c0: {  	_ =	sdelay $0x2  }
0x2c1: {  	s30 =	sadd.s32 $0x10, s30;
	s0 =	sadd.s32 $0x1, s0;
	s31 =	sadd.s32 $0x100, s31  }
.LBB2_2:
0x2c2: {  	p0 =	seq.s32 s29, $0x80000  }
.Ltmp4:
0x2c3: {  	_ = 	snop;
	(pc) =	sbr.rel @p0 .LBB2_4-.Ltmp4, $1  }
0x2c4: {  	_ =	sdelay $0x3  }
0x2c5: {  	v0 =	vld [tilespmem:s30+$0x0];
	_ =	sdelay $0x4  }
0x2c6: {  	v1 =	vsel vm0, $0x0, v0  }
0x2c7: {  	v2 =	vsel vm1, $0x0, v0;
	v1 =	vxor.u32 $0x80000000, v1  }
0x2c8: {  	v24 =	vxor.u32 $0x80000000, v2;
	(xrf0) =	vmax.scan.msk.u32 $0xffff, v1  }
0x2c9: {  	(xrf0) =	vmax.scan.msk.u32 $0xffff, v24  }
0x2ca: {  	v25 =	vsel vm2, $0x0, v0  }
0x2cb: {  	v27 =	vsel vm3, $0x0, v0;
	v26 =	vxor.u32 $0x80000000, v25  }
0x2cc: {  	v29 =	vsel vm4, $0x0, v0;
	v28 =	vxor.u32 $0x80000000, v27;
	(xrf0) =	vmax.scan.msk.u32 $0xffff, v26  }
0x2cd: {  	v31 =	vsel vm5, $0x0, v0;
	v30 =	vxor.u32 $0x80000000, v29;
	(xrf0) =	vmax.scan.msk.u32 $0xffff, v28  }
0x2ce: {  	v33 =	vsel vm6, $0x0, v0;
	v32 =	vxor.u32 $0x80000000, v31;
	(xrf0) =	vmax.scan.msk.u32 $0xffff, v30;
	v3, _, _ =	vpop (xrf0)  }
0x2cf: {  	v35 =	vsel vm7, $0x0, v0;
	v34 =	vxor.u32 $0x80000000, v33;
	(xrf0) =	vmax.scan.msk.u32 $0xffff, v32;
	(v2sf) =	vpush v3, $0xF;
	v38, _, _ =	vpop (xrf0)  }
0x2d0: {  	v37 =	vsel vm8, $0x0, v0;
	v36 =	vxor.u32 $0x80000000, v35;
	(xrf0) =	vmax.scan.msk.u32 $0xffff, v34;
	(v2sf) =	vpush v38, $0xF  }
0x2d1: {  	v40 =	vsel vm9, $0x0, v0;
	v39 =	vxor.u32 $0x80000000, v37;
	(xrf0) =	vmax.scan.msk.u32 $0xffff, v36  }
0x2d2: {  	v43 =	vsel vm10, $0x0, v0;
	v42 =	vxor.u32 $0x80000000, v40;
	v41, _, _ =	vpop (xrf0);
	(xrf0) =	vmax.scan.msk.u32 $0xffff, v39  }
0x2d3: {  	v46 =	vsel vm11, $0x0, v0;
	v45 =	vxor.u32 $0x80000000, v43;
	(v2sf) =	vpush v41, $0xF;
	v44, _, _ =	vpop (xrf0);
	(xrf0) =	vmax.scan.msk.u32 $0xffff, v42  }
0x2d4: {  	v51 =	vsel vm12, $0x0, v0;
	v48 =	vxor.u32 $0x80000000, v46;
	(v2sf) =	vpush v44, $0xF;
	v47, _, _ =	vpop (xrf0);
	(xrf0) =	vmax.scan.msk.u32 $0xffff, v45  }
0x2d5: {  	v56 =	vsel vm13, $0x0, v0;
	v53 =	vxor.u32 $0x80000000, v51;
	(v2sf) =	vpush v47, $0xF;
	v49, _, _ =	vpop (xrf0);
	(xrf0) =	vmax.scan.msk.u32 $0xffff, v48  }
0x2d6: {  	v59 =	vnsel vm14, $0x0, v0;
	v2 =	vxor.u32 $0x80000000, v56;
	v50, _, _ =	vpop (xrf0);
	(v2sf) =	vpush v49, $0xF;
	(xrf0) =	vmax.scan.msk.u32 $0xffff, v53  }
0x2d7: {  	v60 =	vxor.u32 $0x80000000, v59;
	v52, _, _ =	vpop (xrf0);
	(v2sf) =	vpush v50, $0xF;
	(xrf0) =	vmax.scan.msk.u32 $0xffff, v2  }
0x2d8: {  	(v2sf) =	vpush v52, $0xF;
	v54, _, _ =	vpop (xrf0);
	(xrf0) =	vmax.scan.msk.u32 $0xffff, v60  }
0x2d9: {  	v55, _, _ =	vpop (xrf0);
	(v2sf) =	vpush v54, $0xF  }
0x2da: {  	(v2sf) =	vpush v55, $0xF;
	v57, _, _ =	vpop (xrf0)  }
0x2db: {  	(v2sf) =	vpush v57, $0xF;
	v58, _, _ =	vpop (xrf0)  }
0x2dc: {  	(v2sf) =	vpush v58, $0xF;
	v61, _, _ =	vpop (xrf0)  }
0x2dd: {  	(v2sf) =	vpush v61, $0xF;
	v62, _, _ =	vpop (xrf0)  }
0x2de: {  	v63, _, _ =	vpop (xrf0);
	s1 =	spop (v2sf);
	(v2sf) =	vpush v62, $0xF  }
0x2df: {  	s21 =	spop (v2sf);
	(v2sf) =	vpush v63, $0xF;
	_ =	sdelay $0x2  }
0x2e0: {  	s20 =	sxor.u32 $0x80000000, s1;
	s2 =	spop (v2sf)  }
0x2e1: {  	p1 =	sgt.s32 s1, $0xFFFFFFFF;
	s1 =	sand.u32 $0x3FF, s1;
	s19 =	spop (v2sf)  }
0x2e2: {  	s9 =	sshra.s32 s20, $0x1F;
	p0 =	slt.s32 s20, $0x1;
	s18 =	spop (v2sf)  }
0x2e3: {  	p4 =	sne.s32 s1, $0x0;
	s5 =	sxor.u32 $0x80000000, s21;
	s17 =	spop (v2sf)  }
0x2e4: {  	v0 =	vsel vm15, $0x0, v0;
	p6 =	sgt.s32 s21, $0xFFFFFFFF;
	s21 =	sand.u32 $0x3FF, s21;
	s16 =	spop (v2sf)  }
0x2e5: {  	v0 =	vxor.u32 $0x80000000, v0;
	s22 =	sshrl.u32 s9, $0x16;
	p0 =	por p1, p0;
	s15 =	spop (v2sf)  }
0x2e6: {  	(xrf0) =	vmax.scan.msk.u32 $0xffff, v0;
	s24 =	sshra.s32 s5, $0x1F;
	p5 =	slt.s32 s5, $0x1;
	s14 =	spop (v2sf)  }
0x2e7: {  	p2 =	sne.s32 s21, $0x0;
	s26 =	sadd.s32 s22, s20;
	s13 =	spop (v2sf)  }
0x2e8: {  	p0 =	por !p4, !p0;
	s20 =	simm.s32 $0x1;
	s12 =	spop (v2sf)  }
0x2e9: {  	s25 =	sshrl.u32 s24, $0x16;
	s24 =	simm.s32 $0x1;
	s11 =	spop (v2sf)  }
0x2ea: {  	p0 =	por !p0, !p0;
	s23 =	sshra.s32 s26, $0xA;
	s9 =	spop (v2sf)  }
0x2eb: {  	s22 =	sadd.s32 s25, s5;
	s20 =	simm.s32 @!p0 $0x0;
	s1 =	spop (v2sf)  }
0x2ec: {  	v0, _, _ =	vpop (xrf0);
	p0 =	por p6, p5;
	s22 =	sshra.s32 s22, $0xA;
	s26 =	spop (v2sf)  }
0x2ed: {  	s20 =	ssub.s32 s23, s20;
	p0 =	por !p2, !p0;
	(v2sf) =	vpush v0, $0xF;
	s5 =	sxor.u32 $0x80000000, s26  }
0x2ee: {  	p3 =	sgt.s32 s26, $0xFFFFFFFF;
	s21 =	sand.u32 $0x3FF, s26;
	p2 =	slt.s32 s5, $0x1  }
0x2ef: {  	s25 =	sshra.s32 s5, $0x1F;
	p4 =	sne.s32 s21, $0x0;
	p1 =	por p3, p2  }
0x2f0: {  	s23 =	simm.s32 $0x1;
	s26 =	sshrl.u32 s25, $0x16;
	p1 =	por !p4, !p1  }
0x2f1: {  	p0 =	por !p0, !p0;
	s21 =	sadd.s32 s26, s5;
	p1 =	por !p1, !p1  }
0x2f2: {  	s24 =	simm.s32 @!p0 $0x0;
	s21 =	sshra.s32 s21, $0xA;
	s23 =	simm.s32 @!p1 $0x0  }
0x2f3: {  	p3 =	sgt.s32 s2, $0xFFFFFFFF;
	s23 =	ssub.s32 s21, s23;
	s21 =	ssub.s32 s22, s24  }
0x2f4: {  	s22 =	sxor.u32 $0x80000000, s2;
	s2 =	sand.u32 $0x3FF, s2;
	s5 =	sand.u32 $0x7, s23  }
0x2f5: {  	s25 =	sshra.s32 s22, $0x1F;
	p5 =	slt.s32 s23, $0x1;
	p2 =	slt.s32 s22, $0x1  }
0x2f6: {  	p4 =	sne.s32 s2, $0x0;
	s2 =	sand.u32 $0x4000, s29;
	p6 =	sne.s32 s5, $0x0  }
0x2f7: {  	s26 =	sshrl.u32 s25, $0x16;
	s5 =	sshrl.u32 s23, $0x1D;
	p0 =	por !p5, !p6  }
0x2f8: {  	s25 =	simm.s32 $0x1;
	s23 =	sadd.s32 s5, s23;
	p0 =	por !p0, !p0  }
0x2f9: {  	s24 =	sadd.s32 s26, s22;
	s23 =	sshrl.u32 s23, $0x3;
	s25 =	simm.s32 @!p0 $0x0  }
0x2fa: {  	s24 =	sshra.s32 s24, $0xA;
	p0 =	por p3, p2;
	s23 =	ssub.s32 s23, s25  }
0x2fb: {  	p0 =	por !p4, !p0;
	s25 =	sor.u32 $0x200, s2;
	p4 =	sgt.s32 s19, $0xFFFFFFFF  }
0x2fc: {  	s22 =	sshll.u32 s23, $0x7;
	p0 =	por !p0, !p0;
	s26 =	spop (v2sf)  }
0x2fd: {  	s22 =	sand.u32 $0x1FFFFF80, s22;
	s5 =	sxor.u32 $0x80000000, s26;
	p5 =	sgt.s32 s26, $0xFFFFFFFF  }
0x2fe: {  	s23 =	sand.u32 $0x3FF, s26;
	s22 =	sadd.s32 s4, s22;
	p6 =	slt.s32 s5, $0x1  }
0x2ff: {  	s26 =	sshra.s32 s5, $0x1F;
	p2 =	sne.s32 s23, $0x0;
	s23 =	sxor.u32 $0x80000000, s19  }
0x300: {  	[tilespmem:s25], [sflag:$0x1] =	stream.linear.gather [hbm4b:s22+s3], $0x400, $0x38;
	[tilespmem:$0x13F80] =	vst v63  }
0x301: {  	s19 =	sand.u32 $0x3FF, s19;
	s22 =	simm.s32 $0x1;
	s26 =	sshrl.u32 s26, $0x16  }
0x302: {  	p3 =	slt.s32 s23, $0x1;
	s22 =	simm.s32 @!p0 $0x0;
	p0 =	por p5, p6  }
0x303: {  	s25 =	sadd.s32 s26, s5;
	s26 =	simm.s32 $0x1;
	s5 =	sshra.s32 s23, $0x1F  }
0x304: {  	p0 =	por !p2, !p0;
	s25 =	sshra.s32 s25, $0xA;
	s5 =	sshrl.u32 s5, $0x16  }
0x305: {  	s22 =	ssub.s32 s24, s22;
	p0 =	por !p0, !p0;
	s5 =	sadd.s32 s5, s23  }
0x306: {  	s23 =	simm.s32 $0x1;
	s26 =	simm.s32 @!p0 $0x0;
	p0 =	por p4, p3  }
0x307: {  	p3 =	sne.s32 s19, $0x0;
	s5 =	sshra.s32 s5, $0xA;
	s24 =	ssub.s32 s25, s26  }
0x308: {  	p0 =	por !p3, !p0;
	p3 =	sgt.s32 s18, $0xFFFFFFFF;
	s25 =	sand.u32 $0x7, s24  }
0x309: {  	p5 =	slt.s32 s24, $0x1;
	s26 =	sshrl.u32 s24, $0x1D;
	p6 =	sne.s32 s25, $0x0  }
0x30a: {  	p0 =	por !p0, !p0;
	s24 =	sadd.s32 s26, s24;
	p1 =	por !p5, !p6  }
0x30b: {  	s25 =	simm.s32 $0x1;
	s23 =	simm.s32 @!p0 $0x0;
	p1 =	por !p1, !p1  }
0x30c: {  	s26 =	sor.u32 $0x600, s2;
	s24 =	sshrl.u32 s24, $0x3;
	s25 =	simm.s32 @!p1 $0x0  }
0x30d: {  	p5 =	slt.s32 s20, $0x1;
	s19 =	ssub.s32 s24, s25;
	s24 =	sxor.u32 $0x80000000, s18  }
0x30e: {  	s25 =	sand.u32 $0x7, s20;
	s18 =	sand.u32 $0x3FF, s18;
	s19 =	sshll.u32 s19, $0x7  }
0x30f: {  	p4 =	slt.s32 s24, $0x1;
	p6 =	sne.s32 s25, $0x0;
	s25 =	sand.u32 $0x7, s21  }
0x310: {  	s19 =	sand.u32 $0x1FFFFF80, s19;
	p1 =	por !p5, !p6;
	p0 =	por p3, p4  }
0x311: {  	p4 =	sne.s32 s18, $0x0;
	p5 =	slt.s32 s21, $0x1;
	p6 =	sne.s32 s25, $0x0  }
0x312: {  	s25 =	sshrl.u32 s21, $0x1D;
	p3 =	sgt.s32 s17, $0xFFFFFFFF;
	s19 =	sadd.s32 s4, s19  }
0x313: {  	p1 =	por !p1, !p1;
	p0 =	por !p4, !p0;
	s21 =	sadd.s32 s25, s21  }
0x314: {  	[tilespmem:s26], [sflag:$0x1] =	stream.linear.gather [hbm4b:s19+s3], $0x400, $0x38;
	[tilespmem:$0x13F80] =	vst v63  }
0x315: {  	s25 =	sshrl.u32 s22, $0x1D;
	s19 =	ssub.s32 s5, s23;
	s5 =	sshra.s32 s24, $0x1F  }
0x316: {  	s26 =	sshrl.u32 s20, $0x1D;
	s23 =	simm.s32 $0x1;
	p0 =	por !p0, !p0  }
0x317: {  	s21 =	sshrl.u32 s21, $0x3;
	s20 =	sadd.s32 s26, s20;
	s5 =	sshrl.u32 s5, $0x16  }
0x318: {  	s23 =	simm.s32 @!p1 $0x0;
	s20 =	sshrl.u32 s20, $0x3;
	s5 =	sadd.s32 s5, s24  }
0x319: {  	s24 =	sor.u32 $0xA00, s2;
	s23 =	ssub.s32 s20, s23;
	s20 =	simm.s32 $0x1  }
0x31a: {  	s5 =	sshra.s32 s5, $0xA;
	s18 =	sshll.u32 s23, $0x7;
	s20 =	simm.s32 @!p0 $0x0  }
0x31b: {  	s23 =	sxor.u32 $0x80000000, s17;
	p0 =	por !p5, !p6;
	s17 =	sand.u32 $0x3FF, s17  }
0x31c: {  	p5 =	slt.s32 s22, $0x1;
	s18 =	sand.u32 $0x1FFFFF80, s18;
	s26 =	sshra.s32 s23, $0x1F  }
0x31d: {  	p0 =	por !p0, !p0;
	p2 =	slt.s32 s23, $0x1;
	p4 =	sne.s32 s17, $0x0  }
0x31e: {  	s17 =	simm.s32 $0x1;
	s18 =	sadd.s32 s4, s18;
	s26 =	sshrl.u32 s26, $0x16  }
0x31f: {  	[tilespmem:s24], [sflag:$0x1] =	stream.linear.gather [hbm4b:s18+s3], $0x400, $0x38;
	[tilespmem:$0x13F80] =	vst v63  }
0x320: {  	s24 =	simm.s32 $0x1;
	s18 =	ssub.s32 s5, s20;
	s26 =	sadd.s32 s26, s23  }
0x321: {  	s23 =	sor.u32 $0xE00, s2;
	s24 =	simm.s32 @!p0 $0x0;
	p0 =	por p3, p2  }
0x322: {  	s5 =	sshra.s32 s26, $0xA;
	s26 =	sxor.u32 $0x80000000, s16;
	p3 =	sgt.s32 s16, $0xFFFFFFFF  }
0x323: {  	s16 =	sand.u32 $0x3FF, s16;
	s21 =	ssub.s32 s21, s24;
	p0 =	por !p4, !p0  }
0x324: {  	s24 =	sand.u32 $0x7, s22;
	p2 =	slt.s32 s26, $0x1;
	p4 =	slt.s32 s19, $0x1  }
0x325: {  	s20 =	sshll.u32 s21, $0x7;
	p0 =	por !p0, !p0;
	p6 =	sne.s32 s24, $0x0  }
0x326: {  	s21 =	simm.s32 $0x1;
	s24 =	sshra.s32 s26, $0x1F;
	s20 =	sand.u32 $0x1FFFFF80, s20  }
0x327: {  	p1 =	por !p5, !p6;
	s17 =	simm.s32 @!p0 $0x0;
	p0 =	por p3, p2  }
0x328: {  	p6 =	sne.s32 s16, $0x0;
	p3 =	sgt.s32 s15, $0xFFFFFFFF;
	s20 =	sadd.s32 s4, s20  }
0x329: {  	p1 =	por !p1, !p1;
	s17 =	ssub.s32 s5, s17;
	p0 =	por !p6, !p0  }
0x32a: {  	[tilespmem:s23], [sflag:$0x1] =	stream.linear.gather [hbm4b:s20+s3], $0x400, $0x38;
	[tilespmem:$0x13F80] =	vst v63  }
0x32b: {  	s20 =	sadd.s32 s25, s22;
	s21 =	simm.s32 @!p1 $0x0;
	s25 =	sshrl.u32 s24, $0x16  }
0x32c: {  	s22 =	sshrl.u32 s19, $0x1D;
	p0 =	por !p0, !p0;
	s20 =	sshrl.u32 s20, $0x3  }
0x32d: {  	s5 =	sadd.s32 s25, s26;
	s26 =	sor.u32 $0x1200, s2;
	s16 =	sadd.s32 s22, s19  }
0x32e: {  	s22 =	sshrl.u32 s18, $0x1D;
	s20 =	ssub.s32 s20, s21;
	s5 =	sshra.s32 s5, $0xA  }
0x32f: {  	s21 =	sand.u32 $0x7, s19;
	s19 =	simm.s32 $0x1;
	s16 =	sshrl.u32 s16, $0x3  }
0x330: {  	s20 =	sshll.u32 s20, $0x7;
	p5 =	sne.s32 s21, $0x0;
	s21 =	sand.u32 $0x7, s18  }
0x331: {  	s20 =	sand.u32 $0x1FFFFF80, s20;
	p1 =	por !p4, !p5;
	p4 =	slt.s32 s18, $0x1  }
0x332: {  	p5 =	sne.s32 s21, $0x0;
	s20 =	sadd.s32 s4, s20;
	p1 =	por !p1, !p1  }
0x333: {  	[tilespmem:s26], [sflag:$0x1] =	stream.linear.gather [hbm4b:s20+s3], $0x400, $0x38;
	[tilespmem:$0x13F80] =	vst v63  }
0x334: {  	s18 =	sadd.s32 s22, s18;
	s21 =	sshrl.u32 s17, $0x1D;
	s19 =	simm.s32 @!p1 $0x0  }
0x335: {  	s20 =	simm.s32 $0x1;
	s26 =	sor.u32 $0x1600, s2;
	p1 =	por !p4, !p5  }
0x336: {  	p4 =	slt.s32 s17, $0x1;
	s16 =	ssub.s32 s16, s19;
	s20 =	simm.s32 @!p0 $0x0  }
0x337: {  	s19 =	sxor.u32 $0x80000000, s15;
	s15 =	sand.u32 $0x3FF, s15;
	p1 =	por !p1, !p1  }
0x338: {  	s23 =	sshll.u32 s16, $0x7;
	s16 =	ssub.s32 s5, s20;
	s24 =	sshra.s32 s19, $0x1F  }
0x339: {  	p2 =	slt.s32 s19, $0x1;
	p6 =	sne.s32 s15, $0x0;
	s25 =	sand.u32 $0x1FFFFF80, s23  }
0x33a: {  	s5 =	sshrl.u32 s24, $0x16;
	p0 =	por p3, p2;
	s23 =	sshrl.u32 s18, $0x3  }
0x33b: {  	s18 =	simm.s32 $0x1;
	s24 =	sxor.u32 $0x80000000, s14;
	s20 =	sadd.s32 s4, s25  }
0x33c: {  	s5 =	sadd.s32 s5, s19;
	p0 =	por !p6, !p0;
	s25 =	sor.u32 $0x1A00, s2  }
0x33d: {  	p3 =	slt.s32 s24, $0x1;
	p6 =	sgt.s32 s14, $0xFFFFFFFF;
	s14 =	sand.u32 $0x3FF, s14  }
0x33e: {  	[tilespmem:s26], [sflag:$0x1] =	stream.linear.gather [hbm4b:s20+s3], $0x400, $0x38;
	[tilespmem:$0x13F80] =	vst v63  }
0x33f: {  	s19 =	simm.s32 $0x1;
	s20 =	simm.s32 $0x1;
	p0 =	por !p0, !p0  }
0x340: {  	s5 =	sshra.s32 s5, $0xA;
	s26 =	sshra.s32 s24, $0x1F;
	s20 =	simm.s32 @!p1 $0x0  }
0x341: {  	s18 =	simm.s32 @!p0 $0x0;
	p0 =	por p6, p3;
	p3 =	sgt.s32 s13, $0xFFFFFFFF  }
0x342: {  	s15 =	ssub.s32 s23, s20;
	s20 =	sand.u32 $0x7, s17;
	s17 =	sadd.s32 s21, s17  }
0x343: {  	s23 =	sor.u32 $0x1E00, s2;
	s21 =	sor.u32 $0x2200, s2;
	s15 =	sshll.u32 s15, $0x7  }
0x344: {  	p5 =	sne.s32 s20, $0x0;
	s17 =	sshrl.u32 s17, $0x3;
	s20 =	sshrl.u32 s16, $0x1D  }
0x345: {  	s15 =	sand.u32 $0x1FFFFF80, s15;
	p1 =	por !p4, !p5;
	p4 =	sne.s32 s14, $0x0  }
0x346: {  	p5 =	slt.s32 s16, $0x1;
	s15 =	sadd.s32 s4, s15;
	p1 =	por !p1, !p1  }
0x347: {  	[tilespmem:s25], [sflag:$0x1] =	stream.linear.gather [hbm4b:s15+s3], $0x400, $0x38;
	[tilespmem:$0x13F80] =	vst v63  }
0x348: {  	p0 =	por !p4, !p0;
	s15 =	ssub.s32 s5, s18;
	s18 =	simm.s32 $0x1  }
0x349: {  	s5 =	sshrl.u32 s26, $0x16;
	p0 =	por !p0, !p0;
	s25 =	sxor.u32 $0x80000000, s13  }
0x34a: {  	s13 =	sand.u32 $0x3FF, s13;
	s18 =	simm.s32 @!p1 $0x0;
	s5 =	sadd.s32 s5, s24  }
0x34b: {  	s24 =	sand.u32 $0x7, s16;
	s26 =	sshra.s32 s25, $0x1F;
	s16 =	sadd.s32 s20, s16  }
0x34c: {  	p2 =	slt.s32 s25, $0x1;
	p4 =	sne.s32 s13, $0x0;
	s22 =	ssub.s32 s17, s18  }
0x34d: {  	s17 =	simm.s32 $0x1;
	s5 =	sshra.s32 s5, $0xA;
	p6 =	sne.s32 s24, $0x0  }
0x34e: {  	s16 =	sshrl.u32 s16, $0x3;
	s24 =	sshrl.u32 s15, $0x1D;
	s14 =	sshll.u32 s22, $0x7  }
0x34f: {  	s17 =	simm.s32 @!p0 $0x0;
	p0 =	por !p5, !p6;
	p5 =	slt.s32 s15, $0x1  }
0x350: {  	s14 =	sand.u32 $0x1FFFFF80, s14;
	p0 =	por !p0, !p0;
	s5 =	ssub.s32 s5, s17  }
0x351: {  	s14 =	sadd.s32 s4, s14;
	s19 =	simm.s32 @!p0 $0x0;
	p0 =	por p3, p2  }
0x352: {  	[tilespmem:s23], [sflag:$0x1] =	stream.linear.gather [hbm4b:s14+s3], $0x400, $0x38;
	[tilespmem:$0x13F80] =	vst v63  }
0x353: {  	p3 =	sgt.s32 s12, $0xFFFFFFFF;
	s20 =	sand.u32 $0x7, s5;
	s14 =	sshrl.u32 s26, $0x16  }
0x354: {  	s16 =	ssub.s32 s16, s19;
	p0 =	por !p4, !p0;
	s23 =	sand.u32 $0x7, s15  }
0x355: {  	s15 =	sadd.s32 s24, s15;
	s19 =	sor.u32 $0x2600, s2;
	p4 =	slt.s32 s5, $0x1  }
0x356: {  	s24 =	sor.u32 $0x2A00, s2;
	s14 =	sadd.s32 s14, s25;
	s16 =	sshll.u32 s16, $0x7  }
0x357: {  	p0 =	por !p0, !p0;
	p6 =	sne.s32 s23, $0x0;
	s25 =	sxor.u32 $0x80000000, s12  }
0x358: {  	s15 =	sshrl.u32 s15, $0x3;
	s12 =	sand.u32 $0x3FF, s12;
	s16 =	sand.u32 $0x1FFFFF80, s16  }
0x359: {  	s22 =	sshra.s32 s14, $0xA;
	s14 =	simm.s32 $0x1;
	p1 =	por !p5, !p6  }
0x35a: {  	s26 =	sshra.s32 s25, $0x1F;
	p2 =	slt.s32 s25, $0x1;
	p5 =	sne.s32 s20, $0x0  }
0x35b: {  	p6 =	sne.s32 s12, $0x0;
	s12 =	simm.s32 $0x1;
	s20 =	sor.u32 $0x2E00, s2  }
0x35c: {  	s16 =	sadd.s32 s4, s16;
	p1 =	por !p1, !p1;
	s14 =	simm.s32 @!p0 $0x0  }
0x35d: {  	s18 =	sshrl.u32 s26, $0x16;
	p0 =	por p3, p2;
	p2 =	sgt.s32 s11, $0xFFFFFFFF  }
0x35e: {  	[tilespmem:s21], [sflag:$0x1] =	stream.linear.gather [hbm4b:s16+s3], $0x400, $0x38;
	[tilespmem:$0x13F80] =	vst v63  }
0x35f: {  	s26 =	sand.u32 $0x3FF, s11;
	s16 =	simm.s32 $0x1;
	s13 =	ssub.s32 s22, s14  }
0x360: {  	s14 =	sadd.s32 s18, s25;
	s21 =	sshrl.u32 s5, $0x1D;
	p0 =	por !p6, !p0  }
0x361: {  	s22 =	sxor.u32 $0x80000000, s11;
	s16 =	simm.s32 @!p1 $0x0;
	s14 =	sshra.s32 s14, $0xA  }
0x362: {  	p1 =	por !p4, !p5;
	s5 =	sadd.s32 s21, s5;
	p0 =	por !p0, !p0  }
0x363: {  	s23 =	sshra.s32 s22, $0x1F;
	s25 =	sand.u32 $0x7, s13;
	p3 =	slt.s32 s13, $0x1  }
0x364: {  	p5 =	sne.s32 s26, $0x0;
	s26 =	sor.u32 $0x3200, s2;
	s15 =	ssub.s32 s15, s16  }
0x365: {  	p1 =	por !p1, !p1;
	s5 =	sshrl.u32 s5, $0x3;
	p4 =	sne.s32 s25, $0x0  }
0x366: {  	s16 =	sshrl.u32 s13, $0x1D;
	s15 =	sshll.u32 s15, $0x7;
	s12 =	simm.s32 @!p1 $0x0  }
0x367: {  	p1 =	slt.s32 s22, $0x1;
	s11 =	sadd.s32 s16, s13;
	s13 =	simm.s32 $0x1  }
0x368: {  	s16 =	sxor.u32 $0x80000000, s1;
	s15 =	sand.u32 $0x1FFFFF80, s15;
	s5 =	ssub.s32 s5, s12  }
0x369: {  	s17 =	sshrl.u32 s11, $0x3;
	s15 =	sadd.s32 s4, s15;
	s5 =	sshll.u32 s5, $0x7  }
0x36a: {  	[tilespmem:s19], [sflag:$0x1] =	stream.linear.gather [hbm4b:s15+s3], $0x400, $0x38;
	[tilespmem:$0x13F80] =	vst v63  }
0x36b: {  	s12 =	simm.s32 $0x1;
	s15 =	simm.s32 $0x1;
	s5 =	sand.u32 $0x1FFFFF80, s5  }
0x36c: {  	s19 =	sxor.u32 $0x80000000, s9;
	s15 =	simm.s32 @!p0 $0x0;
	s5 =	sadd.s32 s4, s5  }
0x36d: {  	p0 =	por p2, p1;
	p1 =	por !p3, !p4;
	p6 =	slt.s32 s19, $0x1  }
0x36e: {  	[tilespmem:s24], [sflag:$0x1] =	stream.linear.gather [hbm4b:s5+s3], $0x400, $0x38;
	[tilespmem:$0x13F80] =	vst v63  }
0x36f: {  	s14 =	ssub.s32 s14, s15;
	s15 =	sshrl.u32 s23, $0x16;
	p1 =	por !p1, !p1  }
0x370: {  	p0 =	por !p5, !p0;
	p5 =	sgt.s32 s9, $0xFFFFFFFF;
	s9 =	sand.u32 $0x3FF, s9  }
0x371: {  	s13 =	simm.s32 @!p1 $0x0;
	s18 =	sadd.s32 s15, s22;
	p0 =	por !p0, !p0  }
0x372: {  	s22 =	sshra.s32 s19, $0x1F;
	s23 =	sand.u32 $0x7, s14;
	p3 =	slt.s32 s14, $0x1  }
0x373: {  	s24 =	sshrl.u32 s14, $0x1D;
	s5 =	ssub.s32 s17, s13;
	s11 =	sshra.s32 s18, $0xA  }
0x374: {  	s12 =	simm.s32 @!p0 $0x0;
	p4 =	sne.s32 s23, $0x0;
	p0 =	por p5, p6  }
0x375: {  	p6 =	sne.s32 s9, $0x0;
	s5 =	sshll.u32 s5, $0x7;
	s21 =	ssub.s32 s11, s12  }
0x376: {  	p1 =	por !p3, !p4;
	s12 =	sadd.s32 s24, s14;
	s14 =	simm.s32 $0x1  }
0x377: {  	s11 =	sshrl.u32 s22, $0x16;
	p0 =	por !p6, !p0;
	p3 =	slt.s32 s16, $0x1  }
0x378: {  	p4 =	sgt.s32 s1, $0xFFFFFFFF;
	s1 =	sand.u32 $0x3FF, s1;
	s5 =	sand.u32 $0x1FFFFF80, s5  }
0x379: {  	p1 =	por !p1, !p1;
	s12 =	sshrl.u32 s12, $0x3;
	s11 =	sadd.s32 s11, s19  }
0x37a: {  	p0 =	por !p0, !p0;
	s15 =	sand.u32 $0x7, s21;
	s17 =	sshrl.u32 s21, $0x1D  }
0x37b: {  	s19 =	sshra.s32 s16, $0x1F;
	s5 =	sadd.s32 s4, s5;
	s14 =	simm.s32 @!p1 $0x0  }
0x37c: {  	[tilespmem:s20], [sflag:$0x1] =	stream.linear.gather [hbm4b:s5+s3], $0x400, $0x38;
	[tilespmem:$0x13F80] =	vst v63  }
0x37d: {  	p1 =	slt.s32 s21, $0x1;
	p2 =	sne.s32 s15, $0x0;
	s25 =	ssub.s32 s12, s14  }
0x37e: {  	s12 =	simm.s32 $0x1;
	s14 =	sshra.s32 s11, $0xA;
	s9 =	sshll.u32 s25, $0x7  }
0x37f: {  	s5 =	sadd.s32 s17, s21;
	s20 =	sor.u32 $0x3600, s2;
	s9 =	sand.u32 $0x1FFFFF80, s9  }
0x380: {  	s12 =	simm.s32 @!p0 $0x0;
	p0 =	por !p1, !p2;
	s9 =	sadd.s32 s4, s9  }
0x381: {  	[tilespmem:s26], [sflag:$0x1] =	stream.linear.gather [hbm4b:s9+s3], $0x400, $0x38;
	[tilespmem:$0x13F80] =	vst v63  }
0x382: {  	p0 =	por !p0, !p0;
	s9 =	ssub.s32 s14, s12;
	s12 =	simm.s32 $0x1  }
0x383: {  	s21 =	sshrl.u32 s19, $0x16;
	s5 =	sshrl.u32 s5, $0x3;
	s12 =	simm.s32 @!p0 $0x0  }
0x384: {  	s18 =	sand.u32 $0x7, s9;
	p5 =	slt.s32 s9, $0x1;
	p0 =	por p4, p3  }
0x385: {  	s22 =	sshrl.u32 s9, $0x1D;
	p4 =	sne.s32 s1, $0x0;
	s5 =	ssub.s32 s5, s12  }
0x386: {  	p6 =	sne.s32 s18, $0x0;
	s9 =	sadd.s32 s22, s9;
	s12 =	simm.s32 $0x1  }
0x387: {  	p0 =	por !p4, !p0;
	s5 =	sshll.u32 s5, $0x7;
	p3 =	por !p5, !p6  }
0x388: {  	s23 =	sshrl.u32 s9, $0x3;
	s5 =	sand.u32 $0x1FFFFF80, s5;
	p1 =	por !p3, !p3  }
0x389: {  	p0 =	por !p0, !p0;
	s5 =	sadd.s32 s4, s5;
	s12 =	simm.s32 @!p1 $0x0  }
0x38a: {  	[tilespmem:s20], [sflag:$0x1] =	stream.linear.gather [hbm4b:s5+s3], $0x400, $0x38;
	[tilespmem:$0x13F80] =	vst v63  }
0x38b: {  	s9 =	simm.s32 $0x1;
	s5 =	sadd.s32 s21, s16;
	s1 =	ssub.s32 s23, s12  }
0x38c: {  	s9 =	simm.s32 @!p0 $0x0;
	s1 =	sshll.u32 s1, $0x7;
	s5 =	sshra.s32 s5, $0xA  }
0x38d: {  	s1 =	sand.u32 $0x1FFFFF80, s1;
	s5 =	ssub.s32 s5, s9  }
0x38e: {  	s24 =	sor.u32 $0x3A00, s2;
	s1 =	sadd.s32 s4, s1;
	s25 =	sand.u32 $0x7, s5  }
0x38f: {  	[tilespmem:s24], [sflag:$0x1] =	stream.linear.gather [hbm4b:s1+s3], $0x400, $0x38;
	[tilespmem:$0x13F80] =	vst v63  }
0x390: {  	p5 =	slt.s32 s5, $0x1;
	p6 =	sne.s32 s25, $0x0  }
0x391: {  	s26 =	sshrl.u32 s5, $0x1D;
	p0 =	por !p5, !p6  }
0x392: {  	s1 =	sadd.s32 s26, s5;
	s5 =	simm.s32 $0x1;
	p0 =	por !p0, !p0  }
0x393: {  	s1 =	sshrl.u32 s1, $0x3;
	s5 =	simm.s32 @!p0 $0x0  }
.Ltmp5:
0x394: {  	s1 =	ssub.s32 s1, s5;
	(pc) =	sbr.rel .LBB2_4-.Ltmp5, $4  }
0x395: {  	s1 =	sshll.u32 s1, $0x7  }
0x396: {  	s1 =	sand.u32 $0x1FFFFF80, s1  }
0x397: {  	s2 =	sor.u32 $0x3E00, s2;
	s1 =	sadd.s32 s4, s1  }
0x398: {  	[tilespmem:s2], [sflag:$0x1] =	stream.linear.gather [hbm4b:s1+s3], $0x400, $0x38;
	[tilespmem:$0x13F80] =	vst v63  }
.LBB2_6:
0x399: {  	_ =	sfence.sel $0x180000  }
0x39a: {  	[bflag:$0x0] =	sbarrier.arrive $0xFFFF  }
0x39b: {  	_ =	strace $0x90000047  }
0x39c: {  	s0 =	stileid.u32;
	[bflag:$0x2] =	sbarrier.arrive $0xFFFF  }
0x39d: {  	p0 =	sne.s32 s0, $0x0;
	s0 =	rddreg [dreg:$0x2]  }
0x39e: {  	s0 =	sadd.s32 @!p0 $0x100000, s0  }
0x39f: {  	[sflag:s0] =	ssyncadd.tile.s32 @!p0 $0x1;
	_ =	shalt  }
.Lfunc_end2:
_tile_overlayer_lowered:
.L_overlay_start_2:
0x3a0: {  	(tag) =	ssettag $0x2  }
0x3a1: {  	s0 =	rddreg [dreg:$0x0];
	s2 =	stileid.u32  }
0x3a2: {  	s1 =	rddreg [dreg:$0x1];
	p0 =	sne.s32 s2, $0x0  }
0x3a3: {  	s3 =	rddreg [dreg:$0x2];
	[bflag:$0x3] =	sbarrier.arrive $0xFFFF;
	s2 =	simm.s32 @!p0 $0x1C02  }
0x3a4: {  	[timem:s3], [sflag:s2] =	dma.local @!p0 [hbm:s0], s1  }
0x3a5: {  	s0 =	simm.s32 @!p0 $0x2  }
0x3a6: {  	_ =	swait.ge @!p0 [sflag:s0], s1  }
0x3a7: {  	s1 =	ssub.s32 @!p0 $0x0, s1;
	[sflag:s0] =	ssyncset.done @!p0 $0x0  }
0x3a8: {  	[sflag:s0] =	ssyncadd.s32 @!p0 s1  }
0x3a9: {  	[bflag:$0x3] =	sbarrier.arrive $0xFFFF  }
0x3aa: {  	_ =	shalt  }

</sc_bundles>
